<compile_context>
chip_gen: v7x
topology: tpu7x:2x2x1
jax: 0.10.2.dev20260603
libtpu: 0.0.44.dev20260713+nightly
codegen_flags: <defaults>
</compile_context>

<pallas_src>
import functools

import jax
import jax.numpy as jnp
from jax import lax
from jax.experimental import pallas as pl
from jax.experimental.pallas import tpu as pltpu
from jax.experimental.pallas import tpu_sc as plsc

VOCAB = 21
HIDDEN = 256
MAX_POS = 196
BATCH = 1024
SEQ = 196
EPS = 1e-12

NPM = 8
NTAIL = 4
NCH = SEQ // NPM
TROWS_PAD = 176
NB = 8
NBUF = 2
NTEC = 32
TOK_TEC = (BATCH * SEQ) // NTEC
CH_TOK = NPM * BATCH


def _rsqrt16(x):
    i = lax.bitcast_convert_type(x, jnp.int32)
    y = lax.bitcast_convert_type(jnp.int32(0x5F3759DF) - (i >> 1), jnp.float32)
    for _ in range(4):
        y = y * (1.5 - 0.5 * x * y * y)
    return y


def _splat(v):
    return jnp.full((16,), v, jnp.int32)


def kernel(input_ids, word_emb, pos_emb, gamma, beta):
    ids_t = input_ids.astype(jnp.int32).T
    gam2 = gamma.reshape(2, 128)
    bet2 = beta.reshape(2, 128)

    mesh = plsc.VectorSubcoreMesh(core_axis_name="c", subcore_axis_name="s")

    @functools.partial(
        pl.kernel,
        out_type=jax.ShapeDtypeStruct((BATCH, SEQ, HIDDEN), jnp.float32),
        mesh=mesh,
        compiler_params=pltpu.CompilerParams(needs_layout_passes=False),
        scratch_types=[
            pltpu.VMEM((VOCAB, HIDDEN), jnp.float32),
            pltpu.VMEM((NPM, HIDDEN), jnp.float32),
            pltpu.VMEM((NTAIL, HIDDEN), jnp.float32),
            pltpu.VMEM((2, 128), jnp.float32),
            pltpu.VMEM((2, 128), jnp.float32),
            pltpu.VMEM((NPM, BATCH), jnp.int32),
            pltpu.VMEM((NTAIL, BATCH), jnp.int32),
            pltpu.VMEM((TROWS_PAD, HIDDEN), jnp.float32),
            [pltpu.VMEM((NB, NPM, HIDDEN), jnp.float32) for _ in range(NBUF)],
            [pltpu.VMEM((NB, NTAIL, HIDDEN), jnp.float32) for _ in range(NBUF)],
            [pltpu.SemaphoreType.DMA for _ in range(NBUF)],
        ],
    )
    def run(ids_hbm, word_hbm, pos_hbm, gam_hbm, bet_hbm, out_hbm,
            word_v, pos_v, pos_tv, gam_v, bet_v, ids_v, ids_tv, tab_v,
            bufs, bufs_t, sems):
        wid = lax.axis_index("s") * 2 + lax.axis_index("c")
        lanes = lax.iota(jnp.int32, 16)

        pltpu.sync_copy(word_hbm, word_v)
        pltpu.sync_copy(gam_hbm, gam_v)
        pltpu.sync_copy(bet_hbm, bet_v)

        def run_part(np_, p0, bs, be, pos_vr, ids_vr, bufs_):
            p0 = pl.multiple_of(p0, 8)
            pltpu.sync_copy(pos_hbm.at[pl.ds(p0, np_)], pos_vr)
            pltpu.sync_copy(ids_hbm.at[pl.ds(p0, np_)], ids_vr)

            nrows = np_ * VOCAB
            ngroups = (nrows + 15) // 16

            def build_group(g, _):
                r = g * 16 + lanes
                rc = jnp.minimum(r, nrows - 1)
                pidx = rc // VOCAB
                widx = rc % VOCAB

                zero = jnp.zeros((16,), jnp.float32)

                @plsc.parallel_loop(0, HIDDEN, unroll=8, carry=(zero, zero))
                def pass1(h, carry):
                    s, ss = carry
                    hv = (_splat(h) + lanes) & (HIDDEN - 1)
                    w = plsc.load_gather(word_v, [widx, hv])
                    p = plsc.load_gather(pos_vr, [pidx, hv])
                    x = w + p
                    plsc.store_scatter(tab_v, [r, hv], x)
                    return s + x, ss + x * x

                s, ss = pass1
                mean = s * (1.0 / HIDDEN)
                var = ss * (1.0 / HIDDEN) - mean * mean
                inv = _rsqrt16(var + EPS)

                @plsc.parallel_loop(0, HIDDEN, unroll=8)
                def pass2(h):
                    hv = (_splat(h) + lanes) & (HIDDEN - 1)
                    x = plsc.load_gather(tab_v, [r, hv])
                    gh = plsc.load_gather(gam_v, [hv >> 7, hv & 127])
                    bh = plsc.load_gather(bet_v, [hv >> 7, hv & 127])
                    plsc.store_scatter(tab_v, [r, hv], (x - mean) * inv * gh + bh)

                return 0

            lax.fori_loop(0, ngroups, build_group, 0)

            ngr = (NB * np_) // 16

            def fill_block(j, buf):
                b0 = j * NB
                rows = []
                bls = []
                pis = []
                for g in range(ngr):
                    t = g * 16 + lanes
                    bl = t // np_
                    pi = t % np_
                    ids16 = plsc.load_gather(ids_vr, [pi, b0 + bl])
                    rows.append(pi * VOCAB + ids16)
                    bls.append(bl)
                    pis.append(pi)

                @plsc.parallel_loop(0, HIDDEN, unroll=4)
                def hloop(h):
                    hv = (_splat(h) + lanes) & (HIDDEN - 1)
                    for g in range(ngr):
                        v = plsc.load_gather(tab_v, [rows[g], hv])
                        plsc.store_scatter(buf, [bls[g], pis[g], hv], v)

            def out_slice(j):
                return out_hbm.at[pl.ds(j * NB, NB), pl.ds(p0, np_), :]

            jbase = bs // NB
            nring = (be - bs) // (NB * NBUF)

            def block_ring(jj, _):
                for k in range(NBUF):
                    j = jbase + NBUF * jj + k

                    @pl.when(jj > 0)
                    def _():
                        pltpu.make_async_copy(
                            bufs_[k], out_slice(j - NBUF), sems[k]).wait()

                    fill_block(j, bufs_[k])
                    pltpu.async_copy(bufs_[k], out_slice(j), sems[k])
                return 0

            lax.fori_loop(0, nring, block_ring, 0)
            for k in range(NBUF):
                pltpu.make_async_copy(
                    bufs_[k], out_slice(jbase + nring * NBUF - NBUF + k),
                    sems[k]).wait()

        t0 = wid * TOK_TEC
        t1 = t0 + TOK_TEC
        c1 = t0 // CH_TOK
        end1 = jnp.minimum(CH_TOK * (c1 + 1), t1)
        bs1 = (t0 - CH_TOK * c1) // NPM
        be1 = (end1 - CH_TOK * c1) // NPM
        run_part(NPM, c1 * NPM, bs1, be1, pos_v, ids_v, bufs)

        has2 = t1 > end1
        c2 = c1 + 1

        @pl.when(has2 & (c2 < NCH))
        def _():
            be2 = (t1 - CH_TOK * c2) // NPM
            run_part(NPM, c2 * NPM, 0, be2, pos_v, ids_v, bufs)

        @pl.when(has2 & (c2 == NCH))
        def _():
            run_part(NTAIL, NCH * NPM, 0, BATCH, pos_tv, ids_tv, bufs_t)

    return run(ids_t, word_emb, pos_emb, gam2, bet2)

# --- scband reference (transcript-rebuilt; emitter-appended) ---
"""Pipeline reference for scband-protein-bert-embeddings-43722767073297 (READ-ONLY COPY).

The authoritative reference and input builder live on the scoring server;
editing this copy changes nothing except your own understanding.
"""

import jax, jax.numpy as jnp
import numpy as np

VOCAB = 21
HIDDEN = 256
MAX_POS = 196
BATCH = 1024
SEQ = 196
EPS = 1e-12

def setup_inputs(seed: int = 0) -> dict:
    key = jax.random.key(seed)
    k1, k2, k3 = jax.random.split(key, 3)
    input_ids = jax.random.randint(k1, (BATCH, SEQ), 0, VOCAB, dtype=jnp.int64 if jax.config.jax_enable_x64 else jnp.int32)
    word_emb = jax.random.normal(k2, (VOCAB, HIDDEN), dtype=jnp.float32) * 0.02
    word_emb = word_emb.at[0].set(0.0)  # padding_idx=0
    pos_emb = jax.random.normal(k3, (MAX_POS, HIDDEN), dtype=jnp.float32) * 0.02
    gamma = jnp.ones((HIDDEN,), dtype=jnp.float32)
    beta = jnp.zeros((HIDDEN,), dtype=jnp.float32)
    return {"input_ids": input_ids, "word_emb": word_emb, "pos_emb": pos_emb, "gamma": gamma, "beta": beta}

def reference(input_ids, word_emb, pos_emb, gamma, beta):
    seq_length = input_ids.shape[1]
    position_ids = jnp.broadcast_to(jnp.arange(seq_length, dtype=input_ids.dtype)[None, :], input_ids.shape)
    words_embeddings = jnp.take(word_emb, input_ids, axis=0)
    position_embeddings = jnp.take(pos_emb, position_ids, axis=0)
    embeddings = words_embeddings + position_embeddings
    mean = jnp.mean(embeddings, axis=-1, keepdims=True)
    var = jnp.var(embeddings, axis=-1, keepdims=True)
    normed = (embeddings - mean) / jnp.sqrt(var + EPS)
    out = normed * gamma + beta
    # dropout is identity in eval mode
    return out

if __name__ == "__main__":
    import jax
    _d = setup_inputs()
    print(jax.jit(kernel)(*tuple(_d.values())))

</pallas_src>

<mosaic_0001>
#map = affine_map<(d0, d1) -> (0, 0)>
#map1 = affine_map<(d0, d1) -> (0, 0, 0)>
module attributes {stable_mosaic.version = 14 : i64} {
  func.func @run(%arg0: i32, %arg1: i32, %arg2: memref<196x1024xi32, #tpu.memory_space<hbm>>, %arg3: memref<21x256xf32, #tpu.memory_space<hbm>>, %arg4: memref<196x256xf32, #tpu.memory_space<hbm>>, %arg5: memref<2x128xf32, #tpu.memory_space<hbm>>, %arg6: memref<2x128xf32, #tpu.memory_space<hbm>>, %arg7: memref<1024x196x256xf32, #tpu.memory_space<hbm>>, %arg8: memref<21x256xf32, #tpu.memory_space<vmem>>, %arg9: memref<8x256xf32, #tpu.memory_space<vmem>>, %arg10: memref<4x256xf32, #tpu.memory_space<vmem>>, %arg11: memref<2x128xf32, #tpu.memory_space<vmem>>, %arg12: memref<2x128xf32, #tpu.memory_space<vmem>>, %arg13: memref<8x1024xi32, #tpu.memory_space<vmem>>, %arg14: memref<4x1024xi32, #tpu.memory_space<vmem>>, %arg15: memref<176x256xf32, #tpu.memory_space<vmem>>, %arg16: memref<8x8x256xf32, #tpu.memory_space<vmem>>, %arg17: memref<8x8x256xf32, #tpu.memory_space<vmem>>, %arg18: memref<8x4x256xf32, #tpu.memory_space<vmem>>, %arg19: memref<8x4x256xf32, #tpu.memory_space<vmem>>, %arg20: memref<!tpu.dma_semaphore, #tpu.memory_space<semaphore_mem>>, %arg21: memref<!tpu.dma_semaphore, #tpu.memory_space<semaphore_mem>>) attributes {dimension_semantics = [#tpu.dimension_semantics<core_parallel>, #tpu.dimension_semantics<subcore_parallel>], iteration_bounds = array<i64: 2, 16>, scalar_prefetch = 0 : i64, scratch_operands = 14 : i64, tpu.core_type = #tpu.core_type<sc_vector_subcore>, window_params = [{transform_indices = #map}, {transform_indices = #map}, {transform_indices = #map}, {transform_indices = #map}, {transform_indices = #map}, {transform_indices = #map1}]} {
    %mul3A = arith.constant 2 : i32
    %mul3A_0 = arith.muli %arg1, %mul3A : i32
    %add3A = arith.addi %mul3A_0, %arg0 : i32
    %iota3A = tpu.iota {dimensions = array<i32: 0>} : vector<16xi32>
    "tpu.region"() ({
      %run_scoped3A = tpu.sem_alloc : memref<!tpu.dma_semaphore, #tpu.memory_space<semaphore_mem>>
      tpu.enqueue_dma source(%arg3 : memref<21x256xf32, #tpu.memory_space<hbm>>) target(%arg8 : memref<21x256xf32, #tpu.memory_space<vmem>>) target_semaphore(%run_scoped3A : memref<!tpu.dma_semaphore, #tpu.memory_space<semaphore_mem>>)
      tpu.wait_dma2 semaphore(%run_scoped3A : memref<!tpu.dma_semaphore, #tpu.memory_space<semaphore_mem>>) src(%arg3 : memref<21x256xf32, #tpu.memory_space<hbm>>) dst(%arg8 : memref<21x256xf32, #tpu.memory_space<vmem>>)
      tpu.yield
    }) : () -> ()
    "tpu.region"() ({
      %run_scoped3A = tpu.sem_alloc : memref<!tpu.dma_semaphore, #tpu.memory_space<semaphore_mem>>
      tpu.enqueue_dma source(%arg5 : memref<2x128xf32, #tpu.memory_space<hbm>>) target(%arg11 : memref<2x128xf32, #tpu.memory_space<vmem>>) target_semaphore(%run_scoped3A : memref<!tpu.dma_semaphore, #tpu.memory_space<semaphore_mem>>)
      tpu.wait_dma2 semaphore(%run_scoped3A : memref<!tpu.dma_semaphore, #tpu.memory_space<semaphore_mem>>) src(%arg5 : memref<2x128xf32, #tpu.memory_space<hbm>>) dst(%arg11 : memref<2x128xf32, #tpu.memory_space<vmem>>)
      tpu.yield
    }) : () -> ()
    "tpu.region"() ({
      %run_scoped3A = tpu.sem_alloc : memref<!tpu.dma_semaphore, #tpu.memory_space<semaphore_mem>>
      tpu.enqueue_dma source(%arg6 : memref<2x128xf32, #tpu.memory_space<hbm>>) target(%arg12 : memref<2x128xf32, #tpu.memory_space<vmem>>) target_semaphore(%run_scoped3A : memref<!tpu.dma_semaphore, #tpu.memory_space<semaphore_mem>>)
      tpu.wait_dma2 semaphore(%run_scoped3A : memref<!tpu.dma_semaphore, #tpu.memory_space<semaphore_mem>>) src(%arg6 : memref<2x128xf32, #tpu.memory_space<hbm>>) dst(%arg12 : memref<2x128xf32, #tpu.memory_space<vmem>>)
      tpu.yield
    }) : () -> ()
    %mul3A_1 = arith.constant 6272 : i32
    %mul3A_2 = arith.muli %add3A, %mul3A_1 : i32
    %add3A_3 = arith.constant 6272 : i32
    %add3A_4 = arith.addi %mul3A_2, %add3A_3 : i32
    %jit3A = arith.constant 8192 : i32
    %div3A = arith.divsi %mul3A_2, %jit3A : i32
    %sign3A = arith.constant 0 : i32
    %sign3A_5 = arith.cmpi sgt, %mul3A_2, %sign3A : i32
    %sign3A_6 = arith.extui %sign3A_5 : i1 to i32
    %sign3A_7 = arith.constant 0 : i32
    %sign3A_8 = arith.cmpi slt, %mul3A_2, %sign3A_7 : i32
    %sign3A_9 = arith.extui %sign3A_8 : i1 to i32
    %sign3A_10 = arith.subi %sign3A_6, %sign3A_9 : i32
    %sign3A_11 = arith.constant 0 : i32
    %sign3A_12 = arith.cmpi sgt, %jit3A, %sign3A_11 : i32
    %sign3A_13 = arith.extui %sign3A_12 : i1 to i32
    %sign3A_14 = arith.constant 0 : i32
    %sign3A_15 = arith.cmpi slt, %jit3A, %sign3A_14 : i32
    %sign3A_16 = arith.extui %sign3A_15 : i1 to i32
    %sign3A_17 = arith.subi %sign3A_13, %sign3A_16 : i32
    %ne3A = arith.cmpi ne, %sign3A_10, %sign3A_17 : i32
    %rem3A = arith.remsi %mul3A_2, %jit3A : i32
    %ne3A_18 = arith.constant 0 : i32
    %ne3A_19 = arith.cmpi ne, %rem3A, %ne3A_18 : i32
    %and3A = arith.andi %ne3A, %ne3A_19 : i1
    %sub3A = arith.constant 1 : i32
    %sub3A_20 = arith.subi %div3A, %sub3A : i32
    %select_n3A = arith.select %and3A, %sub3A_20, %div3A : i32
    %add3A_21 = arith.constant 1 : i32
    %add3A_22 = arith.addi %select_n3A, %add3A_21 : i32
    %mul3A_23 = arith.constant 8192 : i32
    %mul3A_24 = arith.muli %mul3A_23, %add3A_22 : i32
    %min3A = arith.minsi %mul3A_24, %add3A_4 : i32
    %mul3A_25 = arith.constant 8192 : i32
    %mul3A_26 = arith.muli %mul3A_25, %select_n3A : i32
    %sub3A_27 = arith.subi %mul3A_2, %mul3A_26 : i32
    %jit3A_28 = arith.constant 8 : i32
    %div3A_29 = arith.divsi %sub3A_27, %jit3A_28 : i32
    %sign3A_30 = arith.constant 0 : i32
    %sign3A_31 = arith.cmpi sgt, %sub3A_27, %sign3A_30 : i32
    %sign3A_32 = arith.extui %sign3A_31 : i1 to i32
    %sign3A_33 = arith.constant 0 : i32
    %sign3A_34 = arith.cmpi slt, %sub3A_27, %sign3A_33 : i32
    %sign3A_35 = arith.extui %sign3A_34 : i1 to i32
    %sign3A_36 = arith.subi %sign3A_32, %sign3A_35 : i32
    %sign3A_37 = arith.constant 0 : i32
    %sign3A_38 = arith.cmpi sgt, %jit3A_28, %sign3A_37 : i32
    %sign3A_39 = arith.extui %sign3A_38 : i1 to i32
    %sign3A_40 = arith.constant 0 : i32
    %sign3A_41 = arith.cmpi slt, %jit3A_28, %sign3A_40 : i32
    %sign3A_42 = arith.extui %sign3A_41 : i1 to i32
    %sign3A_43 = arith.subi %sign3A_39, %sign3A_42 : i32
    %ne3A_44 = arith.cmpi ne, %sign3A_36, %sign3A_43 : i32
    %rem3A_45 = arith.remsi %sub3A_27, %jit3A_28 : i32
    %ne3A_46 = arith.constant 0 : i32
    %ne3A_47 = arith.cmpi ne, %rem3A_45, %ne3A_46 : i32
    %and3A_48 = arith.andi %ne3A_44, %ne3A_47 : i1
    %sub3A_49 = arith.constant 1 : i32
    %sub3A_50 = arith.subi %div3A_29, %sub3A_49 : i32
    %select_n3A_51 = arith.select %and3A_48, %sub3A_50, %div3A_29 : i32
    %mul3A_52 = arith.constant 8192 : i32
    %mul3A_53 = arith.muli %mul3A_52, %select_n3A : i32
    %sub3A_54 = arith.subi %min3A, %mul3A_53 : i32
    %jit3A_55 = arith.constant 8 : i32
    %div3A_56 = arith.divsi %sub3A_54, %jit3A_55 : i32
    %sign3A_57 = arith.constant 0 : i32
    %sign3A_58 = arith.cmpi sgt, %sub3A_54, %sign3A_57 : i32
    %sign3A_59 = arith.extui %sign3A_58 : i1 to i32
    %sign3A_60 = arith.constant 0 : i32
    %sign3A_61 = arith.cmpi slt, %sub3A_54, %sign3A_60 : i32
    %sign3A_62 = arith.extui %sign3A_61 : i1 to i32
    %sign3A_63 = arith.subi %sign3A_59, %sign3A_62 : i32
    %sign3A_64 = arith.constant 0 : i32
    %sign3A_65 = arith.cmpi sgt, %jit3A_55, %sign3A_64 : i32
    %sign3A_66 = arith.extui %sign3A_65 : i1 to i32
    %sign3A_67 = arith.constant 0 : i32
    %sign3A_68 = arith.cmpi slt, %jit3A_55, %sign3A_67 : i32
    %sign3A_69 = arith.extui %sign3A_68 : i1 to i32
    %sign3A_70 = arith.subi %sign3A_66, %sign3A_69 : i32
    %ne3A_71 = arith.cmpi ne, %sign3A_63, %sign3A_70 : i32
    %rem3A_72 = arith.remsi %sub3A_54, %jit3A_55 : i32
    %ne3A_73 = arith.constant 0 : i32
    %ne3A_74 = arith.cmpi ne, %rem3A_72, %ne3A_73 : i32
    %and3A_75 = arith.andi %ne3A_71, %ne3A_74 : i1
    %sub3A_76 = arith.constant 1 : i32
    %sub3A_77 = arith.subi %div3A_56, %sub3A_76 : i32
    %select_n3A_78 = arith.select %and3A_75, %sub3A_77, %div3A_56 : i32
    %mul3A_79 = arith.constant 8 : i32
    %mul3A_80 = arith.muli %select_n3A, %mul3A_79 : i32
    %multiple_of3A = tpu.assume_multiple %mul3A_80, 8 : i32
    "tpu.region"() ({
      %run_scoped3A = tpu.sem_alloc : memref<!tpu.dma_semaphore, #tpu.memory_space<semaphore_mem>>
      %dma_start3A = arith.constant 0 : i32
      %dma_start3A_182 = tpu.memref_slice %arg4[%multiple_of3A, %dma_start3A] : memref<196x256xf32, #tpu.memory_space<hbm>> -> memref<8x256xf32, #tpu.memory_space<hbm>>
      %dma_start3A_183 = arith.constant 0 : i32
      %dma_start3A_184 = tpu.memref_slice %arg4[%multiple_of3A, %dma_start3A_183] : memref<196x256xf32, #tpu.memory_space<hbm>> -> memref<8x256xf32, #tpu.memory_space<hbm>>
      tpu.enqueue_dma source(%dma_start3A_184 : memref<8x256xf32, #tpu.memory_space<hbm>>) target(%arg9 : memref<8x256xf32, #tpu.memory_space<vmem>>) target_semaphore(%run_scoped3A : memref<!tpu.dma_semaphore, #tpu.memory_space<semaphore_mem>>)
      %dma_wait3A_185 = arith.constant 0 : i32
      %dma_wait3A_186 = tpu.memref_slice %arg4[%multiple_of3A, %dma_wait3A_185] : memref<196x256xf32, #tpu.memory_space<hbm>> -> memref<8x256xf32, #tpu.memory_space<hbm>>
      %dma_wait3A_187 = arith.constant 0 : i32
      %dma_wait3A_188 = tpu.memref_slice %arg4[%multiple_of3A, %dma_wait3A_187] : memref<196x256xf32, #tpu.memory_space<hbm>> -> memref<8x256xf32, #tpu.memory_space<hbm>>
      tpu.wait_dma2 semaphore(%run_scoped3A : memref<!tpu.dma_semaphore, #tpu.memory_space<semaphore_mem>>) src(%dma_wait3A_188 : memref<8x256xf32, #tpu.memory_space<hbm>>) dst(%arg9 : memref<8x256xf32, #tpu.memory_space<vmem>>)
      tpu.yield
    }) : () -> ()
    "tpu.region"() ({
      %run_scoped3A = tpu.sem_alloc : memref<!tpu.dma_semaphore, #tpu.memory_space<semaphore_mem>>
      %dma_start3A = arith.constant 0 : i32
      %dma_start3A_182 = tpu.memref_slice %arg2[%multiple_of3A, %dma_start3A] : memref<196x1024xi32, #tpu.memory_space<hbm>> -> memref<8x1024xi32, #tpu.memory_space<hbm>>
      %dma_start3A_183 = arith.constant 0 : i32
      %dma_start3A_184 = tpu.memref_slice %arg2[%multiple_of3A, %dma_start3A_183] : memref<196x1024xi32, #tpu.memory_space<hbm>> -> memref<8x1024xi32, #tpu.memory_space<hbm>>
      tpu.enqueue_dma source(%dma_start3A_184 : memref<8x1024xi32, #tpu.memory_space<hbm>>) target(%arg13 : memref<8x1024xi32, #tpu.memory_space<vmem>>) target_semaphore(%run_scoped3A : memref<!tpu.dma_semaphore, #tpu.memory_space<semaphore_mem>>)
      %dma_wait3A_185 = arith.constant 0 : i32
      %dma_wait3A_186 = tpu.memref_slice %arg2[%multiple_of3A, %dma_wait3A_185] : memref<196x1024xi32, #tpu.memory_space<hbm>> -> memref<8x1024xi32, #tpu.memory_space<hbm>>
      %dma_wait3A_187 = arith.constant 0 : i32
      %dma_wait3A_188 = tpu.memref_slice %arg2[%multiple_of3A, %dma_wait3A_187] : memref<196x1024xi32, #tpu.memory_space<hbm>> -> memref<8x1024xi32, #tpu.memory_space<hbm>>
      tpu.wait_dma2 semaphore(%run_scoped3A : memref<!tpu.dma_semaphore, #tpu.memory_space<semaphore_mem>>) src(%dma_wait3A_188 : memref<8x1024xi32, #tpu.memory_space<hbm>>) dst(%arg13 : memref<8x1024xi32, #tpu.memory_space<vmem>>)
      tpu.yield
    }) : () -> ()
    %scan3A = arith.constant 0 : i32
    %scan3A_81 = arith.constant 0 : i32
    %scan3A_82 = arith.constant 11 : i32
    %scan3A_83 = arith.addi %scan3A_81, %scan3A_82 : i32
    %scan3A_84 = arith.constant 1 : i32
    %scan3A_85 = scf.for %scan3A_182 = %scan3A_81 to %scan3A_83 step %scan3A_84 iter_args(%scan3A_183 = %scan3A) -> (i32)  : i32 {
      %mul3A_184 = arith.constant 16 : i32
      %mul3A_185 = arith.muli %scan3A_182, %mul3A_184 : i32
      %add3A_186 = vector.broadcast %mul3A_185 : i32 to vector<16xi32>
      %add3A_187 = arith.addi %add3A_186, %iota3A : vector<16xi32>
      %min3A_188 = arith.constant 167 : i32
      %min3A_189 = vector.broadcast %min3A_188 : i32 to vector<16xi32>
      %min3A_190 = arith.minsi %add3A_187, %min3A_189 : vector<16xi32>
      %jit3A_191 = arith.constant 21 : i32
      %div3A_192 = vector.broadcast %jit3A_191 : i32 to vector<16xi32>
      %div3A_193 = arith.divsi %min3A_190, %div3A_192 : vector<16xi32>
      %sign3A_194 = arith.constant 0 : i32
      %sign3A_195 = vector.broadcast %sign3A_194 : i32 to vector<16xi32>
      %sign3A_196 = arith.cmpi sgt, %min3A_190, %sign3A_195 : vector<16xi32>
      %sign3A_197 = arith.extui %sign3A_196 : vector<16xi1> to vector<16xi32>
      %sign3A_198 = arith.constant 0 : i32
      %sign3A_199 = vector.broadcast %sign3A_198 : i32 to vector<16xi32>
      %sign3A_200 = arith.cmpi slt, %min3A_190, %sign3A_199 : vector<16xi32>
      %sign3A_201 = arith.extui %sign3A_200 : vector<16xi1> to vector<16xi32>
      %sign3A_202 = arith.subi %sign3A_197, %sign3A_201 : vector<16xi32>
      %sign3A_203 = arith.constant 0 : i32
      %sign3A_204 = arith.cmpi sgt, %jit3A_191, %sign3A_203 : i32
      %sign3A_205 = arith.extui %sign3A_204 : i1 to i32
      %sign3A_206 = arith.constant 0 : i32
      %sign3A_207 = arith.cmpi slt, %jit3A_191, %sign3A_206 : i32
      %sign3A_208 = arith.extui %sign3A_207 : i1 to i32
      %sign3A_209 = arith.subi %sign3A_205, %sign3A_208 : i32
      %ne3A_210 = vector.broadcast %sign3A_209 : i32 to vector<16xi32>
      %ne3A_211 = arith.cmpi ne, %sign3A_202, %ne3A_210 : vector<16xi32>
      %rem3A_212 = vector.broadcast %jit3A_191 : i32 to vector<16xi32>
      %rem3A_213 = arith.remsi %min3A_190, %rem3A_212 : vector<16xi32>
      %ne3A_214 = arith.constant 0 : i32
      %ne3A_215 = vector.broadcast %ne3A_214 : i32 to vector<16xi32>
      %ne3A_216 = arith.cmpi ne, %rem3A_213, %ne3A_215 : vector<16xi32>
      %and3A_217 = arith.andi %ne3A_211, %ne3A_216 : vector<16xi1>
      %sub3A_218 = arith.constant 1 : i32
      %sub3A_219 = vector.broadcast %sub3A_218 : i32 to vector<16xi32>
      %sub3A_220 = arith.subi %div3A_193, %sub3A_219 : vector<16xi32>
      %select_n3A_221 = arith.select %and3A_217, %sub3A_220, %div3A_193 : vector<16xi1>, vector<16xi32>
      %jit3A_222 = arith.constant 21 : i32
      %eq3A_223 = arith.constant 0 : i32
      %eq3A_224 = arith.cmpi eq, %jit3A_222, %eq3A_223 : i32
      %jit3A_225 = arith.constant 1 : i32
      %select_n3A_226 = arith.select %eq3A_224, %jit3A_225, %jit3A_222 : i32
      %rem3A_227 = vector.broadcast %select_n3A_226 : i32 to vector<16xi32>
      %rem3A_228 = arith.remsi %min3A_190, %rem3A_227 : vector<16xi32>
      %ne3A_229 = arith.constant 0 : i32
      %ne3A_230 = vector.broadcast %ne3A_229 : i32 to vector<16xi32>
      %ne3A_231 = arith.cmpi ne, %rem3A_228, %ne3A_230 : vector<16xi32>
      %lt3A_232 = arith.constant 0 : i32
      %lt3A_233 = vector.broadcast %lt3A_232 : i32 to vector<16xi32>
      %lt3A_234 = arith.cmpi slt, %rem3A_228, %lt3A_233 : vector<16xi32>
      %lt3A_235 = arith.constant 0 : i32
      %lt3A_236 = arith.cmpi slt, %select_n3A_226, %lt3A_235 : i32
      %ne3A_237 = vector.broadcast %lt3A_236 : i1 to vector<16xi1>
      %ne3A_238 = vector.broadcast %ne3A_237 : vector<16xi1> to vector<16xi1>
      %ne3A_239 = arith.xori %lt3A_234, %ne3A_238 : vector<16xi1>
      %and3A_240 = arith.andi %ne3A_239, %ne3A_231 : vector<16xi1>
      %add3A_241 = vector.broadcast %select_n3A_226 : i32 to vector<16xi32>
      %add3A_242 = arith.addi %rem3A_228, %add3A_241 : vector<16xi32>
      %select_n3A_243 = arith.select %and3A_240, %add3A_242, %rem3A_228 : vector<16xi1>, vector<16xi32>
      %broadcast_in_dim3A = arith.constant 0.000000e+00 : f32
      %broadcast_in_dim3A_244 = vector.broadcast %broadcast_in_dim3A : f32 to vector<16xf32>
      %parallel_loop3A = arith.constant 0 : i32
      %parallel_loop3A_245 = arith.constant 256 : i32
      %parallel_loop3A_246 = arith.constant 1 : i32
      %parallel_loop3A_247:2 = scf.for %parallel_loop3A_305 = %parallel_loop3A to %parallel_loop3A_245 step %parallel_loop3A_246 iter_args(%parallel_loop3A_306 = %broadcast_in_dim3A_244, %parallel_loop3A_307 = %broadcast_in_dim3A_244) -> (vector<16xf32>, vector<16xf32>)  : i32 {
        %parallel_loop3A_308 = vector.broadcast %parallel_loop3A_305 : i32 to vector<16xi32>
        %parallel_loop3A_309 = arith.addi %parallel_loop3A_308, %iota3A : vector<16xi32>
        %parallel_loop3A_310 = arith.constant 255 : i32
        %parallel_loop3A_311 = vector.broadcast %parallel_loop3A_310 : i32 to vector<16xi32>
        %parallel_loop3A_312 = arith.andi %parallel_loop3A_309, %parallel_loop3A_311 : vector<16xi32>
        %parallel_loop3A_313 = tpu.vector_load_idx %arg8[%select_n3A_243, %parallel_loop3A_312] : memref<21x256xf32, #tpu.memory_space<vmem>>[vector<16xi32>, vector<16xi32>], vector<16xf32>,
        %parallel_loop3A_314 = tpu.vector_load_idx %arg9[%select_n3A_221, %parallel_loop3A_312] : memref<8x256xf32, #tpu.memory_space<vmem>>[vector<16xi32>, vector<16xi32>], vector<16xf32>,
        %parallel_loop3A_315 = arith.addf %parallel_loop3A_313, %parallel_loop3A_314 : vector<16xf32>
        tpu.vector_store_idx %arg15[%add3A_187, %parallel_loop3A_312], %parallel_loop3A_315 : memref<176x256xf32, #tpu.memory_space<vmem>>[vector<16xi32>, vector<16xi32>], vector<16xf32>,
        %parallel_loop3A_316 = arith.addf %parallel_loop3A_306, %parallel_loop3A_315 : vector<16xf32>
        %parallel_loop3A_317 = arith.mulf %parallel_loop3A_315, %parallel_loop3A_315 : vector<16xf32>
        %parallel_loop3A_318 = arith.addf %parallel_loop3A_307, %parallel_loop3A_317 : vector<16xf32>
        scf.yield %parallel_loop3A_316, %parallel_loop3A_318 : vector<16xf32>, vector<16xf32>
      } {sc.loop_unroll_factor = 8 : i64, sc.parallel_access}
      %mul3A_248 = arith.constant 3.906250e-03 : f32
      %mul3A_249 = vector.broadcast %mul3A_248 : f32 to vector<16xf32>
      %mul3A_250 = arith.mulf %parallel_loop3A_247#0, %mul3A_249 : vector<16xf32>
      %mul3A_251 = arith.constant 3.906250e-03 : f32
      %mul3A_252 = vector.broadcast %mul3A_251 : f32 to vector<16xf32>
      %mul3A_253 = arith.mulf %parallel_loop3A_247#1, %mul3A_252 : vector<16xf32>
      %mul3A_254 = arith.mulf %mul3A_250, %mul3A_250 : vector<16xf32>
      %sub3A_255 = arith.subf %mul3A_253, %mul3A_254 : vector<16xf32>
      %add3A_256 = arith.constant 9.99999996E-13 : f32
      %add3A_257 = vector.broadcast %add3A_256 : f32 to vector<16xf32>
      %add3A_258 = arith.addf %sub3A_255, %add3A_257 : vector<16xf32>
      %bitcast_convert_type3A = tpu.bitcast %add3A_258 : vector<16xf32> -> vector<16xi32>
      %shift_right_arithmetic3A = arith.constant 1 : i32
      %shift_right_arithmetic3A_259 = vector.broadcast %shift_right_arithmetic3A : i32 to vector<16xi32>
      %shift_right_arithmetic3A_260 = arith.shrsi %bitcast_convert_type3A, %shift_right_arithmetic3A_259 : vector<16xi32>
      %sub3A_261 = arith.constant 1597463007 : i32
      %sub3A_262 = vector.broadcast %sub3A_261 : i32 to vector<16xi32>
      %sub3A_263 = arith.subi %sub3A_262, %shift_right_arithmetic3A_260 : vector<16xi32>
      %bitcast_convert_type3A_264 = tpu.bitcast %sub3A_263 : vector<16xi32> -> vector<16xf32>
      %mul3A_265 = arith.constant 5.000000e-01 : f32
      %mul3A_266 = vector.broadcast %mul3A_265 : f32 to vector<16xf32>
      %mul3A_267 = arith.mulf %mul3A_266, %add3A_258 : vector<16xf32>
      %mul3A_268 = arith.mulf %mul3A_267, %bitcast_convert_type3A_264 : vector<16xf32>
      %mul3A_269 = arith.mulf %mul3A_268, %bitcast_convert_type3A_264 : vector<16xf32>
      %sub3A_270 = arith.constant 1.500000e+00 : f32
      %sub3A_271 = vector.broadcast %sub3A_270 : f32 to vector<16xf32>
      %sub3A_272 = arith.subf %sub3A_271, %mul3A_269 : vector<16xf32>
      %mul3A_273 = arith.mulf %bitcast_convert_type3A_264, %sub3A_272 : vector<16xf32>
      %mul3A_274 = arith.constant 5.000000e-01 : f32
      %mul3A_275 = vector.broadcast %mul3A_274 : f32 to vector<16xf32>
      %mul3A_276 = arith.mulf %mul3A_275, %add3A_258 : vector<16xf32>
      %mul3A_277 = arith.mulf %mul3A_276, %mul3A_273 : vector<16xf32>
      %mul3A_278 = arith.mulf %mul3A_277, %mul3A_273 : vector<16xf32>
      %sub3A_279 = arith.constant 1.500000e+00 : f32
      %sub3A_280 = vector.broadcast %sub3A_279 : f32 to vector<16xf32>
      %sub3A_281 = arith.subf %sub3A_280, %mul3A_278 : vector<16xf32>
      %mul3A_282 = arith.mulf %mul3A_273, %sub3A_281 : vector<16xf32>
      %mul3A_283 = arith.constant 5.000000e-01 : f32
      %mul3A_284 = vector.broadcast %mul3A_283 : f32 to vector<16xf32>
      %mul3A_285 = arith.mulf %mul3A_284, %add3A_258 : vector<16xf32>
      %mul3A_286 = arith.mulf %mul3A_285, %mul3A_282 : vector<16xf32>
      %mul3A_287 = arith.mulf %mul3A_286, %mul3A_282 : vector<16xf32>
      %sub3A_288 = arith.constant 1.500000e+00 : f32
      %sub3A_289 = vector.broadcast %sub3A_288 : f32 to vector<16xf32>
      %sub3A_290 = arith.subf %sub3A_289, %mul3A_287 : vector<16xf32>
      %mul3A_291 = arith.mulf %mul3A_282, %sub3A_290 : vector<16xf32>
      %mul3A_292 = arith.constant 5.000000e-01 : f32
      %mul3A_293 = vector.broadcast %mul3A_292 : f32 to vector<16xf32>
      %mul3A_294 = arith.mulf %mul3A_293, %add3A_258 : vector<16xf32>
      %mul3A_295 = arith.mulf %mul3A_294, %mul3A_291 : vector<16xf32>
      %mul3A_296 = arith.mulf %mul3A_295, %mul3A_291 : vector<16xf32>
      %sub3A_297 = arith.constant 1.500000e+00 : f32
      %sub3A_298 = vector.broadcast %sub3A_297 : f32 to vector<16xf32>
      %sub3A_299 = arith.subf %sub3A_298, %mul3A_296 : vector<16xf32>
      %mul3A_300 = arith.mulf %mul3A_291, %sub3A_299 : vector<16xf32>
      %parallel_loop3A_301 = arith.constant 0 : i32
      %parallel_loop3A_302 = arith.constant 256 : i32
      %parallel_loop3A_303 = arith.constant 1 : i32
      scf.for %parallel_loop3A_305 = %parallel_loop3A_301 to %parallel_loop3A_302 step %parallel_loop3A_303  : i32 {
        %parallel_loop3A_306 = vector.broadcast %parallel_loop3A_305 : i32 to vector<16xi32>
        %parallel_loop3A_307 = arith.addi %parallel_loop3A_306, %iota3A : vector<16xi32>
        %parallel_loop3A_308 = arith.constant 255 : i32
        %parallel_loop3A_309 = vector.broadcast %parallel_loop3A_308 : i32 to vector<16xi32>
        %parallel_loop3A_310 = arith.andi %parallel_loop3A_307, %parallel_loop3A_309 : vector<16xi32>
        %parallel_loop3A_311 = tpu.vector_load_idx %arg15[%add3A_187, %parallel_loop3A_310] : memref<176x256xf32, #tpu.memory_space<vmem>>[vector<16xi32>, vector<16xi32>], vector<16xf32>,
        %parallel_loop3A_312 = arith.constant 7 : i32
        %parallel_loop3A_313 = vector.broadcast %parallel_loop3A_312 : i32 to vector<16xi32>
        %parallel_loop3A_314 = arith.shrsi %parallel_loop3A_310, %parallel_loop3A_313 : vector<16xi32>
        %parallel_loop3A_315 = arith.constant 127 : i32
        %parallel_loop3A_316 = vector.broadcast %parallel_loop3A_315 : i32 to vector<16xi32>
        %parallel_loop3A_317 = arith.andi %parallel_loop3A_310, %parallel_loop3A_316 : vector<16xi32>
        %parallel_loop3A_318 = tpu.vector_load_idx %arg11[%parallel_loop3A_314, %parallel_loop3A_317] : memref<2x128xf32, #tpu.memory_space<vmem>>[vector<16xi32>, vector<16xi32>], vector<16xf32>,
        %parallel_loop3A_319 = arith.constant 7 : i32
        %parallel_loop3A_320 = vector.broadcast %parallel_loop3A_319 : i32 to vector<16xi32>
        %parallel_loop3A_321 = arith.shrsi %parallel_loop3A_310, %parallel_loop3A_320 : vector<16xi32>
        %parallel_loop3A_322 = arith.constant 127 : i32
        %parallel_loop3A_323 = vector.broadcast %parallel_loop3A_322 : i32 to vector<16xi32>
        %parallel_loop3A_324 = arith.andi %parallel_loop3A_310, %parallel_loop3A_323 : vector<16xi32>
        %parallel_loop3A_325 = tpu.vector_load_idx %arg12[%parallel_loop3A_321, %parallel_loop3A_324] : memref<2x128xf32, #tpu.memory_space<vmem>>[vector<16xi32>, vector<16xi32>], vector<16xf32>,
        %parallel_loop3A_326 = arith.subf %parallel_loop3A_311, %mul3A_250 : vector<16xf32>
        %parallel_loop3A_327 = arith.mulf %parallel_loop3A_326, %mul3A_300 : vector<16xf32>
        %parallel_loop3A_328 = arith.mulf %parallel_loop3A_327, %parallel_loop3A_318 : vector<16xf32>
        %parallel_loop3A_329 = arith.addf %parallel_loop3A_328, %parallel_loop3A_325 : vector<16xf32>
        tpu.vector_store_idx %arg15[%add3A_187, %parallel_loop3A_310], %parallel_loop3A_329 : memref<176x256xf32, #tpu.memory_space<vmem>>[vector<16xi32>, vector<16xi32>], vector<16xf32>,
      } {sc.loop_unroll_factor = 8 : i64, sc.parallel_access}
      %scan3A_304 = arith.constant 0 : i32
      scf.yield %scan3A_304 : i32
    }
    %scan3A_86 = arith.constant 11 : i32
    %jit3A_87 = arith.constant 8 : i32
    %div3A_88 = arith.divsi %select_n3A_51, %jit3A_87 : i32
    %sign3A_89 = arith.constant 0 : i32
    %sign3A_90 = arith.cmpi sgt, %select_n3A_51, %sign3A_89 : i32
    %sign3A_91 = arith.extui %sign3A_90 : i1 to i32
    %sign3A_92 = arith.constant 0 : i32
    %sign3A_93 = arith.cmpi slt, %select_n3A_51, %sign3A_92 : i32
    %sign3A_94 = arith.extui %sign3A_93 : i1 to i32
    %sign3A_95 = arith.subi %sign3A_91, %sign3A_94 : i32
    %sign3A_96 = arith.constant 0 : i32
    %sign3A_97 = arith.cmpi sgt, %jit3A_87, %sign3A_96 : i32
    %sign3A_98 = arith.extui %sign3A_97 : i1 to i32
    %sign3A_99 = arith.constant 0 : i32
    %sign3A_100 = arith.cmpi slt, %jit3A_87, %sign3A_99 : i32
    %sign3A_101 = arith.extui %sign3A_100 : i1 to i32
    %sign3A_102 = arith.subi %sign3A_98, %sign3A_101 : i32
    %ne3A_103 = arith.cmpi ne, %sign3A_95, %sign3A_102 : i32
    %rem3A_104 = arith.remsi %select_n3A_51, %jit3A_87 : i32
    %ne3A_105 = arith.constant 0 : i32
    %ne3A_106 = arith.cmpi ne, %rem3A_104, %ne3A_105 : i32
    %and3A_107 = arith.andi %ne3A_103, %ne3A_106 : i1
    %sub3A_108 = arith.constant 1 : i32
    %sub3A_109 = arith.subi %div3A_88, %sub3A_108 : i32
    %select_n3A_110 = arith.select %and3A_107, %sub3A_109, %div3A_88 : i32
    %sub3A_111 = arith.subi %select_n3A_78, %select_n3A_51 : i32
    %jit3A_112 = arith.constant 16 : i32
    %div3A_113 = arith.divsi %sub3A_111, %jit3A_112 : i32
    %sign3A_114 = arith.constant 0 : i32
    %sign3A_115 = arith.cmpi sgt, %sub3A_111, %sign3A_114 : i32
    %sign3A_116 = arith.extui %sign3A_115 : i1 to i32
    %sign3A_117 = arith.constant 0 : i32
    %sign3A_118 = arith.cmpi slt, %sub3A_111, %sign3A_117 : i32
    %sign3A_119 = arith.extui %sign3A_118 : i1 to i32
    %sign3A_120 = arith.subi %sign3A_116, %sign3A_119 : i32
    %sign3A_121 = arith.constant 0 : i32
    %sign3A_122 = arith.cmpi sgt, %jit3A_112, %sign3A_121 : i32
    %sign3A_123 = arith.extui %sign3A_122 : i1 to i32
    %sign3A_124 = arith.constant 0 : i32
    %sign3A_125 = arith.cmpi slt, %jit3A_112, %sign3A_124 : i32
    %sign3A_126 = arith.extui %sign3A_125 : i1 to i32
    %sign3A_127 = arith.subi %sign3A_123, %sign3A_126 : i32
    %ne3A_128 = arith.cmpi ne, %sign3A_120, %sign3A_127 : i32
    %rem3A_129 = arith.remsi %sub3A_111, %jit3A_112 : i32
    %ne3A_130 = arith.constant 0 : i32
    %ne3A_131 = arith.cmpi ne, %rem3A_129, %ne3A_130 : i32
    %and3A_132 = arith.andi %ne3A_128, %ne3A_131 : i1
    %sub3A_133 = arith.constant 1 : i32
    %sub3A_134 = arith.subi %div3A_113, %sub3A_133 : i32
    %select_n3A_135 = arith.select %and3A_132, %sub3A_134, %div3A_113 : i32
    %while3A = arith.constant 0 : i32
    %while3A_136 = arith.constant 0 : i32
    %while3A_137 = arith.subi %select_n3A_135, %while3A : i32
    %while3A_138 = arith.addi %while3A, %while3A_137 : i32
    %while3A_139 = arith.constant 1 : i32
    %while3A_140 = arith.divsi %while3A_137, %while3A_139 : i32
    %while3A_141 = arith.muli %while3A_140, %while3A_139 : i32
    %while3A_142 = arith.addi %while3A, %while3A_141 : i32
    %while3A_143 = arith.constant 1 : i32
    %while3A_144 = scf.for %while3A_182 = %while3A to %while3A_142 step %while3A_143 iter_args(%while3A_183 = %while3A_136) -> (i32)  : i32 {
      %mul3A_184 = arith.constant 2 : i32
      %mul3A_185 = arith.muli %mul3A_184, %while3A_182 : i32
      %add3A_186 = arith.addi %select_n3A_110, %mul3A_185 : i32
      %add3A_187 = arith.constant 0 : i32
      %add3A_188 = arith.addi %add3A_186, %add3A_187 : i32
      %gt3A_189 = arith.constant 0 : i32
      %gt3A_190 = arith.cmpi sgt, %while3A_182, %gt3A_189 : i32
      %convert_element_type3A_191 = arith.extui %gt3A_190 : i1 to i32
      %cond3A_192 = arith.constant 0 : i32
      %cond3A_193 = arith.cmpi ne, %convert_element_type3A_191, %cond3A_192 : i32
      scf.if %cond3A_193 {
        %sub3A_728 = arith.constant 2 : i32
        %sub3A_729 = arith.subi %add3A_188, %sub3A_728 : i32
        %mul3A_730 = arith.constant 8 : i32
        %mul3A_731 = arith.muli %sub3A_729, %mul3A_730 : i32
        %dma_wait3A_732 = arith.constant 0 : i32
        %dma_wait3A_733 = tpu.memref_slice %arg7[%mul3A_731, %multiple_of3A, %dma_wait3A_732] : memref<1024x196x256xf32, #tpu.memory_space<hbm>> -> memref<8x8x256xf32, #tpu.memory_space<hbm>>
        %dma_wait3A_734 = arith.constant 0 : i32
        %dma_wait3A_735 = tpu.memref_slice %arg7[%mul3A_731, %multiple_of3A, %dma_wait3A_734] : memref<1024x196x256xf32, #tpu.memory_space<hbm>> -> memref<8x8x256xf32, #tpu.memory_space<hbm>>
        tpu.wait_dma2 semaphore(%arg20 : memref<!tpu.dma_semaphore, #tpu.memory_space<semaphore_mem>>) src(%arg16 : memref<8x8x256xf32, #tpu.memory_space<vmem>>) dst(%dma_wait3A_735 : memref<8x8x256xf32, #tpu.memory_space<hbm>>)
      } else {
      }
      %mul3A_194 = arith.constant 8 : i32
      %mul3A_195 = arith.muli %add3A_188, %mul3A_194 : i32
      %add3A_196 = arith.constant 0 : i32
      %add3A_197 = vector.broadcast %add3A_196 : i32 to vector<16xi32>
      %add3A_198 = arith.addi %add3A_197, %iota3A : vector<16xi32>
      %jit3A_199 = arith.constant 8 : i32
      %div3A_200 = vector.broadcast %jit3A_199 : i32 to vector<16xi32>
      %div3A_201 = arith.divsi %add3A_198, %div3A_200 : vector<16xi32>
      %sign3A_202 = arith.constant 0 : i32
      %sign3A_203 = vector.broadcast %sign3A_202 : i32 to vector<16xi32>
      %sign3A_204 = arith.cmpi sgt, %add3A_198, %sign3A_203 : vector<16xi32>
      %sign3A_205 = arith.extui %sign3A_204 : vector<16xi1> to vector<16xi32>
      %sign3A_206 = arith.constant 0 : i32
      %sign3A_207 = vector.broadcast %sign3A_206 : i32 to vector<16xi32>
      %sign3A_208 = arith.cmpi slt, %add3A_198, %sign3A_207 : vector<16xi32>
      %sign3A_209 = arith.extui %sign3A_208 : vector<16xi1> to vector<16xi32>
      %sign3A_210 = arith.subi %sign3A_205, %sign3A_209 : vector<16xi32>
      %sign3A_211 = arith.constant 0 : i32
      %sign3A_212 = arith.cmpi sgt, %jit3A_199, %sign3A_211 : i32
      %sign3A_213 = arith.extui %sign3A_212 : i1 to i32
      %sign3A_214 = arith.constant 0 : i32
      %sign3A_215 = arith.cmpi slt, %jit3A_199, %sign3A_214 : i32
      %sign3A_216 = arith.extui %sign3A_215 : i1 to i32
      %sign3A_217 = arith.subi %sign3A_213, %sign3A_216 : i32
      %ne3A_218 = vector.broadcast %sign3A_217 : i32 to vector<16xi32>
      %ne3A_219 = arith.cmpi ne, %sign3A_210, %ne3A_218 : vector<16xi32>
      %rem3A_220 = vector.broadcast %jit3A_199 : i32 to vector<16xi32>
      %rem3A_221 = arith.remsi %add3A_198, %rem3A_220 : vector<16xi32>
      %ne3A_222 = arith.constant 0 : i32
      %ne3A_223 = vector.broadcast %ne3A_222 : i32 to vector<16xi32>
      %ne3A_224 = arith.cmpi ne, %rem3A_221, %ne3A_223 : vector<16xi32>
      %and3A_225 = arith.andi %ne3A_219, %ne3A_224 : vector<16xi1>
      %sub3A_226 = arith.constant 1 : i32
      %sub3A_227 = vector.broadcast %sub3A_226 : i32 to vector<16xi32>
      %sub3A_228 = arith.subi %div3A_201, %sub3A_227 : vector<16xi32>
      %select_n3A_229 = arith.select %and3A_225, %sub3A_228, %div3A_201 : vector<16xi1>, vector<16xi32>
      %jit3A_230 = arith.constant 8 : i32
      %eq3A_231 = arith.constant 0 : i32
      %eq3A_232 = arith.cmpi eq, %jit3A_230, %eq3A_231 : i32
      %jit3A_233 = arith.constant 1 : i32
      %select_n3A_234 = arith.select %eq3A_232, %jit3A_233, %jit3A_230 : i32
      %rem3A_235 = vector.broadcast %select_n3A_234 : i32 to vector<16xi32>
      %rem3A_236 = arith.remsi %add3A_198, %rem3A_235 : vector<16xi32>
      %ne3A_237 = arith.constant 0 : i32
      %ne3A_238 = vector.broadcast %ne3A_237 : i32 to vector<16xi32>
      %ne3A_239 = arith.cmpi ne, %rem3A_236, %ne3A_238 : vector<16xi32>
      %lt3A_240 = arith.constant 0 : i32
      %lt3A_241 = vector.broadcast %lt3A_240 : i32 to vector<16xi32>
      %lt3A_242 = arith.cmpi slt, %rem3A_236, %lt3A_241 : vector<16xi32>
      %lt3A_243 = arith.constant 0 : i32
      %lt3A_244 = arith.cmpi slt, %select_n3A_234, %lt3A_243 : i32
      %ne3A_245 = vector.broadcast %lt3A_244 : i1 to vector<16xi1>
      %ne3A_246 = vector.broadcast %ne3A_245 : vector<16xi1> to vector<16xi1>
      %ne3A_247 = arith.xori %lt3A_242, %ne3A_246 : vector<16xi1>
      %and3A_248 = arith.andi %ne3A_247, %ne3A_239 : vector<16xi1>
      %add3A_249 = vector.broadcast %select_n3A_234 : i32 to vector<16xi32>
      %add3A_250 = arith.addi %rem3A_236, %add3A_249 : vector<16xi32>
      %select_n3A_251 = arith.select %and3A_248, %add3A_250, %rem3A_236 : vector<16xi1>, vector<16xi32>
      %add3A_252 = vector.broadcast %mul3A_195 : i32 to vector<16xi32>
      %add3A_253 = arith.addi %add3A_252, %select_n3A_229 : vector<16xi32>
      %gather3A = tpu.vector_load_idx %arg13[%select_n3A_251, %add3A_253] : memref<8x1024xi32, #tpu.memory_space<vmem>>[vector<16xi32>, vector<16xi32>], vector<16xi32>,
      %mul3A_254 = arith.constant 21 : i32
      %mul3A_255 = vector.broadcast %mul3A_254 : i32 to vector<16xi32>
      %mul3A_256 = arith.muli %select_n3A_251, %mul3A_255 : vector<16xi32>
      %add3A_257 = arith.addi %mul3A_256, %gather3A : vector<16xi32>
      %add3A_258 = arith.constant 16 : i32
      %add3A_259 = vector.broadcast %add3A_258 : i32 to vector<16xi32>
      %add3A_260 = arith.addi %add3A_259, %iota3A : vector<16xi32>
      %jit3A_261 = arith.constant 8 : i32
      %div3A_262 = vector.broadcast %jit3A_261 : i32 to vector<16xi32>
      %div3A_263 = arith.divsi %add3A_260, %div3A_262 : vector<16xi32>
      %sign3A_264 = arith.constant 0 : i32
      %sign3A_265 = vector.broadcast %sign3A_264 : i32 to vector<16xi32>
      %sign3A_266 = arith.cmpi sgt, %add3A_260, %sign3A_265 : vector<16xi32>
      %sign3A_267 = arith.extui %sign3A_266 : vector<16xi1> to vector<16xi32>
      %sign3A_268 = arith.constant 0 : i32
      %sign3A_269 = vector.broadcast %sign3A_268 : i32 to vector<16xi32>
      %sign3A_270 = arith.cmpi slt, %add3A_260, %sign3A_269 : vector<16xi32>
      %sign3A_271 = arith.extui %sign3A_270 : vector<16xi1> to vector<16xi32>
      %sign3A_272 = arith.subi %sign3A_267, %sign3A_271 : vector<16xi32>
      %sign3A_273 = arith.constant 0 : i32
      %sign3A_274 = arith.cmpi sgt, %jit3A_261, %sign3A_273 : i32
      %sign3A_275 = arith.extui %sign3A_274 : i1 to i32
      %sign3A_276 = arith.constant 0 : i32
      %sign3A_277 = arith.cmpi slt, %jit3A_261, %sign3A_276 : i32
      %sign3A_278 = arith.extui %sign3A_277 : i1 to i32
      %sign3A_279 = arith.subi %sign3A_275, %sign3A_278 : i32
      %ne3A_280 = vector.broadcast %sign3A_279 : i32 to vector<16xi32>
      %ne3A_281 = arith.cmpi ne, %sign3A_272, %ne3A_280 : vector<16xi32>
      %rem3A_282 = vector.broadcast %jit3A_261 : i32 to vector<16xi32>
      %rem3A_283 = arith.remsi %add3A_260, %rem3A_282 : vector<16xi32>
      %ne3A_284 = arith.constant 0 : i32
      %ne3A_285 = vector.broadcast %ne3A_284 : i32 to vector<16xi32>
      %ne3A_286 = arith.cmpi ne, %rem3A_283, %ne3A_285 : vector<16xi32>
      %and3A_287 = arith.andi %ne3A_281, %ne3A_286 : vector<16xi1>
      %sub3A_288 = arith.constant 1 : i32
      %sub3A_289 = vector.broadcast %sub3A_288 : i32 to vector<16xi32>
      %sub3A_290 = arith.subi %div3A_263, %sub3A_289 : vector<16xi32>
      %select_n3A_291 = arith.select %and3A_287, %sub3A_290, %div3A_263 : vector<16xi1>, vector<16xi32>
      %jit3A_292 = arith.constant 8 : i32
      %eq3A_293 = arith.constant 0 : i32
      %eq3A_294 = arith.cmpi eq, %jit3A_292, %eq3A_293 : i32
      %jit3A_295 = arith.constant 1 : i32
      %select_n3A_296 = arith.select %eq3A_294, %jit3A_295, %jit3A_292 : i32
      %rem3A_297 = vector.broadcast %select_n3A_296 : i32 to vector<16xi32>
      %rem3A_298 = arith.remsi %add3A_260, %rem3A_297 : vector<16xi32>
      %ne3A_299 = arith.constant 0 : i32
      %ne3A_300 = vector.broadcast %ne3A_299 : i32 to vector<16xi32>
      %ne3A_301 = arith.cmpi ne, %rem3A_298, %ne3A_300 : vector<16xi32>
      %lt3A_302 = arith.constant 0 : i32
      %lt3A_303 = vector.broadcast %lt3A_302 : i32 to vector<16xi32>
      %lt3A_304 = arith.cmpi slt, %rem3A_298, %lt3A_303 : vector<16xi32>
      %lt3A_305 = arith.constant 0 : i32
      %lt3A_306 = arith.cmpi slt, %select_n3A_296, %lt3A_305 : i32
      %ne3A_307 = vector.broadcast %lt3A_306 : i1 to vector<16xi1>
      %ne3A_308 = vector.broadcast %ne3A_307 : vector<16xi1> to vector<16xi1>
      %ne3A_309 = arith.xori %lt3A_304, %ne3A_308 : vector<16xi1>
      %and3A_310 = arith.andi %ne3A_309, %ne3A_301 : vector<16xi1>
      %add3A_311 = vector.broadcast %select_n3A_296 : i32 to vector<16xi32>
      %add3A_312 = arith.addi %rem3A_298, %add3A_311 : vector<16xi32>
      %select_n3A_313 = arith.select %and3A_310, %add3A_312, %rem3A_298 : vector<16xi1>, vector<16xi32>
      %add3A_314 = vector.broadcast %mul3A_195 : i32 to vector<16xi32>
      %add3A_315 = arith.addi %add3A_314, %select_n3A_291 : vector<16xi32>
      %gather3A_316 = tpu.vector_load_idx %arg13[%select_n3A_313, %add3A_315] : memref<8x1024xi32, #tpu.memory_space<vmem>>[vector<16xi32>, vector<16xi32>], vector<16xi32>,
      %mul3A_317 = arith.constant 21 : i32
      %mul3A_318 = vector.broadcast %mul3A_317 : i32 to vector<16xi32>
      %mul3A_319 = arith.muli %select_n3A_313, %mul3A_318 : vector<16xi32>
      %add3A_320 = arith.addi %mul3A_319, %gather3A_316 : vector<16xi32>
      %add3A_321 = arith.constant 32 : i32
      %add3A_322 = vector.broadcast %add3A_321 : i32 to vector<16xi32>
      %add3A_323 = arith.addi %add3A_322, %iota3A : vector<16xi32>
      %jit3A_324 = arith.constant 8 : i32
      %div3A_325 = vector.broadcast %jit3A_324 : i32 to vector<16xi32>
      %div3A_326 = arith.divsi %add3A_323, %div3A_325 : vector<16xi32>
      %sign3A_327 = arith.constant 0 : i32
      %sign3A_328 = vector.broadcast %sign3A_327 : i32 to vector<16xi32>
      %sign3A_329 = arith.cmpi sgt, %add3A_323, %sign3A_328 : vector<16xi32>
      %sign3A_330 = arith.extui %sign3A_329 : vector<16xi1> to vector<16xi32>
      %sign3A_331 = arith.constant 0 : i32
      %sign3A_332 = vector.broadcast %sign3A_331 : i32 to vector<16xi32>
      %sign3A_333 = arith.cmpi slt, %add3A_323, %sign3A_332 : vector<16xi32>
      %sign3A_334 = arith.extui %sign3A_333 : vector<16xi1> to vector<16xi32>
      %sign3A_335 = arith.subi %sign3A_330, %sign3A_334 : vector<16xi32>
      %sign3A_336 = arith.constant 0 : i32
      %sign3A_337 = arith.cmpi sgt, %jit3A_324, %sign3A_336 : i32
      %sign3A_338 = arith.extui %sign3A_337 : i1 to i32
      %sign3A_339 = arith.constant 0 : i32
      %sign3A_340 = arith.cmpi slt, %jit3A_324, %sign3A_339 : i32
      %sign3A_341 = arith.extui %sign3A_340 : i1 to i32
      %sign3A_342 = arith.subi %sign3A_338, %sign3A_341 : i32
      %ne3A_343 = vector.broadcast %sign3A_342 : i32 to vector<16xi32>
      %ne3A_344 = arith.cmpi ne, %sign3A_335, %ne3A_343 : vector<16xi32>
      %rem3A_345 = vector.broadcast %jit3A_324 : i32 to vector<16xi32>
      %rem3A_346 = arith.remsi %add3A_323, %rem3A_345 : vector<16xi32>
      %ne3A_347 = arith.constant 0 : i32
      %ne3A_348 = vector.broadcast %ne3A_347 : i32 to vector<16xi32>
      %ne3A_349 = arith.cmpi ne, %rem3A_346, %ne3A_348 : vector<16xi32>
      %and3A_350 = arith.andi %ne3A_344, %ne3A_349 : vector<16xi1>
      %sub3A_351 = arith.constant 1 : i32
      %sub3A_352 = vector.broadcast %sub3A_351 : i32 to vector<16xi32>
      %sub3A_353 = arith.subi %div3A_326, %sub3A_352 : vector<16xi32>
      %select_n3A_354 = arith.select %and3A_350, %sub3A_353, %div3A_326 : vector<16xi1>, vector<16xi32>
      %jit3A_355 = arith.constant 8 : i32
      %eq3A_356 = arith.constant 0 : i32
      %eq3A_357 = arith.cmpi eq, %jit3A_355, %eq3A_356 : i32
      %jit3A_358 = arith.constant 1 : i32
      %select_n3A_359 = arith.select %eq3A_357, %jit3A_358, %jit3A_355 : i32
      %rem3A_360 = vector.broadcast %select_n3A_359 : i32 to vector<16xi32>
      %rem3A_361 = arith.remsi %add3A_323, %rem3A_360 : vector<16xi32>
      %ne3A_362 = arith.constant 0 : i32
      %ne3A_363 = vector.broadcast %ne3A_362 : i32 to vector<16xi32>
      %ne3A_364 = arith.cmpi ne, %rem3A_361, %ne3A_363 : vector<16xi32>
      %lt3A_365 = arith.constant 0 : i32
      %lt3A_366 = vector.broadcast %lt3A_365 : i32 to vector<16xi32>
      %lt3A_367 = arith.cmpi slt, %rem3A_361, %lt3A_366 : vector<16xi32>
      %lt3A_368 = arith.constant 0 : i32
      %lt3A_369 = arith.cmpi slt, %select_n3A_359, %lt3A_368 : i32
      %ne3A_370 = vector.broadcast %lt3A_369 : i1 to vector<16xi1>
      %ne3A_371 = vector.broadcast %ne3A_370 : vector<16xi1> to vector<16xi1>
      %ne3A_372 = arith.xori %lt3A_367, %ne3A_371 : vector<16xi1>
      %and3A_373 = arith.andi %ne3A_372, %ne3A_364 : vector<16xi1>
      %add3A_374 = vector.broadcast %select_n3A_359 : i32 to vector<16xi32>
      %add3A_375 = arith.addi %rem3A_361, %add3A_374 : vector<16xi32>
      %select_n3A_376 = arith.select %and3A_373, %add3A_375, %rem3A_361 : vector<16xi1>, vector<16xi32>
      %add3A_377 = vector.broadcast %mul3A_195 : i32 to vector<16xi32>
      %add3A_378 = arith.addi %add3A_377, %select_n3A_354 : vector<16xi32>
      %gather3A_379 = tpu.vector_load_idx %arg13[%select_n3A_376, %add3A_378] : memref<8x1024xi32, #tpu.memory_space<vmem>>[vector<16xi32>, vector<16xi32>], vector<16xi32>,
      %mul3A_380 = arith.constant 21 : i32
      %mul3A_381 = vector.broadcast %mul3A_380 : i32 to vector<16xi32>
      %mul3A_382 = arith.muli %select_n3A_376, %mul3A_381 : vector<16xi32>
      %add3A_383 = arith.addi %mul3A_382, %gather3A_379 : vector<16xi32>
      %add3A_384 = arith.constant 48 : i32
      %add3A_385 = vector.broadcast %add3A_384 : i32 to vector<16xi32>
      %add3A_386 = arith.addi %add3A_385, %iota3A : vector<16xi32>
      %jit3A_387 = arith.constant 8 : i32
      %div3A_388 = vector.broadcast %jit3A_387 : i32 to vector<16xi32>
      %div3A_389 = arith.divsi %add3A_386, %div3A_388 : vector<16xi32>
      %sign3A_390 = arith.constant 0 : i32
      %sign3A_391 = vector.broadcast %sign3A_390 : i32 to vector<16xi32>
      %sign3A_392 = arith.cmpi sgt, %add3A_386, %sign3A_391 : vector<16xi32>
      %sign3A_393 = arith.extui %sign3A_392 : vector<16xi1> to vector<16xi32>
      %sign3A_394 = arith.constant 0 : i32
      %sign3A_395 = vector.broadcast %sign3A_394 : i32 to vector<16xi32>
      %sign3A_396 = arith.cmpi slt, %add3A_386, %sign3A_395 : vector<16xi32>
      %sign3A_397 = arith.extui %sign3A_396 : vector<16xi1> to vector<16xi32>
      %sign3A_398 = arith.subi %sign3A_393, %sign3A_397 : vector<16xi32>
      %sign3A_399 = arith.constant 0 : i32
      %sign3A_400 = arith.cmpi sgt, %jit3A_387, %sign3A_399 : i32
      %sign3A_401 = arith.extui %sign3A_400 : i1 to i32
      %sign3A_402 = arith.constant 0 : i32
      %sign3A_403 = arith.cmpi slt, %jit3A_387, %sign3A_402 : i32
      %sign3A_404 = arith.extui %sign3A_403 : i1 to i32
      %sign3A_405 = arith.subi %sign3A_401, %sign3A_404 : i32
      %ne3A_406 = vector.broadcast %sign3A_405 : i32 to vector<16xi32>
      %ne3A_407 = arith.cmpi ne, %sign3A_398, %ne3A_406 : vector<16xi32>
      %rem3A_408 = vector.broadcast %jit3A_387 : i32 to vector<16xi32>
      %rem3A_409 = arith.remsi %add3A_386, %rem3A_408 : vector<16xi32>
      %ne3A_410 = arith.constant 0 : i32
      %ne3A_411 = vector.broadcast %ne3A_410 : i32 to vector<16xi32>
      %ne3A_412 = arith.cmpi ne, %rem3A_409, %ne3A_411 : vector<16xi32>
      %and3A_413 = arith.andi %ne3A_407, %ne3A_412 : vector<16xi1>
      %sub3A_414 = arith.constant 1 : i32
      %sub3A_415 = vector.broadcast %sub3A_414 : i32 to vector<16xi32>
      %sub3A_416 = arith.subi %div3A_389, %sub3A_415 : vector<16xi32>
      %select_n3A_417 = arith.select %and3A_413, %sub3A_416, %div3A_389 : vector<16xi1>, vector<16xi32>
      %jit3A_418 = arith.constant 8 : i32
      %eq3A_419 = arith.constant 0 : i32
      %eq3A_420 = arith.cmpi eq, %jit3A_418, %eq3A_419 : i32
      %jit3A_421 = arith.constant 1 : i32
      %select_n3A_422 = arith.select %eq3A_420, %jit3A_421, %jit3A_418 : i32
      %rem3A_423 = vector.broadcast %select_n3A_422 : i32 to vector<16xi32>
      %rem3A_424 = arith.remsi %add3A_386, %rem3A_423 : vector<16xi32>
      %ne3A_425 = arith.constant 0 : i32
      %ne3A_426 = vector.broadcast %ne3A_425 : i32 to vector<16xi32>
      %ne3A_427 = arith.cmpi ne, %rem3A_424, %ne3A_426 : vector<16xi32>
      %lt3A_428 = arith.constant 0 : i32
      %lt3A_429 = vector.broadcast %lt3A_428 : i32 to vector<16xi32>
      %lt3A_430 = arith.cmpi slt, %rem3A_424, %lt3A_429 : vector<16xi32>
      %lt3A_431 = arith.constant 0 : i32
      %lt3A_432 = arith.cmpi slt, %select_n3A_422, %lt3A_431 : i32
      %ne3A_433 = vector.broadcast %lt3A_432 : i1 to vector<16xi1>
      %ne3A_434 = vector.broadcast %ne3A_433 : vector<16xi1> to vector<16xi1>
      %ne3A_435 = arith.xori %lt3A_430, %ne3A_434 : vector<16xi1>
      %and3A_436 = arith.andi %ne3A_435, %ne3A_427 : vector<16xi1>
      %add3A_437 = vector.broadcast %select_n3A_422 : i32 to vector<16xi32>
      %add3A_438 = arith.addi %rem3A_424, %add3A_437 : vector<16xi32>
      %select_n3A_439 = arith.select %and3A_436, %add3A_438, %rem3A_424 : vector<16xi1>, vector<16xi32>
      %add3A_440 = vector.broadcast %mul3A_195 : i32 to vector<16xi32>
      %add3A_441 = arith.addi %add3A_440, %select_n3A_417 : vector<16xi32>
      %gather3A_442 = tpu.vector_load_idx %arg13[%select_n3A_439, %add3A_441] : memref<8x1024xi32, #tpu.memory_space<vmem>>[vector<16xi32>, vector<16xi32>], vector<16xi32>,
      %mul3A_443 = arith.constant 21 : i32
      %mul3A_444 = vector.broadcast %mul3A_443 : i32 to vector<16xi32>
      %mul3A_445 = arith.muli %select_n3A_439, %mul3A_444 : vector<16xi32>
      %add3A_446 = arith.addi %mul3A_445, %gather3A_442 : vector<16xi32>
      %parallel_loop3A = arith.constant 0 : i32
      %parallel_loop3A_447 = arith.constant 256 : i32
      %parallel_loop3A_448 = arith.constant 1 : i32
      scf.for %parallel_loop3A_728 = %parallel_loop3A to %parallel_loop3A_447 step %parallel_loop3A_448  : i32 {
        %parallel_loop3A_729 = vector.broadcast %parallel_loop3A_728 : i32 to vector<16xi32>
        %parallel_loop3A_730 = arith.addi %parallel_loop3A_729, %iota3A : vector<16xi32>
        %parallel_loop3A_731 = arith.constant 255 : i32
        %parallel_loop3A_732 = vector.broadcast %parallel_loop3A_731 : i32 to vector<16xi32>
        %parallel_loop3A_733 = arith.andi %parallel_loop3A_730, %parallel_loop3A_732 : vector<16xi32>
        %parallel_loop3A_734 = tpu.vector_load_idx %arg15[%add3A_257, %parallel_loop3A_733] : memref<176x256xf32, #tpu.memory_space<vmem>>[vector<16xi32>, vector<16xi32>], vector<16xf32>,
        tpu.vector_store_idx %arg16[%select_n3A_229, %select_n3A_251, %parallel_loop3A_733], %parallel_loop3A_734 : memref<8x8x256xf32, #tpu.memory_space<vmem>>[vector<16xi32>, vector<16xi32>, vector<16xi32>], vector<16xf32>,
        %parallel_loop3A_735 = tpu.vector_load_idx %arg15[%add3A_320, %parallel_loop3A_733] : memref<176x256xf32, #tpu.memory_space<vmem>>[vector<16xi32>, vector<16xi32>], vector<16xf32>,
        tpu.vector_store_idx %arg16[%select_n3A_291, %select_n3A_313, %parallel_loop3A_733], %parallel_loop3A_735 : memref<8x8x256xf32, #tpu.memory_space<vmem>>[vector<16xi32>, vector<16xi32>, vector<16xi32>], vector<16xf32>,
        %parallel_loop3A_736 = tpu.vector_load_idx %arg15[%add3A_383, %parallel_loop3A_733] : memref<176x256xf32, #tpu.memory_space<vmem>>[vector<16xi32>, vector<16xi32>], vector<16xf32>,
        tpu.vector_store_idx %arg16[%select_n3A_354, %select_n3A_376, %parallel_loop3A_733], %parallel_loop3A_736 : memref<8x8x256xf32, #tpu.memory_space<vmem>>[vector<16xi32>, vector<16xi32>, vector<16xi32>], vector<16xf32>,
        %parallel_loop3A_737 = tpu.vector_load_idx %arg15[%add3A_446, %parallel_loop3A_733] : memref<176x256xf32, #tpu.memory_space<vmem>>[vector<16xi32>, vector<16xi32>], vector<16xf32>,
        tpu.vector_store_idx %arg16[%select_n3A_417, %select_n3A_439, %parallel_loop3A_733], %parallel_loop3A_737 : memref<8x8x256xf32, #tpu.memory_space<vmem>>[vector<16xi32>, vector<16xi32>, vector<16xi32>], vector<16xf32>,
      } {sc.loop_unroll_factor = 4 : i64, sc.parallel_access}
      %mul3A_449 = arith.constant 8 : i32
      %mul3A_450 = arith.muli %add3A_188, %mul3A_449 : i32
      %dma_start3A = arith.constant 0 : i32
      %dma_start3A_451 = tpu.memref_slice %arg7[%mul3A_450, %multiple_of3A, %dma_start3A] : memref<1024x196x256xf32, #tpu.memory_space<hbm>> -> memref<8x8x256xf32, #tpu.memory_space<hbm>>
      %dma_start3A_452 = arith.constant 0 : i32
      %dma_start3A_453 = tpu.memref_slice %arg7[%mul3A_450, %multiple_of3A, %dma_start3A_452] : memref<1024x196x256xf32, #tpu.memory_space<hbm>> -> memref<8x8x256xf32, #tpu.memory_space<hbm>>
      tpu.enqueue_dma source(%arg16 : memref<8x8x256xf32, #tpu.memory_space<vmem>>) target(%dma_start3A_453 : memref<8x8x256xf32, #tpu.memory_space<hbm>>) target_semaphore(%arg20 : memref<!tpu.dma_semaphore, #tpu.memory_space<semaphore_mem>>)
      %mul3A_454 = arith.constant 2 : i32
      %mul3A_455 = arith.muli %mul3A_454, %while3A_182 : i32
      %add3A_456 = arith.addi %select_n3A_110, %mul3A_455 : i32
      %add3A_457 = arith.constant 1 : i32
      %add3A_458 = arith.addi %add3A_456, %add3A_457 : i32
      %gt3A_459 = arith.constant 0 : i32
      %gt3A_460 = arith.cmpi sgt, %while3A_182, %gt3A_459 : i32
      %convert_element_type3A_461 = arith.extui %gt3A_460 : i1 to i32
      %cond3A_462 = arith.constant 0 : i32
      %cond3A_463 = arith.cmpi ne, %convert_element_type3A_461, %cond3A_462 : i32
      scf.if %cond3A_463 {
        %sub3A_728 = arith.constant 2 : i32
        %sub3A_729 = arith.subi %add3A_458, %sub3A_728 : i32
        %mul3A_730 = arith.constant 8 : i32
        %mul3A_731 = arith.muli %sub3A_729, %mul3A_730 : i32
        %dma_wait3A_732 = arith.constant 0 : i32
        %dma_wait3A_733 = tpu.memref_slice %arg7[%mul3A_731, %multiple_of3A, %dma_wait3A_732] : memref<1024x196x256xf32, #tpu.memory_space<hbm>> -> memref<8x8x256xf32, #tpu.memory_space<hbm>>
        %dma_wait3A_734 = arith.constant 0 : i32
        %dma_wait3A_735 = tpu.memref_slice %arg7[%mul3A_731, %multiple_of3A, %dma_wait3A_734] : memref<1024x196x256xf32, #tpu.memory_space<hbm>> -> memref<8x8x256xf32, #tpu.memory_space<hbm>>
        tpu.wait_dma2 semaphore(%arg21 : memref<!tpu.dma_semaphore, #tpu.memory_space<semaphore_mem>>) src(%arg17 : memref<8x8x256xf32, #tpu.memory_space<vmem>>) dst(%dma_wait3A_735 : memref<8x8x256xf32, #tpu.memory_space<hbm>>)
      } else {
      }
      %mul3A_464 = arith.constant 8 : i32
      %mul3A_465 = arith.muli %add3A_458, %mul3A_464 : i32
      %add3A_466 = arith.constant 0 : i32
      %add3A_467 = vector.broadcast %add3A_466 : i32 to vector<16xi32>
      %add3A_468 = arith.addi %add3A_467, %iota3A : vector<16xi32>
      %jit3A_469 = arith.constant 8 : i32
      %div3A_470 = vector.broadcast %jit3A_469 : i32 to vector<16xi32>
      %div3A_471 = arith.divsi %add3A_468, %div3A_470 : vector<16xi32>
      %sign3A_472 = arith.constant 0 : i32
      %sign3A_473 = vector.broadcast %sign3A_472 : i32 to vector<16xi32>
      %sign3A_474 = arith.cmpi sgt, %add3A_468, %sign3A_473 : vector<16xi32>
      %sign3A_475 = arith.extui %sign3A_474 : vector<16xi1> to vector<16xi32>
      %sign3A_476 = arith.constant 0 : i32
      %sign3A_477 = vector.broadcast %sign3A_476 : i32 to vector<16xi32>
      %sign3A_478 = arith.cmpi slt, %add3A_468, %sign3A_477 : vector<16xi32>
      %sign3A_479 = arith.extui %sign3A_478 : vector<16xi1> to vector<16xi32>
      %sign3A_480 = arith.subi %sign3A_475, %sign3A_479 : vector<16xi32>
      %sign3A_481 = arith.constant 0 : i32
      %sign3A_482 = arith.cmpi sgt, %jit3A_469, %sign3A_481 : i32
      %sign3A_483 = arith.extui %sign3A_482 : i1 to i32
      %sign3A_484 = arith.constant 0 : i32
      %sign3A_485 = arith.cmpi slt, %jit3A_469, %sign3A_484 : i32
      %sign3A_486 = arith.extui %sign3A_485 : i1 to i32
      %sign3A_487 = arith.subi %sign3A_483, %sign3A_486 : i32
      %ne3A_488 = vector.broadcast %sign3A_487 : i32 to vector<16xi32>
      %ne3A_489 = arith.cmpi ne, %sign3A_480, %ne3A_488 : vector<16xi32>
      %rem3A_490 = vector.broadcast %jit3A_469 : i32 to vector<16xi32>
      %rem3A_491 = arith.remsi %add3A_468, %rem3A_490 : vector<16xi32>
      %ne3A_492 = arith.constant 0 : i32
      %ne3A_493 = vector.broadcast %ne3A_492 : i32 to vector<16xi32>
      %ne3A_494 = arith.cmpi ne, %rem3A_491, %ne3A_493 : vector<16xi32>
      %and3A_495 = arith.andi %ne3A_489, %ne3A_494 : vector<16xi1>
      %sub3A_496 = arith.constant 1 : i32
      %sub3A_497 = vector.broadcast %sub3A_496 : i32 to vector<16xi32>
      %sub3A_498 = arith.subi %div3A_471, %sub3A_497 : vector<16xi32>
      %select_n3A_499 = arith.select %and3A_495, %sub3A_498, %div3A_471 : vector<16xi1>, vector<16xi32>
      %jit3A_500 = arith.constant 8 : i32
      %eq3A_501 = arith.constant 0 : i32
      %eq3A_502 = arith.cmpi eq, %jit3A_500, %eq3A_501 : i32
      %jit3A_503 = arith.constant 1 : i32
      %select_n3A_504 = arith.select %eq3A_502, %jit3A_503, %jit3A_500 : i32
      %rem3A_505 = vector.broadcast %select_n3A_504 : i32 to vector<16xi32>
      %rem3A_506 = arith.remsi %add3A_468, %rem3A_505 : vector<16xi32>
      %ne3A_507 = arith.constant 0 : i32
      %ne3A_508 = vector.broadcast %ne3A_507 : i32 to vector<16xi32>
      %ne3A_509 = arith.cmpi ne, %rem3A_506, %ne3A_508 : vector<16xi32>
      %lt3A_510 = arith.constant 0 : i32
      %lt3A_511 = vector.broadcast %lt3A_510 : i32 to vector<16xi32>
      %lt3A_512 = arith.cmpi slt, %rem3A_506, %lt3A_511 : vector<16xi32>
      %lt3A_513 = arith.constant 0 : i32
      %lt3A_514 = arith.cmpi slt, %select_n3A_504, %lt3A_513 : i32
      %ne3A_515 = vector.broadcast %lt3A_514 : i1 to vector<16xi1>
      %ne3A_516 = vector.broadcast %ne3A_515 : vector<16xi1> to vector<16xi1>
      %ne3A_517 = arith.xori %lt3A_512, %ne3A_516 : vector<16xi1>
      %and3A_518 = arith.andi %ne3A_517, %ne3A_509 : vector<16xi1>
      %add3A_519 = vector.broadcast %select_n3A_504 : i32 to vector<16xi32>
      %add3A_520 = arith.addi %rem3A_506, %add3A_519 : vector<16xi32>
      %select_n3A_521 = arith.select %and3A_518, %add3A_520, %rem3A_506 : vector<16xi1>, vector<16xi32>
      %add3A_522 = vector.broadcast %mul3A_465 : i32 to vector<16xi32>
      %add3A_523 = arith.addi %add3A_522, %select_n3A_499 : vector<16xi32>
      %gather3A_524 = tpu.vector_load_idx %arg13[%select_n3A_521, %add3A_523] : memref<8x1024xi32, #tpu.memory_space<vmem>>[vector<16xi32>, vector<16xi32>], vector<16xi32>,
      %mul3A_525 = arith.constant 21 : i32
      %mul3A_526 = vector.broadcast %mul3A_525 : i32 to vector<16xi32>
      %mul3A_527 = arith.muli %select_n3A_521, %mul3A_526 : vector<16xi32>
      %add3A_528 = arith.addi %mul3A_527, %gather3A_524 : vector<16xi32>
      %add3A_529 = arith.constant 16 : i32
      %add3A_530 = vector.broadcast %add3A_529 : i32 to vector<16xi32>
      %add3A_531 = arith.addi %add3A_530, %iota3A : vector<16xi32>
      %jit3A_532 = arith.constant 8 : i32
      %div3A_533 = vector.broadcast %jit3A_532 : i32 to vector<16xi32>
      %div3A_534 = arith.divsi %add3A_531, %div3A_533 : vector<16xi32>
      %sign3A_535 = arith.constant 0 : i32
      %sign3A_536 = vector.broadcast %sign3A_535 : i32 to vector<16xi32>
      %sign3A_537 = arith.cmpi sgt, %add3A_531, %sign3A_536 : vector<16xi32>
      %sign3A_538 = arith.extui %sign3A_537 : vector<16xi1> to vector<16xi32>
      %sign3A_539 = arith.constant 0 : i32
      %sign3A_540 = vector.broadcast %sign3A_539 : i32 to vector<16xi32>
      %sign3A_541 = arith.cmpi slt, %add3A_531, %sign3A_540 : vector<16xi32>
      %sign3A_542 = arith.extui %sign3A_541 : vector<16xi1> to vector<16xi32>
      %sign3A_543 = arith.subi %sign3A_538, %sign3A_542 : vector<16xi32>
      %sign3A_544 = arith.constant 0 : i32
      %sign3A_545 = arith.cmpi sgt, %jit3A_532, %sign3A_544 : i32
      %sign3A_546 = arith.extui %sign3A_545 : i1 to i32
      %sign3A_547 = arith.constant 0 : i32
      %sign3A_548 = arith.cmpi slt, %jit3A_532, %sign3A_547 : i32
      %sign3A_549 = arith.extui %sign3A_548 : i1 to i32
      %sign3A_550 = arith.subi %sign3A_546, %sign3A_549 : i32
      %ne3A_551 = vector.broadcast %sign3A_550 : i32 to vector<16xi32>
      %ne3A_552 = arith.cmpi ne, %sign3A_543, %ne3A_551 : vector<16xi32>
      %rem3A_553 = vector.broadcast %jit3A_532 : i32 to vector<16xi32>
      %rem3A_554 = arith.remsi %add3A_531, %rem3A_553 : vector<16xi32>
      %ne3A_555 = arith.constant 0 : i32
      %ne3A_556 = vector.broadcast %ne3A_555 : i32 to vector<16xi32>
      %ne3A_557 = arith.cmpi ne, %rem3A_554, %ne3A_556 : vector<16xi32>
      %and3A_558 = arith.andi %ne3A_552, %ne3A_557 : vector<16xi1>
      %sub3A_559 = arith.constant 1 : i32
      %sub3A_560 = vector.broadcast %sub3A_559 : i32 to vector<16xi32>
      %sub3A_561 = arith.subi %div3A_534, %sub3A_560 : vector<16xi32>
      %select_n3A_562 = arith.select %and3A_558, %sub3A_561, %div3A_534 : vector<16xi1>, vector<16xi32>
      %jit3A_563 = arith.constant 8 : i32
      %eq3A_564 = arith.constant 0 : i32
      %eq3A_565 = arith.cmpi eq, %jit3A_563, %eq3A_564 : i32
      %jit3A_566 = arith.constant 1 : i32
      %select_n3A_567 = arith.select %eq3A_565, %jit3A_566, %jit3A_563 : i32
      %rem3A_568 = vector.broadcast %select_n3A_567 : i32 to vector<16xi32>
      %rem3A_569 = arith.remsi %add3A_531, %rem3A_568 : vector<16xi32>
      %ne3A_570 = arith.constant 0 : i32
      %ne3A_571 = vector.broadcast %ne3A_570 : i32 to vector<16xi32>
      %ne3A_572 = arith.cmpi ne, %rem3A_569, %ne3A_571 : vector<16xi32>
      %lt3A_573 = arith.constant 0 : i32
      %lt3A_574 = vector.broadcast %lt3A_573 : i32 to vector<16xi32>
      %lt3A_575 = arith.cmpi slt, %rem3A_569, %lt3A_574 : vector<16xi32>
      %lt3A_576 = arith.constant 0 : i32
      %lt3A_577 = arith.cmpi slt, %select_n3A_567, %lt3A_576 : i32
      %ne3A_578 = vector.broadcast %lt3A_577 : i1 to vector<16xi1>
      %ne3A_579 = vector.broadcast %ne3A_578 : vector<16xi1> to vector<16xi1>
      %ne3A_580 = arith.xori %lt3A_575, %ne3A_579 : vector<16xi1>
      %and3A_581 = arith.andi %ne3A_580, %ne3A_572 : vector<16xi1>
      %add3A_582 = vector.broadcast %select_n3A_567 : i32 to vector<16xi32>
      %add3A_583 = arith.addi %rem3A_569, %add3A_582 : vector<16xi32>
      %select_n3A_584 = arith.select %and3A_581, %add3A_583, %rem3A_569 : vector<16xi1>, vector<16xi32>
      %add3A_585 = vector.broadcast %mul3A_465 : i32 to vector<16xi32>
      %add3A_586 = arith.addi %add3A_585, %select_n3A_562 : vector<16xi32>
      %gather3A_587 = tpu.vector_load_idx %arg13[%select_n3A_584, %add3A_586] : memref<8x1024xi32, #tpu.memory_space<vmem>>[vector<16xi32>, vector<16xi32>], vector<16xi32>,
      %mul3A_588 = arith.constant 21 : i32
      %mul3A_589 = vector.broadcast %mul3A_588 : i32 to vector<16xi32>
      %mul3A_590 = arith.muli %select_n3A_584, %mul3A_589 : vector<16xi32>
      %add3A_591 = arith.addi %mul3A_590, %gather3A_587 : vector<16xi32>
      %add3A_592 = arith.constant 32 : i32
      %add3A_593 = vector.broadcast %add3A_592 : i32 to vector<16xi32>
      %add3A_594 = arith.addi %add3A_593, %iota3A : vector<16xi32>
      %jit3A_595 = arith.constant 8 : i32
      %div3A_596 = vector.broadcast %jit3A_595 : i32 to vector<16xi32>
      %div3A_597 = arith.divsi %add3A_594, %div3A_596 : vector<16xi32>
      %sign3A_598 = arith.constant 0 : i32
      %sign3A_599 = vector.broadcast %sign3A_598 : i32 to vector<16xi32>
      %sign3A_600 = arith.cmpi sgt, %add3A_594, %sign3A_599 : vector<16xi32>
      %sign3A_601 = arith.extui %sign3A_600 : vector<16xi1> to vector<16xi32>
      %sign3A_602 = arith.constant 0 : i32
      %sign3A_603 = vector.broadcast %sign3A_602 : i32 to vector<16xi32>
      %sign3A_604 = arith.cmpi slt, %add3A_594, %sign3A_603 : vector<16xi32>
      %sign3A_605 = arith.extui %sign3A_604 : vector<16xi1> to vector<16xi32>
      %sign3A_606 = arith.subi %sign3A_601, %sign3A_605 : vector<16xi32>
      %sign3A_607 = arith.constant 0 : i32
      %sign3A_608 = arith.cmpi sgt, %jit3A_595, %sign3A_607 : i32
      %sign3A_609 = arith.extui %sign3A_608 : i1 to i32
      %sign3A_610 = arith.constant 0 : i32
      %sign3A_611 = arith.cmpi slt, %jit3A_595, %sign3A_610 : i32
      %sign3A_612 = arith.extui %sign3A_611 : i1 to i32
      %sign3A_613 = arith.subi %sign3A_609, %sign3A_612 : i32
      %ne3A_614 = vector.broadcast %sign3A_613 : i32 to vector<16xi32>
      %ne3A_615 = arith.cmpi ne, %sign3A_606, %ne3A_614 : vector<16xi32>
      %rem3A_616 = vector.broadcast %jit3A_595 : i32 to vector<16xi32>
      %rem3A_617 = arith.remsi %add3A_594, %rem3A_616 : vector<16xi32>
      %ne3A_618 = arith.constant 0 : i32
      %ne3A_619 = vector.broadcast %ne3A_618 : i32 to vector<16xi32>
      %ne3A_620 = arith.cmpi ne, %rem3A_617, %ne3A_619 : vector<16xi32>
      %and3A_621 = arith.andi %ne3A_615, %ne3A_620 : vector<16xi1>
      %sub3A_622 = arith.constant 1 : i32
      %sub3A_623 = vector.broadcast %sub3A_622 : i32 to vector<16xi32>
      %sub3A_624 = arith.subi %div3A_597, %sub3A_623 : vector<16xi32>
      %select_n3A_625 = arith.select %and3A_621, %sub3A_624, %div3A_597 : vector<16xi1>, vector<16xi32>
      %jit3A_626 = arith.constant 8 : i32
      %eq3A_627 = arith.constant 0 : i32
      %eq3A_628 = arith.cmpi eq, %jit3A_626, %eq3A_627 : i32
      %jit3A_629 = arith.constant 1 : i32
      %select_n3A_630 = arith.select %eq3A_628, %jit3A_629, %jit3A_626 : i32
      %rem3A_631 = vector.broadcast %select_n3A_630 : i32 to vector<16xi32>
      %rem3A_632 = arith.remsi %add3A_594, %rem3A_631 : vector<16xi32>
      %ne3A_633 = arith.constant 0 : i32
      %ne3A_634 = vector.broadcast %ne3A_633 : i32 to vector<16xi32>
      %ne3A_635 = arith.cmpi ne, %rem3A_632, %ne3A_634 : vector<16xi32>
      %lt3A_636 = arith.constant 0 : i32
      %lt3A_637 = vector.broadcast %lt3A_636 : i32 to vector<16xi32>
      %lt3A_638 = arith.cmpi slt, %rem3A_632, %lt3A_637 : vector<16xi32>
      %lt3A_639 = arith.constant 0 : i32
      %lt3A_640 = arith.cmpi slt, %select_n3A_630, %lt3A_639 : i32
      %ne3A_641 = vector.broadcast %lt3A_640 : i1 to vector<16xi1>
      %ne3A_642 = vector.broadcast %ne3A_641 : vector<16xi1> to vector<16xi1>
      %ne3A_643 = arith.xori %lt3A_638, %ne3A_642 : vector<16xi1>
      %and3A_644 = arith.andi %ne3A_643, %ne3A_635 : vector<16xi1>
      %add3A_645 = vector.broadcast %select_n3A_630 : i32 to vector<16xi32>
      %add3A_646 = arith.addi %rem3A_632, %add3A_645 : vector<16xi32>
      %select_n3A_647 = arith.select %and3A_644, %add3A_646, %rem3A_632 : vector<16xi1>, vector<16xi32>
      %add3A_648 = vector.broadcast %mul3A_465 : i32 to vector<16xi32>
      %add3A_649 = arith.addi %add3A_648, %select_n3A_625 : vector<16xi32>
      %gather3A_650 = tpu.vector_load_idx %arg13[%select_n3A_647, %add3A_649] : memref<8x1024xi32, #tpu.memory_space<vmem>>[vector<16xi32>, vector<16xi32>], vector<16xi32>,
      %mul3A_651 = arith.constant 21 : i32
      %mul3A_652 = vector.broadcast %mul3A_651 : i32 to vector<16xi32>
      %mul3A_653 = arith.muli %select_n3A_647, %mul3A_652 : vector<16xi32>
      %add3A_654 = arith.addi %mul3A_653, %gather3A_650 : vector<16xi32>
      %add3A_655 = arith.constant 48 : i32
      %add3A_656 = vector.broadcast %add3A_655 : i32 to vector<16xi32>
      %add3A_657 = arith.addi %add3A_656, %iota3A : vector<16xi32>
      %jit3A_658 = arith.constant 8 : i32
      %div3A_659 = vector.broadcast %jit3A_658 : i32 to vector<16xi32>
      %div3A_660 = arith.divsi %add3A_657, %div3A_659 : vector<16xi32>
      %sign3A_661 = arith.constant 0 : i32
      %sign3A_662 = vector.broadcast %sign3A_661 : i32 to vector<16xi32>
      %sign3A_663 = arith.cmpi sgt, %add3A_657, %sign3A_662 : vector<16xi32>
      %sign3A_664 = arith.extui %sign3A_663 : vector<16xi1> to vector<16xi32>
      %sign3A_665 = arith.constant 0 : i32
      %sign3A_666 = vector.broadcast %sign3A_665 : i32 to vector<16xi32>
      %sign3A_667 = arith.cmpi slt, %add3A_657, %sign3A_666 : vector<16xi32>
      %sign3A_668 = arith.extui %sign3A_667 : vector<16xi1> to vector<16xi32>
      %sign3A_669 = arith.subi %sign3A_664, %sign3A_668 : vector<16xi32>
      %sign3A_670 = arith.constant 0 : i32
      %sign3A_671 = arith.cmpi sgt, %jit3A_658, %sign3A_670 : i32
      %sign3A_672 = arith.extui %sign3A_671 : i1 to i32
      %sign3A_673 = arith.constant 0 : i32
      %sign3A_674 = arith.cmpi slt, %jit3A_658, %sign3A_673 : i32
      %sign3A_675 = arith.extui %sign3A_674 : i1 to i32
      %sign3A_676 = arith.subi %sign3A_672, %sign3A_675 : i32
      %ne3A_677 = vector.broadcast %sign3A_676 : i32 to vector<16xi32>
      %ne3A_678 = arith.cmpi ne, %sign3A_669, %ne3A_677 : vector<16xi32>
      %rem3A_679 = vector.broadcast %jit3A_658 : i32 to vector<16xi32>
      %rem3A_680 = arith.remsi %add3A_657, %rem3A_679 : vector<16xi32>
      %ne3A_681 = arith.constant 0 : i32
      %ne3A_682 = vector.broadcast %ne3A_681 : i32 to vector<16xi32>
      %ne3A_683 = arith.cmpi ne, %rem3A_680, %ne3A_682 : vector<16xi32>
      %and3A_684 = arith.andi %ne3A_678, %ne3A_683 : vector<16xi1>
      %sub3A_685 = arith.constant 1 : i32
      %sub3A_686 = vector.broadcast %sub3A_685 : i32 to vector<16xi32>
      %sub3A_687 = arith.subi %div3A_660, %sub3A_686 : vector<16xi32>
      %select_n3A_688 = arith.select %and3A_684, %sub3A_687, %div3A_660 : vector<16xi1>, vector<16xi32>
      %jit3A_689 = arith.constant 8 : i32
      %eq3A_690 = arith.constant 0 : i32
      %eq3A_691 = arith.cmpi eq, %jit3A_689, %eq3A_690 : i32
      %jit3A_692 = arith.constant 1 : i32
      %select_n3A_693 = arith.select %eq3A_691, %jit3A_692, %jit3A_689 : i32
      %rem3A_694 = vector.broadcast %select_n3A_693 : i32 to vector<16xi32>
      %rem3A_695 = arith.remsi %add3A_657, %rem3A_694 : vector<16xi32>
      %ne3A_696 = arith.constant 0 : i32
      %ne3A_697 = vector.broadcast %ne3A_696 : i32 to vector<16xi32>
      %ne3A_698 = arith.cmpi ne, %rem3A_695, %ne3A_697 : vector<16xi32>
      %lt3A_699 = arith.constant 0 : i32
      %lt3A_700 = vector.broadcast %lt3A_699 : i32 to vector<16xi32>
      %lt3A_701 = arith.cmpi slt, %rem3A_695, %lt3A_700 : vector<16xi32>
      %lt3A_702 = arith.constant 0 : i32
      %lt3A_703 = arith.cmpi slt, %select_n3A_693, %lt3A_702 : i32
      %ne3A_704 = vector.broadcast %lt3A_703 : i1 to vector<16xi1>
      %ne3A_705 = vector.broadcast %ne3A_704 : vector<16xi1> to vector<16xi1>
      %ne3A_706 = arith.xori %lt3A_701, %ne3A_705 : vector<16xi1>
      %and3A_707 = arith.andi %ne3A_706, %ne3A_698 : vector<16xi1>
      %add3A_708 = vector.broadcast %select_n3A_693 : i32 to vector<16xi32>
      %add3A_709 = arith.addi %rem3A_695, %add3A_708 : vector<16xi32>
      %select_n3A_710 = arith.select %and3A_707, %add3A_709, %rem3A_695 : vector<16xi1>, vector<16xi32>
      %add3A_711 = vector.broadcast %mul3A_465 : i32 to vector<16xi32>
      %add3A_712 = arith.addi %add3A_711, %select_n3A_688 : vector<16xi32>
      %gather3A_713 = tpu.vector_load_idx %arg13[%select_n3A_710, %add3A_712] : memref<8x1024xi32, #tpu.memory_space<vmem>>[vector<16xi32>, vector<16xi32>], vector<16xi32>,
      %mul3A_714 = arith.constant 21 : i32
      %mul3A_715 = vector.broadcast %mul3A_714 : i32 to vector<16xi32>
      %mul3A_716 = arith.muli %select_n3A_710, %mul3A_715 : vector<16xi32>
      %add3A_717 = arith.addi %mul3A_716, %gather3A_713 : vector<16xi32>
      %parallel_loop3A_718 = arith.constant 0 : i32
      %parallel_loop3A_719 = arith.constant 256 : i32
      %parallel_loop3A_720 = arith.constant 1 : i32
      scf.for %parallel_loop3A_728 = %parallel_loop3A_718 to %parallel_loop3A_719 step %parallel_loop3A_720  : i32 {
        %parallel_loop3A_729 = vector.broadcast %parallel_loop3A_728 : i32 to vector<16xi32>
        %parallel_loop3A_730 = arith.addi %parallel_loop3A_729, %iota3A : vector<16xi32>
        %parallel_loop3A_731 = arith.constant 255 : i32
        %parallel_loop3A_732 = vector.broadcast %parallel_loop3A_731 : i32 to vector<16xi32>
        %parallel_loop3A_733 = arith.andi %parallel_loop3A_730, %parallel_loop3A_732 : vector<16xi32>
        %parallel_loop3A_734 = tpu.vector_load_idx %arg15[%add3A_528, %parallel_loop3A_733] : memref<176x256xf32, #tpu.memory_space<vmem>>[vector<16xi32>, vector<16xi32>], vector<16xf32>,
        tpu.vector_store_idx %arg17[%select_n3A_499, %select_n3A_521, %parallel_loop3A_733], %parallel_loop3A_734 : memref<8x8x256xf32, #tpu.memory_space<vmem>>[vector<16xi32>, vector<16xi32>, vector<16xi32>], vector<16xf32>,
        %parallel_loop3A_735 = tpu.vector_load_idx %arg15[%add3A_591, %parallel_loop3A_733] : memref<176x256xf32, #tpu.memory_space<vmem>>[vector<16xi32>, vector<16xi32>], vector<16xf32>,
        tpu.vector_store_idx %arg17[%select_n3A_562, %select_n3A_584, %parallel_loop3A_733], %parallel_loop3A_735 : memref<8x8x256xf32, #tpu.memory_space<vmem>>[vector<16xi32>, vector<16xi32>, vector<16xi32>], vector<16xf32>,
        %parallel_loop3A_736 = tpu.vector_load_idx %arg15[%add3A_654, %parallel_loop3A_733] : memref<176x256xf32, #tpu.memory_space<vmem>>[vector<16xi32>, vector<16xi32>], vector<16xf32>,
        tpu.vector_store_idx %arg17[%select_n3A_625, %select_n3A_647, %parallel_loop3A_733], %parallel_loop3A_736 : memref<8x8x256xf32, #tpu.memory_space<vmem>>[vector<16xi32>, vector<16xi32>, vector<16xi32>], vector<16xf32>,
        %parallel_loop3A_737 = tpu.vector_load_idx %arg15[%add3A_717, %parallel_loop3A_733] : memref<176x256xf32, #tpu.memory_space<vmem>>[vector<16xi32>, vector<16xi32>], vector<16xf32>,
        tpu.vector_store_idx %arg17[%select_n3A_688, %select_n3A_710, %parallel_loop3A_733], %parallel_loop3A_737 : memref<8x8x256xf32, #tpu.memory_space<vmem>>[vector<16xi32>, vector<16xi32>, vector<16xi32>], vector<16xf32>,
      } {sc.loop_unroll_factor = 4 : i64, sc.parallel_access}
      %mul3A_721 = arith.constant 8 : i32
      %mul3A_722 = arith.muli %add3A_458, %mul3A_721 : i32
      %dma_start3A_723 = arith.constant 0 : i32
      %dma_start3A_724 = tpu.memref_slice %arg7[%mul3A_722, %multiple_of3A, %dma_start3A_723] : memref<1024x196x256xf32, #tpu.memory_space<hbm>> -> memref<8x8x256xf32, #tpu.memory_space<hbm>>
      %dma_start3A_725 = arith.constant 0 : i32
      %dma_start3A_726 = tpu.memref_slice %arg7[%mul3A_722, %multiple_of3A, %dma_start3A_725] : memref<1024x196x256xf32, #tpu.memory_space<hbm>> -> memref<8x8x256xf32, #tpu.memory_space<hbm>>
      tpu.enqueue_dma source(%arg17 : memref<8x8x256xf32, #tpu.memory_space<vmem>>) target(%dma_start3A_726 : memref<8x8x256xf32, #tpu.memory_space<hbm>>) target_semaphore(%arg21 : memref<!tpu.dma_semaphore, #tpu.memory_space<semaphore_mem>>)
      %while3A_727 = arith.constant 0 : i32
      scf.yield %while3A_727 : i32
    }
    %while3A_145 = arith.constant 1 : i32
    %while3A_146 = scf.for %while3A_182 = %while3A_142 to %while3A_138 step %while3A_145 iter_args(%while3A_183 = %while3A_144) -> (i32)  : i32 {
      %mul3A_184 = arith.constant 2 : i32
      %mul3A_185 = arith.muli %mul3A_184, %while3A_182 : i32
      %add3A_186 = arith.addi %select_n3A_110, %mul3A_185 : i32
      %add3A_187 = arith.constant 0 : i32
      %add3A_188 = arith.addi %add3A_186, %add3A_187 : i32
      %gt3A_189 = arith.constant 0 : i32
      %gt3A_190 = arith.cmpi sgt, %while3A_182, %gt3A_189 : i32
      %convert_element_type3A_191 = arith.extui %gt3A_190 : i1 to i32
      %cond3A_192 = arith.constant 0 : i32
      %cond3A_193 = arith.cmpi ne, %convert_element_type3A_191, %cond3A_192 : i32
      scf.if %cond3A_193 {
        %sub3A_728 = arith.constant 2 : i32
        %sub3A_729 = arith.subi %add3A_188, %sub3A_728 : i32
        %mul3A_730 = arith.constant 8 : i32
        %mul3A_731 = arith.muli %sub3A_729, %mul3A_730 : i32
        %dma_wait3A_732 = arith.constant 0 : i32
        %dma_wait3A_733 = tpu.memref_slice %arg7[%mul3A_731, %multiple_of3A, %dma_wait3A_732] : memref<1024x196x256xf32, #tpu.memory_space<hbm>> -> memref<8x8x256xf32, #tpu.memory_space<hbm>>
        %dma_wait3A_734 = arith.constant 0 : i32
        %dma_wait3A_735 = tpu.memref_slice %arg7[%mul3A_731, %multiple_of3A, %dma_wait3A_734] : memref<1024x196x256xf32, #tpu.memory_space<hbm>> -> memref<8x8x256xf32, #tpu.memory_space<hbm>>
        tpu.wait_dma2 semaphore(%arg20 : memref<!tpu.dma_semaphore, #tpu.memory_space<semaphore_mem>>) src(%arg16 : memref<8x8x256xf32, #tpu.memory_space<vmem>>) dst(%dma_wait3A_735 : memref<8x8x256xf32, #tpu.memory_space<hbm>>)
      } else {
      }
      %mul3A_194 = arith.constant 8 : i32
      %mul3A_195 = arith.muli %add3A_188, %mul3A_194 : i32
      %add3A_196 = arith.constant 0 : i32
      %add3A_197 = vector.broadcast %add3A_196 : i32 to vector<16xi32>
      %add3A_198 = arith.addi %add3A_197, %iota3A : vector<16xi32>
      %jit3A_199 = arith.constant 8 : i32
      %div3A_200 = vector.broadcast %jit3A_199 : i32 to vector<16xi32>
      %div3A_201 = arith.divsi %add3A_198, %div3A_200 : vector<16xi32>
      %sign3A_202 = arith.constant 0 : i32
      %sign3A_203 = vector.broadcast %sign3A_202 : i32 to vector<16xi32>
      %sign3A_204 = arith.cmpi sgt, %add3A_198, %sign3A_203 : vector<16xi32>
      %sign3A_205 = arith.extui %sign3A_204 : vector<16xi1> to vector<16xi32>
      %sign3A_206 = arith.constant 0 : i32
      %sign3A_207 = vector.broadcast %sign3A_206 : i32 to vector<16xi32>
      %sign3A_208 = arith.cmpi slt, %add3A_198, %sign3A_207 : vector<16xi32>
      %sign3A_209 = arith.extui %sign3A_208 : vector<16xi1> to vector<16xi32>
      %sign3A_210 = arith.subi %sign3A_205, %sign3A_209 : vector<16xi32>
      %sign3A_211 = arith.constant 0 : i32
      %sign3A_212 = arith.cmpi sgt, %jit3A_199, %sign3A_211 : i32
      %sign3A_213 = arith.extui %sign3A_212 : i1 to i32
      %sign3A_214 = arith.constant 0 : i32
      %sign3A_215 = arith.cmpi slt, %jit3A_199, %sign3A_214 : i32
      %sign3A_216 = arith.extui %sign3A_215 : i1 to i32
      %sign3A_217 = arith.subi %sign3A_213, %sign3A_216 : i32
      %ne3A_218 = vector.broadcast %sign3A_217 : i32 to vector<16xi32>
      %ne3A_219 = arith.cmpi ne, %sign3A_210, %ne3A_218 : vector<16xi32>
      %rem3A_220 = vector.broadcast %jit3A_199 : i32 to vector<16xi32>
      %rem3A_221 = arith.remsi %add3A_198, %rem3A_220 : vector<16xi32>
      %ne3A_222 = arith.constant 0 : i32
      %ne3A_223 = vector.broadcast %ne3A_222 : i32 to vector<16xi32>
      %ne3A_224 = arith.cmpi ne, %rem3A_221, %ne3A_223 : vector<16xi32>
      %and3A_225 = arith.andi %ne3A_219, %ne3A_224 : vector<16xi1>
      %sub3A_226 = arith.constant 1 : i32
      %sub3A_227 = vector.broadcast %sub3A_226 : i32 to vector<16xi32>
      %sub3A_228 = arith.subi %div3A_201, %sub3A_227 : vector<16xi32>
      %select_n3A_229 = arith.select %and3A_225, %sub3A_228, %div3A_201 : vector<16xi1>, vector<16xi32>
      %jit3A_230 = arith.constant 8 : i32
      %eq3A_231 = arith.constant 0 : i32
      %eq3A_232 = arith.cmpi eq, %jit3A_230, %eq3A_231 : i32
      %jit3A_233 = arith.constant 1 : i32
      %select_n3A_234 = arith.select %eq3A_232, %jit3A_233, %jit3A_230 : i32
      %rem3A_235 = vector.broadcast %select_n3A_234 : i32 to vector<16xi32>
      %rem3A_236 = arith.remsi %add3A_198, %rem3A_235 : vector<16xi32>
      %ne3A_237 = arith.constant 0 : i32
      %ne3A_238 = vector.broadcast %ne3A_237 : i32 to vector<16xi32>
      %ne3A_239 = arith.cmpi ne, %rem3A_236, %ne3A_238 : vector<16xi32>
      %lt3A_240 = arith.constant 0 : i32
      %lt3A_241 = vector.broadcast %lt3A_240 : i32 to vector<16xi32>
      %lt3A_242 = arith.cmpi slt, %rem3A_236, %lt3A_241 : vector<16xi32>
      %lt3A_243 = arith.constant 0 : i32
      %lt3A_244 = arith.cmpi slt, %select_n3A_234, %lt3A_243 : i32
      %ne3A_245 = vector.broadcast %lt3A_244 : i1 to vector<16xi1>
      %ne3A_246 = vector.broadcast %ne3A_245 : vector<16xi1> to vector<16xi1>
      %ne3A_247 = arith.xori %lt3A_242, %ne3A_246 : vector<16xi1>
      %and3A_248 = arith.andi %ne3A_247, %ne3A_239 : vector<16xi1>
      %add3A_249 = vector.broadcast %select_n3A_234 : i32 to vector<16xi32>
      %add3A_250 = arith.addi %rem3A_236, %add3A_249 : vector<16xi32>
      %select_n3A_251 = arith.select %and3A_248, %add3A_250, %rem3A_236 : vector<16xi1>, vector<16xi32>
      %add3A_252 = vector.broadcast %mul3A_195 : i32 to vector<16xi32>
      %add3A_253 = arith.addi %add3A_252, %select_n3A_229 : vector<16xi32>
      %gather3A = tpu.vector_load_idx %arg13[%select_n3A_251, %add3A_253] : memref<8x1024xi32, #tpu.memory_space<vmem>>[vector<16xi32>, vector<16xi32>], vector<16xi32>,
      %mul3A_254 = arith.constant 21 : i32
      %mul3A_255 = vector.broadcast %mul3A_254 : i32 to vector<16xi32>
      %mul3A_256 = arith.muli %select_n3A_251, %mul3A_255 : vector<16xi32>
      %add3A_257 = arith.addi %mul3A_256, %gather3A : vector<16xi32>
      %add3A_258 = arith.constant 16 : i32
      %add3A_259 = vector.broadcast %add3A_258 : i32 to vector<16xi32>
      %add3A_260 = arith.addi %add3A_259, %iota3A : vector<16xi32>
      %jit3A_261 = arith.constant 8 : i32
      %div3A_262 = vector.broadcast %jit3A_261 : i32 to vector<16xi32>
      %div3A_263 = arith.divsi %add3A_260, %div3A_262 : vector<16xi32>
      %sign3A_264 = arith.constant 0 : i32
      %sign3A_265 = vector.broadcast %sign3A_264 : i32 to vector<16xi32>
      %sign3A_266 = arith.cmpi sgt, %add3A_260, %sign3A_265 : vector<16xi32>
      %sign3A_267 = arith.extui %sign3A_266 : vector<16xi1> to vector<16xi32>
      %sign3A_268 = arith.constant 0 : i32
      %sign3A_269 = vector.broadcast %sign3A_268 : i32 to vector<16xi32>
      %sign3A_270 = arith.cmpi slt, %add3A_260, %sign3A_269 : vector<16xi32>
      %sign3A_271 = arith.extui %sign3A_270 : vector<16xi1> to vector<16xi32>
      %sign3A_272 = arith.subi %sign3A_267, %sign3A_271 : vector<16xi32>
      %sign3A_273 = arith.constant 0 : i32
      %sign3A_274 = arith.cmpi sgt, %jit3A_261, %sign3A_273 : i32
      %sign3A_275 = arith.extui %sign3A_274 : i1 to i32
      %sign3A_276 = arith.constant 0 : i32
      %sign3A_277 = arith.cmpi slt, %jit3A_261, %sign3A_276 : i32
      %sign3A_278 = arith.extui %sign3A_277 : i1 to i32
      %sign3A_279 = arith.subi %sign3A_275, %sign3A_278 : i32
      %ne3A_280 = vector.broadcast %sign3A_279 : i32 to vector<16xi32>
      %ne3A_281 = arith.cmpi ne, %sign3A_272, %ne3A_280 : vector<16xi32>
      %rem3A_282 = vector.broadcast %jit3A_261 : i32 to vector<16xi32>
      %rem3A_283 = arith.remsi %add3A_260, %rem3A_282 : vector<16xi32>
      %ne3A_284 = arith.constant 0 : i32
      %ne3A_285 = vector.broadcast %ne3A_284 : i32 to vector<16xi32>
      %ne3A_286 = arith.cmpi ne, %rem3A_283, %ne3A_285 : vector<16xi32>
      %and3A_287 = arith.andi %ne3A_281, %ne3A_286 : vector<16xi1>
      %sub3A_288 = arith.constant 1 : i32
      %sub3A_289 = vector.broadcast %sub3A_288 : i32 to vector<16xi32>
      %sub3A_290 = arith.subi %div3A_263, %sub3A_289 : vector<16xi32>
      %select_n3A_291 = arith.select %and3A_287, %sub3A_290, %div3A_263 : vector<16xi1>, vector<16xi32>
      %jit3A_292 = arith.constant 8 : i32
      %eq3A_293 = arith.constant 0 : i32
      %eq3A_294 = arith.cmpi eq, %jit3A_292, %eq3A_293 : i32
      %jit3A_295 = arith.constant 1 : i32
      %select_n3A_296 = arith.select %eq3A_294, %jit3A_295, %jit3A_292 : i32
      %rem3A_297 = vector.broadcast %select_n3A_296 : i32 to vector<16xi32>
      %rem3A_298 = arith.remsi %add3A_260, %rem3A_297 : vector<16xi32>
      %ne3A_299 = arith.constant 0 : i32
      %ne3A_300 = vector.broadcast %ne3A_299 : i32 to vector<16xi32>
      %ne3A_301 = arith.cmpi ne, %rem3A_298, %ne3A_300 : vector<16xi32>
      %lt3A_302 = arith.constant 0 : i32
      %lt3A_303 = vector.broadcast %lt3A_302 : i32 to vector<16xi32>
      %lt3A_304 = arith.cmpi slt, %rem3A_298, %lt3A_303 : vector<16xi32>
      %lt3A_305 = arith.constant 0 : i32
      %lt3A_306 = arith.cmpi slt, %select_n3A_296, %lt3A_305 : i32
      %ne3A_307 = vector.broadcast %lt3A_306 : i1 to vector<16xi1>
      %ne3A_308 = vector.broadcast %ne3A_307 : vector<16xi1> to vector<16xi1>
      %ne3A_309 = arith.xori %lt3A_304, %ne3A_308 : vector<16xi1>
      %and3A_310 = arith.andi %ne3A_309, %ne3A_301 : vector<16xi1>
      %add3A_311 = vector.broadcast %select_n3A_296 : i32 to vector<16xi32>
      %add3A_312 = arith.addi %rem3A_298, %add3A_311 : vector<16xi32>
      %select_n3A_313 = arith.select %and3A_310, %add3A_312, %rem3A_298 : vector<16xi1>, vector<16xi32>
      %add3A_314 = vector.broadcast %mul3A_195 : i32 to vector<16xi32>
      %add3A_315 = arith.addi %add3A_314, %select_n3A_291 : vector<16xi32>
      %gather3A_316 = tpu.vector_load_idx %arg13[%select_n3A_313, %add3A_315] : memref<8x1024xi32, #tpu.memory_space<vmem>>[vector<16xi32>, vector<16xi32>], vector<16xi32>,
      %mul3A_317 = arith.constant 21 : i32
      %mul3A_318 = vector.broadcast %mul3A_317 : i32 to vector<16xi32>
      %mul3A_319 = arith.muli %select_n3A_313, %mul3A_318 : vector<16xi32>
      %add3A_320 = arith.addi %mul3A_319, %gather3A_316 : vector<16xi32>
      %add3A_321 = arith.constant 32 : i32
      %add3A_322 = vector.broadcast %add3A_321 : i32 to vector<16xi32>
      %add3A_323 = arith.addi %add3A_322, %iota3A : vector<16xi32>
      %jit3A_324 = arith.constant 8 : i32
      %div3A_325 = vector.broadcast %jit3A_324 : i32 to vector<16xi32>
      %div3A_326 = arith.divsi %add3A_323, %div3A_325 : vector<16xi32>
      %sign3A_327 = arith.constant 0 : i32
      %sign3A_328 = vector.broadcast %sign3A_327 : i32 to vector<16xi32>
      %sign3A_329 = arith.cmpi sgt, %add3A_323, %sign3A_328 : vector<16xi32>
      %sign3A_330 = arith.extui %sign3A_329 : vector<16xi1> to vector<16xi32>
      %sign3A_331 = arith.constant 0 : i32
      %sign3A_332 = vector.broadcast %sign3A_331 : i32 to vector<16xi32>
      %sign3A_333 = arith.cmpi slt, %add3A_323, %sign3A_332 : vector<16xi32>
      %sign3A_334 = arith.extui %sign3A_333 : vector<16xi1> to vector<16xi32>
      %sign3A_335 = arith.subi %sign3A_330, %sign3A_334 : vector<16xi32>
      %sign3A_336 = arith.constant 0 : i32
      %sign3A_337 = arith.cmpi sgt, %jit3A_324, %sign3A_336 : i32
      %sign3A_338 = arith.extui %sign3A_337 : i1 to i32
      %sign3A_339 = arith.constant 0 : i32
      %sign3A_340 = arith.cmpi slt, %jit3A_324, %sign3A_339 : i32
      %sign3A_341 = arith.extui %sign3A_340 : i1 to i32
      %sign3A_342 = arith.subi %sign3A_338, %sign3A_341 : i32
      %ne3A_343 = vector.broadcast %sign3A_342 : i32 to vector<16xi32>
      %ne3A_344 = arith.cmpi ne, %sign3A_335, %ne3A_343 : vector<16xi32>
      %rem3A_345 = vector.broadcast %jit3A_324 : i32 to vector<16xi32>
      %rem3A_346 = arith.remsi %add3A_323, %rem3A_345 : vector<16xi32>
      %ne3A_347 = arith.constant 0 : i32
      %ne3A_348 = vector.broadcast %ne3A_347 : i32 to vector<16xi32>
      %ne3A_349 = arith.cmpi ne, %rem3A_346, %ne3A_348 : vector<16xi32>
      %and3A_350 = arith.andi %ne3A_344, %ne3A_349 : vector<16xi1>
      %sub3A_351 = arith.constant 1 : i32
      %sub3A_352 = vector.broadcast %sub3A_351 : i32 to vector<16xi32>
      %sub3A_353 = arith.subi %div3A_326, %sub3A_352 : vector<16xi32>
      %select_n3A_354 = arith.select %and3A_350, %sub3A_353, %div3A_326 : vector<16xi1>, vector<16xi32>
      %jit3A_355 = arith.constant 8 : i32
      %eq3A_356 = arith.constant 0 : i32
      %eq3A_357 = arith.cmpi eq, %jit3A_355, %eq3A_356 : i32
      %jit3A_358 = arith.constant 1 : i32
      %select_n3A_359 = arith.select %eq3A_357, %jit3A_358, %jit3A_355 : i32
      %rem3A_360 = vector.broadcast %select_n3A_359 : i32 to vector<16xi32>
      %rem3A_361 = arith.remsi %add3A_323, %rem3A_360 : vector<16xi32>
      %ne3A_362 = arith.constant 0 : i32
      %ne3A_363 = vector.broadcast %ne3A_362 : i32 to vector<16xi32>
      %ne3A_364 = arith.cmpi ne, %rem3A_361, %ne3A_363 : vector<16xi32>
      %lt3A_365 = arith.constant 0 : i32
      %lt3A_366 = vector.broadcast %lt3A_365 : i32 to vector<16xi32>
      %lt3A_367 = arith.cmpi slt, %rem3A_361, %lt3A_366 : vector<16xi32>
      %lt3A_368 = arith.constant 0 : i32
      %lt3A_369 = arith.cmpi slt, %select_n3A_359, %lt3A_368 : i32
      %ne3A_370 = vector.broadcast %lt3A_369 : i1 to vector<16xi1>
      %ne3A_371 = vector.broadcast %ne3A_370 : vector<16xi1> to vector<16xi1>
      %ne3A_372 = arith.xori %lt3A_367, %ne3A_371 : vector<16xi1>
      %and3A_373 = arith.andi %ne3A_372, %ne3A_364 : vector<16xi1>
      %add3A_374 = vector.broadcast %select_n3A_359 : i32 to vector<16xi32>
      %add3A_375 = arith.addi %rem3A_361, %add3A_374 : vector<16xi32>
      %select_n3A_376 = arith.select %and3A_373, %add3A_375, %rem3A_361 : vector<16xi1>, vector<16xi32>
      %add3A_377 = vector.broadcast %mul3A_195 : i32 to vector<16xi32>
      %add3A_378 = arith.addi %add3A_377, %select_n3A_354 : vector<16xi32>
      %gather3A_379 = tpu.vector_load_idx %arg13[%select_n3A_376, %add3A_378] : memref<8x1024xi32, #tpu.memory_space<vmem>>[vector<16xi32>, vector<16xi32>], vector<16xi32>,
      %mul3A_380 = arith.constant 21 : i32
      %mul3A_381 = vector.broadcast %mul3A_380 : i32 to vector<16xi32>
      %mul3A_382 = arith.muli %select_n3A_376, %mul3A_381 : vector<16xi32>
      %add3A_383 = arith.addi %mul3A_382, %gather3A_379 : vector<16xi32>
      %add3A_384 = arith.constant 48 : i32
      %add3A_385 = vector.broadcast %add3A_384 : i32 to vector<16xi32>
      %add3A_386 = arith.addi %add3A_385, %iota3A : vector<16xi32>
      %jit3A_387 = arith.constant 8 : i32
      %div3A_388 = vector.broadcast %jit3A_387 : i32 to vector<16xi32>
      %div3A_389 = arith.divsi %add3A_386, %div3A_388 : vector<16xi32>
      %sign3A_390 = arith.constant 0 : i32
      %sign3A_391 = vector.broadcast %sign3A_390 : i32 to vector<16xi32>
      %sign3A_392 = arith.cmpi sgt, %add3A_386, %sign3A_391 : vector<16xi32>
      %sign3A_393 = arith.extui %sign3A_392 : vector<16xi1> to vector<16xi32>
      %sign3A_394 = arith.constant 0 : i32
      %sign3A_395 = vector.broadcast %sign3A_394 : i32 to vector<16xi32>
      %sign3A_396 = arith.cmpi slt, %add3A_386, %sign3A_395 : vector<16xi32>
      %sign3A_397 = arith.extui %sign3A_396 : vector<16xi1> to vector<16xi32>
      %sign3A_398 = arith.subi %sign3A_393, %sign3A_397 : vector<16xi32>
      %sign3A_399 = arith.constant 0 : i32
      %sign3A_400 = arith.cmpi sgt, %jit3A_387, %sign3A_399 : i32
      %sign3A_401 = arith.extui %sign3A_400 : i1 to i32
      %sign3A_402 = arith.constant 0 : i32
      %sign3A_403 = arith.cmpi slt, %jit3A_387, %sign3A_402 : i32
      %sign3A_404 = arith.extui %sign3A_403 : i1 to i32
      %sign3A_405 = arith.subi %sign3A_401, %sign3A_404 : i32
      %ne3A_406 = vector.broadcast %sign3A_405 : i32 to vector<16xi32>
      %ne3A_407 = arith.cmpi ne, %sign3A_398, %ne3A_406 : vector<16xi32>
      %rem3A_408 = vector.broadcast %jit3A_387 : i32 to vector<16xi32>
      %rem3A_409 = arith.remsi %add3A_386, %rem3A_408 : vector<16xi32>
      %ne3A_410 = arith.constant 0 : i32
      %ne3A_411 = vector.broadcast %ne3A_410 : i32 to vector<16xi32>
      %ne3A_412 = arith.cmpi ne, %rem3A_409, %ne3A_411 : vector<16xi32>
      %and3A_413 = arith.andi %ne3A_407, %ne3A_412 : vector<16xi1>
      %sub3A_414 = arith.constant 1 : i32
      %sub3A_415 = vector.broadcast %sub3A_414 : i32 to vector<16xi32>
      %sub3A_416 = arith.subi %div3A_389, %sub3A_415 : vector<16xi32>
      %select_n3A_417 = arith.select %and3A_413, %sub3A_416, %div3A_389 : vector<16xi1>, vector<16xi32>
      %jit3A_418 = arith.constant 8 : i32
      %eq3A_419 = arith.constant 0 : i32
      %eq3A_420 = arith.cmpi eq, %jit3A_418, %eq3A_419 : i32
      %jit3A_421 = arith.constant 1 : i32
      %select_n3A_422 = arith.select %eq3A_420, %jit3A_421, %jit3A_418 : i32
      %rem3A_423 = vector.broadcast %select_n3A_422 : i32 to vector<16xi32>
      %rem3A_424 = arith.remsi %add3A_386, %rem3A_423 : vector<16xi32>
      %ne3A_425 = arith.constant 0 : i32
      %ne3A_426 = vector.broadcast %ne3A_425 : i32 to vector<16xi32>
      %ne3A_427 = arith.cmpi ne, %rem3A_424, %ne3A_426 : vector<16xi32>
      %lt3A_428 = arith.constant 0 : i32
      %lt3A_429 = vector.broadcast %lt3A_428 : i32 to vector<16xi32>
      %lt3A_430 = arith.cmpi slt, %rem3A_424, %lt3A_429 : vector<16xi32>
      %lt3A_431 = arith.constant 0 : i32
      %lt3A_432 = arith.cmpi slt, %select_n3A_422, %lt3A_431 : i32
      %ne3A_433 = vector.broadcast %lt3A_432 : i1 to vector<16xi1>
      %ne3A_434 = vector.broadcast %ne3A_433 : vector<16xi1> to vector<16xi1>
      %ne3A_435 = arith.xori %lt3A_430, %ne3A_434 : vector<16xi1>
      %and3A_436 = arith.andi %ne3A_435, %ne3A_427 : vector<16xi1>
      %add3A_437 = vector.broadcast %select_n3A_422 : i32 to vector<16xi32>
      %add3A_438 = arith.addi %rem3A_424, %add3A_437 : vector<16xi32>
      %select_n3A_439 = arith.select %and3A_436, %add3A_438, %rem3A_424 : vector<16xi1>, vector<16xi32>
      %add3A_440 = vector.broadcast %mul3A_195 : i32 to vector<16xi32>
      %add3A_441 = arith.addi %add3A_440, %select_n3A_417 : vector<16xi32>
      %gather3A_442 = tpu.vector_load_idx %arg13[%select_n3A_439, %add3A_441] : memref<8x1024xi32, #tpu.memory_space<vmem>>[vector<16xi32>, vector<16xi32>], vector<16xi32>,
      %mul3A_443 = arith.constant 21 : i32
      %mul3A_444 = vector.broadcast %mul3A_443 : i32 to vector<16xi32>
      %mul3A_445 = arith.muli %select_n3A_439, %mul3A_444 : vector<16xi32>
      %add3A_446 = arith.addi %mul3A_445, %gather3A_442 : vector<16xi32>
      %parallel_loop3A = arith.constant 0 : i32
      %parallel_loop3A_447 = arith.constant 256 : i32
      %parallel_loop3A_448 = arith.constant 1 : i32
      scf.for %parallel_loop3A_728 = %parallel_loop3A to %parallel_loop3A_447 step %parallel_loop3A_448  : i32 {
        %parallel_loop3A_729 = vector.broadcast %parallel_loop3A_728 : i32 to vector<16xi32>
        %parallel_loop3A_730 = arith.addi %parallel_loop3A_729, %iota3A : vector<16xi32>
        %parallel_loop3A_731 = arith.constant 255 : i32
        %parallel_loop3A_732 = vector.broadcast %parallel_loop3A_731 : i32 to vector<16xi32>
        %parallel_loop3A_733 = arith.andi %parallel_loop3A_730, %parallel_loop3A_732 : vector<16xi32>
        %parallel_loop3A_734 = tpu.vector_load_idx %arg15[%add3A_257, %parallel_loop3A_733] : memref<176x256xf32, #tpu.memory_space<vmem>>[vector<16xi32>, vector<16xi32>], vector<16xf32>,
        tpu.vector_store_idx %arg16[%select_n3A_229, %select_n3A_251, %parallel_loop3A_733], %parallel_loop3A_734 : memref<8x8x256xf32, #tpu.memory_space<vmem>>[vector<16xi32>, vector<16xi32>, vector<16xi32>], vector<16xf32>,
        %parallel_loop3A_735 = tpu.vector_load_idx %arg15[%add3A_320, %parallel_loop3A_733] : memref<176x256xf32, #tpu.memory_space<vmem>>[vector<16xi32>, vector<16xi32>], vector<16xf32>,
        tpu.vector_store_idx %arg16[%select_n3A_291, %select_n3A_313, %parallel_loop3A_733], %parallel_loop3A_735 : memref<8x8x256xf32, #tpu.memory_space<vmem>>[vector<16xi32>, vector<16xi32>, vector<16xi32>], vector<16xf32>,
        %parallel_loop3A_736 = tpu.vector_load_idx %arg15[%add3A_383, %parallel_loop3A_733] : memref<176x256xf32, #tpu.memory_space<vmem>>[vector<16xi32>, vector<16xi32>], vector<16xf32>,
        tpu.vector_store_idx %arg16[%select_n3A_354, %select_n3A_376, %parallel_loop3A_733], %parallel_loop3A_736 : memref<8x8x256xf32, #tpu.memory_space<vmem>>[vector<16xi32>, vector<16xi32>, vector<16xi32>], vector<16xf32>,
        %parallel_loop3A_737 = tpu.vector_load_idx %arg15[%add3A_446, %parallel_loop3A_733] : memref<176x256xf32, #tpu.memory_space<vmem>>[vector<16xi32>, vector<16xi32>], vector<16xf32>,
        tpu.vector_store_idx %arg16[%select_n3A_417, %select_n3A_439, %parallel_loop3A_733], %parallel_loop3A_737 : memref<8x8x256xf32, #tpu.memory_space<vmem>>[vector<16xi32>, vector<16xi32>, vector<16xi32>], vector<16xf32>,
      } {sc.loop_unroll_factor = 4 : i64, sc.parallel_access}
      %mul3A_449 = arith.constant 8 : i32
      %mul3A_450 = arith.muli %add3A_188, %mul3A_449 : i32
      %dma_start3A = arith.constant 0 : i32
      %dma_start3A_451 = tpu.memref_slice %arg7[%mul3A_450, %multiple_of3A, %dma_start3A] : memref<1024x196x256xf32, #tpu.memory_space<hbm>> -> memref<8x8x256xf32, #tpu.memory_space<hbm>>
      %dma_start3A_452 = arith.constant 0 : i32
      %dma_start3A_453 = tpu.memref_slice %arg7[%mul3A_450, %multiple_of3A, %dma_start3A_452] : memref<1024x196x256xf32, #tpu.memory_space<hbm>> -> memref<8x8x256xf32, #tpu.memory_space<hbm>>
      tpu.enqueue_dma source(%arg16 : memref<8x8x256xf32, #tpu.memory_space<vmem>>) target(%dma_start3A_453 : memref<8x8x256xf32, #tpu.memory_space<hbm>>) target_semaphore(%arg20 : memref<!tpu.dma_semaphore, #tpu.memory_space<semaphore_mem>>)
      %mul3A_454 = arith.constant 2 : i32
      %mul3A_455 = arith.muli %mul3A_454, %while3A_182 : i32
      %add3A_456 = arith.addi %select_n3A_110, %mul3A_455 : i32
      %add3A_457 = arith.constant 1 : i32
      %add3A_458 = arith.addi %add3A_456, %add3A_457 : i32
      %gt3A_459 = arith.constant 0 : i32
      %gt3A_460 = arith.cmpi sgt, %while3A_182, %gt3A_459 : i32
      %convert_element_type3A_461 = arith.extui %gt3A_460 : i1 to i32
      %cond3A_462 = arith.constant 0 : i32
      %cond3A_463 = arith.cmpi ne, %convert_element_type3A_461, %cond3A_462 : i32
      scf.if %cond3A_463 {
        %sub3A_728 = arith.constant 2 : i32
        %sub3A_729 = arith.subi %add3A_458, %sub3A_728 : i32
        %mul3A_730 = arith.constant 8 : i32
        %mul3A_731 = arith.muli %sub3A_729, %mul3A_730 : i32
        %dma_wait3A_732 = arith.constant 0 : i32
        %dma_wait3A_733 = tpu.memref_slice %arg7[%mul3A_731, %multiple_of3A, %dma_wait3A_732] : memref<1024x196x256xf32, #tpu.memory_space<hbm>> -> memref<8x8x256xf32, #tpu.memory_space<hbm>>
        %dma_wait3A_734 = arith.constant 0 : i32
        %dma_wait3A_735 = tpu.memref_slice %arg7[%mul3A_731, %multiple_of3A, %dma_wait3A_734] : memref<1024x196x256xf32, #tpu.memory_space<hbm>> -> memref<8x8x256xf32, #tpu.memory_space<hbm>>
        tpu.wait_dma2 semaphore(%arg21 : memref<!tpu.dma_semaphore, #tpu.memory_space<semaphore_mem>>) src(%arg17 : memref<8x8x256xf32, #tpu.memory_space<vmem>>) dst(%dma_wait3A_735 : memref<8x8x256xf32, #tpu.memory_space<hbm>>)
      } else {
      }
      %mul3A_464 = arith.constant 8 : i32
      %mul3A_465 = arith.muli %add3A_458, %mul3A_464 : i32
      %add3A_466 = arith.constant 0 : i32
      %add3A_467 = vector.broadcast %add3A_466 : i32 to vector<16xi32>
      %add3A_468 = arith.addi %add3A_467, %iota3A : vector<16xi32>
      %jit3A_469 = arith.constant 8 : i32
      %div3A_470 = vector.broadcast %jit3A_469 : i32 to vector<16xi32>
      %div3A_471 = arith.divsi %add3A_468, %div3A_470 : vector<16xi32>
      %sign3A_472 = arith.constant 0 : i32
      %sign3A_473 = vector.broadcast %sign3A_472 : i32 to vector<16xi32>
      %sign3A_474 = arith.cmpi sgt, %add3A_468, %sign3A_473 : vector<16xi32>
      %sign3A_475 = arith.extui %sign3A_474 : vector<16xi1> to vector<16xi32>
      %sign3A_476 = arith.constant 0 : i32
      %sign3A_477 = vector.broadcast %sign3A_476 : i32 to vector<16xi32>
      %sign3A_478 = arith.cmpi slt, %add3A_468, %sign3A_477 : vector<16xi32>
      %sign3A_479 = arith.extui %sign3A_478 : vector<16xi1> to vector<16xi32>
      %sign3A_480 = arith.subi %sign3A_475, %sign3A_479 : vector<16xi32>
      %sign3A_481 = arith.constant 0 : i32
      %sign3A_482 = arith.cmpi sgt, %jit3A_469, %sign3A_481 : i32
      %sign3A_483 = arith.extui %sign3A_482 : i1 to i32
      %sign3A_484 = arith.constant 0 : i32
      %sign3A_485 = arith.cmpi slt, %jit3A_469, %sign3A_484 : i32
      %sign3A_486 = arith.extui %sign3A_485 : i1 to i32
      %sign3A_487 = arith.subi %sign3A_483, %sign3A_486 : i32
      %ne3A_488 = vector.broadcast %sign3A_487 : i32 to vector<16xi32>
      %ne3A_489 = arith.cmpi ne, %sign3A_480, %ne3A_488 : vector<16xi32>
      %rem3A_490 = vector.broadcast %jit3A_469 : i32 to vector<16xi32>
      %rem3A_491 = arith.remsi %add3A_468, %rem3A_490 : vector<16xi32>
      %ne3A_492 = arith.constant 0 : i32
      %ne3A_493 = vector.broadcast %ne3A_492 : i32 to vector<16xi32>
      %ne3A_494 = arith.cmpi ne, %rem3A_491, %ne3A_493 : vector<16xi32>
      %and3A_495 = arith.andi %ne3A_489, %ne3A_494 : vector<16xi1>
      %sub3A_496 = arith.constant 1 : i32
      %sub3A_497 = vector.broadcast %sub3A_496 : i32 to vector<16xi32>
      %sub3A_498 = arith.subi %div3A_471, %sub3A_497 : vector<16xi32>
      %select_n3A_499 = arith.select %and3A_495, %sub3A_498, %div3A_471 : vector<16xi1>, vector<16xi32>
      %jit3A_500 = arith.constant 8 : i32
      %eq3A_501 = arith.constant 0 : i32
      %eq3A_502 = arith.cmpi eq, %jit3A_500, %eq3A_501 : i32
      %jit3A_503 = arith.constant 1 : i32
      %select_n3A_504 = arith.select %eq3A_502, %jit3A_503, %jit3A_500 : i32
      %rem3A_505 = vector.broadcast %select_n3A_504 : i32 to vector<16xi32>
      %rem3A_506 = arith.remsi %add3A_468, %rem3A_505 : vector<16xi32>
      %ne3A_507 = arith.constant 0 : i32
      %ne3A_508 = vector.broadcast %ne3A_507 : i32 to vector<16xi32>
      %ne3A_509 = arith.cmpi ne, %rem3A_506, %ne3A_508 : vector<16xi32>
      %lt3A_510 = arith.constant 0 : i32
      %lt3A_511 = vector.broadcast %lt3A_510 : i32 to vector<16xi32>
      %lt3A_512 = arith.cmpi slt, %rem3A_506, %lt3A_511 : vector<16xi32>
      %lt3A_513 = arith.constant 0 : i32
      %lt3A_514 = arith.cmpi slt, %select_n3A_504, %lt3A_513 : i32
      %ne3A_515 = vector.broadcast %lt3A_514 : i1 to vector<16xi1>
      %ne3A_516 = vector.broadcast %ne3A_515 : vector<16xi1> to vector<16xi1>
      %ne3A_517 = arith.xori %lt3A_512, %ne3A_516 : vector<16xi1>
      %and3A_518 = arith.andi %ne3A_517, %ne3A_509 : vector<16xi1>
      %add3A_519 = vector.broadcast %select_n3A_504 : i32 to vector<16xi32>
      %add3A_520 = arith.addi %rem3A_506, %add3A_519 : vector<16xi32>
      %select_n3A_521 = arith.select %and3A_518, %add3A_520, %rem3A_506 : vector<16xi1>, vector<16xi32>
      %add3A_522 = vector.broadcast %mul3A_465 : i32 to vector<16xi32>
      %add3A_523 = arith.addi %add3A_522, %select_n3A_499 : vector<16xi32>
      %gather3A_524 = tpu.vector_load_idx %arg13[%select_n3A_521, %add3A_523] : memref<8x1024xi32, #tpu.memory_space<vmem>>[vector<16xi32>, vector<16xi32>], vector<16xi32>,
      %mul3A_525 = arith.constant 21 : i32
      %mul3A_526 = vector.broadcast %mul3A_525 : i32 to vector<16xi32>
      %mul3A_527 = arith.muli %select_n3A_521, %mul3A_526 : vector<16xi32>
      %add3A_528 = arith.addi %mul3A_527, %gather3A_524 : vector<16xi32>
      %add3A_529 = arith.constant 16 : i32
      %add3A_530 = vector.broadcast %add3A_529 : i32 to vector<16xi32>
      %add3A_531 = arith.addi %add3A_530, %iota3A : vector<16xi32>
      %jit3A_532 = arith.constant 8 : i32
      %div3A_533 = vector.broadcast %jit3A_532 : i32 to vector<16xi32>
      %div3A_534 = arith.divsi %add3A_531, %div3A_533 : vector<16xi32>
      %sign3A_535 = arith.constant 0 : i32
      %sign3A_536 = vector.broadcast %sign3A_535 : i32 to vector<16xi32>
      %sign3A_537 = arith.cmpi sgt, %add3A_531, %sign3A_536 : vector<16xi32>
      %sign3A_538 = arith.extui %sign3A_537 : vector<16xi1> to vector<16xi32>
      %sign3A_539 = arith.constant 0 : i32
      %sign3A_540 = vector.broadcast %sign3A_539 : i32 to vector<16xi32>
      %sign3A_541 = arith.cmpi slt, %add3A_531, %sign3A_540 : vector<16xi32>
      %sign3A_542 = arith.extui %sign3A_541 : vector<16xi1> to vector<16xi32>
      %sign3A_543 = arith.subi %sign3A_538, %sign3A_542 : vector<16xi32>
      %sign3A_544 = arith.constant 0 : i32
      %sign3A_545 = arith.cmpi sgt, %jit3A_532, %sign3A_544 : i32
      %sign3A_546 = arith.extui %sign3A_545 : i1 to i32
      %sign3A_547 = arith.constant 0 : i32
      %sign3A_548 = arith.cmpi slt, %jit3A_532, %sign3A_547 : i32
      %sign3A_549 = arith.extui %sign3A_548 : i1 to i32
      %sign3A_550 = arith.subi %sign3A_546, %sign3A_549 : i32
      %ne3A_551 = vector.broadcast %sign3A_550 : i32 to vector<16xi32>
      %ne3A_552 = arith.cmpi ne, %sign3A_543, %ne3A_551 : vector<16xi32>
      %rem3A_553 = vector.broadcast %jit3A_532 : i32 to vector<16xi32>
      %rem3A_554 = arith.remsi %add3A_531, %rem3A_553 : vector<16xi32>
      %ne3A_555 = arith.constant 0 : i32
      %ne3A_556 = vector.broadcast %ne3A_555 : i32 to vector<16xi32>
      %ne3A_557 = arith.cmpi ne, %rem3A_554, %ne3A_556 : vector<16xi32>
      %and3A_558 = arith.andi %ne3A_552, %ne3A_557 : vector<16xi1>
      %sub3A_559 = arith.constant 1 : i32
      %sub3A_560 = vector.broadcast %sub3A_559 : i32 to vector<16xi32>
      %sub3A_561 = arith.subi %div3A_534, %sub3A_560 : vector<16xi32>
      %select_n3A_562 = arith.select %and3A_558, %sub3A_561, %div3A_534 : vector<16xi1>, vector<16xi32>
      %jit3A_563 = arith.constant 8 : i32
      %eq3A_564 = arith.constant 0 : i32
      %eq3A_565 = arith.cmpi eq, %jit3A_563, %eq3A_564 : i32
      %jit3A_566 = arith.constant 1 : i32
      %select_n3A_567 = arith.select %eq3A_565, %jit3A_566, %jit3A_563 : i32
      %rem3A_568 = vector.broadcast %select_n3A_567 : i32 to vector<16xi32>
      %rem3A_569 = arith.remsi %add3A_531, %rem3A_568 : vector<16xi32>
      %ne3A_570 = arith.constant 0 : i32
      %ne3A_571 = vector.broadcast %ne3A_570 : i32 to vector<16xi32>
      %ne3A_572 = arith.cmpi ne, %rem3A_569, %ne3A_571 : vector<16xi32>
      %lt3A_573 = arith.constant 0 : i32
      %lt3A_574 = vector.broadcast %lt3A_573 : i32 to vector<16xi32>
      %lt3A_575 = arith.cmpi slt, %rem3A_569, %lt3A_574 : vector<16xi32>
      %lt3A_576 = arith.constant 0 : i32
      %lt3A_577 = arith.cmpi slt, %select_n3A_567, %lt3A_576 : i32
      %ne3A_578 = vector.broadcast %lt3A_577 : i1 to vector<16xi1>
      %ne3A_579 = vector.broadcast %ne3A_578 : vector<16xi1> to vector<16xi1>
      %ne3A_580 = arith.xori %lt3A_575, %ne3A_579 : vector<16xi1>
      %and3A_581 = arith.andi %ne3A_580, %ne3A_572 : vector<16xi1>
      %add3A_582 = vector.broadcast %select_n3A_567 : i32 to vector<16xi32>
      %add3A_583 = arith.addi %rem3A_569, %add3A_582 : vector<16xi32>
      %select_n3A_584 = arith.select %and3A_581, %add3A_583, %rem3A_569 : vector<16xi1>, vector<16xi32>
      %add3A_585 = vector.broadcast %mul3A_465 : i32 to vector<16xi32>
      %add3A_586 = arith.addi %add3A_585, %select_n3A_562 : vector<16xi32>
      %gather3A_587 = tpu.vector_load_idx %arg13[%select_n3A_584, %add3A_586] : memref<8x1024xi32, #tpu.memory_space<vmem>>[vector<16xi32>, vector<16xi32>], vector<16xi32>,
      %mul3A_588 = arith.constant 21 : i32
      %mul3A_589 = vector.broadcast %mul3A_588 : i32 to vector<16xi32>
      %mul3A_590 = arith.muli %select_n3A_584, %mul3A_589 : vector<16xi32>
      %add3A_591 = arith.addi %mul3A_590, %gather3A_587 : vector<16xi32>
      %add3A_592 = arith.constant 32 : i32
      %add3A_593 = vector.broadcast %add3A_592 : i32 to vector<16xi32>
      %add3A_594 = arith.addi %add3A_593, %iota3A : vector<16xi32>
      %jit3A_595 = arith.constant 8 : i32
      %div3A_596 = vector.broadcast %jit3A_595 : i32 to vector<16xi32>
      %div3A_597 = arith.divsi %add3A_594, %div3A_596 : vector<16xi32>
      %sign3A_598 = arith.constant 0 : i32
      %sign3A_599 = vector.broadcast %sign3A_598 : i32 to vector<16xi32>
      %sign3A_600 = arith.cmpi sgt, %add3A_594, %sign3A_599 : vector<16xi32>
      %sign3A_601 = arith.extui %sign3A_600 : vector<16xi1> to vector<16xi32>
      %sign3A_602 = arith.constant 0 : i32
      %sign3A_603 = vector.broadcast %sign3A_602 : i32 to vector<16xi32>
      %sign3A_604 = arith.cmpi slt, %add3A_594, %sign3A_603 : vector<16xi32>
      %sign3A_605 = arith.extui %sign3A_604 : vector<16xi1> to vector<16xi32>
      %sign3A_606 = arith.subi %sign3A_601, %sign3A_605 : vector<16xi32>
      %sign3A_607 = arith.constant 0 : i32
      %sign3A_608 = arith.cmpi sgt, %jit3A_595, %sign3A_607 : i32
      %sign3A_609 = arith.extui %sign3A_608 : i1 to i32
      %sign3A_610 = arith.constant 0 : i32
      %sign3A_611 = arith.cmpi slt, %jit3A_595, %sign3A_610 : i32
      %sign3A_612 = arith.extui %sign3A_611 : i1 to i32
      %sign3A_613 = arith.subi %sign3A_609, %sign3A_612 : i32
      %ne3A_614 = vector.broadcast %sign3A_613 : i32 to vector<16xi32>
      %ne3A_615 = arith.cmpi ne, %sign3A_606, %ne3A_614 : vector<16xi32>
      %rem3A_616 = vector.broadcast %jit3A_595 : i32 to vector<16xi32>
      %rem3A_617 = arith.remsi %add3A_594, %rem3A_616 : vector<16xi32>
      %ne3A_618 = arith.constant 0 : i32
      %ne3A_619 = vector.broadcast %ne3A_618 : i32 to vector<16xi32>
      %ne3A_620 = arith.cmpi ne, %rem3A_617, %ne3A_619 : vector<16xi32>
      %and3A_621 = arith.andi %ne3A_615, %ne3A_620 : vector<16xi1>
      %sub3A_622 = arith.constant 1 : i32
      %sub3A_623 = vector.broadcast %sub3A_622 : i32 to vector<16xi32>
      %sub3A_624 = arith.subi %div3A_597, %sub3A_623 : vector<16xi32>
      %select_n3A_625 = arith.select %and3A_621, %sub3A_624, %div3A_597 : vector<16xi1>, vector<16xi32>
      %jit3A_626 = arith.constant 8 : i32
      %eq3A_627 = arith.constant 0 : i32
      %eq3A_628 = arith.cmpi eq, %jit3A_626, %eq3A_627 : i32
      %jit3A_629 = arith.constant 1 : i32
      %select_n3A_630 = arith.select %eq3A_628, %jit3A_629, %jit3A_626 : i32
      %rem3A_631 = vector.broadcast %select_n3A_630 : i32 to vector<16xi32>
      %rem3A_632 = arith.remsi %add3A_594, %rem3A_631 : vector<16xi32>
      %ne3A_633 = arith.constant 0 : i32
      %ne3A_634 = vector.broadcast %ne3A_633 : i32 to vector<16xi32>
      %ne3A_635 = arith.cmpi ne, %rem3A_632, %ne3A_634 : vector<16xi32>
      %lt3A_636 = arith.constant 0 : i32
      %lt3A_637 = vector.broadcast %lt3A_636 : i32 to vector<16xi32>
      %lt3A_638 = arith.cmpi slt, %rem3A_632, %lt3A_637 : vector<16xi32>
      %lt3A_639 = arith.constant 0 : i32
      %lt3A_640 = arith.cmpi slt, %select_n3A_630, %lt3A_639 : i32
      %ne3A_641 = vector.broadcast %lt3A_640 : i1 to vector<16xi1>
      %ne3A_642 = vector.broadcast %ne3A_641 : vector<16xi1> to vector<16xi1>
      %ne3A_643 = arith.xori %lt3A_638, %ne3A_642 : vector<16xi1>
      %and3A_644 = arith.andi %ne3A_643, %ne3A_635 : vector<16xi1>
      %add3A_645 = vector.broadcast %select_n3A_630 : i32 to vector<16xi32>
      %add3A_646 = arith.addi %rem3A_632, %add3A_645 : vector<16xi32>
      %select_n3A_647 = arith.select %and3A_644, %add3A_646, %rem3A_632 : vector<16xi1>, vector<16xi32>
      %add3A_648 = vector.broadcast %mul3A_465 : i32 to vector<16xi32>
      %add3A_649 = arith.addi %add3A_648, %select_n3A_625 : vector<16xi32>
      %gather3A_650 = tpu.vector_load_idx %arg13[%select_n3A_647, %add3A_649] : memref<8x1024xi32, #tpu.memory_space<vmem>>[vector<16xi32>, vector<16xi32>], vector<16xi32>,
      %mul3A_651 = arith.constant 21 : i32
      %mul3A_652 = vector.broadcast %mul3A_651 : i32 to vector<16xi32>
      %mul3A_653 = arith.muli %select_n3A_647, %mul3A_652 : vector<16xi32>
      %add3A_654 = arith.addi %mul3A_653, %gather3A_650 : vector<16xi32>
      %add3A_655 = arith.constant 48 : i32
      %add3A_656 = vector.broadcast %add3A_655 : i32 to vector<16xi32>
      %add3A_657 = arith.addi %add3A_656, %iota3A : vector<16xi32>
      %jit3A_658 = arith.constant 8 : i32
      %div3A_659 = vector.broadcast %jit3A_658 : i32 to vector<16xi32>
      %div3A_660 = arith.divsi %add3A_657, %div3A_659 : vector<16xi32>
      %sign3A_661 = arith.constant 0 : i32
      %sign3A_662 = vector.broadcast %sign3A_661 : i32 to vector<16xi32>
      %sign3A_663 = arith.cmpi sgt, %add3A_657, %sign3A_662 : vector<16xi32>
      %sign3A_664 = arith.extui %sign3A_663 : vector<16xi1> to vector<16xi32>
      %sign3A_665 = arith.constant 0 : i32
      %sign3A_666 = vector.broadcast %sign3A_665 : i32 to vector<16xi32>
      %sign3A_667 = arith.cmpi slt, %add3A_657, %sign3A_666 : vector<16xi32>
      %sign3A_668 = arith.extui %sign3A_667 : vector<16xi1> to vector<16xi32>
      %sign3A_669 = arith.subi %sign3A_664, %sign3A_668 : vector<16xi32>
      %sign3A_670 = arith.constant 0 : i32
      %sign3A_671 = arith.cmpi sgt, %jit3A_658, %sign3A_670 : i32
      %sign3A_672 = arith.extui %sign3A_671 : i1 to i32
      %sign3A_673 = arith.constant 0 : i32
      %sign3A_674 = arith.cmpi slt, %jit3A_658, %sign3A_673 : i32
      %sign3A_675 = arith.extui %sign3A_674 : i1 to i32
      %sign3A_676 = arith.subi %sign3A_672, %sign3A_675 : i32
      %ne3A_677 = vector.broadcast %sign3A_676 : i32 to vector<16xi32>
      %ne3A_678 = arith.cmpi ne, %sign3A_669, %ne3A_677 : vector<16xi32>
      %rem3A_679 = vector.broadcast %jit3A_658 : i32 to vector<16xi32>
      %rem3A_680 = arith.remsi %add3A_657, %rem3A_679 : vector<16xi32>
      %ne3A_681 = arith.constant 0 : i32
      %ne3A_682 = vector.broadcast %ne3A_681 : i32 to vector<16xi32>
      %ne3A_683 = arith.cmpi ne, %rem3A_680, %ne3A_682 : vector<16xi32>
      %and3A_684 = arith.andi %ne3A_678, %ne3A_683 : vector<16xi1>
      %sub3A_685 = arith.constant 1 : i32
      %sub3A_686 = vector.broadcast %sub3A_685 : i32 to vector<16xi32>
      %sub3A_687 = arith.subi %div3A_660, %sub3A_686 : vector<16xi32>
      %select_n3A_688 = arith.select %and3A_684, %sub3A_687, %div3A_660 : vector<16xi1>, vector<16xi32>
      %jit3A_689 = arith.constant 8 : i32
      %eq3A_690 = arith.constant 0 : i32
      %eq3A_691 = arith.cmpi eq, %jit3A_689, %eq3A_690 : i32
      %jit3A_692 = arith.constant 1 : i32
      %select_n3A_693 = arith.select %eq3A_691, %jit3A_692, %jit3A_689 : i32
      %rem3A_694 = vector.broadcast %select_n3A_693 : i32 to vector<16xi32>
      %rem3A_695 = arith.remsi %add3A_657, %rem3A_694 : vector<16xi32>
      %ne3A_696 = arith.constant 0 : i32
      %ne3A_697 = vector.broadcast %ne3A_696 : i32 to vector<16xi32>
      %ne3A_698 = arith.cmpi ne, %rem3A_695, %ne3A_697 : vector<16xi32>
      %lt3A_699 = arith.constant 0 : i32
      %lt3A_700 = vector.broadcast %lt3A_699 : i32 to vector<16xi32>
      %lt3A_701 = arith.cmpi slt, %rem3A_695, %lt3A_700 : vector<16xi32>
      %lt3A_702 = arith.constant 0 : i32
      %lt3A_703 = arith.cmpi slt, %select_n3A_693, %lt3A_702 : i32
      %ne3A_704 = vector.broadcast %lt3A_703 : i1 to vector<16xi1>
      %ne3A_705 = vector.broadcast %ne3A_704 : vector<16xi1> to vector<16xi1>
      %ne3A_706 = arith.xori %lt3A_701, %ne3A_705 : vector<16xi1>
      %and3A_707 = arith.andi %ne3A_706, %ne3A_698 : vector<16xi1>
      %add3A_708 = vector.broadcast %select_n3A_693 : i32 to vector<16xi32>
      %add3A_709 = arith.addi %rem3A_695, %add3A_708 : vector<16xi32>
      %select_n3A_710 = arith.select %and3A_707, %add3A_709, %rem3A_695 : vector<16xi1>, vector<16xi32>
      %add3A_711 = vector.broadcast %mul3A_465 : i32 to vector<16xi32>
      %add3A_712 = arith.addi %add3A_711, %select_n3A_688 : vector<16xi32>
      %gather3A_713 = tpu.vector_load_idx %arg13[%select_n3A_710, %add3A_712] : memref<8x1024xi32, #tpu.memory_space<vmem>>[vector<16xi32>, vector<16xi32>], vector<16xi32>,
      %mul3A_714 = arith.constant 21 : i32
      %mul3A_715 = vector.broadcast %mul3A_714 : i32 to vector<16xi32>
      %mul3A_716 = arith.muli %select_n3A_710, %mul3A_715 : vector<16xi32>
      %add3A_717 = arith.addi %mul3A_716, %gather3A_713 : vector<16xi32>
      %parallel_loop3A_718 = arith.constant 0 : i32
      %parallel_loop3A_719 = arith.constant 256 : i32
      %parallel_loop3A_720 = arith.constant 1 : i32
      scf.for %parallel_loop3A_728 = %parallel_loop3A_718 to %parallel_loop3A_719 step %parallel_loop3A_720  : i32 {
        %parallel_loop3A_729 = vector.broadcast %parallel_loop3A_728 : i32 to vector<16xi32>
        %parallel_loop3A_730 = arith.addi %parallel_loop3A_729, %iota3A : vector<16xi32>
        %parallel_loop3A_731 = arith.constant 255 : i32
        %parallel_loop3A_732 = vector.broadcast %parallel_loop3A_731 : i32 to vector<16xi32>
        %parallel_loop3A_733 = arith.andi %parallel_loop3A_730, %parallel_loop3A_732 : vector<16xi32>
        %parallel_loop3A_734 = tpu.vector_load_idx %arg15[%add3A_528, %parallel_loop3A_733] : memref<176x256xf32, #tpu.memory_space<vmem>>[vector<16xi32>, vector<16xi32>], vector<16xf32>,
        tpu.vector_store_idx %arg17[%select_n3A_499, %select_n3A_521, %parallel_loop3A_733], %parallel_loop3A_734 : memref<8x8x256xf32, #tpu.memory_space<vmem>>[vector<16xi32>, vector<16xi32>, vector<16xi32>], vector<16xf32>,
        %parallel_loop3A_735 = tpu.vector_load_idx %arg15[%add3A_591, %parallel_loop3A_733] : memref<176x256xf32, #tpu.memory_space<vmem>>[vector<16xi32>, vector<16xi32>], vector<16xf32>,
        tpu.vector_store_idx %arg17[%select_n3A_562, %select_n3A_584, %parallel_loop3A_733], %parallel_loop3A_735 : memref<8x8x256xf32, #tpu.memory_space<vmem>>[vector<16xi32>, vector<16xi32>, vector<16xi32>], vector<16xf32>,
        %parallel_loop3A_736 = tpu.vector_load_idx %arg15[%add3A_654, %parallel_loop3A_733] : memref<176x256xf32, #tpu.memory_space<vmem>>[vector<16xi32>, vector<16xi32>], vector<16xf32>,
        tpu.vector_store_idx %arg17[%select_n3A_625, %select_n3A_647, %parallel_loop3A_733], %parallel_loop3A_736 : memref<8x8x256xf32, #tpu.memory_space<vmem>>[vector<16xi32>, vector<16xi32>, vector<16xi32>], vector<16xf32>,
        %parallel_loop3A_737 = tpu.vector_load_idx %arg15[%add3A_717, %parallel_loop3A_733] : memref<176x256xf32, #tpu.memory_space<vmem>>[vector<16xi32>, vector<16xi32>], vector<16xf32>,
        tpu.vector_store_idx %arg17[%select_n3A_688, %select_n3A_710, %parallel_loop3A_733], %parallel_loop3A_737 : memref<8x8x256xf32, #tpu.memory_space<vmem>>[vector<16xi32>, vector<16xi32>, vector<16xi32>], vector<16xf32>,
      } {sc.loop_unroll_factor = 4 : i64, sc.parallel_access}
      %mul3A_721 = arith.constant 8 : i32
      %mul3A_722 = arith.muli %add3A_458, %mul3A_721 : i32
      %dma_start3A_723 = arith.constant 0 : i32
      %dma_start3A_724 = tpu.memref_slice %arg7[%mul3A_722, %multiple_of3A, %dma_start3A_723] : memref<1024x196x256xf32, #tpu.memory_space<hbm>> -> memref<8x8x256xf32, #tpu.memory_space<hbm>>
      %dma_start3A_725 = arith.constant 0 : i32
      %dma_start3A_726 = tpu.memref_slice %arg7[%mul3A_722, %multiple_of3A, %dma_start3A_725] : memref<1024x196x256xf32, #tpu.memory_space<hbm>> -> memref<8x8x256xf32, #tpu.memory_space<hbm>>
      tpu.enqueue_dma source(%arg17 : memref<8x8x256xf32, #tpu.memory_space<vmem>>) target(%dma_start3A_726 : memref<8x8x256xf32, #tpu.memory_space<hbm>>) target_semaphore(%arg21 : memref<!tpu.dma_semaphore, #tpu.memory_space<semaphore_mem>>)
      %while3A_727 = arith.constant 0 : i32
      scf.yield %while3A_727 : i32
    }
    %mul3A_147 = arith.constant 2 : i32
    %mul3A_148 = arith.muli %select_n3A_135, %mul3A_147 : i32
    %add3A_149 = arith.addi %select_n3A_110, %mul3A_148 : i32
    %sub3A_150 = arith.constant 2 : i32
    %sub3A_151 = arith.subi %add3A_149, %sub3A_150 : i32
    %add3A_152 = arith.constant 0 : i32
    %add3A_153 = arith.addi %sub3A_151, %add3A_152 : i32
    %mul3A_154 = arith.constant 8 : i32
    %mul3A_155 = arith.muli %add3A_153, %mul3A_154 : i32
    %dma_wait3A = arith.constant 0 : i32
    %dma_wait3A_156 = tpu.memref_slice %arg7[%mul3A_155, %multiple_of3A, %dma_wait3A] : memref<1024x196x256xf32, #tpu.memory_space<hbm>> -> memref<8x8x256xf32, #tpu.memory_space<hbm>>
    %dma_wait3A_157 = arith.constant 0 : i32
    %dma_wait3A_158 = tpu.memref_slice %arg7[%mul3A_155, %multiple_of3A, %dma_wait3A_157] : memref<1024x196x256xf32, #tpu.memory_space<hbm>> -> memref<8x8x256xf32, #tpu.memory_space<hbm>>
    tpu.wait_dma2 semaphore(%arg20 : memref<!tpu.dma_semaphore, #tpu.memory_space<semaphore_mem>>) src(%arg16 : memref<8x8x256xf32, #tpu.memory_space<vmem>>) dst(%dma_wait3A_158 : memref<8x8x256xf32, #tpu.memory_space<hbm>>)
    %mul3A_159 = arith.constant 2 : i32
    %mul3A_160 = arith.muli %select_n3A_135, %mul3A_159 : i32
    %add3A_161 = arith.addi %select_n3A_110, %mul3A_160 : i32
    %sub3A_162 = arith.constant 2 : i32
    %sub3A_163 = arith.subi %add3A_161, %sub3A_162 : i32
    %add3A_164 = arith.constant 1 : i32
    %add3A_165 = arith.addi %sub3A_163, %add3A_164 : i32
    %mul3A_166 = arith.constant 8 : i32
    %mul3A_167 = arith.muli %add3A_165, %mul3A_166 : i32
    %dma_wait3A_168 = arith.constant 0 : i32
    %dma_wait3A_169 = tpu.memref_slice %arg7[%mul3A_167, %multiple_of3A, %dma_wait3A_168] : memref<1024x196x256xf32, #tpu.memory_space<hbm>> -> memref<8x8x256xf32, #tpu.memory_space<hbm>>
    %dma_wait3A_170 = arith.constant 0 : i32
    %dma_wait3A_171 = tpu.memref_slice %arg7[%mul3A_167, %multiple_of3A, %dma_wait3A_170] : memref<1024x196x256xf32, #tpu.memory_space<hbm>> -> memref<8x8x256xf32, #tpu.memory_space<hbm>>
    tpu.wait_dma2 semaphore(%arg21 : memref<!tpu.dma_semaphore, #tpu.memory_space<semaphore_mem>>) src(%arg17 : memref<8x8x256xf32, #tpu.memory_space<vmem>>) dst(%dma_wait3A_171 : memref<8x8x256xf32, #tpu.memory_space<hbm>>)
    %gt3A = arith.cmpi sgt, %add3A_4, %min3A : i32
    %add3A_172 = arith.constant 1 : i32
    %add3A_173 = arith.addi %select_n3A, %add3A_172 : i32
    %lt3A = arith.constant 24 : i32
    %lt3A_174 = arith.cmpi slt, %add3A_173, %lt3A : i32
    %and3A_175 = arith.andi %gt3A, %lt3A_174 : i1
    %convert_element_type3A = arith.extui %and3A_175 : i1 to i32
    %cond3A = arith.constant 0 : i32
    %cond3A_176 = arith.cmpi ne, %convert_element_type3A, %cond3A : i32
    scf.if %cond3A_176 {
      %mul3A_182 = arith.constant 8192 : i32
      %mul3A_183 = arith.muli %mul3A_182, %add3A_173 : i32
      %sub3A_184 = arith.subi %add3A_4, %mul3A_183 : i32
      %jit3A_185 = arith.constant 8 : i32
      %div3A_186 = arith.divsi %sub3A_184, %jit3A_185 : i32
      %sign3A_187 = arith.constant 0 : i32
      %sign3A_188 = arith.cmpi sgt, %sub3A_184, %sign3A_187 : i32
      %sign3A_189 = arith.extui %sign3A_188 : i1 to i32
      %sign3A_190 = arith.constant 0 : i32
      %sign3A_191 = arith.cmpi slt, %sub3A_184, %sign3A_190 : i32
      %sign3A_192 = arith.extui %sign3A_191 : i1 to i32
      %sign3A_193 = arith.subi %sign3A_189, %sign3A_192 : i32
      %sign3A_194 = arith.constant 0 : i32
      %sign3A_195 = arith.cmpi sgt, %jit3A_185, %sign3A_194 : i32
      %sign3A_196 = arith.extui %sign3A_195 : i1 to i32
      %sign3A_197 = arith.constant 0 : i32
      %sign3A_198 = arith.cmpi slt, %jit3A_185, %sign3A_197 : i32
      %sign3A_199 = arith.extui %sign3A_198 : i1 to i32
      %sign3A_200 = arith.subi %sign3A_196, %sign3A_199 : i32
      %ne3A_201 = arith.cmpi ne, %sign3A_193, %sign3A_200 : i32
      %rem3A_202 = arith.remsi %sub3A_184, %jit3A_185 : i32
      %ne3A_203 = arith.constant 0 : i32
      %ne3A_204 = arith.cmpi ne, %rem3A_202, %ne3A_203 : i32
      %and3A_205 = arith.andi %ne3A_201, %ne3A_204 : i1
      %sub3A_206 = arith.constant 1 : i32
      %sub3A_207 = arith.subi %div3A_186, %sub3A_206 : i32
      %select_n3A_208 = arith.select %and3A_205, %sub3A_207, %div3A_186 : i32
      %mul3A_209 = arith.constant 8 : i32
      %mul3A_210 = arith.muli %add3A_173, %mul3A_209 : i32
      %multiple_of3A_211 = tpu.assume_multiple %mul3A_210, 8 : i32
      "tpu.region"() ({
        %run_scoped3A = tpu.sem_alloc : memref<!tpu.dma_semaphore, #tpu.memory_space<semaphore_mem>>
        %dma_start3A = arith.constant 0 : i32
        %dma_start3A_285 = tpu.memref_slice %arg4[%multiple_of3A_211, %dma_start3A] : memref<196x256xf32, #tpu.memory_space<hbm>> -> memref<8x256xf32, #tpu.memory_space<hbm>>
        %dma_start3A_286 = arith.constant 0 : i32
        %dma_start3A_287 = tpu.memref_slice %arg4[%multiple_of3A_211, %dma_start3A_286] : memref<196x256xf32, #tpu.memory_space<hbm>> -> memref<8x256xf32, #tpu.memory_space<hbm>>
        tpu.enqueue_dma source(%dma_start3A_287 : memref<8x256xf32, #tpu.memory_space<hbm>>) target(%arg9 : memref<8x256xf32, #tpu.memory_space<vmem>>) target_semaphore(%run_scoped3A : memref<!tpu.dma_semaphore, #tpu.memory_space<semaphore_mem>>)
        %dma_wait3A_288 = arith.constant 0 : i32
        %dma_wait3A_289 = tpu.memref_slice %arg4[%multiple_of3A_211, %dma_wait3A_288] : memref<196x256xf32, #tpu.memory_space<hbm>> -> memref<8x256xf32, #tpu.memory_space<hbm>>
        %dma_wait3A_290 = arith.constant 0 : i32
        %dma_wait3A_291 = tpu.memref_slice %arg4[%multiple_of3A_211, %dma_wait3A_290] : memref<196x256xf32, #tpu.memory_space<hbm>> -> memref<8x256xf32, #tpu.memory_space<hbm>>
        tpu.wait_dma2 semaphore(%run_scoped3A : memref<!tpu.dma_semaphore, #tpu.memory_space<semaphore_mem>>) src(%dma_wait3A_291 : memref<8x256xf32, #tpu.memory_space<hbm>>) dst(%arg9 : memref<8x256xf32, #tpu.memory_space<vmem>>)
        tpu.yield
      }) : () -> ()
      "tpu.region"() ({
        %run_scoped3A = tpu.sem_alloc : memref<!tpu.dma_semaphore, #tpu.memory_space<semaphore_mem>>
        %dma_start3A = arith.constant 0 : i32
        %dma_start3A_285 = tpu.memref_slice %arg2[%multiple_of3A_211, %dma_start3A] : memref<196x1024xi32, #tpu.memory_space<hbm>> -> memref<8x1024xi32, #tpu.memory_space<hbm>>
        %dma_start3A_286 = arith.constant 0 : i32
        %dma_start3A_287 = tpu.memref_slice %arg2[%multiple_of3A_211, %dma_start3A_286] : memref<196x1024xi32, #tpu.memory_space<hbm>> -> memref<8x1024xi32, #tpu.memory_space<hbm>>
        tpu.enqueue_dma source(%dma_start3A_287 : memref<8x1024xi32, #tpu.memory_space<hbm>>) target(%arg13 : memref<8x1024xi32, #tpu.memory_space<vmem>>) target_semaphore(%run_scoped3A : memref<!tpu.dma_semaphore, #tpu.memory_space<semaphore_mem>>)
        %dma_wait3A_288 = arith.constant 0 : i32
        %dma_wait3A_289 = tpu.memref_slice %arg2[%multiple_of3A_211, %dma_wait3A_288] : memref<196x1024xi32, #tpu.memory_space<hbm>> -> memref<8x1024xi32, #tpu.memory_space<hbm>>
        %dma_wait3A_290 = arith.constant 0 : i32
        %dma_wait3A_291 = tpu.memref_slice %arg2[%multiple_of3A_211, %dma_wait3A_290] : memref<196x1024xi32, #tpu.memory_space<hbm>> -> memref<8x1024xi32, #tpu.memory_space<hbm>>
        tpu.wait_dma2 semaphore(%run_scoped3A : memref<!tpu.dma_semaphore, #tpu.memory_space<semaphore_mem>>) src(%dma_wait3A_291 : memref<8x1024xi32, #tpu.memory_space<hbm>>) dst(%arg13 : memref<8x1024xi32, #tpu.memory_space<vmem>>)
        tpu.yield
      }) : () -> ()
      %scan3A_212 = arith.constant 0 : i32
      %scan3A_213 = arith.constant 0 : i32
      %scan3A_214 = arith.constant 11 : i32
      %scan3A_215 = arith.addi %scan3A_213, %scan3A_214 : i32
      %scan3A_216 = arith.constant 1 : i32
      %scan3A_217 = scf.for %scan3A_285 = %scan3A_213 to %scan3A_215 step %scan3A_216 iter_args(%scan3A_286 = %scan3A_212) -> (i32)  : i32 {
        %mul3A_287 = arith.constant 16 : i32
        %mul3A_288 = arith.muli %scan3A_285, %mul3A_287 : i32
        %add3A_289 = vector.broadcast %mul3A_288 : i32 to vector<16xi32>
        %add3A_290 = arith.addi %add3A_289, %iota3A : vector<16xi32>
        %min3A_291 = arith.constant 167 : i32
        %min3A_292 = vector.broadcast %min3A_291 : i32 to vector<16xi32>
        %min3A_293 = arith.minsi %add3A_290, %min3A_292 : vector<16xi32>
        %jit3A_294 = arith.constant 21 : i32
        %div3A_295 = vector.broadcast %jit3A_294 : i32 to vector<16xi32>
        %div3A_296 = arith.divsi %min3A_293, %div3A_295 : vector<16xi32>
        %sign3A_297 = arith.constant 0 : i32
        %sign3A_298 = vector.broadcast %sign3A_297 : i32 to vector<16xi32>
        %sign3A_299 = arith.cmpi sgt, %min3A_293, %sign3A_298 : vector<16xi32>
        %sign3A_300 = arith.extui %sign3A_299 : vector<16xi1> to vector<16xi32>
        %sign3A_301 = arith.constant 0 : i32
        %sign3A_302 = vector.broadcast %sign3A_301 : i32 to vector<16xi32>
        %sign3A_303 = arith.cmpi slt, %min3A_293, %sign3A_302 : vector<16xi32>
        %sign3A_304 = arith.extui %sign3A_303 : vector<16xi1> to vector<16xi32>
        %sign3A_305 = arith.subi %sign3A_300, %sign3A_304 : vector<16xi32>
        %sign3A_306 = arith.constant 0 : i32
        %sign3A_307 = arith.cmpi sgt, %jit3A_294, %sign3A_306 : i32
        %sign3A_308 = arith.extui %sign3A_307 : i1 to i32
        %sign3A_309 = arith.constant 0 : i32
        %sign3A_310 = arith.cmpi slt, %jit3A_294, %sign3A_309 : i32
        %sign3A_311 = arith.extui %sign3A_310 : i1 to i32
        %sign3A_312 = arith.subi %sign3A_308, %sign3A_311 : i32
        %ne3A_313 = vector.broadcast %sign3A_312 : i32 to vector<16xi32>
        %ne3A_314 = arith.cmpi ne, %sign3A_305, %ne3A_313 : vector<16xi32>
        %rem3A_315 = vector.broadcast %jit3A_294 : i32 to vector<16xi32>
        %rem3A_316 = arith.remsi %min3A_293, %rem3A_315 : vector<16xi32>
        %ne3A_317 = arith.constant 0 : i32
        %ne3A_318 = vector.broadcast %ne3A_317 : i32 to vector<16xi32>
        %ne3A_319 = arith.cmpi ne, %rem3A_316, %ne3A_318 : vector<16xi32>
        %and3A_320 = arith.andi %ne3A_314, %ne3A_319 : vector<16xi1>
        %sub3A_321 = arith.constant 1 : i32
        %sub3A_322 = vector.broadcast %sub3A_321 : i32 to vector<16xi32>
        %sub3A_323 = arith.subi %div3A_296, %sub3A_322 : vector<16xi32>
        %select_n3A_324 = arith.select %and3A_320, %sub3A_323, %div3A_296 : vector<16xi1>, vector<16xi32>
        %jit3A_325 = arith.constant 21 : i32
        %eq3A_326 = arith.constant 0 : i32
        %eq3A_327 = arith.cmpi eq, %jit3A_325, %eq3A_326 : i32
        %jit3A_328 = arith.constant 1 : i32
        %select_n3A_329 = arith.select %eq3A_327, %jit3A_328, %jit3A_325 : i32
        %rem3A_330 = vector.broadcast %select_n3A_329 : i32 to vector<16xi32>
        %rem3A_331 = arith.remsi %min3A_293, %rem3A_330 : vector<16xi32>
        %ne3A_332 = arith.constant 0 : i32
        %ne3A_333 = vector.broadcast %ne3A_332 : i32 to vector<16xi32>
        %ne3A_334 = arith.cmpi ne, %rem3A_331, %ne3A_333 : vector<16xi32>
        %lt3A_335 = arith.constant 0 : i32
        %lt3A_336 = vector.broadcast %lt3A_335 : i32 to vector<16xi32>
        %lt3A_337 = arith.cmpi slt, %rem3A_331, %lt3A_336 : vector<16xi32>
        %lt3A_338 = arith.constant 0 : i32
        %lt3A_339 = arith.cmpi slt, %select_n3A_329, %lt3A_338 : i32
        %ne3A_340 = vector.broadcast %lt3A_339 : i1 to vector<16xi1>
        %ne3A_341 = vector.broadcast %ne3A_340 : vector<16xi1> to vector<16xi1>
        %ne3A_342 = arith.xori %lt3A_337, %ne3A_341 : vector<16xi1>
        %and3A_343 = arith.andi %ne3A_342, %ne3A_334 : vector<16xi1>
        %add3A_344 = vector.broadcast %select_n3A_329 : i32 to vector<16xi32>
        %add3A_345 = arith.addi %rem3A_331, %add3A_344 : vector<16xi32>
        %select_n3A_346 = arith.select %and3A_343, %add3A_345, %rem3A_331 : vector<16xi1>, vector<16xi32>
        %broadcast_in_dim3A = arith.constant 0.000000e+00 : f32
        %broadcast_in_dim3A_347 = vector.broadcast %broadcast_in_dim3A : f32 to vector<16xf32>
        %parallel_loop3A = arith.constant 0 : i32
        %parallel_loop3A_348 = arith.constant 256 : i32
        %parallel_loop3A_349 = arith.constant 1 : i32
        %parallel_loop3A_350:2 = scf.for %parallel_loop3A_408 = %parallel_loop3A to %parallel_loop3A_348 step %parallel_loop3A_349 iter_args(%parallel_loop3A_409 = %broadcast_in_dim3A_347, %parallel_loop3A_410 = %broadcast_in_dim3A_347) -> (vector<16xf32>, vector<16xf32>)  : i32 {
          %parallel_loop3A_411 = vector.broadcast %parallel_loop3A_408 : i32 to vector<16xi32>
          %parallel_loop3A_412 = arith.addi %parallel_loop3A_411, %iota3A : vector<16xi32>
          %parallel_loop3A_413 = arith.constant 255 : i32
          %parallel_loop3A_414 = vector.broadcast %parallel_loop3A_413 : i32 to vector<16xi32>
          %parallel_loop3A_415 = arith.andi %parallel_loop3A_412, %parallel_loop3A_414 : vector<16xi32>
          %parallel_loop3A_416 = tpu.vector_load_idx %arg8[%select_n3A_346, %parallel_loop3A_415] : memref<21x256xf32, #tpu.memory_space<vmem>>[vector<16xi32>, vector<16xi32>], vector<16xf32>,
          %parallel_loop3A_417 = tpu.vector_load_idx %arg9[%select_n3A_324, %parallel_loop3A_415] : memref<8x256xf32, #tpu.memory_space<vmem>>[vector<16xi32>, vector<16xi32>], vector<16xf32>,
          %parallel_loop3A_418 = arith.addf %parallel_loop3A_416, %parallel_loop3A_417 : vector<16xf32>
          tpu.vector_store_idx %arg15[%add3A_290, %parallel_loop3A_415], %parallel_loop3A_418 : memref<176x256xf32, #tpu.memory_space<vmem>>[vector<16xi32>, vector<16xi32>], vector<16xf32>,
          %parallel_loop3A_419 = arith.addf %parallel_loop3A_409, %parallel_loop3A_418 : vector<16xf32>
          %parallel_loop3A_420 = arith.mulf %parallel_loop3A_418, %parallel_loop3A_418 : vector<16xf32>
          %parallel_loop3A_421 = arith.addf %parallel_loop3A_410, %parallel_loop3A_420 : vector<16xf32>
          scf.yield %parallel_loop3A_419, %parallel_loop3A_421 : vector<16xf32>, vector<16xf32>
        } {sc.loop_unroll_factor = 8 : i64, sc.parallel_access}
        %mul3A_351 = arith.constant 3.906250e-03 : f32
        %mul3A_352 = vector.broadcast %mul3A_351 : f32 to vector<16xf32>
        %mul3A_353 = arith.mulf %parallel_loop3A_350#0, %mul3A_352 : vector<16xf32>
        %mul3A_354 = arith.constant 3.906250e-03 : f32
        %mul3A_355 = vector.broadcast %mul3A_354 : f32 to vector<16xf32>
        %mul3A_356 = arith.mulf %parallel_loop3A_350#1, %mul3A_355 : vector<16xf32>
        %mul3A_357 = arith.mulf %mul3A_353, %mul3A_353 : vector<16xf32>
        %sub3A_358 = arith.subf %mul3A_356, %mul3A_357 : vector<16xf32>
        %add3A_359 = arith.constant 9.99999996E-13 : f32
        %add3A_360 = vector.broadcast %add3A_359 : f32 to vector<16xf32>
        %add3A_361 = arith.addf %sub3A_358, %add3A_360 : vector<16xf32>
        %bitcast_convert_type3A = tpu.bitcast %add3A_361 : vector<16xf32> -> vector<16xi32>
        %shift_right_arithmetic3A = arith.constant 1 : i32
        %shift_right_arithmetic3A_362 = vector.broadcast %shift_right_arithmetic3A : i32 to vector<16xi32>
        %shift_right_arithmetic3A_363 = arith.shrsi %bitcast_convert_type3A, %shift_right_arithmetic3A_362 : vector<16xi32>
        %sub3A_364 = arith.constant 1597463007 : i32
        %sub3A_365 = vector.broadcast %sub3A_364 : i32 to vector<16xi32>
        %sub3A_366 = arith.subi %sub3A_365, %shift_right_arithmetic3A_363 : vector<16xi32>
        %bitcast_convert_type3A_367 = tpu.bitcast %sub3A_366 : vector<16xi32> -> vector<16xf32>
        %mul3A_368 = arith.constant 5.000000e-01 : f32
        %mul3A_369 = vector.broadcast %mul3A_368 : f32 to vector<16xf32>
        %mul3A_370 = arith.mulf %mul3A_369, %add3A_361 : vector<16xf32>
        %mul3A_371 = arith.mulf %mul3A_370, %bitcast_convert_type3A_367 : vector<16xf32>
        %mul3A_372 = arith.mulf %mul3A_371, %bitcast_convert_type3A_367 : vector<16xf32>
        %sub3A_373 = arith.constant 1.500000e+00 : f32
        %sub3A_374 = vector.broadcast %sub3A_373 : f32 to vector<16xf32>
        %sub3A_375 = arith.subf %sub3A_374, %mul3A_372 : vector<16xf32>
        %mul3A_376 = arith.mulf %bitcast_convert_type3A_367, %sub3A_375 : vector<16xf32>
        %mul3A_377 = arith.constant 5.000000e-01 : f32
        %mul3A_378 = vector.broadcast %mul3A_377 : f32 to vector<16xf32>
        %mul3A_379 = arith.mulf %mul3A_378, %add3A_361 : vector<16xf32>
        %mul3A_380 = arith.mulf %mul3A_379, %mul3A_376 : vector<16xf32>
        %mul3A_381 = arith.mulf %mul3A_380, %mul3A_376 : vector<16xf32>
        %sub3A_382 = arith.constant 1.500000e+00 : f32
        %sub3A_383 = vector.broadcast %sub3A_382 : f32 to vector<16xf32>
        %sub3A_384 = arith.subf %sub3A_383, %mul3A_381 : vector<16xf32>
        %mul3A_385 = arith.mulf %mul3A_376, %sub3A_384 : vector<16xf32>
        %mul3A_386 = arith.constant 5.000000e-01 : f32
        %mul3A_387 = vector.broadcast %mul3A_386 : f32 to vector<16xf32>
        %mul3A_388 = arith.mulf %mul3A_387, %add3A_361 : vector<16xf32>
        %mul3A_389 = arith.mulf %mul3A_388, %mul3A_385 : vector<16xf32>
        %mul3A_390 = arith.mulf %mul3A_389, %mul3A_385 : vector<16xf32>
        %sub3A_391 = arith.constant 1.500000e+00 : f32
        %sub3A_392 = vector.broadcast %sub3A_391 : f32 to vector<16xf32>
        %sub3A_393 = arith.subf %sub3A_392, %mul3A_390 : vector<16xf32>
        %mul3A_394 = arith.mulf %mul3A_385, %sub3A_393 : vector<16xf32>
        %mul3A_395 = arith.constant 5.000000e-01 : f32
        %mul3A_396 = vector.broadcast %mul3A_395 : f32 to vector<16xf32>
        %mul3A_397 = arith.mulf %mul3A_396, %add3A_361 : vector<16xf32>
        %mul3A_398 = arith.mulf %mul3A_397, %mul3A_394 : vector<16xf32>
        %mul3A_399 = arith.mulf %mul3A_398, %mul3A_394 : vector<16xf32>
        %sub3A_400 = arith.constant 1.500000e+00 : f32
        %sub3A_401 = vector.broadcast %sub3A_400 : f32 to vector<16xf32>
        %sub3A_402 = arith.subf %sub3A_401, %mul3A_399 : vector<16xf32>
        %mul3A_403 = arith.mulf %mul3A_394, %sub3A_402 : vector<16xf32>
        %parallel_loop3A_404 = arith.constant 0 : i32
        %parallel_loop3A_405 = arith.constant 256 : i32
        %parallel_loop3A_406 = arith.constant 1 : i32
        scf.for %parallel_loop3A_408 = %parallel_loop3A_404 to %parallel_loop3A_405 step %parallel_loop3A_406  : i32 {
          %parallel_loop3A_409 = vector.broadcast %parallel_loop3A_408 : i32 to vector<16xi32>
          %parallel_loop3A_410 = arith.addi %parallel_loop3A_409, %iota3A : vector<16xi32>
          %parallel_loop3A_411 = arith.constant 255 : i32
          %parallel_loop3A_412 = vector.broadcast %parallel_loop3A_411 : i32 to vector<16xi32>
          %parallel_loop3A_413 = arith.andi %parallel_loop3A_410, %parallel_loop3A_412 : vector<16xi32>
          %parallel_loop3A_414 = tpu.vector_load_idx %arg15[%add3A_290, %parallel_loop3A_413] : memref<176x256xf32, #tpu.memory_space<vmem>>[vector<16xi32>, vector<16xi32>], vector<16xf32>,
          %parallel_loop3A_415 = arith.constant 7 : i32
          %parallel_loop3A_416 = vector.broadcast %parallel_loop3A_415 : i32 to vector<16xi32>
          %parallel_loop3A_417 = arith.shrsi %parallel_loop3A_413, %parallel_loop3A_416 : vector<16xi32>
          %parallel_loop3A_418 = arith.constant 127 : i32
          %parallel_loop3A_419 = vector.broadcast %parallel_loop3A_418 : i32 to vector<16xi32>
          %parallel_loop3A_420 = arith.andi %parallel_loop3A_413, %parallel_loop3A_419 : vector<16xi32>
          %parallel_loop3A_421 = tpu.vector_load_idx %arg11[%parallel_loop3A_417, %parallel_loop3A_420] : memref<2x128xf32, #tpu.memory_space<vmem>>[vector<16xi32>, vector<16xi32>], vector<16xf32>,
          %parallel_loop3A_422 = arith.constant 7 : i32
          %parallel_loop3A_423 = vector.broadcast %parallel_loop3A_422 : i32 to vector<16xi32>
          %parallel_loop3A_424 = arith.shrsi %parallel_loop3A_413, %parallel_loop3A_423 : vector<16xi32>
          %parallel_loop3A_425 = arith.constant 127 : i32
          %parallel_loop3A_426 = vector.broadcast %parallel_loop3A_425 : i32 to vector<16xi32>
          %parallel_loop3A_427 = arith.andi %parallel_loop3A_413, %parallel_loop3A_426 : vector<16xi32>
          %parallel_loop3A_428 = tpu.vector_load_idx %arg12[%parallel_loop3A_424, %parallel_loop3A_427] : memref<2x128xf32, #tpu.memory_space<vmem>>[vector<16xi32>, vector<16xi32>], vector<16xf32>,
          %parallel_loop3A_429 = arith.subf %parallel_loop3A_414, %mul3A_353 : vector<16xf32>
          %parallel_loop3A_430 = arith.mulf %parallel_loop3A_429, %mul3A_403 : vector<16xf32>
          %parallel_loop3A_431 = arith.mulf %parallel_loop3A_430, %parallel_loop3A_421 : vector<16xf32>
          %parallel_loop3A_432 = arith.addf %parallel_loop3A_431, %parallel_loop3A_428 : vector<16xf32>
          tpu.vector_store_idx %arg15[%add3A_290, %parallel_loop3A_413], %parallel_loop3A_432 : memref<176x256xf32, #tpu.memory_space<vmem>>[vector<16xi32>, vector<16xi32>], vector<16xf32>,
        } {sc.loop_unroll_factor = 8 : i64, sc.parallel_access}
        %scan3A_407 = arith.constant 0 : i32
        scf.yield %scan3A_407 : i32
      }
      %scan3A_218 = arith.constant 11 : i32
      %sub3A_219 = arith.constant 0 : i32
      %sub3A_220 = arith.subi %select_n3A_208, %sub3A_219 : i32
      %jit3A_221 = arith.constant 16 : i32
      %div3A_222 = arith.divsi %sub3A_220, %jit3A_221 : i32
      %sign3A_223 = arith.constant 0 : i32
      %sign3A_224 = arith.cmpi sgt, %sub3A_220, %sign3A_223 : i32
      %sign3A_225 = arith.extui %sign3A_224 : i1 to i32
      %sign3A_226 = arith.constant 0 : i32
      %sign3A_227 = arith.cmpi slt, %sub3A_220, %sign3A_226 : i32
      %sign3A_228 = arith.extui %sign3A_227 : i1 to i32
      %sign3A_229 = arith.subi %sign3A_225, %sign3A_228 : i32
      %sign3A_230 = arith.constant 0 : i32
      %sign3A_231 = arith.cmpi sgt, %jit3A_221, %sign3A_230 : i32
      %sign3A_232 = arith.extui %sign3A_231 : i1 to i32
      %sign3A_233 = arith.constant 0 : i32
      %sign3A_234 = arith.cmpi slt, %jit3A_221, %sign3A_233 : i32
      %sign3A_235 = arith.extui %sign3A_234 : i1 to i32
      %sign3A_236 = arith.subi %sign3A_232, %sign3A_235 : i32
      %ne3A_237 = arith.cmpi ne, %sign3A_229, %sign3A_236 : i32
      %rem3A_238 = arith.remsi %sub3A_220, %jit3A_221 : i32
      %ne3A_239 = arith.constant 0 : i32
      %ne3A_240 = arith.cmpi ne, %rem3A_238, %ne3A_239 : i32
      %and3A_241 = arith.andi %ne3A_237, %ne3A_240 : i1
      %sub3A_242 = arith.constant 1 : i32
      %sub3A_243 = arith.subi %div3A_222, %sub3A_242 : i32
      %select_n3A_244 = arith.select %and3A_241, %sub3A_243, %div3A_222 : i32
      %while3A_245 = arith.constant 0 : i32
      %while3A_246 = arith.constant 0 : i32
      %while3A_247 = arith.subi %select_n3A_244, %while3A_245 : i32
      %while3A_248 = arith.addi %while3A_245, %while3A_247 : i32
      %while3A_249 = arith.constant 1 : i32
      %while3A_250 = arith.divsi %while3A_247, %while3A_249 : i32
      %while3A_251 = arith.muli %while3A_250, %while3A_249 : i32
      %while3A_252 = arith.addi %while3A_245, %while3A_251 : i32
      %while3A_253 = arith.constant 1 : i32
      %while3A_254 = scf.for %while3A_285 = %while3A_245 to %while3A_252 step %while3A_253 iter_args(%while3A_286 = %while3A_246) -> (i32)  : i32 {
        %mul3A_287 = arith.constant 2 : i32
        %mul3A_288 = arith.muli %mul3A_287, %while3A_285 : i32
        %add3A_289 = arith.constant 0 : i32
        %add3A_290 = arith.addi %add3A_289, %mul3A_288 : i32
        %add3A_291 = arith.constant 0 : i32
        %add3A_292 = arith.addi %add3A_290, %add3A_291 : i32
        %gt3A_293 = arith.constant 0 : i32
        %gt3A_294 = arith.cmpi sgt, %while3A_285, %gt3A_293 : i32
        %convert_element_type3A_295 = arith.extui %gt3A_294 : i1 to i32
        %cond3A_296 = arith.constant 0 : i32
        %cond3A_297 = arith.cmpi ne, %convert_element_type3A_295, %cond3A_296 : i32
        scf.if %cond3A_297 {
          %sub3A_833 = arith.constant 2 : i32
          %sub3A_834 = arith.subi %add3A_292, %sub3A_833 : i32
          %mul3A_835 = arith.constant 8 : i32
          %mul3A_836 = arith.muli %sub3A_834, %mul3A_835 : i32
          %dma_wait3A_837 = arith.constant 0 : i32
          %dma_wait3A_838 = tpu.memref_slice %arg7[%mul3A_836, %multiple_of3A_211, %dma_wait3A_837] : memref<1024x196x256xf32, #tpu.memory_space<hbm>> -> memref<8x8x256xf32, #tpu.memory_space<hbm>>
          %dma_wait3A_839 = arith.constant 0 : i32
          %dma_wait3A_840 = tpu.memref_slice %arg7[%mul3A_836, %multiple_of3A_211, %dma_wait3A_839] : memref<1024x196x256xf32, #tpu.memory_space<hbm>> -> memref<8x8x256xf32, #tpu.memory_space<hbm>>
          tpu.wait_dma2 semaphore(%arg20 : memref<!tpu.dma_semaphore, #tpu.memory_space<semaphore_mem>>) src(%arg16 : memref<8x8x256xf32, #tpu.memory_space<vmem>>) dst(%dma_wait3A_840 : memref<8x8x256xf32, #tpu.memory_space<hbm>>)
        } else {
        }
        %mul3A_298 = arith.constant 8 : i32
        %mul3A_299 = arith.muli %add3A_292, %mul3A_298 : i32
        %add3A_300 = arith.constant 0 : i32
        %add3A_301 = vector.broadcast %add3A_300 : i32 to vector<16xi32>
        %add3A_302 = arith.addi %add3A_301, %iota3A : vector<16xi32>
        %jit3A_303 = arith.constant 8 : i32
        %div3A_304 = vector.broadcast %jit3A_303 : i32 to vector<16xi32>
        %div3A_305 = arith.divsi %add3A_302, %div3A_304 : vector<16xi32>
        %sign3A_306 = arith.constant 0 : i32
        %sign3A_307 = vector.broadcast %sign3A_306 : i32 to vector<16xi32>
        %sign3A_308 = arith.cmpi sgt, %add3A_302, %sign3A_307 : vector<16xi32>
        %sign3A_309 = arith.extui %sign3A_308 : vector<16xi1> to vector<16xi32>
        %sign3A_310 = arith.constant 0 : i32
        %sign3A_311 = vector.broadcast %sign3A_310 : i32 to vector<16xi32>
        %sign3A_312 = arith.cmpi slt, %add3A_302, %sign3A_311 : vector<16xi32>
        %sign3A_313 = arith.extui %sign3A_312 : vector<16xi1> to vector<16xi32>
        %sign3A_314 = arith.subi %sign3A_309, %sign3A_313 : vector<16xi32>
        %sign3A_315 = arith.constant 0 : i32
        %sign3A_316 = arith.cmpi sgt, %jit3A_303, %sign3A_315 : i32
        %sign3A_317 = arith.extui %sign3A_316 : i1 to i32
        %sign3A_318 = arith.constant 0 : i32
        %sign3A_319 = arith.cmpi slt, %jit3A_303, %sign3A_318 : i32
        %sign3A_320 = arith.extui %sign3A_319 : i1 to i32
        %sign3A_321 = arith.subi %sign3A_317, %sign3A_320 : i32
        %ne3A_322 = vector.broadcast %sign3A_321 : i32 to vector<16xi32>
        %ne3A_323 = arith.cmpi ne, %sign3A_314, %ne3A_322 : vector<16xi32>
        %rem3A_324 = vector.broadcast %jit3A_303 : i32 to vector<16xi32>
        %rem3A_325 = arith.remsi %add3A_302, %rem3A_324 : vector<16xi32>
        %ne3A_326 = arith.constant 0 : i32
        %ne3A_327 = vector.broadcast %ne3A_326 : i32 to vector<16xi32>
        %ne3A_328 = arith.cmpi ne, %rem3A_325, %ne3A_327 : vector<16xi32>
        %and3A_329 = arith.andi %ne3A_323, %ne3A_328 : vector<16xi1>
        %sub3A_330 = arith.constant 1 : i32
        %sub3A_331 = vector.broadcast %sub3A_330 : i32 to vector<16xi32>
        %sub3A_332 = arith.subi %div3A_305, %sub3A_331 : vector<16xi32>
        %select_n3A_333 = arith.select %and3A_329, %sub3A_332, %div3A_305 : vector<16xi1>, vector<16xi32>
        %jit3A_334 = arith.constant 8 : i32
        %eq3A_335 = arith.constant 0 : i32
        %eq3A_336 = arith.cmpi eq, %jit3A_334, %eq3A_335 : i32
        %jit3A_337 = arith.constant 1 : i32
        %select_n3A_338 = arith.select %eq3A_336, %jit3A_337, %jit3A_334 : i32
        %rem3A_339 = vector.broadcast %select_n3A_338 : i32 to vector<16xi32>
        %rem3A_340 = arith.remsi %add3A_302, %rem3A_339 : vector<16xi32>
        %ne3A_341 = arith.constant 0 : i32
        %ne3A_342 = vector.broadcast %ne3A_341 : i32 to vector<16xi32>
        %ne3A_343 = arith.cmpi ne, %rem3A_340, %ne3A_342 : vector<16xi32>
        %lt3A_344 = arith.constant 0 : i32
        %lt3A_345 = vector.broadcast %lt3A_344 : i32 to vector<16xi32>
        %lt3A_346 = arith.cmpi slt, %rem3A_340, %lt3A_345 : vector<16xi32>
        %lt3A_347 = arith.constant 0 : i32
        %lt3A_348 = arith.cmpi slt, %select_n3A_338, %lt3A_347 : i32
        %ne3A_349 = vector.broadcast %lt3A_348 : i1 to vector<16xi1>
        %ne3A_350 = vector.broadcast %ne3A_349 : vector<16xi1> to vector<16xi1>
        %ne3A_351 = arith.xori %lt3A_346, %ne3A_350 : vector<16xi1>
        %and3A_352 = arith.andi %ne3A_351, %ne3A_343 : vector<16xi1>
        %add3A_353 = vector.broadcast %select_n3A_338 : i32 to vector<16xi32>
        %add3A_354 = arith.addi %rem3A_340, %add3A_353 : vector<16xi32>
        %select_n3A_355 = arith.select %and3A_352, %add3A_354, %rem3A_340 : vector<16xi1>, vector<16xi32>
        %add3A_356 = vector.broadcast %mul3A_299 : i32 to vector<16xi32>
        %add3A_357 = arith.addi %add3A_356, %select_n3A_333 : vector<16xi32>
        %gather3A = tpu.vector_load_idx %arg13[%select_n3A_355, %add3A_357] : memref<8x1024xi32, #tpu.memory_space<vmem>>[vector<16xi32>, vector<16xi32>], vector<16xi32>,
        %mul3A_358 = arith.constant 21 : i32
        %mul3A_359 = vector.broadcast %mul3A_358 : i32 to vector<16xi32>
        %mul3A_360 = arith.muli %select_n3A_355, %mul3A_359 : vector<16xi32>
        %add3A_361 = arith.addi %mul3A_360, %gather3A : vector<16xi32>
        %add3A_362 = arith.constant 16 : i32
        %add3A_363 = vector.broadcast %add3A_362 : i32 to vector<16xi32>
        %add3A_364 = arith.addi %add3A_363, %iota3A : vector<16xi32>
        %jit3A_365 = arith.constant 8 : i32
        %div3A_366 = vector.broadcast %jit3A_365 : i32 to vector<16xi32>
        %div3A_367 = arith.divsi %add3A_364, %div3A_366 : vector<16xi32>
        %sign3A_368 = arith.constant 0 : i32
        %sign3A_369 = vector.broadcast %sign3A_368 : i32 to vector<16xi32>
        %sign3A_370 = arith.cmpi sgt, %add3A_364, %sign3A_369 : vector<16xi32>
        %sign3A_371 = arith.extui %sign3A_370 : vector<16xi1> to vector<16xi32>
        %sign3A_372 = arith.constant 0 : i32
        %sign3A_373 = vector.broadcast %sign3A_372 : i32 to vector<16xi32>
        %sign3A_374 = arith.cmpi slt, %add3A_364, %sign3A_373 : vector<16xi32>
        %sign3A_375 = arith.extui %sign3A_374 : vector<16xi1> to vector<16xi32>
        %sign3A_376 = arith.subi %sign3A_371, %sign3A_375 : vector<16xi32>
        %sign3A_377 = arith.constant 0 : i32
        %sign3A_378 = arith.cmpi sgt, %jit3A_365, %sign3A_377 : i32
        %sign3A_379 = arith.extui %sign3A_378 : i1 to i32
        %sign3A_380 = arith.constant 0 : i32
        %sign3A_381 = arith.cmpi slt, %jit3A_365, %sign3A_380 : i32
        %sign3A_382 = arith.extui %sign3A_381 : i1 to i32
        %sign3A_383 = arith.subi %sign3A_379, %sign3A_382 : i32
        %ne3A_384 = vector.broadcast %sign3A_383 : i32 to vector<16xi32>
        %ne3A_385 = arith.cmpi ne, %sign3A_376, %ne3A_384 : vector<16xi32>
        %rem3A_386 = vector.broadcast %jit3A_365 : i32 to vector<16xi32>
        %rem3A_387 = arith.remsi %add3A_364, %rem3A_386 : vector<16xi32>
        %ne3A_388 = arith.constant 0 : i32
        %ne3A_389 = vector.broadcast %ne3A_388 : i32 to vector<16xi32>
        %ne3A_390 = arith.cmpi ne, %rem3A_387, %ne3A_389 : vector<16xi32>
        %and3A_391 = arith.andi %ne3A_385, %ne3A_390 : vector<16xi1>
        %sub3A_392 = arith.constant 1 : i32
        %sub3A_393 = vector.broadcast %sub3A_392 : i32 to vector<16xi32>
        %sub3A_394 = arith.subi %div3A_367, %sub3A_393 : vector<16xi32>
        %select_n3A_395 = arith.select %and3A_391, %sub3A_394, %div3A_367 : vector<16xi1>, vector<16xi32>
        %jit3A_396 = arith.constant 8 : i32
        %eq3A_397 = arith.constant 0 : i32
        %eq3A_398 = arith.cmpi eq, %jit3A_396, %eq3A_397 : i32
        %jit3A_399 = arith.constant 1 : i32
        %select_n3A_400 = arith.select %eq3A_398, %jit3A_399, %jit3A_396 : i32
        %rem3A_401 = vector.broadcast %select_n3A_400 : i32 to vector<16xi32>
        %rem3A_402 = arith.remsi %add3A_364, %rem3A_401 : vector<16xi32>
        %ne3A_403 = arith.constant 0 : i32
        %ne3A_404 = vector.broadcast %ne3A_403 : i32 to vector<16xi32>
        %ne3A_405 = arith.cmpi ne, %rem3A_402, %ne3A_404 : vector<16xi32>
        %lt3A_406 = arith.constant 0 : i32
        %lt3A_407 = vector.broadcast %lt3A_406 : i32 to vector<16xi32>
        %lt3A_408 = arith.cmpi slt, %rem3A_402, %lt3A_407 : vector<16xi32>
        %lt3A_409 = arith.constant 0 : i32
        %lt3A_410 = arith.cmpi slt, %select_n3A_400, %lt3A_409 : i32
        %ne3A_411 = vector.broadcast %lt3A_410 : i1 to vector<16xi1>
        %ne3A_412 = vector.broadcast %ne3A_411 : vector<16xi1> to vector<16xi1>
        %ne3A_413 = arith.xori %lt3A_408, %ne3A_412 : vector<16xi1>
        %and3A_414 = arith.andi %ne3A_413, %ne3A_405 : vector<16xi1>
        %add3A_415 = vector.broadcast %select_n3A_400 : i32 to vector<16xi32>
        %add3A_416 = arith.addi %rem3A_402, %add3A_415 : vector<16xi32>
        %select_n3A_417 = arith.select %and3A_414, %add3A_416, %rem3A_402 : vector<16xi1>, vector<16xi32>
        %add3A_418 = vector.broadcast %mul3A_299 : i32 to vector<16xi32>
        %add3A_419 = arith.addi %add3A_418, %select_n3A_395 : vector<16xi32>
        %gather3A_420 = tpu.vector_load_idx %arg13[%select_n3A_417, %add3A_419] : memref<8x1024xi32, #tpu.memory_space<vmem>>[vector<16xi32>, vector<16xi32>], vector<16xi32>,
        %mul3A_421 = arith.constant 21 : i32
        %mul3A_422 = vector.broadcast %mul3A_421 : i32 to vector<16xi32>
        %mul3A_423 = arith.muli %select_n3A_417, %mul3A_422 : vector<16xi32>
        %add3A_424 = arith.addi %mul3A_423, %gather3A_420 : vector<16xi32>
        %add3A_425 = arith.constant 32 : i32
        %add3A_426 = vector.broadcast %add3A_425 : i32 to vector<16xi32>
        %add3A_427 = arith.addi %add3A_426, %iota3A : vector<16xi32>
        %jit3A_428 = arith.constant 8 : i32
        %div3A_429 = vector.broadcast %jit3A_428 : i32 to vector<16xi32>
        %div3A_430 = arith.divsi %add3A_427, %div3A_429 : vector<16xi32>
        %sign3A_431 = arith.constant 0 : i32
        %sign3A_432 = vector.broadcast %sign3A_431 : i32 to vector<16xi32>
        %sign3A_433 = arith.cmpi sgt, %add3A_427, %sign3A_432 : vector<16xi32>
        %sign3A_434 = arith.extui %sign3A_433 : vector<16xi1> to vector<16xi32>
        %sign3A_435 = arith.constant 0 : i32
        %sign3A_436 = vector.broadcast %sign3A_435 : i32 to vector<16xi32>
        %sign3A_437 = arith.cmpi slt, %add3A_427, %sign3A_436 : vector<16xi32>
        %sign3A_438 = arith.extui %sign3A_437 : vector<16xi1> to vector<16xi32>
        %sign3A_439 = arith.subi %sign3A_434, %sign3A_438 : vector<16xi32>
        %sign3A_440 = arith.constant 0 : i32
        %sign3A_441 = arith.cmpi sgt, %jit3A_428, %sign3A_440 : i32
        %sign3A_442 = arith.extui %sign3A_441 : i1 to i32
        %sign3A_443 = arith.constant 0 : i32
        %sign3A_444 = arith.cmpi slt, %jit3A_428, %sign3A_443 : i32
        %sign3A_445 = arith.extui %sign3A_444 : i1 to i32
        %sign3A_446 = arith.subi %sign3A_442, %sign3A_445 : i32
        %ne3A_447 = vector.broadcast %sign3A_446 : i32 to vector<16xi32>
        %ne3A_448 = arith.cmpi ne, %sign3A_439, %ne3A_447 : vector<16xi32>
        %rem3A_449 = vector.broadcast %jit3A_428 : i32 to vector<16xi32>
        %rem3A_450 = arith.remsi %add3A_427, %rem3A_449 : vector<16xi32>
        %ne3A_451 = arith.constant 0 : i32
        %ne3A_452 = vector.broadcast %ne3A_451 : i32 to vector<16xi32>
        %ne3A_453 = arith.cmpi ne, %rem3A_450, %ne3A_452 : vector<16xi32>
        %and3A_454 = arith.andi %ne3A_448, %ne3A_453 : vector<16xi1>
        %sub3A_455 = arith.constant 1 : i32
        %sub3A_456 = vector.broadcast %sub3A_455 : i32 to vector<16xi32>
        %sub3A_457 = arith.subi %div3A_430, %sub3A_456 : vector<16xi32>
        %select_n3A_458 = arith.select %and3A_454, %sub3A_457, %div3A_430 : vector<16xi1>, vector<16xi32>
        %jit3A_459 = arith.constant 8 : i32
        %eq3A_460 = arith.constant 0 : i32
        %eq3A_461 = arith.cmpi eq, %jit3A_459, %eq3A_460 : i32
        %jit3A_462 = arith.constant 1 : i32
        %select_n3A_463 = arith.select %eq3A_461, %jit3A_462, %jit3A_459 : i32
        %rem3A_464 = vector.broadcast %select_n3A_463 : i32 to vector<16xi32>
        %rem3A_465 = arith.remsi %add3A_427, %rem3A_464 : vector<16xi32>
        %ne3A_466 = arith.constant 0 : i32
        %ne3A_467 = vector.broadcast %ne3A_466 : i32 to vector<16xi32>
        %ne3A_468 = arith.cmpi ne, %rem3A_465, %ne3A_467 : vector<16xi32>
        %lt3A_469 = arith.constant 0 : i32
        %lt3A_470 = vector.broadcast %lt3A_469 : i32 to vector<16xi32>
        %lt3A_471 = arith.cmpi slt, %rem3A_465, %lt3A_470 : vector<16xi32>
        %lt3A_472 = arith.constant 0 : i32
        %lt3A_473 = arith.cmpi slt, %select_n3A_463, %lt3A_472 : i32
        %ne3A_474 = vector.broadcast %lt3A_473 : i1 to vector<16xi1>
        %ne3A_475 = vector.broadcast %ne3A_474 : vector<16xi1> to vector<16xi1>
        %ne3A_476 = arith.xori %lt3A_471, %ne3A_475 : vector<16xi1>
        %and3A_477 = arith.andi %ne3A_476, %ne3A_468 : vector<16xi1>
        %add3A_478 = vector.broadcast %select_n3A_463 : i32 to vector<16xi32>
        %add3A_479 = arith.addi %rem3A_465, %add3A_478 : vector<16xi32>
        %select_n3A_480 = arith.select %and3A_477, %add3A_479, %rem3A_465 : vector<16xi1>, vector<16xi32>
        %add3A_481 = vector.broadcast %mul3A_299 : i32 to vector<16xi32>
        %add3A_482 = arith.addi %add3A_481, %select_n3A_458 : vector<16xi32>
        %gather3A_483 = tpu.vector_load_idx %arg13[%select_n3A_480, %add3A_482] : memref<8x1024xi32, #tpu.memory_space<vmem>>[vector<16xi32>, vector<16xi32>], vector<16xi32>,
        %mul3A_484 = arith.constant 21 : i32
        %mul3A_485 = vector.broadcast %mul3A_484 : i32 to vector<16xi32>
        %mul3A_486 = arith.muli %select_n3A_480, %mul3A_485 : vector<16xi32>
        %add3A_487 = arith.addi %mul3A_486, %gather3A_483 : vector<16xi32>
        %add3A_488 = arith.constant 48 : i32
        %add3A_489 = vector.broadcast %add3A_488 : i32 to vector<16xi32>
        %add3A_490 = arith.addi %add3A_489, %iota3A : vector<16xi32>
        %jit3A_491 = arith.constant 8 : i32
        %div3A_492 = vector.broadcast %jit3A_491 : i32 to vector<16xi32>
        %div3A_493 = arith.divsi %add3A_490, %div3A_492 : vector<16xi32>
        %sign3A_494 = arith.constant 0 : i32
        %sign3A_495 = vector.broadcast %sign3A_494 : i32 to vector<16xi32>
        %sign3A_496 = arith.cmpi sgt, %add3A_490, %sign3A_495 : vector<16xi32>
        %sign3A_497 = arith.extui %sign3A_496 : vector<16xi1> to vector<16xi32>
        %sign3A_498 = arith.constant 0 : i32
        %sign3A_499 = vector.broadcast %sign3A_498 : i32 to vector<16xi32>
        %sign3A_500 = arith.cmpi slt, %add3A_490, %sign3A_499 : vector<16xi32>
        %sign3A_501 = arith.extui %sign3A_500 : vector<16xi1> to vector<16xi32>
        %sign3A_502 = arith.subi %sign3A_497, %sign3A_501 : vector<16xi32>
        %sign3A_503 = arith.constant 0 : i32
        %sign3A_504 = arith.cmpi sgt, %jit3A_491, %sign3A_503 : i32
        %sign3A_505 = arith.extui %sign3A_504 : i1 to i32
        %sign3A_506 = arith.constant 0 : i32
        %sign3A_507 = arith.cmpi slt, %jit3A_491, %sign3A_506 : i32
        %sign3A_508 = arith.extui %sign3A_507 : i1 to i32
        %sign3A_509 = arith.subi %sign3A_505, %sign3A_508 : i32
        %ne3A_510 = vector.broadcast %sign3A_509 : i32 to vector<16xi32>
        %ne3A_511 = arith.cmpi ne, %sign3A_502, %ne3A_510 : vector<16xi32>
        %rem3A_512 = vector.broadcast %jit3A_491 : i32 to vector<16xi32>
        %rem3A_513 = arith.remsi %add3A_490, %rem3A_512 : vector<16xi32>
        %ne3A_514 = arith.constant 0 : i32
        %ne3A_515 = vector.broadcast %ne3A_514 : i32 to vector<16xi32>
        %ne3A_516 = arith.cmpi ne, %rem3A_513, %ne3A_515 : vector<16xi32>
        %and3A_517 = arith.andi %ne3A_511, %ne3A_516 : vector<16xi1>
        %sub3A_518 = arith.constant 1 : i32
        %sub3A_519 = vector.broadcast %sub3A_518 : i32 to vector<16xi32>
        %sub3A_520 = arith.subi %div3A_493, %sub3A_519 : vector<16xi32>
        %select_n3A_521 = arith.select %and3A_517, %sub3A_520, %div3A_493 : vector<16xi1>, vector<16xi32>
        %jit3A_522 = arith.constant 8 : i32
        %eq3A_523 = arith.constant 0 : i32
        %eq3A_524 = arith.cmpi eq, %jit3A_522, %eq3A_523 : i32
        %jit3A_525 = arith.constant 1 : i32
        %select_n3A_526 = arith.select %eq3A_524, %jit3A_525, %jit3A_522 : i32
        %rem3A_527 = vector.broadcast %select_n3A_526 : i32 to vector<16xi32>
        %rem3A_528 = arith.remsi %add3A_490, %rem3A_527 : vector<16xi32>
        %ne3A_529 = arith.constant 0 : i32
        %ne3A_530 = vector.broadcast %ne3A_529 : i32 to vector<16xi32>
        %ne3A_531 = arith.cmpi ne, %rem3A_528, %ne3A_530 : vector<16xi32>
        %lt3A_532 = arith.constant 0 : i32
        %lt3A_533 = vector.broadcast %lt3A_532 : i32 to vector<16xi32>
        %lt3A_534 = arith.cmpi slt, %rem3A_528, %lt3A_533 : vector<16xi32>
        %lt3A_535 = arith.constant 0 : i32
        %lt3A_536 = arith.cmpi slt, %select_n3A_526, %lt3A_535 : i32
        %ne3A_537 = vector.broadcast %lt3A_536 : i1 to vector<16xi1>
        %ne3A_538 = vector.broadcast %ne3A_537 : vector<16xi1> to vector<16xi1>
        %ne3A_539 = arith.xori %lt3A_534, %ne3A_538 : vector<16xi1>
        %and3A_540 = arith.andi %ne3A_539, %ne3A_531 : vector<16xi1>
        %add3A_541 = vector.broadcast %select_n3A_526 : i32 to vector<16xi32>
        %add3A_542 = arith.addi %rem3A_528, %add3A_541 : vector<16xi32>
        %select_n3A_543 = arith.select %and3A_540, %add3A_542, %rem3A_528 : vector<16xi1>, vector<16xi32>
        %add3A_544 = vector.broadcast %mul3A_299 : i32 to vector<16xi32>
        %add3A_545 = arith.addi %add3A_544, %select_n3A_521 : vector<16xi32>
        %gather3A_546 = tpu.vector_load_idx %arg13[%select_n3A_543, %add3A_545] : memref<8x1024xi32, #tpu.memory_space<vmem>>[vector<16xi32>, vector<16xi32>], vector<16xi32>,
        %mul3A_547 = arith.constant 21 : i32
        %mul3A_548 = vector.broadcast %mul3A_547 : i32 to vector<16xi32>
        %mul3A_549 = arith.muli %select_n3A_543, %mul3A_548 : vector<16xi32>
        %add3A_550 = arith.addi %mul3A_549, %gather3A_546 : vector<16xi32>
        %parallel_loop3A = arith.constant 0 : i32
        %parallel_loop3A_551 = arith.constant 256 : i32
        %parallel_loop3A_552 = arith.constant 1 : i32
        scf.for %parallel_loop3A_833 = %parallel_loop3A to %parallel_loop3A_551 step %parallel_loop3A_552  : i32 {
          %parallel_loop3A_834 = vector.broadcast %parallel_loop3A_833 : i32 to vector<16xi32>
          %parallel_loop3A_835 = arith.addi %parallel_loop3A_834, %iota3A : vector<16xi32>
          %parallel_loop3A_836 = arith.constant 255 : i32
          %parallel_loop3A_837 = vector.broadcast %parallel_loop3A_836 : i32 to vector<16xi32>
          %parallel_loop3A_838 = arith.andi %parallel_loop3A_835, %parallel_loop3A_837 : vector<16xi32>
          %parallel_loop3A_839 = tpu.vector_load_idx %arg15[%add3A_361, %parallel_loop3A_838] : memref<176x256xf32, #tpu.memory_space<vmem>>[vector<16xi32>, vector<16xi32>], vector<16xf32>,
          tpu.vector_store_idx %arg16[%select_n3A_333, %select_n3A_355, %parallel_loop3A_838], %parallel_loop3A_839 : memref<8x8x256xf32, #tpu.memory_space<vmem>>[vector<16xi32>, vector<16xi32>, vector<16xi32>], vector<16xf32>,
          %parallel_loop3A_840 = tpu.vector_load_idx %arg15[%add3A_424, %parallel_loop3A_838] : memref<176x256xf32, #tpu.memory_space<vmem>>[vector<16xi32>, vector<16xi32>], vector<16xf32>,
          tpu.vector_store_idx %arg16[%select_n3A_395, %select_n3A_417, %parallel_loop3A_838], %parallel_loop3A_840 : memref<8x8x256xf32, #tpu.memory_space<vmem>>[vector<16xi32>, vector<16xi32>, vector<16xi32>], vector<16xf32>,
          %parallel_loop3A_841 = tpu.vector_load_idx %arg15[%add3A_487, %parallel_loop3A_838] : memref<176x256xf32, #tpu.memory_space<vmem>>[vector<16xi32>, vector<16xi32>], vector<16xf32>,
          tpu.vector_store_idx %arg16[%select_n3A_458, %select_n3A_480, %parallel_loop3A_838], %parallel_loop3A_841 : memref<8x8x256xf32, #tpu.memory_space<vmem>>[vector<16xi32>, vector<16xi32>, vector<16xi32>], vector<16xf32>,
          %parallel_loop3A_842 = tpu.vector_load_idx %arg15[%add3A_550, %parallel_loop3A_838] : memref<176x256xf32, #tpu.memory_space<vmem>>[vector<16xi32>, vector<16xi32>], vector<16xf32>,
          tpu.vector_store_idx %arg16[%select_n3A_521, %select_n3A_543, %parallel_loop3A_838], %parallel_loop3A_842 : memref<8x8x256xf32, #tpu.memory_space<vmem>>[vector<16xi32>, vector<16xi32>, vector<16xi32>], vector<16xf32>,
        } {sc.loop_unroll_factor = 4 : i64, sc.parallel_access}
        %mul3A_553 = arith.constant 8 : i32
        %mul3A_554 = arith.muli %add3A_292, %mul3A_553 : i32
        %dma_start3A = arith.constant 0 : i32
        %dma_start3A_555 = tpu.memref_slice %arg7[%mul3A_554, %multiple_of3A_211, %dma_start3A] : memref<1024x196x256xf32, #tpu.memory_space<hbm>> -> memref<8x8x256xf32, #tpu.memory_space<hbm>>
        %dma_start3A_556 = arith.constant 0 : i32
        %dma_start3A_557 = tpu.memref_slice %arg7[%mul3A_554, %multiple_of3A_211, %dma_start3A_556] : memref<1024x196x256xf32, #tpu.memory_space<hbm>> -> memref<8x8x256xf32, #tpu.memory_space<hbm>>
        tpu.enqueue_dma source(%arg16 : memref<8x8x256xf32, #tpu.memory_space<vmem>>) target(%dma_start3A_557 : memref<8x8x256xf32, #tpu.memory_space<hbm>>) target_semaphore(%arg20 : memref<!tpu.dma_semaphore, #tpu.memory_space<semaphore_mem>>)
        %mul3A_558 = arith.constant 2 : i32
        %mul3A_559 = arith.muli %mul3A_558, %while3A_285 : i32
        %add3A_560 = arith.constant 0 : i32
        %add3A_561 = arith.addi %add3A_560, %mul3A_559 : i32
        %add3A_562 = arith.constant 1 : i32
        %add3A_563 = arith.addi %add3A_561, %add3A_562 : i32
        %gt3A_564 = arith.constant 0 : i32
        %gt3A_565 = arith.cmpi sgt, %while3A_285, %gt3A_564 : i32
        %convert_element_type3A_566 = arith.extui %gt3A_565 : i1 to i32
        %cond3A_567 = arith.constant 0 : i32
        %cond3A_568 = arith.cmpi ne, %convert_element_type3A_566, %cond3A_567 : i32
        scf.if %cond3A_568 {
          %sub3A_833 = arith.constant 2 : i32
          %sub3A_834 = arith.subi %add3A_563, %sub3A_833 : i32
          %mul3A_835 = arith.constant 8 : i32
          %mul3A_836 = arith.muli %sub3A_834, %mul3A_835 : i32
          %dma_wait3A_837 = arith.constant 0 : i32
          %dma_wait3A_838 = tpu.memref_slice %arg7[%mul3A_836, %multiple_of3A_211, %dma_wait3A_837] : memref<1024x196x256xf32, #tpu.memory_space<hbm>> -> memref<8x8x256xf32, #tpu.memory_space<hbm>>
          %dma_wait3A_839 = arith.constant 0 : i32
          %dma_wait3A_840 = tpu.memref_slice %arg7[%mul3A_836, %multiple_of3A_211, %dma_wait3A_839] : memref<1024x196x256xf32, #tpu.memory_space<hbm>> -> memref<8x8x256xf32, #tpu.memory_space<hbm>>
          tpu.wait_dma2 semaphore(%arg21 : memref<!tpu.dma_semaphore, #tpu.memory_space<semaphore_mem>>) src(%arg17 : memref<8x8x256xf32, #tpu.memory_space<vmem>>) dst(%dma_wait3A_840 : memref<8x8x256xf32, #tpu.memory_space<hbm>>)
        } else {
        }
        %mul3A_569 = arith.constant 8 : i32
        %mul3A_570 = arith.muli %add3A_563, %mul3A_569 : i32
        %add3A_571 = arith.constant 0 : i32
        %add3A_572 = vector.broadcast %add3A_571 : i32 to vector<16xi32>
        %add3A_573 = arith.addi %add3A_572, %iota3A : vector<16xi32>
        %jit3A_574 = arith.constant 8 : i32
        %div3A_575 = vector.broadcast %jit3A_574 : i32 to vector<16xi32>
        %div3A_576 = arith.divsi %add3A_573, %div3A_575 : vector<16xi32>
        %sign3A_577 = arith.constant 0 : i32
        %sign3A_578 = vector.broadcast %sign3A_577 : i32 to vector<16xi32>
        %sign3A_579 = arith.cmpi sgt, %add3A_573, %sign3A_578 : vector<16xi32>
        %sign3A_580 = arith.extui %sign3A_579 : vector<16xi1> to vector<16xi32>
        %sign3A_581 = arith.constant 0 : i32
        %sign3A_582 = vector.broadcast %sign3A_581 : i32 to vector<16xi32>
        %sign3A_583 = arith.cmpi slt, %add3A_573, %sign3A_582 : vector<16xi32>
        %sign3A_584 = arith.extui %sign3A_583 : vector<16xi1> to vector<16xi32>
        %sign3A_585 = arith.subi %sign3A_580, %sign3A_584 : vector<16xi32>
        %sign3A_586 = arith.constant 0 : i32
        %sign3A_587 = arith.cmpi sgt, %jit3A_574, %sign3A_586 : i32
        %sign3A_588 = arith.extui %sign3A_587 : i1 to i32
        %sign3A_589 = arith.constant 0 : i32
        %sign3A_590 = arith.cmpi slt, %jit3A_574, %sign3A_589 : i32
        %sign3A_591 = arith.extui %sign3A_590 : i1 to i32
        %sign3A_592 = arith.subi %sign3A_588, %sign3A_591 : i32
        %ne3A_593 = vector.broadcast %sign3A_592 : i32 to vector<16xi32>
        %ne3A_594 = arith.cmpi ne, %sign3A_585, %ne3A_593 : vector<16xi32>
        %rem3A_595 = vector.broadcast %jit3A_574 : i32 to vector<16xi32>
        %rem3A_596 = arith.remsi %add3A_573, %rem3A_595 : vector<16xi32>
        %ne3A_597 = arith.constant 0 : i32
        %ne3A_598 = vector.broadcast %ne3A_597 : i32 to vector<16xi32>
        %ne3A_599 = arith.cmpi ne, %rem3A_596, %ne3A_598 : vector<16xi32>
        %and3A_600 = arith.andi %ne3A_594, %ne3A_599 : vector<16xi1>
        %sub3A_601 = arith.constant 1 : i32
        %sub3A_602 = vector.broadcast %sub3A_601 : i32 to vector<16xi32>
        %sub3A_603 = arith.subi %div3A_576, %sub3A_602 : vector<16xi32>
        %select_n3A_604 = arith.select %and3A_600, %sub3A_603, %div3A_576 : vector<16xi1>, vector<16xi32>
        %jit3A_605 = arith.constant 8 : i32
        %eq3A_606 = arith.constant 0 : i32
        %eq3A_607 = arith.cmpi eq, %jit3A_605, %eq3A_606 : i32
        %jit3A_608 = arith.constant 1 : i32
        %select_n3A_609 = arith.select %eq3A_607, %jit3A_608, %jit3A_605 : i32
        %rem3A_610 = vector.broadcast %select_n3A_609 : i32 to vector<16xi32>
        %rem3A_611 = arith.remsi %add3A_573, %rem3A_610 : vector<16xi32>
        %ne3A_612 = arith.constant 0 : i32
        %ne3A_613 = vector.broadcast %ne3A_612 : i32 to vector<16xi32>
        %ne3A_614 = arith.cmpi ne, %rem3A_611, %ne3A_613 : vector<16xi32>
        %lt3A_615 = arith.constant 0 : i32
        %lt3A_616 = vector.broadcast %lt3A_615 : i32 to vector<16xi32>
        %lt3A_617 = arith.cmpi slt, %rem3A_611, %lt3A_616 : vector<16xi32>
        %lt3A_618 = arith.constant 0 : i32
        %lt3A_619 = arith.cmpi slt, %select_n3A_609, %lt3A_618 : i32
        %ne3A_620 = vector.broadcast %lt3A_619 : i1 to vector<16xi1>
        %ne3A_621 = vector.broadcast %ne3A_620 : vector<16xi1> to vector<16xi1>
        %ne3A_622 = arith.xori %lt3A_617, %ne3A_621 : vector<16xi1>
        %and3A_623 = arith.andi %ne3A_622, %ne3A_614 : vector<16xi1>
        %add3A_624 = vector.broadcast %select_n3A_609 : i32 to vector<16xi32>
        %add3A_625 = arith.addi %rem3A_611, %add3A_624 : vector<16xi32>
        %select_n3A_626 = arith.select %and3A_623, %add3A_625, %rem3A_611 : vector<16xi1>, vector<16xi32>
        %add3A_627 = vector.broadcast %mul3A_570 : i32 to vector<16xi32>
        %add3A_628 = arith.addi %add3A_627, %select_n3A_604 : vector<16xi32>
        %gather3A_629 = tpu.vector_load_idx %arg13[%select_n3A_626, %add3A_628] : memref<8x1024xi32, #tpu.memory_space<vmem>>[vector<16xi32>, vector<16xi32>], vector<16xi32>,
        %mul3A_630 = arith.constant 21 : i32
        %mul3A_631 = vector.broadcast %mul3A_630 : i32 to vector<16xi32>
        %mul3A_632 = arith.muli %select_n3A_626, %mul3A_631 : vector<16xi32>
        %add3A_633 = arith.addi %mul3A_632, %gather3A_629 : vector<16xi32>
        %add3A_634 = arith.constant 16 : i32
        %add3A_635 = vector.broadcast %add3A_634 : i32 to vector<16xi32>
        %add3A_636 = arith.addi %add3A_635, %iota3A : vector<16xi32>
        %jit3A_637 = arith.constant 8 : i32
        %div3A_638 = vector.broadcast %jit3A_637 : i32 to vector<16xi32>
        %div3A_639 = arith.divsi %add3A_636, %div3A_638 : vector<16xi32>
        %sign3A_640 = arith.constant 0 : i32
        %sign3A_641 = vector.broadcast %sign3A_640 : i32 to vector<16xi32>
        %sign3A_642 = arith.cmpi sgt, %add3A_636, %sign3A_641 : vector<16xi32>
        %sign3A_643 = arith.extui %sign3A_642 : vector<16xi1> to vector<16xi32>
        %sign3A_644 = arith.constant 0 : i32
        %sign3A_645 = vector.broadcast %sign3A_644 : i32 to vector<16xi32>
        %sign3A_646 = arith.cmpi slt, %add3A_636, %sign3A_645 : vector<16xi32>
        %sign3A_647 = arith.extui %sign3A_646 : vector<16xi1> to vector<16xi32>
        %sign3A_648 = arith.subi %sign3A_643, %sign3A_647 : vector<16xi32>
        %sign3A_649 = arith.constant 0 : i32
        %sign3A_650 = arith.cmpi sgt, %jit3A_637, %sign3A_649 : i32
        %sign3A_651 = arith.extui %sign3A_650 : i1 to i32
        %sign3A_652 = arith.constant 0 : i32
        %sign3A_653 = arith.cmpi slt, %jit3A_637, %sign3A_652 : i32
        %sign3A_654 = arith.extui %sign3A_653 : i1 to i32
        %sign3A_655 = arith.subi %sign3A_651, %sign3A_654 : i32
        %ne3A_656 = vector.broadcast %sign3A_655 : i32 to vector<16xi32>
        %ne3A_657 = arith.cmpi ne, %sign3A_648, %ne3A_656 : vector<16xi32>
        %rem3A_658 = vector.broadcast %jit3A_637 : i32 to vector<16xi32>
        %rem3A_659 = arith.remsi %add3A_636, %rem3A_658 : vector<16xi32>
        %ne3A_660 = arith.constant 0 : i32
        %ne3A_661 = vector.broadcast %ne3A_660 : i32 to vector<16xi32>
        %ne3A_662 = arith.cmpi ne, %rem3A_659, %ne3A_661 : vector<16xi32>
        %and3A_663 = arith.andi %ne3A_657, %ne3A_662 : vector<16xi1>
        %sub3A_664 = arith.constant 1 : i32
        %sub3A_665 = vector.broadcast %sub3A_664 : i32 to vector<16xi32>
        %sub3A_666 = arith.subi %div3A_639, %sub3A_665 : vector<16xi32>
        %select_n3A_667 = arith.select %and3A_663, %sub3A_666, %div3A_639 : vector<16xi1>, vector<16xi32>
        %jit3A_668 = arith.constant 8 : i32
        %eq3A_669 = arith.constant 0 : i32
        %eq3A_670 = arith.cmpi eq, %jit3A_668, %eq3A_669 : i32
        %jit3A_671 = arith.constant 1 : i32
        %select_n3A_672 = arith.select %eq3A_670, %jit3A_671, %jit3A_668 : i32
        %rem3A_673 = vector.broadcast %select_n3A_672 : i32 to vector<16xi32>
        %rem3A_674 = arith.remsi %add3A_636, %rem3A_673 : vector<16xi32>
        %ne3A_675 = arith.constant 0 : i32
        %ne3A_676 = vector.broadcast %ne3A_675 : i32 to vector<16xi32>
        %ne3A_677 = arith.cmpi ne, %rem3A_674, %ne3A_676 : vector<16xi32>
        %lt3A_678 = arith.constant 0 : i32
        %lt3A_679 = vector.broadcast %lt3A_678 : i32 to vector<16xi32>
        %lt3A_680 = arith.cmpi slt, %rem3A_674, %lt3A_679 : vector<16xi32>
        %lt3A_681 = arith.constant 0 : i32
        %lt3A_682 = arith.cmpi slt, %select_n3A_672, %lt3A_681 : i32
        %ne3A_683 = vector.broadcast %lt3A_682 : i1 to vector<16xi1>
        %ne3A_684 = vector.broadcast %ne3A_683 : vector<16xi1> to vector<16xi1>
        %ne3A_685 = arith.xori %lt3A_680, %ne3A_684 : vector<16xi1>
        %and3A_686 = arith.andi %ne3A_685, %ne3A_677 : vector<16xi1>
        %add3A_687 = vector.broadcast %select_n3A_672 : i32 to vector<16xi32>
        %add3A_688 = arith.addi %rem3A_674, %add3A_687 : vector<16xi32>
        %select_n3A_689 = arith.select %and3A_686, %add3A_688, %rem3A_674 : vector<16xi1>, vector<16xi32>
        %add3A_690 = vector.broadcast %mul3A_570 : i32 to vector<16xi32>
        %add3A_691 = arith.addi %add3A_690, %select_n3A_667 : vector<16xi32>
        %gather3A_692 = tpu.vector_load_idx %arg13[%select_n3A_689, %add3A_691] : memref<8x1024xi32, #tpu.memory_space<vmem>>[vector<16xi32>, vector<16xi32>], vector<16xi32>,
        %mul3A_693 = arith.constant 21 : i32
        %mul3A_694 = vector.broadcast %mul3A_693 : i32 to vector<16xi32>
        %mul3A_695 = arith.muli %select_n3A_689, %mul3A_694 : vector<16xi32>
        %add3A_696 = arith.addi %mul3A_695, %gather3A_692 : vector<16xi32>
        %add3A_697 = arith.constant 32 : i32
        %add3A_698 = vector.broadcast %add3A_697 : i32 to vector<16xi32>
        %add3A_699 = arith.addi %add3A_698, %iota3A : vector<16xi32>
        %jit3A_700 = arith.constant 8 : i32
        %div3A_701 = vector.broadcast %jit3A_700 : i32 to vector<16xi32>
        %div3A_702 = arith.divsi %add3A_699, %div3A_701 : vector<16xi32>
        %sign3A_703 = arith.constant 0 : i32
        %sign3A_704 = vector.broadcast %sign3A_703 : i32 to vector<16xi32>
        %sign3A_705 = arith.cmpi sgt, %add3A_699, %sign3A_704 : vector<16xi32>
        %sign3A_706 = arith.extui %sign3A_705 : vector<16xi1> to vector<16xi32>
        %sign3A_707 = arith.constant 0 : i32
        %sign3A_708 = vector.broadcast %sign3A_707 : i32 to vector<16xi32>
        %sign3A_709 = arith.cmpi slt, %add3A_699, %sign3A_708 : vector<16xi32>
        %sign3A_710 = arith.extui %sign3A_709 : vector<16xi1> to vector<16xi32>
        %sign3A_711 = arith.subi %sign3A_706, %sign3A_710 : vector<16xi32>
        %sign3A_712 = arith.constant 0 : i32
        %sign3A_713 = arith.cmpi sgt, %jit3A_700, %sign3A_712 : i32
        %sign3A_714 = arith.extui %sign3A_713 : i1 to i32
        %sign3A_715 = arith.constant 0 : i32
        %sign3A_716 = arith.cmpi slt, %jit3A_700, %sign3A_715 : i32
        %sign3A_717 = arith.extui %sign3A_716 : i1 to i32
        %sign3A_718 = arith.subi %sign3A_714, %sign3A_717 : i32
        %ne3A_719 = vector.broadcast %sign3A_718 : i32 to vector<16xi32>
        %ne3A_720 = arith.cmpi ne, %sign3A_711, %ne3A_719 : vector<16xi32>
        %rem3A_721 = vector.broadcast %jit3A_700 : i32 to vector<16xi32>
        %rem3A_722 = arith.remsi %add3A_699, %rem3A_721 : vector<16xi32>
        %ne3A_723 = arith.constant 0 : i32
        %ne3A_724 = vector.broadcast %ne3A_723 : i32 to vector<16xi32>
        %ne3A_725 = arith.cmpi ne, %rem3A_722, %ne3A_724 : vector<16xi32>
        %and3A_726 = arith.andi %ne3A_720, %ne3A_725 : vector<16xi1>
        %sub3A_727 = arith.constant 1 : i32
        %sub3A_728 = vector.broadcast %sub3A_727 : i32 to vector<16xi32>
        %sub3A_729 = arith.subi %div3A_702, %sub3A_728 : vector<16xi32>
        %select_n3A_730 = arith.select %and3A_726, %sub3A_729, %div3A_702 : vector<16xi1>, vector<16xi32>
        %jit3A_731 = arith.constant 8 : i32
        %eq3A_732 = arith.constant 0 : i32
        %eq3A_733 = arith.cmpi eq, %jit3A_731, %eq3A_732 : i32
        %jit3A_734 = arith.constant 1 : i32
        %select_n3A_735 = arith.select %eq3A_733, %jit3A_734, %jit3A_731 : i32
        %rem3A_736 = vector.broadcast %select_n3A_735 : i32 to vector<16xi32>
        %rem3A_737 = arith.remsi %add3A_699, %rem3A_736 : vector<16xi32>
        %ne3A_738 = arith.constant 0 : i32
        %ne3A_739 = vector.broadcast %ne3A_738 : i32 to vector<16xi32>
        %ne3A_740 = arith.cmpi ne, %rem3A_737, %ne3A_739 : vector<16xi32>
        %lt3A_741 = arith.constant 0 : i32
        %lt3A_742 = vector.broadcast %lt3A_741 : i32 to vector<16xi32>
        %lt3A_743 = arith.cmpi slt, %rem3A_737, %lt3A_742 : vector<16xi32>
        %lt3A_744 = arith.constant 0 : i32
        %lt3A_745 = arith.cmpi slt, %select_n3A_735, %lt3A_744 : i32
        %ne3A_746 = vector.broadcast %lt3A_745 : i1 to vector<16xi1>
        %ne3A_747 = vector.broadcast %ne3A_746 : vector<16xi1> to vector<16xi1>
        %ne3A_748 = arith.xori %lt3A_743, %ne3A_747 : vector<16xi1>
        %and3A_749 = arith.andi %ne3A_748, %ne3A_740 : vector<16xi1>
        %add3A_750 = vector.broadcast %select_n3A_735 : i32 to vector<16xi32>
        %add3A_751 = arith.addi %rem3A_737, %add3A_750 : vector<16xi32>
        %select_n3A_752 = arith.select %and3A_749, %add3A_751, %rem3A_737 : vector<16xi1>, vector<16xi32>
        %add3A_753 = vector.broadcast %mul3A_570 : i32 to vector<16xi32>
        %add3A_754 = arith.addi %add3A_753, %select_n3A_730 : vector<16xi32>
        %gather3A_755 = tpu.vector_load_idx %arg13[%select_n3A_752, %add3A_754] : memref<8x1024xi32, #tpu.memory_space<vmem>>[vector<16xi32>, vector<16xi32>], vector<16xi32>,
        %mul3A_756 = arith.constant 21 : i32
        %mul3A_757 = vector.broadcast %mul3A_756 : i32 to vector<16xi32>
        %mul3A_758 = arith.muli %select_n3A_752, %mul3A_757 : vector<16xi32>
        %add3A_759 = arith.addi %mul3A_758, %gather3A_755 : vector<16xi32>
        %add3A_760 = arith.constant 48 : i32
        %add3A_761 = vector.broadcast %add3A_760 : i32 to vector<16xi32>
        %add3A_762 = arith.addi %add3A_761, %iota3A : vector<16xi32>
        %jit3A_763 = arith.constant 8 : i32
        %div3A_764 = vector.broadcast %jit3A_763 : i32 to vector<16xi32>
        %div3A_765 = arith.divsi %add3A_762, %div3A_764 : vector<16xi32>
        %sign3A_766 = arith.constant 0 : i32
        %sign3A_767 = vector.broadcast %sign3A_766 : i32 to vector<16xi32>
        %sign3A_768 = arith.cmpi sgt, %add3A_762, %sign3A_767 : vector<16xi32>
        %sign3A_769 = arith.extui %sign3A_768 : vector<16xi1> to vector<16xi32>
        %sign3A_770 = arith.constant 0 : i32
        %sign3A_771 = vector.broadcast %sign3A_770 : i32 to vector<16xi32>
        %sign3A_772 = arith.cmpi slt, %add3A_762, %sign3A_771 : vector<16xi32>
        %sign3A_773 = arith.extui %sign3A_772 : vector<16xi1> to vector<16xi32>
        %sign3A_774 = arith.subi %sign3A_769, %sign3A_773 : vector<16xi32>
        %sign3A_775 = arith.constant 0 : i32
        %sign3A_776 = arith.cmpi sgt, %jit3A_763, %sign3A_775 : i32
        %sign3A_777 = arith.extui %sign3A_776 : i1 to i32
        %sign3A_778 = arith.constant 0 : i32
        %sign3A_779 = arith.cmpi slt, %jit3A_763, %sign3A_778 : i32
        %sign3A_780 = arith.extui %sign3A_779 : i1 to i32
        %sign3A_781 = arith.subi %sign3A_777, %sign3A_780 : i32
        %ne3A_782 = vector.broadcast %sign3A_781 : i32 to vector<16xi32>
        %ne3A_783 = arith.cmpi ne, %sign3A_774, %ne3A_782 : vector<16xi32>
        %rem3A_784 = vector.broadcast %jit3A_763 : i32 to vector<16xi32>
        %rem3A_785 = arith.remsi %add3A_762, %rem3A_784 : vector<16xi32>
        %ne3A_786 = arith.constant 0 : i32
        %ne3A_787 = vector.broadcast %ne3A_786 : i32 to vector<16xi32>
        %ne3A_788 = arith.cmpi ne, %rem3A_785, %ne3A_787 : vector<16xi32>
        %and3A_789 = arith.andi %ne3A_783, %ne3A_788 : vector<16xi1>
        %sub3A_790 = arith.constant 1 : i32
        %sub3A_791 = vector.broadcast %sub3A_790 : i32 to vector<16xi32>
        %sub3A_792 = arith.subi %div3A_765, %sub3A_791 : vector<16xi32>
        %select_n3A_793 = arith.select %and3A_789, %sub3A_792, %div3A_765 : vector<16xi1>, vector<16xi32>
        %jit3A_794 = arith.constant 8 : i32
        %eq3A_795 = arith.constant 0 : i32
        %eq3A_796 = arith.cmpi eq, %jit3A_794, %eq3A_795 : i32
        %jit3A_797 = arith.constant 1 : i32
        %select_n3A_798 = arith.select %eq3A_796, %jit3A_797, %jit3A_794 : i32
        %rem3A_799 = vector.broadcast %select_n3A_798 : i32 to vector<16xi32>
        %rem3A_800 = arith.remsi %add3A_762, %rem3A_799 : vector<16xi32>
        %ne3A_801 = arith.constant 0 : i32
        %ne3A_802 = vector.broadcast %ne3A_801 : i32 to vector<16xi32>
        %ne3A_803 = arith.cmpi ne, %rem3A_800, %ne3A_802 : vector<16xi32>
        %lt3A_804 = arith.constant 0 : i32
        %lt3A_805 = vector.broadcast %lt3A_804 : i32 to vector<16xi32>
        %lt3A_806 = arith.cmpi slt, %rem3A_800, %lt3A_805 : vector<16xi32>
        %lt3A_807 = arith.constant 0 : i32
        %lt3A_808 = arith.cmpi slt, %select_n3A_798, %lt3A_807 : i32
        %ne3A_809 = vector.broadcast %lt3A_808 : i1 to vector<16xi1>
        %ne3A_810 = vector.broadcast %ne3A_809 : vector<16xi1> to vector<16xi1>
        %ne3A_811 = arith.xori %lt3A_806, %ne3A_810 : vector<16xi1>
        %and3A_812 = arith.andi %ne3A_811, %ne3A_803 : vector<16xi1>
        %add3A_813 = vector.broadcast %select_n3A_798 : i32 to vector<16xi32>
        %add3A_814 = arith.addi %rem3A_800, %add3A_813 : vector<16xi32>
        %select_n3A_815 = arith.select %and3A_812, %add3A_814, %rem3A_800 : vector<16xi1>, vector<16xi32>
        %add3A_816 = vector.broadcast %mul3A_570 : i32 to vector<16xi32>
        %add3A_817 = arith.addi %add3A_816, %select_n3A_793 : vector<16xi32>
        %gather3A_818 = tpu.vector_load_idx %arg13[%select_n3A_815, %add3A_817] : memref<8x1024xi32, #tpu.memory_space<vmem>>[vector<16xi32>, vector<16xi32>], vector<16xi32>,
        %mul3A_819 = arith.constant 21 : i32
        %mul3A_820 = vector.broadcast %mul3A_819 : i32 to vector<16xi32>
        %mul3A_821 = arith.muli %select_n3A_815, %mul3A_820 : vector<16xi32>
        %add3A_822 = arith.addi %mul3A_821, %gather3A_818 : vector<16xi32>
        %parallel_loop3A_823 = arith.constant 0 : i32
        %parallel_loop3A_824 = arith.constant 256 : i32
        %parallel_loop3A_825 = arith.constant 1 : i32
        scf.for %parallel_loop3A_833 = %parallel_loop3A_823 to %parallel_loop3A_824 step %parallel_loop3A_825  : i32 {
          %parallel_loop3A_834 = vector.broadcast %parallel_loop3A_833 : i32 to vector<16xi32>
          %parallel_loop3A_835 = arith.addi %parallel_loop3A_834, %iota3A : vector<16xi32>
          %parallel_loop3A_836 = arith.constant 255 : i32
          %parallel_loop3A_837 = vector.broadcast %parallel_loop3A_836 : i32 to vector<16xi32>
          %parallel_loop3A_838 = arith.andi %parallel_loop3A_835, %parallel_loop3A_837 : vector<16xi32>
          %parallel_loop3A_839 = tpu.vector_load_idx %arg15[%add3A_633, %parallel_loop3A_838] : memref<176x256xf32, #tpu.memory_space<vmem>>[vector<16xi32>, vector<16xi32>], vector<16xf32>,
          tpu.vector_store_idx %arg17[%select_n3A_604, %select_n3A_626, %parallel_loop3A_838], %parallel_loop3A_839 : memref<8x8x256xf32, #tpu.memory_space<vmem>>[vector<16xi32>, vector<16xi32>, vector<16xi32>], vector<16xf32>,
          %parallel_loop3A_840 = tpu.vector_load_idx %arg15[%add3A_696, %parallel_loop3A_838] : memref<176x256xf32, #tpu.memory_space<vmem>>[vector<16xi32>, vector<16xi32>], vector<16xf32>,
          tpu.vector_store_idx %arg17[%select_n3A_667, %select_n3A_689, %parallel_loop3A_838], %parallel_loop3A_840 : memref<8x8x256xf32, #tpu.memory_space<vmem>>[vector<16xi32>, vector<16xi32>, vector<16xi32>], vector<16xf32>,
          %parallel_loop3A_841 = tpu.vector_load_idx %arg15[%add3A_759, %parallel_loop3A_838] : memref<176x256xf32, #tpu.memory_space<vmem>>[vector<16xi32>, vector<16xi32>], vector<16xf32>,
          tpu.vector_store_idx %arg17[%select_n3A_730, %select_n3A_752, %parallel_loop3A_838], %parallel_loop3A_841 : memref<8x8x256xf32, #tpu.memory_space<vmem>>[vector<16xi32>, vector<16xi32>, vector<16xi32>], vector<16xf32>,
          %parallel_loop3A_842 = tpu.vector_load_idx %arg15[%add3A_822, %parallel_loop3A_838] : memref<176x256xf32, #tpu.memory_space<vmem>>[vector<16xi32>, vector<16xi32>], vector<16xf32>,
          tpu.vector_store_idx %arg17[%select_n3A_793, %select_n3A_815, %parallel_loop3A_838], %parallel_loop3A_842 : memref<8x8x256xf32, #tpu.memory_space<vmem>>[vector<16xi32>, vector<16xi32>, vector<16xi32>], vector<16xf32>,
        } {sc.loop_unroll_factor = 4 : i64, sc.parallel_access}
        %mul3A_826 = arith.constant 8 : i32
        %mul3A_827 = arith.muli %add3A_563, %mul3A_826 : i32
        %dma_start3A_828 = arith.constant 0 : i32
        %dma_start3A_829 = tpu.memref_slice %arg7[%mul3A_827, %multiple_of3A_211, %dma_start3A_828] : memref<1024x196x256xf32, #tpu.memory_space<hbm>> -> memref<8x8x256xf32, #tpu.memory_space<hbm>>
        %dma_start3A_830 = arith.constant 0 : i32
        %dma_start3A_831 = tpu.memref_slice %arg7[%mul3A_827, %multiple_of3A_211, %dma_start3A_830] : memref<1024x196x256xf32, #tpu.memory_space<hbm>> -> memref<8x8x256xf32, #tpu.memory_space<hbm>>
        tpu.enqueue_dma source(%arg17 : memref<8x8x256xf32, #tpu.memory_space<vmem>>) target(%dma_start3A_831 : memref<8x8x256xf32, #tpu.memory_space<hbm>>) target_semaphore(%arg21 : memref<!tpu.dma_semaphore, #tpu.memory_space<semaphore_mem>>)
        %while3A_832 = arith.constant 0 : i32
        scf.yield %while3A_832 : i32
      }
      %while3A_255 = arith.constant 1 : i32
      %while3A_256 = scf.for %while3A_285 = %while3A_252 to %while3A_248 step %while3A_255 iter_args(%while3A_286 = %while3A_254) -> (i32)  : i32 {
        %mul3A_287 = arith.constant 2 : i32
        %mul3A_288 = arith.muli %mul3A_287, %while3A_285 : i32
        %add3A_289 = arith.constant 0 : i32
        %add3A_290 = arith.addi %add3A_289, %mul3A_288 : i32
        %add3A_291 = arith.constant 0 : i32
        %add3A_292 = arith.addi %add3A_290, %add3A_291 : i32
        %gt3A_293 = arith.constant 0 : i32
        %gt3A_294 = arith.cmpi sgt, %while3A_285, %gt3A_293 : i32
        %convert_element_type3A_295 = arith.extui %gt3A_294 : i1 to i32
        %cond3A_296 = arith.constant 0 : i32
        %cond3A_297 = arith.cmpi ne, %convert_element_type3A_295, %cond3A_296 : i32
        scf.if %cond3A_297 {
          %sub3A_833 = arith.constant 2 : i32
          %sub3A_834 = arith.subi %add3A_292, %sub3A_833 : i32
          %mul3A_835 = arith.constant 8 : i32
          %mul3A_836 = arith.muli %sub3A_834, %mul3A_835 : i32
          %dma_wait3A_837 = arith.constant 0 : i32
          %dma_wait3A_838 = tpu.memref_slice %arg7[%mul3A_836, %multiple_of3A_211, %dma_wait3A_837] : memref<1024x196x256xf32, #tpu.memory_space<hbm>> -> memref<8x8x256xf32, #tpu.memory_space<hbm>>
          %dma_wait3A_839 = arith.constant 0 : i32
          %dma_wait3A_840 = tpu.memref_slice %arg7[%mul3A_836, %multiple_of3A_211, %dma_wait3A_839] : memref<1024x196x256xf32, #tpu.memory_space<hbm>> -> memref<8x8x256xf32, #tpu.memory_space<hbm>>
          tpu.wait_dma2 semaphore(%arg20 : memref<!tpu.dma_semaphore, #tpu.memory_space<semaphore_mem>>) src(%arg16 : memref<8x8x256xf32, #tpu.memory_space<vmem>>) dst(%dma_wait3A_840 : memref<8x8x256xf32, #tpu.memory_space<hbm>>)
        } else {
        }
        %mul3A_298 = arith.constant 8 : i32
        %mul3A_299 = arith.muli %add3A_292, %mul3A_298 : i32
        %add3A_300 = arith.constant 0 : i32
        %add3A_301 = vector.broadcast %add3A_300 : i32 to vector<16xi32>
        %add3A_302 = arith.addi %add3A_301, %iota3A : vector<16xi32>
        %jit3A_303 = arith.constant 8 : i32
        %div3A_304 = vector.broadcast %jit3A_303 : i32 to vector<16xi32>
        %div3A_305 = arith.divsi %add3A_302, %div3A_304 : vector<16xi32>
        %sign3A_306 = arith.constant 0 : i32
        %sign3A_307 = vector.broadcast %sign3A_306 : i32 to vector<16xi32>
        %sign3A_308 = arith.cmpi sgt, %add3A_302, %sign3A_307 : vector<16xi32>
        %sign3A_309 = arith.extui %sign3A_308 : vector<16xi1> to vector<16xi32>
        %sign3A_310 = arith.constant 0 : i32
        %sign3A_311 = vector.broadcast %sign3A_310 : i32 to vector<16xi32>
        %sign3A_312 = arith.cmpi slt, %add3A_302, %sign3A_311 : vector<16xi32>
        %sign3A_313 = arith.extui %sign3A_312 : vector<16xi1> to vector<16xi32>
        %sign3A_314 = arith.subi %sign3A_309, %sign3A_313 : vector<16xi32>
        %sign3A_315 = arith.constant 0 : i32
        %sign3A_316 = arith.cmpi sgt, %jit3A_303, %sign3A_315 : i32
        %sign3A_317 = arith.extui %sign3A_316 : i1 to i32
        %sign3A_318 = arith.constant 0 : i32
        %sign3A_319 = arith.cmpi slt, %jit3A_303, %sign3A_318 : i32
        %sign3A_320 = arith.extui %sign3A_319 : i1 to i32
        %sign3A_321 = arith.subi %sign3A_317, %sign3A_320 : i32
        %ne3A_322 = vector.broadcast %sign3A_321 : i32 to vector<16xi32>
        %ne3A_323 = arith.cmpi ne, %sign3A_314, %ne3A_322 : vector<16xi32>
        %rem3A_324 = vector.broadcast %jit3A_303 : i32 to vector<16xi32>
        %rem3A_325 = arith.remsi %add3A_302, %rem3A_324 : vector<16xi32>
        %ne3A_326 = arith.constant 0 : i32
        %ne3A_327 = vector.broadcast %ne3A_326 : i32 to vector<16xi32>
        %ne3A_328 = arith.cmpi ne, %rem3A_325, %ne3A_327 : vector<16xi32>
        %and3A_329 = arith.andi %ne3A_323, %ne3A_328 : vector<16xi1>
        %sub3A_330 = arith.constant 1 : i32
        %sub3A_331 = vector.broadcast %sub3A_330 : i32 to vector<16xi32>
        %sub3A_332 = arith.subi %div3A_305, %sub3A_331 : vector<16xi32>
        %select_n3A_333 = arith.select %and3A_329, %sub3A_332, %div3A_305 : vector<16xi1>, vector<16xi32>
        %jit3A_334 = arith.constant 8 : i32
        %eq3A_335 = arith.constant 0 : i32
        %eq3A_336 = arith.cmpi eq, %jit3A_334, %eq3A_335 : i32
        %jit3A_337 = arith.constant 1 : i32
        %select_n3A_338 = arith.select %eq3A_336, %jit3A_337, %jit3A_334 : i32
        %rem3A_339 = vector.broadcast %select_n3A_338 : i32 to vector<16xi32>
        %rem3A_340 = arith.remsi %add3A_302, %rem3A_339 : vector<16xi32>
        %ne3A_341 = arith.constant 0 : i32
        %ne3A_342 = vector.broadcast %ne3A_341 : i32 to vector<16xi32>
        %ne3A_343 = arith.cmpi ne, %rem3A_340, %ne3A_342 : vector<16xi32>
        %lt3A_344 = arith.constant 0 : i32
        %lt3A_345 = vector.broadcast %lt3A_344 : i32 to vector<16xi32>
        %lt3A_346 = arith.cmpi slt, %rem3A_340, %lt3A_345 : vector<16xi32>
        %lt3A_347 = arith.constant 0 : i32
        %lt3A_348 = arith.cmpi slt, %select_n3A_338, %lt3A_347 : i32
        %ne3A_349 = vector.broadcast %lt3A_348 : i1 to vector<16xi1>
        %ne3A_350 = vector.broadcast %ne3A_349 : vector<16xi1> to vector<16xi1>
        %ne3A_351 = arith.xori %lt3A_346, %ne3A_350 : vector<16xi1>
        %and3A_352 = arith.andi %ne3A_351, %ne3A_343 : vector<16xi1>
        %add3A_353 = vector.broadcast %select_n3A_338 : i32 to vector<16xi32>
        %add3A_354 = arith.addi %rem3A_340, %add3A_353 : vector<16xi32>
        %select_n3A_355 = arith.select %and3A_352, %add3A_354, %rem3A_340 : vector<16xi1>, vector<16xi32>
        %add3A_356 = vector.broadcast %mul3A_299 : i32 to vector<16xi32>
        %add3A_357 = arith.addi %add3A_356, %select_n3A_333 : vector<16xi32>
        %gather3A = tpu.vector_load_idx %arg13[%select_n3A_355, %add3A_357] : memref<8x1024xi32, #tpu.memory_space<vmem>>[vector<16xi32>, vector<16xi32>], vector<16xi32>,
        %mul3A_358 = arith.constant 21 : i32
        %mul3A_359 = vector.broadcast %mul3A_358 : i32 to vector<16xi32>
        %mul3A_360 = arith.muli %select_n3A_355, %mul3A_359 : vector<16xi32>
        %add3A_361 = arith.addi %mul3A_360, %gather3A : vector<16xi32>
        %add3A_362 = arith.constant 16 : i32
        %add3A_363 = vector.broadcast %add3A_362 : i32 to vector<16xi32>
        %add3A_364 = arith.addi %add3A_363, %iota3A : vector<16xi32>
        %jit3A_365 = arith.constant 8 : i32
        %div3A_366 = vector.broadcast %jit3A_365 : i32 to vector<16xi32>
        %div3A_367 = arith.divsi %add3A_364, %div3A_366 : vector<16xi32>
        %sign3A_368 = arith.constant 0 : i32
        %sign3A_369 = vector.broadcast %sign3A_368 : i32 to vector<16xi32>
        %sign3A_370 = arith.cmpi sgt, %add3A_364, %sign3A_369 : vector<16xi32>
        %sign3A_371 = arith.extui %sign3A_370 : vector<16xi1> to vector<16xi32>
        %sign3A_372 = arith.constant 0 : i32
        %sign3A_373 = vector.broadcast %sign3A_372 : i32 to vector<16xi32>
        %sign3A_374 = arith.cmpi slt, %add3A_364, %sign3A_373 : vector<16xi32>
        %sign3A_375 = arith.extui %sign3A_374 : vector<16xi1> to vector<16xi32>
        %sign3A_376 = arith.subi %sign3A_371, %sign3A_375 : vector<16xi32>
        %sign3A_377 = arith.constant 0 : i32
        %sign3A_378 = arith.cmpi sgt, %jit3A_365, %sign3A_377 : i32
        %sign3A_379 = arith.extui %sign3A_378 : i1 to i32
        %sign3A_380 = arith.constant 0 : i32
        %sign3A_381 = arith.cmpi slt, %jit3A_365, %sign3A_380 : i32
        %sign3A_382 = arith.extui %sign3A_381 : i1 to i32
        %sign3A_383 = arith.subi %sign3A_379, %sign3A_382 : i32
        %ne3A_384 = vector.broadcast %sign3A_383 : i32 to vector<16xi32>
        %ne3A_385 = arith.cmpi ne, %sign3A_376, %ne3A_384 : vector<16xi32>
        %rem3A_386 = vector.broadcast %jit3A_365 : i32 to vector<16xi32>
        %rem3A_387 = arith.remsi %add3A_364, %rem3A_386 : vector<16xi32>
        %ne3A_388 = arith.constant 0 : i32
        %ne3A_389 = vector.broadcast %ne3A_388 : i32 to vector<16xi32>
        %ne3A_390 = arith.cmpi ne, %rem3A_387, %ne3A_389 : vector<16xi32>
        %and3A_391 = arith.andi %ne3A_385, %ne3A_390 : vector<16xi1>
        %sub3A_392 = arith.constant 1 : i32
        %sub3A_393 = vector.broadcast %sub3A_392 : i32 to vector<16xi32>
        %sub3A_394 = arith.subi %div3A_367, %sub3A_393 : vector<16xi32>
        %select_n3A_395 = arith.select %and3A_391, %sub3A_394, %div3A_367 : vector<16xi1>, vector<16xi32>
        %jit3A_396 = arith.constant 8 : i32
        %eq3A_397 = arith.constant 0 : i32
        %eq3A_398 = arith.cmpi eq, %jit3A_396, %eq3A_397 : i32
        %jit3A_399 = arith.constant 1 : i32
        %select_n3A_400 = arith.select %eq3A_398, %jit3A_399, %jit3A_396 : i32
        %rem3A_401 = vector.broadcast %select_n3A_400 : i32 to vector<16xi32>
        %rem3A_402 = arith.remsi %add3A_364, %rem3A_401 : vector<16xi32>
        %ne3A_403 = arith.constant 0 : i32
        %ne3A_404 = vector.broadcast %ne3A_403 : i32 to vector<16xi32>
        %ne3A_405 = arith.cmpi ne, %rem3A_402, %ne3A_404 : vector<16xi32>
        %lt3A_406 = arith.constant 0 : i32
        %lt3A_407 = vector.broadcast %lt3A_406 : i32 to vector<16xi32>
        %lt3A_408 = arith.cmpi slt, %rem3A_402, %lt3A_407 : vector<16xi32>
        %lt3A_409 = arith.constant 0 : i32
        %lt3A_410 = arith.cmpi slt, %select_n3A_400, %lt3A_409 : i32
        %ne3A_411 = vector.broadcast %lt3A_410 : i1 to vector<16xi1>
        %ne3A_412 = vector.broadcast %ne3A_411 : vector<16xi1> to vector<16xi1>
        %ne3A_413 = arith.xori %lt3A_408, %ne3A_412 : vector<16xi1>
        %and3A_414 = arith.andi %ne3A_413, %ne3A_405 : vector<16xi1>
        %add3A_415 = vector.broadcast %select_n3A_400 : i32 to vector<16xi32>
        %add3A_416 = arith.addi %rem3A_402, %add3A_415 : vector<16xi32>
        %select_n3A_417 = arith.select %and3A_414, %add3A_416, %rem3A_402 : vector<16xi1>, vector<16xi32>
        %add3A_418 = vector.broadcast %mul3A_299 : i32 to vector<16xi32>
        %add3A_419 = arith.addi %add3A_418, %select_n3A_395 : vector<16xi32>
        %gather3A_420 = tpu.vector_load_idx %arg13[%select_n3A_417, %add3A_419] : memref<8x1024xi32, #tpu.memory_space<vmem>>[vector<16xi32>, vector<16xi32>], vector<16xi32>,
        %mul3A_421 = arith.constant 21 : i32
        %mul3A_422 = vector.broadcast %mul3A_421 : i32 to vector<16xi32>
        %mul3A_423 = arith.muli %select_n3A_417, %mul3A_422 : vector<16xi32>
        %add3A_424 = arith.addi %mul3A_423, %gather3A_420 : vector<16xi32>
        %add3A_425 = arith.constant 32 : i32
        %add3A_426 = vector.broadcast %add3A_425 : i32 to vector<16xi32>
        %add3A_427 = arith.addi %add3A_426, %iota3A : vector<16xi32>
        %jit3A_428 = arith.constant 8 : i32
        %div3A_429 = vector.broadcast %jit3A_428 : i32 to vector<16xi32>
        %div3A_430 = arith.divsi %add3A_427, %div3A_429 : vector<16xi32>
        %sign3A_431 = arith.constant 0 : i32
        %sign3A_432 = vector.broadcast %sign3A_431 : i32 to vector<16xi32>
        %sign3A_433 = arith.cmpi sgt, %add3A_427, %sign3A_432 : vector<16xi32>
        %sign3A_434 = arith.extui %sign3A_433 : vector<16xi1> to vector<16xi32>
        %sign3A_435 = arith.constant 0 : i32
        %sign3A_436 = vector.broadcast %sign3A_435 : i32 to vector<16xi32>
        %sign3A_437 = arith.cmpi slt, %add3A_427, %sign3A_436 : vector<16xi32>
        %sign3A_438 = arith.extui %sign3A_437 : vector<16xi1> to vector<16xi32>
        %sign3A_439 = arith.subi %sign3A_434, %sign3A_438 : vector<16xi32>
        %sign3A_440 = arith.constant 0 : i32
        %sign3A_441 = arith.cmpi sgt, %jit3A_428, %sign3A_440 : i32
        %sign3A_442 = arith.extui %sign3A_441 : i1 to i32
        %sign3A_443 = arith.constant 0 : i32
        %sign3A_444 = arith.cmpi slt, %jit3A_428, %sign3A_443 : i32
        %sign3A_445 = arith.extui %sign3A_444 : i1 to i32
        %sign3A_446 = arith.subi %sign3A_442, %sign3A_445 : i32
        %ne3A_447 = vector.broadcast %sign3A_446 : i32 to vector<16xi32>
        %ne3A_448 = arith.cmpi ne, %sign3A_439, %ne3A_447 : vector<16xi32>
        %rem3A_449 = vector.broadcast %jit3A_428 : i32 to vector<16xi32>
        %rem3A_450 = arith.remsi %add3A_427, %rem3A_449 : vector<16xi32>
        %ne3A_451 = arith.constant 0 : i32
        %ne3A_452 = vector.broadcast %ne3A_451 : i32 to vector<16xi32>
        %ne3A_453 = arith.cmpi ne, %rem3A_450, %ne3A_452 : vector<16xi32>
        %and3A_454 = arith.andi %ne3A_448, %ne3A_453 : vector<16xi1>
        %sub3A_455 = arith.constant 1 : i32
        %sub3A_456 = vector.broadcast %sub3A_455 : i32 to vector<16xi32>
        %sub3A_457 = arith.subi %div3A_430, %sub3A_456 : vector<16xi32>
        %select_n3A_458 = arith.select %and3A_454, %sub3A_457, %div3A_430 : vector<16xi1>, vector<16xi32>
        %jit3A_459 = arith.constant 8 : i32
        %eq3A_460 = arith.constant 0 : i32
        %eq3A_461 = arith.cmpi eq, %jit3A_459, %eq3A_460 : i32
        %jit3A_462 = arith.constant 1 : i32
        %select_n3A_463 = arith.select %eq3A_461, %jit3A_462, %jit3A_459 : i32
        %rem3A_464 = vector.broadcast %select_n3A_463 : i32 to vector<16xi32>
        %rem3A_465 = arith.remsi %add3A_427, %rem3A_464 : vector<16xi32>
        %ne3A_466 = arith.constant 0 : i32
        %ne3A_467 = vector.broadcast %ne3A_466 : i32 to vector<16xi32>
        %ne3A_468 = arith.cmpi ne, %rem3A_465, %ne3A_467 : vector<16xi32>
        %lt3A_469 = arith.constant 0 : i32
        %lt3A_470 = vector.broadcast %lt3A_469 : i32 to vector<16xi32>
        %lt3A_471 = arith.cmpi slt, %rem3A_465, %lt3A_470 : vector<16xi32>
        %lt3A_472 = arith.constant 0 : i32
        %lt3A_473 = arith.cmpi slt, %select_n3A_463, %lt3A_472 : i32
        %ne3A_474 = vector.broadcast %lt3A_473 : i1 to vector<16xi1>
        %ne3A_475 = vector.broadcast %ne3A_474 : vector<16xi1> to vector<16xi1>
        %ne3A_476 = arith.xori %lt3A_471, %ne3A_475 : vector<16xi1>
        %and3A_477 = arith.andi %ne3A_476, %ne3A_468 : vector<16xi1>
        %add3A_478 = vector.broadcast %select_n3A_463 : i32 to vector<16xi32>
        %add3A_479 = arith.addi %rem3A_465, %add3A_478 : vector<16xi32>
        %select_n3A_480 = arith.select %and3A_477, %add3A_479, %rem3A_465 : vector<16xi1>, vector<16xi32>
        %add3A_481 = vector.broadcast %mul3A_299 : i32 to vector<16xi32>
        %add3A_482 = arith.addi %add3A_481, %select_n3A_458 : vector<16xi32>
        %gather3A_483 = tpu.vector_load_idx %arg13[%select_n3A_480, %add3A_482] : memref<8x1024xi32, #tpu.memory_space<vmem>>[vector<16xi32>, vector<16xi32>], vector<16xi32>,
        %mul3A_484 = arith.constant 21 : i32
        %mul3A_485 = vector.broadcast %mul3A_484 : i32 to vector<16xi32>
        %mul3A_486 = arith.muli %select_n3A_480, %mul3A_485 : vector<16xi32>
        %add3A_487 = arith.addi %mul3A_486, %gather3A_483 : vector<16xi32>
        %add3A_488 = arith.constant 48 : i32
        %add3A_489 = vector.broadcast %add3A_488 : i32 to vector<16xi32>
        %add3A_490 = arith.addi %add3A_489, %iota3A : vector<16xi32>
        %jit3A_491 = arith.constant 8 : i32
        %div3A_492 = vector.broadcast %jit3A_491 : i32 to vector<16xi32>
        %div3A_493 = arith.divsi %add3A_490, %div3A_492 : vector<16xi32>
        %sign3A_494 = arith.constant 0 : i32
        %sign3A_495 = vector.broadcast %sign3A_494 : i32 to vector<16xi32>
        %sign3A_496 = arith.cmpi sgt, %add3A_490, %sign3A_495 : vector<16xi32>
        %sign3A_497 = arith.extui %sign3A_496 : vector<16xi1> to vector<16xi32>
        %sign3A_498 = arith.constant 0 : i32
        %sign3A_499 = vector.broadcast %sign3A_498 : i32 to vector<16xi32>
        %sign3A_500 = arith.cmpi slt, %add3A_490, %sign3A_499 : vector<16xi32>
        %sign3A_501 = arith.extui %sign3A_500 : vector<16xi1> to vector<16xi32>
        %sign3A_502 = arith.subi %sign3A_497, %sign3A_501 : vector<16xi32>
        %sign3A_503 = arith.constant 0 : i32
        %sign3A_504 = arith.cmpi sgt, %jit3A_491, %sign3A_503 : i32
        %sign3A_505 = arith.extui %sign3A_504 : i1 to i32
        %sign3A_506 = arith.constant 0 : i32
        %sign3A_507 = arith.cmpi slt, %jit3A_491, %sign3A_506 : i32
        %sign3A_508 = arith.extui %sign3A_507 : i1 to i32
        %sign3A_509 = arith.subi %sign3A_505, %sign3A_508 : i32
        %ne3A_510 = vector.broadcast %sign3A_509 : i32 to vector<16xi32>
        %ne3A_511 = arith.cmpi ne, %sign3A_502, %ne3A_510 : vector<16xi32>
        %rem3A_512 = vector.broadcast %jit3A_491 : i32 to vector<16xi32>
        %rem3A_513 = arith.remsi %add3A_490, %rem3A_512 : vector<16xi32>
        %ne3A_514 = arith.constant 0 : i32
        %ne3A_515 = vector.broadcast %ne3A_514 : i32 to vector<16xi32>
        %ne3A_516 = arith.cmpi ne, %rem3A_513, %ne3A_515 : vector<16xi32>
        %and3A_517 = arith.andi %ne3A_511, %ne3A_516 : vector<16xi1>
        %sub3A_518 = arith.constant 1 : i32
        %sub3A_519 = vector.broadcast %sub3A_518 : i32 to vector<16xi32>
        %sub3A_520 = arith.subi %div3A_493, %sub3A_519 : vector<16xi32>
        %select_n3A_521 = arith.select %and3A_517, %sub3A_520, %div3A_493 : vector<16xi1>, vector<16xi32>
        %jit3A_522 = arith.constant 8 : i32
        %eq3A_523 = arith.constant 0 : i32
        %eq3A_524 = arith.cmpi eq, %jit3A_522, %eq3A_523 : i32
        %jit3A_525 = arith.constant 1 : i32
        %select_n3A_526 = arith.select %eq3A_524, %jit3A_525, %jit3A_522 : i32
        %rem3A_527 = vector.broadcast %select_n3A_526 : i32 to vector<16xi32>
        %rem3A_528 = arith.remsi %add3A_490, %rem3A_527 : vector<16xi32>
        %ne3A_529 = arith.constant 0 : i32
        %ne3A_530 = vector.broadcast %ne3A_529 : i32 to vector<16xi32>
        %ne3A_531 = arith.cmpi ne, %rem3A_528, %ne3A_530 : vector<16xi32>
        %lt3A_532 = arith.constant 0 : i32
        %lt3A_533 = vector.broadcast %lt3A_532 : i32 to vector<16xi32>
        %lt3A_534 = arith.cmpi slt, %rem3A_528, %lt3A_533 : vector<16xi32>
        %lt3A_535 = arith.constant 0 : i32
        %lt3A_536 = arith.cmpi slt, %select_n3A_526, %lt3A_535 : i32
        %ne3A_537 = vector.broadcast %lt3A_536 : i1 to vector<16xi1>
        %ne3A_538 = vector.broadcast %ne3A_537 : vector<16xi1> to vector<16xi1>
        %ne3A_539 = arith.xori %lt3A_534, %ne3A_538 : vector<16xi1>
        %and3A_540 = arith.andi %ne3A_539, %ne3A_531 : vector<16xi1>
        %add3A_541 = vector.broadcast %select_n3A_526 : i32 to vector<16xi32>
        %add3A_542 = arith.addi %rem3A_528, %add3A_541 : vector<16xi32>
        %select_n3A_543 = arith.select %and3A_540, %add3A_542, %rem3A_528 : vector<16xi1>, vector<16xi32>
        %add3A_544 = vector.broadcast %mul3A_299 : i32 to vector<16xi32>
        %add3A_545 = arith.addi %add3A_544, %select_n3A_521 : vector<16xi32>
        %gather3A_546 = tpu.vector_load_idx %arg13[%select_n3A_543, %add3A_545] : memref<8x1024xi32, #tpu.memory_space<vmem>>[vector<16xi32>, vector<16xi32>], vector<16xi32>,
        %mul3A_547 = arith.constant 21 : i32
        %mul3A_548 = vector.broadcast %mul3A_547 : i32 to vector<16xi32>
        %mul3A_549 = arith.muli %select_n3A_543, %mul3A_548 : vector<16xi32>
        %add3A_550 = arith.addi %mul3A_549, %gather3A_546 : vector<16xi32>
        %parallel_loop3A = arith.constant 0 : i32
        %parallel_loop3A_551 = arith.constant 256 : i32
        %parallel_loop3A_552 = arith.constant 1 : i32
        scf.for %parallel_loop3A_833 = %parallel_loop3A to %parallel_loop3A_551 step %parallel_loop3A_552  : i32 {
          %parallel_loop3A_834 = vector.broadcast %parallel_loop3A_833 : i32 to vector<16xi32>
          %parallel_loop3A_835 = arith.addi %parallel_loop3A_834, %iota3A : vector<16xi32>
          %parallel_loop3A_836 = arith.constant 255 : i32
          %parallel_loop3A_837 = vector.broadcast %parallel_loop3A_836 : i32 to vector<16xi32>
          %parallel_loop3A_838 = arith.andi %parallel_loop3A_835, %parallel_loop3A_837 : vector<16xi32>
          %parallel_loop3A_839 = tpu.vector_load_idx %arg15[%add3A_361, %parallel_loop3A_838] : memref<176x256xf32, #tpu.memory_space<vmem>>[vector<16xi32>, vector<16xi32>], vector<16xf32>,
          tpu.vector_store_idx %arg16[%select_n3A_333, %select_n3A_355, %parallel_loop3A_838], %parallel_loop3A_839 : memref<8x8x256xf32, #tpu.memory_space<vmem>>[vector<16xi32>, vector<16xi32>, vector<16xi32>], vector<16xf32>,
          %parallel_loop3A_840 = tpu.vector_load_idx %arg15[%add3A_424, %parallel_loop3A_838] : memref<176x256xf32, #tpu.memory_space<vmem>>[vector<16xi32>, vector<16xi32>], vector<16xf32>,
          tpu.vector_store_idx %arg16[%select_n3A_395, %select_n3A_417, %parallel_loop3A_838], %parallel_loop3A_840 : memref<8x8x256xf32, #tpu.memory_space<vmem>>[vector<16xi32>, vector<16xi32>, vector<16xi32>], vector<16xf32>,
          %parallel_loop3A_841 = tpu.vector_load_idx %arg15[%add3A_487, %parallel_loop3A_838] : memref<176x256xf32, #tpu.memory_space<vmem>>[vector<16xi32>, vector<16xi32>], vector<16xf32>,
          tpu.vector_store_idx %arg16[%select_n3A_458, %select_n3A_480, %parallel_loop3A_838], %parallel_loop3A_841 : memref<8x8x256xf32, #tpu.memory_space<vmem>>[vector<16xi32>, vector<16xi32>, vector<16xi32>], vector<16xf32>,
          %parallel_loop3A_842 = tpu.vector_load_idx %arg15[%add3A_550, %parallel_loop3A_838] : memref<176x256xf32, #tpu.memory_space<vmem>>[vector<16xi32>, vector<16xi32>], vector<16xf32>,
          tpu.vector_store_idx %arg16[%select_n3A_521, %select_n3A_543, %parallel_loop3A_838], %parallel_loop3A_842 : memref<8x8x256xf32, #tpu.memory_space<vmem>>[vector<16xi32>, vector<16xi32>, vector<16xi32>], vector<16xf32>,
        } {sc.loop_unroll_factor = 4 : i64, sc.parallel_access}
        %mul3A_553 = arith.constant 8 : i32
        %mul3A_554 = arith.muli %add3A_292, %mul3A_553 : i32
        %dma_start3A = arith.constant 0 : i32
        %dma_start3A_555 = tpu.memref_slice %arg7[%mul3A_554, %multiple_of3A_211, %dma_start3A] : memref<1024x196x256xf32, #tpu.memory_space<hbm>> -> memref<8x8x256xf32, #tpu.memory_space<hbm>>
        %dma_start3A_556 = arith.constant 0 : i32
        %dma_start3A_557 = tpu.memref_slice %arg7[%mul3A_554, %multiple_of3A_211, %dma_start3A_556] : memref<1024x196x256xf32, #tpu.memory_space<hbm>> -> memref<8x8x256xf32, #tpu.memory_space<hbm>>
        tpu.enqueue_dma source(%arg16 : memref<8x8x256xf32, #tpu.memory_space<vmem>>) target(%dma_start3A_557 : memref<8x8x256xf32, #tpu.memory_space<hbm>>) target_semaphore(%arg20 : memref<!tpu.dma_semaphore, #tpu.memory_space<semaphore_mem>>)
        %mul3A_558 = arith.constant 2 : i32
        %mul3A_559 = arith.muli %mul3A_558, %while3A_285 : i32
        %add3A_560 = arith.constant 0 : i32
        %add3A_561 = arith.addi %add3A_560, %mul3A_559 : i32
        %add3A_562 = arith.constant 1 : i32
        %add3A_563 = arith.addi %add3A_561, %add3A_562 : i32
        %gt3A_564 = arith.constant 0 : i32
        %gt3A_565 = arith.cmpi sgt, %while3A_285, %gt3A_564 : i32
        %convert_element_type3A_566 = arith.extui %gt3A_565 : i1 to i32
        %cond3A_567 = arith.constant 0 : i32
        %cond3A_568 = arith.cmpi ne, %convert_element_type3A_566, %cond3A_567 : i32
        scf.if %cond3A_568 {
          %sub3A_833 = arith.constant 2 : i32
          %sub3A_834 = arith.subi %add3A_563, %sub3A_833 : i32
          %mul3A_835 = arith.constant 8 : i32
          %mul3A_836 = arith.muli %sub3A_834, %mul3A_835 : i32
          %dma_wait3A_837 = arith.constant 0 : i32
          %dma_wait3A_838 = tpu.memref_slice %arg7[%mul3A_836, %multiple_of3A_211, %dma_wait3A_837] : memref<1024x196x256xf32, #tpu.memory_space<hbm>> -> memref<8x8x256xf32, #tpu.memory_space<hbm>>
          %dma_wait3A_839 = arith.constant 0 : i32
          %dma_wait3A_840 = tpu.memref_slice %arg7[%mul3A_836, %multiple_of3A_211, %dma_wait3A_839] : memref<1024x196x256xf32, #tpu.memory_space<hbm>> -> memref<8x8x256xf32, #tpu.memory_space<hbm>>
          tpu.wait_dma2 semaphore(%arg21 : memref<!tpu.dma_semaphore, #tpu.memory_space<semaphore_mem>>) src(%arg17 : memref<8x8x256xf32, #tpu.memory_space<vmem>>) dst(%dma_wait3A_840 : memref<8x8x256xf32, #tpu.memory_space<hbm>>)
        } else {
        }
        %mul3A_569 = arith.constant 8 : i32
        %mul3A_570 = arith.muli %add3A_563, %mul3A_569 : i32
        %add3A_571 = arith.constant 0 : i32
        %add3A_572 = vector.broadcast %add3A_571 : i32 to vector<16xi32>
        %add3A_573 = arith.addi %add3A_572, %iota3A : vector<16xi32>
        %jit3A_574 = arith.constant 8 : i32
        %div3A_575 = vector.broadcast %jit3A_574 : i32 to vector<16xi32>
        %div3A_576 = arith.divsi %add3A_573, %div3A_575 : vector<16xi32>
        %sign3A_577 = arith.constant 0 : i32
        %sign3A_578 = vector.broadcast %sign3A_577 : i32 to vector<16xi32>
        %sign3A_579 = arith.cmpi sgt, %add3A_573, %sign3A_578 : vector<16xi32>
        %sign3A_580 = arith.extui %sign3A_579 : vector<16xi1> to vector<16xi32>
        %sign3A_581 = arith.constant 0 : i32
        %sign3A_582 = vector.broadcast %sign3A_581 : i32 to vector<16xi32>
        %sign3A_583 = arith.cmpi slt, %add3A_573, %sign3A_582 : vector<16xi32>
        %sign3A_584 = arith.extui %sign3A_583 : vector<16xi1> to vector<16xi32>
        %sign3A_585 = arith.subi %sign3A_580, %sign3A_584 : vector<16xi32>
        %sign3A_586 = arith.constant 0 : i32
        %sign3A_587 = arith.cmpi sgt, %jit3A_574, %sign3A_586 : i32
        %sign3A_588 = arith.extui %sign3A_587 : i1 to i32
        %sign3A_589 = arith.constant 0 : i32
        %sign3A_590 = arith.cmpi slt, %jit3A_574, %sign3A_589 : i32
        %sign3A_591 = arith.extui %sign3A_590 : i1 to i32
        %sign3A_592 = arith.subi %sign3A_588, %sign3A_591 : i32
        %ne3A_593 = vector.broadcast %sign3A_592 : i32 to vector<16xi32>
        %ne3A_594 = arith.cmpi ne, %sign3A_585, %ne3A_593 : vector<16xi32>
        %rem3A_595 = vector.broadcast %jit3A_574 : i32 to vector<16xi32>
        %rem3A_596 = arith.remsi %add3A_573, %rem3A_595 : vector<16xi32>
        %ne3A_597 = arith.constant 0 : i32
        %ne3A_598 = vector.broadcast %ne3A_597 : i32 to vector<16xi32>
        %ne3A_599 = arith.cmpi ne, %rem3A_596, %ne3A_598 : vector<16xi32>
        %and3A_600 = arith.andi %ne3A_594, %ne3A_599 : vector<16xi1>
        %sub3A_601 = arith.constant 1 : i32
        %sub3A_602 = vector.broadcast %sub3A_601 : i32 to vector<16xi32>
        %sub3A_603 = arith.subi %div3A_576, %sub3A_602 : vector<16xi32>
        %select_n3A_604 = arith.select %and3A_600, %sub3A_603, %div3A_576 : vector<16xi1>, vector<16xi32>
        %jit3A_605 = arith.constant 8 : i32
        %eq3A_606 = arith.constant 0 : i32
        %eq3A_607 = arith.cmpi eq, %jit3A_605, %eq3A_606 : i32
        %jit3A_608 = arith.constant 1 : i32
        %select_n3A_609 = arith.select %eq3A_607, %jit3A_608, %jit3A_605 : i32
        %rem3A_610 = vector.broadcast %select_n3A_609 : i32 to vector<16xi32>
        %rem3A_611 = arith.remsi %add3A_573, %rem3A_610 : vector<16xi32>
        %ne3A_612 = arith.constant 0 : i32
        %ne3A_613 = vector.broadcast %ne3A_612 : i32 to vector<16xi32>
        %ne3A_614 = arith.cmpi ne, %rem3A_611, %ne3A_613 : vector<16xi32>
        %lt3A_615 = arith.constant 0 : i32
        %lt3A_616 = vector.broadcast %lt3A_615 : i32 to vector<16xi32>
        %lt3A_617 = arith.cmpi slt, %rem3A_611, %lt3A_616 : vector<16xi32>
        %lt3A_618 = arith.constant 0 : i32
        %lt3A_619 = arith.cmpi slt, %select_n3A_609, %lt3A_618 : i32
        %ne3A_620 = vector.broadcast %lt3A_619 : i1 to vector<16xi1>
        %ne3A_621 = vector.broadcast %ne3A_620 : vector<16xi1> to vector<16xi1>
        %ne3A_622 = arith.xori %lt3A_617, %ne3A_621 : vector<16xi1>
        %and3A_623 = arith.andi %ne3A_622, %ne3A_614 : vector<16xi1>
        %add3A_624 = vector.broadcast %select_n3A_609 : i32 to vector<16xi32>
        %add3A_625 = arith.addi %rem3A_611, %add3A_624 : vector<16xi32>
        %select_n3A_626 = arith.select %and3A_623, %add3A_625, %rem3A_611 : vector<16xi1>, vector<16xi32>
        %add3A_627 = vector.broadcast %mul3A_570 : i32 to vector<16xi32>
        %add3A_628 = arith.addi %add3A_627, %select_n3A_604 : vector<16xi32>
        %gather3A_629 = tpu.vector_load_idx %arg13[%select_n3A_626, %add3A_628] : memref<8x1024xi32, #tpu.memory_space<vmem>>[vector<16xi32>, vector<16xi32>], vector<16xi32>,
        %mul3A_630 = arith.constant 21 : i32
        %mul3A_631 = vector.broadcast %mul3A_630 : i32 to vector<16xi32>
        %mul3A_632 = arith.muli %select_n3A_626, %mul3A_631 : vector<16xi32>
        %add3A_633 = arith.addi %mul3A_632, %gather3A_629 : vector<16xi32>
        %add3A_634 = arith.constant 16 : i32
        %add3A_635 = vector.broadcast %add3A_634 : i32 to vector<16xi32>
        %add3A_636 = arith.addi %add3A_635, %iota3A : vector<16xi32>
        %jit3A_637 = arith.constant 8 : i32
        %div3A_638 = vector.broadcast %jit3A_637 : i32 to vector<16xi32>
        %div3A_639 = arith.divsi %add3A_636, %div3A_638 : vector<16xi32>
        %sign3A_640 = arith.constant 0 : i32
        %sign3A_641 = vector.broadcast %sign3A_640 : i32 to vector<16xi32>
        %sign3A_642 = arith.cmpi sgt, %add3A_636, %sign3A_641 : vector<16xi32>
        %sign3A_643 = arith.extui %sign3A_642 : vector<16xi1> to vector<16xi32>
        %sign3A_644 = arith.constant 0 : i32
        %sign3A_645 = vector.broadcast %sign3A_644 : i32 to vector<16xi32>
        %sign3A_646 = arith.cmpi slt, %add3A_636, %sign3A_645 : vector<16xi32>
        %sign3A_647 = arith.extui %sign3A_646 : vector<16xi1> to vector<16xi32>
        %sign3A_648 = arith.subi %sign3A_643, %sign3A_647 : vector<16xi32>
        %sign3A_649 = arith.constant 0 : i32
        %sign3A_650 = arith.cmpi sgt, %jit3A_637, %sign3A_649 : i32
        %sign3A_651 = arith.extui %sign3A_650 : i1 to i32
        %sign3A_652 = arith.constant 0 : i32
        %sign3A_653 = arith.cmpi slt, %jit3A_637, %sign3A_652 : i32
        %sign3A_654 = arith.extui %sign3A_653 : i1 to i32
        %sign3A_655 = arith.subi %sign3A_651, %sign3A_654 : i32
        %ne3A_656 = vector.broadcast %sign3A_655 : i32 to vector<16xi32>
        %ne3A_657 = arith.cmpi ne, %sign3A_648, %ne3A_656 : vector<16xi32>
        %rem3A_658 = vector.broadcast %jit3A_637 : i32 to vector<16xi32>
        %rem3A_659 = arith.remsi %add3A_636, %rem3A_658 : vector<16xi32>
        %ne3A_660 = arith.constant 0 : i32
        %ne3A_661 = vector.broadcast %ne3A_660 : i32 to vector<16xi32>
        %ne3A_662 = arith.cmpi ne, %rem3A_659, %ne3A_661 : vector<16xi32>
        %and3A_663 = arith.andi %ne3A_657, %ne3A_662 : vector<16xi1>
        %sub3A_664 = arith.constant 1 : i32
        %sub3A_665 = vector.broadcast %sub3A_664 : i32 to vector<16xi32>
        %sub3A_666 = arith.subi %div3A_639, %sub3A_665 : vector<16xi32>
        %select_n3A_667 = arith.select %and3A_663, %sub3A_666, %div3A_639 : vector<16xi1>, vector<16xi32>
        %jit3A_668 = arith.constant 8 : i32
        %eq3A_669 = arith.constant 0 : i32
        %eq3A_670 = arith.cmpi eq, %jit3A_668, %eq3A_669 : i32
        %jit3A_671 = arith.constant 1 : i32
        %select_n3A_672 = arith.select %eq3A_670, %jit3A_671, %jit3A_668 : i32
        %rem3A_673 = vector.broadcast %select_n3A_672 : i32 to vector<16xi32>
        %rem3A_674 = arith.remsi %add3A_636, %rem3A_673 : vector<16xi32>
        %ne3A_675 = arith.constant 0 : i32
        %ne3A_676 = vector.broadcast %ne3A_675 : i32 to vector<16xi32>
        %ne3A_677 = arith.cmpi ne, %rem3A_674, %ne3A_676 : vector<16xi32>
        %lt3A_678 = arith.constant 0 : i32
        %lt3A_679 = vector.broadcast %lt3A_678 : i32 to vector<16xi32>
        %lt3A_680 = arith.cmpi slt, %rem3A_674, %lt3A_679 : vector<16xi32>
        %lt3A_681 = arith.constant 0 : i32
        %lt3A_682 = arith.cmpi slt, %select_n3A_672, %lt3A_681 : i32
        %ne3A_683 = vector.broadcast %lt3A_682 : i1 to vector<16xi1>
        %ne3A_684 = vector.broadcast %ne3A_683 : vector<16xi1> to vector<16xi1>
        %ne3A_685 = arith.xori %lt3A_680, %ne3A_684 : vector<16xi1>
        %and3A_686 = arith.andi %ne3A_685, %ne3A_677 : vector<16xi1>
        %add3A_687 = vector.broadcast %select_n3A_672 : i32 to vector<16xi32>
        %add3A_688 = arith.addi %rem3A_674, %add3A_687 : vector<16xi32>
        %select_n3A_689 = arith.select %and3A_686, %add3A_688, %rem3A_674 : vector<16xi1>, vector<16xi32>
        %add3A_690 = vector.broadcast %mul3A_570 : i32 to vector<16xi32>
        %add3A_691 = arith.addi %add3A_690, %select_n3A_667 : vector<16xi32>
        %gather3A_692 = tpu.vector_load_idx %arg13[%select_n3A_689, %add3A_691] : memref<8x1024xi32, #tpu.memory_space<vmem>>[vector<16xi32>, vector<16xi32>], vector<16xi32>,
        %mul3A_693 = arith.constant 21 : i32
        %mul3A_694 = vector.broadcast %mul3A_693 : i32 to vector<16xi32>
        %mul3A_695 = arith.muli %select_n3A_689, %mul3A_694 : vector<16xi32>
        %add3A_696 = arith.addi %mul3A_695, %gather3A_692 : vector<16xi32>
        %add3A_697 = arith.constant 32 : i32
        %add3A_698 = vector.broadcast %add3A_697 : i32 to vector<16xi32>
        %add3A_699 = arith.addi %add3A_698, %iota3A : vector<16xi32>
        %jit3A_700 = arith.constant 8 : i32
        %div3A_701 = vector.broadcast %jit3A_700 : i32 to vector<16xi32>
        %div3A_702 = arith.divsi %add3A_699, %div3A_701 : vector<16xi32>
        %sign3A_703 = arith.constant 0 : i32
        %sign3A_704 = vector.broadcast %sign3A_703 : i32 to vector<16xi32>
        %sign3A_705 = arith.cmpi sgt, %add3A_699, %sign3A_704 : vector<16xi32>
        %sign3A_706 = arith.extui %sign3A_705 : vector<16xi1> to vector<16xi32>
        %sign3A_707 = arith.constant 0 : i32
        %sign3A_708 = vector.broadcast %sign3A_707 : i32 to vector<16xi32>
        %sign3A_709 = arith.cmpi slt, %add3A_699, %sign3A_708 : vector<16xi32>
        %sign3A_710 = arith.extui %sign3A_709 : vector<16xi1> to vector<16xi32>
        %sign3A_711 = arith.subi %sign3A_706, %sign3A_710 : vector<16xi32>
        %sign3A_712 = arith.constant 0 : i32
        %sign3A_713 = arith.cmpi sgt, %jit3A_700, %sign3A_712 : i32
        %sign3A_714 = arith.extui %sign3A_713 : i1 to i32
        %sign3A_715 = arith.constant 0 : i32
        %sign3A_716 = arith.cmpi slt, %jit3A_700, %sign3A_715 : i32
        %sign3A_717 = arith.extui %sign3A_716 : i1 to i32
        %sign3A_718 = arith.subi %sign3A_714, %sign3A_717 : i32
        %ne3A_719 = vector.broadcast %sign3A_718 : i32 to vector<16xi32>
        %ne3A_720 = arith.cmpi ne, %sign3A_711, %ne3A_719 : vector<16xi32>
        %rem3A_721 = vector.broadcast %jit3A_700 : i32 to vector<16xi32>
        %rem3A_722 = arith.remsi %add3A_699, %rem3A_721 : vector<16xi32>
        %ne3A_723 = arith.constant 0 : i32
        %ne3A_724 = vector.broadcast %ne3A_723 : i32 to vector<16xi32>
        %ne3A_725 = arith.cmpi ne, %rem3A_722, %ne3A_724 : vector<16xi32>
        %and3A_726 = arith.andi %ne3A_720, %ne3A_725 : vector<16xi1>
        %sub3A_727 = arith.constant 1 : i32
        %sub3A_728 = vector.broadcast %sub3A_727 : i32 to vector<16xi32>
        %sub3A_729 = arith.subi %div3A_702, %sub3A_728 : vector<16xi32>
        %select_n3A_730 = arith.select %and3A_726, %sub3A_729, %div3A_702 : vector<16xi1>, vector<16xi32>
        %jit3A_731 = arith.constant 8 : i32
        %eq3A_732 = arith.constant 0 : i32
        %eq3A_733 = arith.cmpi eq, %jit3A_731, %eq3A_732 : i32
        %jit3A_734 = arith.constant 1 : i32
        %select_n3A_735 = arith.select %eq3A_733, %jit3A_734, %jit3A_731 : i32
        %rem3A_736 = vector.broadcast %select_n3A_735 : i32 to vector<16xi32>
        %rem3A_737 = arith.remsi %add3A_699, %rem3A_736 : vector<16xi32>
        %ne3A_738 = arith.constant 0 : i32
        %ne3A_739 = vector.broadcast %ne3A_738 : i32 to vector<16xi32>
        %ne3A_740 = arith.cmpi ne, %rem3A_737, %ne3A_739 : vector<16xi32>
        %lt3A_741 = arith.constant 0 : i32
        %lt3A_742 = vector.broadcast %lt3A_741 : i32 to vector<16xi32>
        %lt3A_743 = arith.cmpi slt, %rem3A_737, %lt3A_742 : vector<16xi32>
        %lt3A_744 = arith.constant 0 : i32
        %lt3A_745 = arith.cmpi slt, %select_n3A_735, %lt3A_744 : i32
        %ne3A_746 = vector.broadcast %lt3A_745 : i1 to vector<16xi1>
        %ne3A_747 = vector.broadcast %ne3A_746 : vector<16xi1> to vector<16xi1>
        %ne3A_748 = arith.xori %lt3A_743, %ne3A_747 : vector<16xi1>
        %and3A_749 = arith.andi %ne3A_748, %ne3A_740 : vector<16xi1>
        %add3A_750 = vector.broadcast %select_n3A_735 : i32 to vector<16xi32>
        %add3A_751 = arith.addi %rem3A_737, %add3A_750 : vector<16xi32>
        %select_n3A_752 = arith.select %and3A_749, %add3A_751, %rem3A_737 : vector<16xi1>, vector<16xi32>
        %add3A_753 = vector.broadcast %mul3A_570 : i32 to vector<16xi32>
        %add3A_754 = arith.addi %add3A_753, %select_n3A_730 : vector<16xi32>
        %gather3A_755 = tpu.vector_load_idx %arg13[%select_n3A_752, %add3A_754] : memref<8x1024xi32, #tpu.memory_space<vmem>>[vector<16xi32>, vector<16xi32>], vector<16xi32>,
        %mul3A_756 = arith.constant 21 : i32
        %mul3A_757 = vector.broadcast %mul3A_756 : i32 to vector<16xi32>
        %mul3A_758 = arith.muli %select_n3A_752, %mul3A_757 : vector<16xi32>
        %add3A_759 = arith.addi %mul3A_758, %gather3A_755 : vector<16xi32>
        %add3A_760 = arith.constant 48 : i32
        %add3A_761 = vector.broadcast %add3A_760 : i32 to vector<16xi32>
        %add3A_762 = arith.addi %add3A_761, %iota3A : vector<16xi32>
        %jit3A_763 = arith.constant 8 : i32
        %div3A_764 = vector.broadcast %jit3A_763 : i32 to vector<16xi32>
        %div3A_765 = arith.divsi %add3A_762, %div3A_764 : vector<16xi32>
        %sign3A_766 = arith.constant 0 : i32
        %sign3A_767 = vector.broadcast %sign3A_766 : i32 to vector<16xi32>
        %sign3A_768 = arith.cmpi sgt, %add3A_762, %sign3A_767 : vector<16xi32>
        %sign3A_769 = arith.extui %sign3A_768 : vector<16xi1> to vector<16xi32>
        %sign3A_770 = arith.constant 0 : i32
        %sign3A_771 = vector.broadcast %sign3A_770 : i32 to vector<16xi32>
        %sign3A_772 = arith.cmpi slt, %add3A_762, %sign3A_771 : vector<16xi32>
        %sign3A_773 = arith.extui %sign3A_772 : vector<16xi1> to vector<16xi32>
        %sign3A_774 = arith.subi %sign3A_769, %sign3A_773 : vector<16xi32>
        %sign3A_775 = arith.constant 0 : i32
        %sign3A_776 = arith.cmpi sgt, %jit3A_763, %sign3A_775 : i32
        %sign3A_777 = arith.extui %sign3A_776 : i1 to i32
        %sign3A_778 = arith.constant 0 : i32
        %sign3A_779 = arith.cmpi slt, %jit3A_763, %sign3A_778 : i32
        %sign3A_780 = arith.extui %sign3A_779 : i1 to i32
        %sign3A_781 = arith.subi %sign3A_777, %sign3A_780 : i32
        %ne3A_782 = vector.broadcast %sign3A_781 : i32 to vector<16xi32>
        %ne3A_783 = arith.cmpi ne, %sign3A_774, %ne3A_782 : vector<16xi32>
        %rem3A_784 = vector.broadcast %jit3A_763 : i32 to vector<16xi32>
        %rem3A_785 = arith.remsi %add3A_762, %rem3A_784 : vector<16xi32>
        %ne3A_786 = arith.constant 0 : i32
        %ne3A_787 = vector.broadcast %ne3A_786 : i32 to vector<16xi32>
        %ne3A_788 = arith.cmpi ne, %rem3A_785, %ne3A_787 : vector<16xi32>
        %and3A_789 = arith.andi %ne3A_783, %ne3A_788 : vector<16xi1>
        %sub3A_790 = arith.constant 1 : i32
        %sub3A_791 = vector.broadcast %sub3A_790 : i32 to vector<16xi32>
        %sub3A_792 = arith.subi %div3A_765, %sub3A_791 : vector<16xi32>
        %select_n3A_793 = arith.select %and3A_789, %sub3A_792, %div3A_765 : vector<16xi1>, vector<16xi32>
        %jit3A_794 = arith.constant 8 : i32
        %eq3A_795 = arith.constant 0 : i32
        %eq3A_796 = arith.cmpi eq, %jit3A_794, %eq3A_795 : i32
        %jit3A_797 = arith.constant 1 : i32
        %select_n3A_798 = arith.select %eq3A_796, %jit3A_797, %jit3A_794 : i32
        %rem3A_799 = vector.broadcast %select_n3A_798 : i32 to vector<16xi32>
        %rem3A_800 = arith.remsi %add3A_762, %rem3A_799 : vector<16xi32>
        %ne3A_801 = arith.constant 0 : i32
        %ne3A_802 = vector.broadcast %ne3A_801 : i32 to vector<16xi32>
        %ne3A_803 = arith.cmpi ne, %rem3A_800, %ne3A_802 : vector<16xi32>
        %lt3A_804 = arith.constant 0 : i32
        %lt3A_805 = vector.broadcast %lt3A_804 : i32 to vector<16xi32>
        %lt3A_806 = arith.cmpi slt, %rem3A_800, %lt3A_805 : vector<16xi32>
        %lt3A_807 = arith.constant 0 : i32
        %lt3A_808 = arith.cmpi slt, %select_n3A_798, %lt3A_807 : i32
        %ne3A_809 = vector.broadcast %lt3A_808 : i1 to vector<16xi1>
        %ne3A_810 = vector.broadcast %ne3A_809 : vector<16xi1> to vector<16xi1>
        %ne3A_811 = arith.xori %lt3A_806, %ne3A_810 : vector<16xi1>
        %and3A_812 = arith.andi %ne3A_811, %ne3A_803 : vector<16xi1>
        %add3A_813 = vector.broadcast %select_n3A_798 : i32 to vector<16xi32>
        %add3A_814 = arith.addi %rem3A_800, %add3A_813 : vector<16xi32>
        %select_n3A_815 = arith.select %and3A_812, %add3A_814, %rem3A_800 : vector<16xi1>, vector<16xi32>
        %add3A_816 = vector.broadcast %mul3A_570 : i32 to vector<16xi32>
        %add3A_817 = arith.addi %add3A_816, %select_n3A_793 : vector<16xi32>
        %gather3A_818 = tpu.vector_load_idx %arg13[%select_n3A_815, %add3A_817] : memref<8x1024xi32, #tpu.memory_space<vmem>>[vector<16xi32>, vector<16xi32>], vector<16xi32>,
        %mul3A_819 = arith.constant 21 : i32
        %mul3A_820 = vector.broadcast %mul3A_819 : i32 to vector<16xi32>
        %mul3A_821 = arith.muli %select_n3A_815, %mul3A_820 : vector<16xi32>
        %add3A_822 = arith.addi %mul3A_821, %gather3A_818 : vector<16xi32>
        %parallel_loop3A_823 = arith.constant 0 : i32
        %parallel_loop3A_824 = arith.constant 256 : i32
        %parallel_loop3A_825 = arith.constant 1 : i32
        scf.for %parallel_loop3A_833 = %parallel_loop3A_823 to %parallel_loop3A_824 step %parallel_loop3A_825  : i32 {
          %parallel_loop3A_834 = vector.broadcast %parallel_loop3A_833 : i32 to vector<16xi32>
          %parallel_loop3A_835 = arith.addi %parallel_loop3A_834, %iota3A : vector<16xi32>
          %parallel_loop3A_836 = arith.constant 255 : i32
          %parallel_loop3A_837 = vector.broadcast %parallel_loop3A_836 : i32 to vector<16xi32>
          %parallel_loop3A_838 = arith.andi %parallel_loop3A_835, %parallel_loop3A_837 : vector<16xi32>
          %parallel_loop3A_839 = tpu.vector_load_idx %arg15[%add3A_633, %parallel_loop3A_838] : memref<176x256xf32, #tpu.memory_space<vmem>>[vector<16xi32>, vector<16xi32>], vector<16xf32>,
          tpu.vector_store_idx %arg17[%select_n3A_604, %select_n3A_626, %parallel_loop3A_838], %parallel_loop3A_839 : memref<8x8x256xf32, #tpu.memory_space<vmem>>[vector<16xi32>, vector<16xi32>, vector<16xi32>], vector<16xf32>,
          %parallel_loop3A_840 = tpu.vector_load_idx %arg15[%add3A_696, %parallel_loop3A_838] : memref<176x256xf32, #tpu.memory_space<vmem>>[vector<16xi32>, vector<16xi32>], vector<16xf32>,
          tpu.vector_store_idx %arg17[%select_n3A_667, %select_n3A_689, %parallel_loop3A_838], %parallel_loop3A_840 : memref<8x8x256xf32, #tpu.memory_space<vmem>>[vector<16xi32>, vector<16xi32>, vector<16xi32>], vector<16xf32>,
          %parallel_loop3A_841 = tpu.vector_load_idx %arg15[%add3A_759, %parallel_loop3A_838] : memref<176x256xf32, #tpu.memory_space<vmem>>[vector<16xi32>, vector<16xi32>], vector<16xf32>,
          tpu.vector_store_idx %arg17[%select_n3A_730, %select_n3A_752, %parallel_loop3A_838], %parallel_loop3A_841 : memref<8x8x256xf32, #tpu.memory_space<vmem>>[vector<16xi32>, vector<16xi32>, vector<16xi32>], vector<16xf32>,
          %parallel_loop3A_842 = tpu.vector_load_idx %arg15[%add3A_822, %parallel_loop3A_838] : memref<176x256xf32, #tpu.memory_space<vmem>>[vector<16xi32>, vector<16xi32>], vector<16xf32>,
          tpu.vector_store_idx %arg17[%select_n3A_793, %select_n3A_815, %parallel_loop3A_838], %parallel_loop3A_842 : memref<8x8x256xf32, #tpu.memory_space<vmem>>[vector<16xi32>, vector<16xi32>, vector<16xi32>], vector<16xf32>,
        } {sc.loop_unroll_factor = 4 : i64, sc.parallel_access}
        %mul3A_826 = arith.constant 8 : i32
        %mul3A_827 = arith.muli %add3A_563, %mul3A_826 : i32
        %dma_start3A_828 = arith.constant 0 : i32
        %dma_start3A_829 = tpu.memref_slice %arg7[%mul3A_827, %multiple_of3A_211, %dma_start3A_828] : memref<1024x196x256xf32, #tpu.memory_space<hbm>> -> memref<8x8x256xf32, #tpu.memory_space<hbm>>
        %dma_start3A_830 = arith.constant 0 : i32
        %dma_start3A_831 = tpu.memref_slice %arg7[%mul3A_827, %multiple_of3A_211, %dma_start3A_830] : memref<1024x196x256xf32, #tpu.memory_space<hbm>> -> memref<8x8x256xf32, #tpu.memory_space<hbm>>
        tpu.enqueue_dma source(%arg17 : memref<8x8x256xf32, #tpu.memory_space<vmem>>) target(%dma_start3A_831 : memref<8x8x256xf32, #tpu.memory_space<hbm>>) target_semaphore(%arg21 : memref<!tpu.dma_semaphore, #tpu.memory_space<semaphore_mem>>)
        %while3A_832 = arith.constant 0 : i32
        scf.yield %while3A_832 : i32
      }
      %mul3A_257 = arith.constant 2 : i32
      %mul3A_258 = arith.muli %select_n3A_244, %mul3A_257 : i32
      %add3A_259 = arith.constant 0 : i32
      %add3A_260 = arith.addi %add3A_259, %mul3A_258 : i32
      %sub3A_261 = arith.constant 2 : i32
      %sub3A_262 = arith.subi %add3A_260, %sub3A_261 : i32
      %add3A_263 = arith.constant 0 : i32
      %add3A_264 = arith.addi %sub3A_262, %add3A_263 : i32
      %mul3A_265 = arith.constant 8 : i32
      %mul3A_266 = arith.muli %add3A_264, %mul3A_265 : i32
      %dma_wait3A_267 = arith.constant 0 : i32
      %dma_wait3A_268 = tpu.memref_slice %arg7[%mul3A_266, %multiple_of3A_211, %dma_wait3A_267] : memref<1024x196x256xf32, #tpu.memory_space<hbm>> -> memref<8x8x256xf32, #tpu.memory_space<hbm>>
      %dma_wait3A_269 = arith.constant 0 : i32
      %dma_wait3A_270 = tpu.memref_slice %arg7[%mul3A_266, %multiple_of3A_211, %dma_wait3A_269] : memref<1024x196x256xf32, #tpu.memory_space<hbm>> -> memref<8x8x256xf32, #tpu.memory_space<hbm>>
      tpu.wait_dma2 semaphore(%arg20 : memref<!tpu.dma_semaphore, #tpu.memory_space<semaphore_mem>>) src(%arg16 : memref<8x8x256xf32, #tpu.memory_space<vmem>>) dst(%dma_wait3A_270 : memref<8x8x256xf32, #tpu.memory_space<hbm>>)
      %mul3A_271 = arith.constant 2 : i32
      %mul3A_272 = arith.muli %select_n3A_244, %mul3A_271 : i32
      %add3A_273 = arith.constant 0 : i32
      %add3A_274 = arith.addi %add3A_273, %mul3A_272 : i32
      %sub3A_275 = arith.constant 2 : i32
      %sub3A_276 = arith.subi %add3A_274, %sub3A_275 : i32
      %add3A_277 = arith.constant 1 : i32
      %add3A_278 = arith.addi %sub3A_276, %add3A_277 : i32
      %mul3A_279 = arith.constant 8 : i32
      %mul3A_280 = arith.muli %add3A_278, %mul3A_279 : i32
      %dma_wait3A_281 = arith.constant 0 : i32
      %dma_wait3A_282 = tpu.memref_slice %arg7[%mul3A_280, %multiple_of3A_211, %dma_wait3A_281] : memref<1024x196x256xf32, #tpu.memory_space<hbm>> -> memref<8x8x256xf32, #tpu.memory_space<hbm>>
      %dma_wait3A_283 = arith.constant 0 : i32
      %dma_wait3A_284 = tpu.memref_slice %arg7[%mul3A_280, %multiple_of3A_211, %dma_wait3A_283] : memref<1024x196x256xf32, #tpu.memory_space<hbm>> -> memref<8x8x256xf32, #tpu.memory_space<hbm>>
      tpu.wait_dma2 semaphore(%arg21 : memref<!tpu.dma_semaphore, #tpu.memory_space<semaphore_mem>>) src(%arg17 : memref<8x8x256xf32, #tpu.memory_space<vmem>>) dst(%dma_wait3A_284 : memref<8x8x256xf32, #tpu.memory_space<hbm>>)
    } else {
    }
    %eq3A = arith.constant 24 : i32
    %eq3A_177 = arith.cmpi eq, %add3A_173, %eq3A : i32
    %and3A_178 = arith.andi %gt3A, %eq3A_177 : i1
    %convert_element_type3A_179 = arith.extui %and3A_178 : i1 to i32
    %cond3A_180 = arith.constant 0 : i32
    %cond3A_181 = arith.cmpi ne, %convert_element_type3A_179, %cond3A_180 : i32
    scf.if %cond3A_181 {
      %multiple_of3A_182 = arith.constant 192 : i32
      %multiple_of3A_183 = tpu.assume_multiple %multiple_of3A_182, 8 : i32
      "tpu.region"() ({
        %run_scoped3A = tpu.sem_alloc : memref<!tpu.dma_semaphore, #tpu.memory_space<semaphore_mem>>
        %dma_start3A = arith.constant 0 : i32
        %dma_start3A_210 = tpu.memref_slice %arg4[%multiple_of3A_183, %dma_start3A] : memref<196x256xf32, #tpu.memory_space<hbm>> -> memref<4x256xf32, #tpu.memory_space<hbm>>
        %dma_start3A_211 = arith.constant 0 : i32
        %dma_start3A_212 = tpu.memref_slice %arg4[%multiple_of3A_183, %dma_start3A_211] : memref<196x256xf32, #tpu.memory_space<hbm>> -> memref<4x256xf32, #tpu.memory_space<hbm>>
        tpu.enqueue_dma source(%dma_start3A_212 : memref<4x256xf32, #tpu.memory_space<hbm>>) target(%arg10 : memref<4x256xf32, #tpu.memory_space<vmem>>) target_semaphore(%run_scoped3A : memref<!tpu.dma_semaphore, #tpu.memory_space<semaphore_mem>>)
        %dma_wait3A_213 = arith.constant 0 : i32
        %dma_wait3A_214 = tpu.memref_slice %arg4[%multiple_of3A_183, %dma_wait3A_213] : memref<196x256xf32, #tpu.memory_space<hbm>> -> memref<4x256xf32, #tpu.memory_space<hbm>>
        %dma_wait3A_215 = arith.constant 0 : i32
        %dma_wait3A_216 = tpu.memref_slice %arg4[%multiple_of3A_183, %dma_wait3A_215] : memref<196x256xf32, #tpu.memory_space<hbm>> -> memref<4x256xf32, #tpu.memory_space<hbm>>
        tpu.wait_dma2 semaphore(%run_scoped3A : memref<!tpu.dma_semaphore, #tpu.memory_space<semaphore_mem>>) src(%dma_wait3A_216 : memref<4x256xf32, #tpu.memory_space<hbm>>) dst(%arg10 : memref<4x256xf32, #tpu.memory_space<vmem>>)
        tpu.yield
      }) : () -> ()
      "tpu.region"() ({
        %run_scoped3A = tpu.sem_alloc : memref<!tpu.dma_semaphore, #tpu.memory_space<semaphore_mem>>
        %dma_start3A = arith.constant 0 : i32
        %dma_start3A_210 = tpu.memref_slice %arg2[%multiple_of3A_183, %dma_start3A] : memref<196x1024xi32, #tpu.memory_space<hbm>> -> memref<4x1024xi32, #tpu.memory_space<hbm>>
        %dma_start3A_211 = arith.constant 0 : i32
        %dma_start3A_212 = tpu.memref_slice %arg2[%multiple_of3A_183, %dma_start3A_211] : memref<196x1024xi32, #tpu.memory_space<hbm>> -> memref<4x1024xi32, #tpu.memory_space<hbm>>
        tpu.enqueue_dma source(%dma_start3A_212 : memref<4x1024xi32, #tpu.memory_space<hbm>>) target(%arg14 : memref<4x1024xi32, #tpu.memory_space<vmem>>) target_semaphore(%run_scoped3A : memref<!tpu.dma_semaphore, #tpu.memory_space<semaphore_mem>>)
        %dma_wait3A_213 = arith.constant 0 : i32
        %dma_wait3A_214 = tpu.memref_slice %arg2[%multiple_of3A_183, %dma_wait3A_213] : memref<196x1024xi32, #tpu.memory_space<hbm>> -> memref<4x1024xi32, #tpu.memory_space<hbm>>
        %dma_wait3A_215 = arith.constant 0 : i32
        %dma_wait3A_216 = tpu.memref_slice %arg2[%multiple_of3A_183, %dma_wait3A_215] : memref<196x1024xi32, #tpu.memory_space<hbm>> -> memref<4x1024xi32, #tpu.memory_space<hbm>>
        tpu.wait_dma2 semaphore(%run_scoped3A : memref<!tpu.dma_semaphore, #tpu.memory_space<semaphore_mem>>) src(%dma_wait3A_216 : memref<4x1024xi32, #tpu.memory_space<hbm>>) dst(%arg14 : memref<4x1024xi32, #tpu.memory_space<vmem>>)
        tpu.yield
      }) : () -> ()
      %scan3A_184 = arith.constant 0 : i32
      %scan3A_185 = arith.constant 0 : i32
      %scan3A_186 = arith.constant 6 : i32
      %scan3A_187 = arith.addi %scan3A_185, %scan3A_186 : i32
      %scan3A_188 = arith.constant 1 : i32
      %scan3A_189 = scf.for %scan3A_210 = %scan3A_185 to %scan3A_187 step %scan3A_188 iter_args(%scan3A_211 = %scan3A_184) -> (i32)  : i32 {
        %mul3A_212 = arith.constant 16 : i32
        %mul3A_213 = arith.muli %scan3A_210, %mul3A_212 : i32
        %add3A_214 = vector.broadcast %mul3A_213 : i32 to vector<16xi32>
        %add3A_215 = arith.addi %add3A_214, %iota3A : vector<16xi32>
        %min3A_216 = arith.constant 83 : i32
        %min3A_217 = vector.broadcast %min3A_216 : i32 to vector<16xi32>
        %min3A_218 = arith.minsi %add3A_215, %min3A_217 : vector<16xi32>
        %jit3A_219 = arith.constant 21 : i32
        %div3A_220 = vector.broadcast %jit3A_219 : i32 to vector<16xi32>
        %div3A_221 = arith.divsi %min3A_218, %div3A_220 : vector<16xi32>
        %sign3A_222 = arith.constant 0 : i32
        %sign3A_223 = vector.broadcast %sign3A_222 : i32 to vector<16xi32>
        %sign3A_224 = arith.cmpi sgt, %min3A_218, %sign3A_223 : vector<16xi32>
        %sign3A_225 = arith.extui %sign3A_224 : vector<16xi1> to vector<16xi32>
        %sign3A_226 = arith.constant 0 : i32
        %sign3A_227 = vector.broadcast %sign3A_226 : i32 to vector<16xi32>
        %sign3A_228 = arith.cmpi slt, %min3A_218, %sign3A_227 : vector<16xi32>
        %sign3A_229 = arith.extui %sign3A_228 : vector<16xi1> to vector<16xi32>
        %sign3A_230 = arith.subi %sign3A_225, %sign3A_229 : vector<16xi32>
        %sign3A_231 = arith.constant 0 : i32
        %sign3A_232 = arith.cmpi sgt, %jit3A_219, %sign3A_231 : i32
        %sign3A_233 = arith.extui %sign3A_232 : i1 to i32
        %sign3A_234 = arith.constant 0 : i32
        %sign3A_235 = arith.cmpi slt, %jit3A_219, %sign3A_234 : i32
        %sign3A_236 = arith.extui %sign3A_235 : i1 to i32
        %sign3A_237 = arith.subi %sign3A_233, %sign3A_236 : i32
        %ne3A_238 = vector.broadcast %sign3A_237 : i32 to vector<16xi32>
        %ne3A_239 = arith.cmpi ne, %sign3A_230, %ne3A_238 : vector<16xi32>
        %rem3A_240 = vector.broadcast %jit3A_219 : i32 to vector<16xi32>
        %rem3A_241 = arith.remsi %min3A_218, %rem3A_240 : vector<16xi32>
        %ne3A_242 = arith.constant 0 : i32
        %ne3A_243 = vector.broadcast %ne3A_242 : i32 to vector<16xi32>
        %ne3A_244 = arith.cmpi ne, %rem3A_241, %ne3A_243 : vector<16xi32>
        %and3A_245 = arith.andi %ne3A_239, %ne3A_244 : vector<16xi1>
        %sub3A_246 = arith.constant 1 : i32
        %sub3A_247 = vector.broadcast %sub3A_246 : i32 to vector<16xi32>
        %sub3A_248 = arith.subi %div3A_221, %sub3A_247 : vector<16xi32>
        %select_n3A_249 = arith.select %and3A_245, %sub3A_248, %div3A_221 : vector<16xi1>, vector<16xi32>
        %jit3A_250 = arith.constant 21 : i32
        %eq3A_251 = arith.constant 0 : i32
        %eq3A_252 = arith.cmpi eq, %jit3A_250, %eq3A_251 : i32
        %jit3A_253 = arith.constant 1 : i32
        %select_n3A_254 = arith.select %eq3A_252, %jit3A_253, %jit3A_250 : i32
        %rem3A_255 = vector.broadcast %select_n3A_254 : i32 to vector<16xi32>
        %rem3A_256 = arith.remsi %min3A_218, %rem3A_255 : vector<16xi32>
        %ne3A_257 = arith.constant 0 : i32
        %ne3A_258 = vector.broadcast %ne3A_257 : i32 to vector<16xi32>
        %ne3A_259 = arith.cmpi ne, %rem3A_256, %ne3A_258 : vector<16xi32>
        %lt3A_260 = arith.constant 0 : i32
        %lt3A_261 = vector.broadcast %lt3A_260 : i32 to vector<16xi32>
        %lt3A_262 = arith.cmpi slt, %rem3A_256, %lt3A_261 : vector<16xi32>
        %lt3A_263 = arith.constant 0 : i32
        %lt3A_264 = arith.cmpi slt, %select_n3A_254, %lt3A_263 : i32
        %ne3A_265 = vector.broadcast %lt3A_264 : i1 to vector<16xi1>
        %ne3A_266 = vector.broadcast %ne3A_265 : vector<16xi1> to vector<16xi1>
        %ne3A_267 = arith.xori %lt3A_262, %ne3A_266 : vector<16xi1>
        %and3A_268 = arith.andi %ne3A_267, %ne3A_259 : vector<16xi1>
        %add3A_269 = vector.broadcast %select_n3A_254 : i32 to vector<16xi32>
        %add3A_270 = arith.addi %rem3A_256, %add3A_269 : vector<16xi32>
        %select_n3A_271 = arith.select %and3A_268, %add3A_270, %rem3A_256 : vector<16xi1>, vector<16xi32>
        %broadcast_in_dim3A = arith.constant 0.000000e+00 : f32
        %broadcast_in_dim3A_272 = vector.broadcast %broadcast_in_dim3A : f32 to vector<16xf32>
        %parallel_loop3A = arith.constant 0 : i32
        %parallel_loop3A_273 = arith.constant 256 : i32
        %parallel_loop3A_274 = arith.constant 1 : i32
        %parallel_loop3A_275:2 = scf.for %parallel_loop3A_333 = %parallel_loop3A to %parallel_loop3A_273 step %parallel_loop3A_274 iter_args(%parallel_loop3A_334 = %broadcast_in_dim3A_272, %parallel_loop3A_335 = %broadcast_in_dim3A_272) -> (vector<16xf32>, vector<16xf32>)  : i32 {
          %parallel_loop3A_336 = vector.broadcast %parallel_loop3A_333 : i32 to vector<16xi32>
          %parallel_loop3A_337 = arith.addi %parallel_loop3A_336, %iota3A : vector<16xi32>
          %parallel_loop3A_338 = arith.constant 255 : i32
          %parallel_loop3A_339 = vector.broadcast %parallel_loop3A_338 : i32 to vector<16xi32>
          %parallel_loop3A_340 = arith.andi %parallel_loop3A_337, %parallel_loop3A_339 : vector<16xi32>
          %parallel_loop3A_341 = tpu.vector_load_idx %arg8[%select_n3A_271, %parallel_loop3A_340] : memref<21x256xf32, #tpu.memory_space<vmem>>[vector<16xi32>, vector<16xi32>], vector<16xf32>,
          %parallel_loop3A_342 = tpu.vector_load_idx %arg10[%select_n3A_249, %parallel_loop3A_340] : memref<4x256xf32, #tpu.memory_space<vmem>>[vector<16xi32>, vector<16xi32>], vector<16xf32>,
          %parallel_loop3A_343 = arith.addf %parallel_loop3A_341, %parallel_loop3A_342 : vector<16xf32>
          tpu.vector_store_idx %arg15[%add3A_215, %parallel_loop3A_340], %parallel_loop3A_343 : memref<176x256xf32, #tpu.memory_space<vmem>>[vector<16xi32>, vector<16xi32>], vector<16xf32>,
          %parallel_loop3A_344 = arith.addf %parallel_loop3A_334, %parallel_loop3A_343 : vector<16xf32>
          %parallel_loop3A_345 = arith.mulf %parallel_loop3A_343, %parallel_loop3A_343 : vector<16xf32>
          %parallel_loop3A_346 = arith.addf %parallel_loop3A_335, %parallel_loop3A_345 : vector<16xf32>
          scf.yield %parallel_loop3A_344, %parallel_loop3A_346 : vector<16xf32>, vector<16xf32>
        } {sc.loop_unroll_factor = 8 : i64, sc.parallel_access}
        %mul3A_276 = arith.constant 3.906250e-03 : f32
        %mul3A_277 = vector.broadcast %mul3A_276 : f32 to vector<16xf32>
        %mul3A_278 = arith.mulf %parallel_loop3A_275#0, %mul3A_277 : vector<16xf32>
        %mul3A_279 = arith.constant 3.906250e-03 : f32
        %mul3A_280 = vector.broadcast %mul3A_279 : f32 to vector<16xf32>
        %mul3A_281 = arith.mulf %parallel_loop3A_275#1, %mul3A_280 : vector<16xf32>
        %mul3A_282 = arith.mulf %mul3A_278, %mul3A_278 : vector<16xf32>
        %sub3A_283 = arith.subf %mul3A_281, %mul3A_282 : vector<16xf32>
        %add3A_284 = arith.constant 9.99999996E-13 : f32
        %add3A_285 = vector.broadcast %add3A_284 : f32 to vector<16xf32>
        %add3A_286 = arith.addf %sub3A_283, %add3A_285 : vector<16xf32>
        %bitcast_convert_type3A = tpu.bitcast %add3A_286 : vector<16xf32> -> vector<16xi32>
        %shift_right_arithmetic3A = arith.constant 1 : i32
        %shift_right_arithmetic3A_287 = vector.broadcast %shift_right_arithmetic3A : i32 to vector<16xi32>
        %shift_right_arithmetic3A_288 = arith.shrsi %bitcast_convert_type3A, %shift_right_arithmetic3A_287 : vector<16xi32>
        %sub3A_289 = arith.constant 1597463007 : i32
        %sub3A_290 = vector.broadcast %sub3A_289 : i32 to vector<16xi32>
        %sub3A_291 = arith.subi %sub3A_290, %shift_right_arithmetic3A_288 : vector<16xi32>
        %bitcast_convert_type3A_292 = tpu.bitcast %sub3A_291 : vector<16xi32> -> vector<16xf32>
        %mul3A_293 = arith.constant 5.000000e-01 : f32
        %mul3A_294 = vector.broadcast %mul3A_293 : f32 to vector<16xf32>
        %mul3A_295 = arith.mulf %mul3A_294, %add3A_286 : vector<16xf32>
        %mul3A_296 = arith.mulf %mul3A_295, %bitcast_convert_type3A_292 : vector<16xf32>
        %mul3A_297 = arith.mulf %mul3A_296, %bitcast_convert_type3A_292 : vector<16xf32>
        %sub3A_298 = arith.constant 1.500000e+00 : f32
        %sub3A_299 = vector.broadcast %sub3A_298 : f32 to vector<16xf32>
        %sub3A_300 = arith.subf %sub3A_299, %mul3A_297 : vector<16xf32>
        %mul3A_301 = arith.mulf %bitcast_convert_type3A_292, %sub3A_300 : vector<16xf32>
        %mul3A_302 = arith.constant 5.000000e-01 : f32
        %mul3A_303 = vector.broadcast %mul3A_302 : f32 to vector<16xf32>
        %mul3A_304 = arith.mulf %mul3A_303, %add3A_286 : vector<16xf32>
        %mul3A_305 = arith.mulf %mul3A_304, %mul3A_301 : vector<16xf32>
        %mul3A_306 = arith.mulf %mul3A_305, %mul3A_301 : vector<16xf32>
        %sub3A_307 = arith.constant 1.500000e+00 : f32
        %sub3A_308 = vector.broadcast %sub3A_307 : f32 to vector<16xf32>
        %sub3A_309 = arith.subf %sub3A_308, %mul3A_306 : vector<16xf32>
        %mul3A_310 = arith.mulf %mul3A_301, %sub3A_309 : vector<16xf32>
        %mul3A_311 = arith.constant 5.000000e-01 : f32
        %mul3A_312 = vector.broadcast %mul3A_311 : f32 to vector<16xf32>
        %mul3A_313 = arith.mulf %mul3A_312, %add3A_286 : vector<16xf32>
        %mul3A_314 = arith.mulf %mul3A_313, %mul3A_310 : vector<16xf32>
        %mul3A_315 = arith.mulf %mul3A_314, %mul3A_310 : vector<16xf32>
        %sub3A_316 = arith.constant 1.500000e+00 : f32
        %sub3A_317 = vector.broadcast %sub3A_316 : f32 to vector<16xf32>
        %sub3A_318 = arith.subf %sub3A_317, %mul3A_315 : vector<16xf32>
        %mul3A_319 = arith.mulf %mul3A_310, %sub3A_318 : vector<16xf32>
        %mul3A_320 = arith.constant 5.000000e-01 : f32
        %mul3A_321 = vector.broadcast %mul3A_320 : f32 to vector<16xf32>
        %mul3A_322 = arith.mulf %mul3A_321, %add3A_286 : vector<16xf32>
        %mul3A_323 = arith.mulf %mul3A_322, %mul3A_319 : vector<16xf32>
        %mul3A_324 = arith.mulf %mul3A_323, %mul3A_319 : vector<16xf32>
        %sub3A_325 = arith.constant 1.500000e+00 : f32
        %sub3A_326 = vector.broadcast %sub3A_325 : f32 to vector<16xf32>
        %sub3A_327 = arith.subf %sub3A_326, %mul3A_324 : vector<16xf32>
        %mul3A_328 = arith.mulf %mul3A_319, %sub3A_327 : vector<16xf32>
        %parallel_loop3A_329 = arith.constant 0 : i32
        %parallel_loop3A_330 = arith.constant 256 : i32
        %parallel_loop3A_331 = arith.constant 1 : i32
        scf.for %parallel_loop3A_333 = %parallel_loop3A_329 to %parallel_loop3A_330 step %parallel_loop3A_331  : i32 {
          %parallel_loop3A_334 = vector.broadcast %parallel_loop3A_333 : i32 to vector<16xi32>
          %parallel_loop3A_335 = arith.addi %parallel_loop3A_334, %iota3A : vector<16xi32>
          %parallel_loop3A_336 = arith.constant 255 : i32
          %parallel_loop3A_337 = vector.broadcast %parallel_loop3A_336 : i32 to vector<16xi32>
          %parallel_loop3A_338 = arith.andi %parallel_loop3A_335, %parallel_loop3A_337 : vector<16xi32>
          %parallel_loop3A_339 = tpu.vector_load_idx %arg15[%add3A_215, %parallel_loop3A_338] : memref<176x256xf32, #tpu.memory_space<vmem>>[vector<16xi32>, vector<16xi32>], vector<16xf32>,
          %parallel_loop3A_340 = arith.constant 7 : i32
          %parallel_loop3A_341 = vector.broadcast %parallel_loop3A_340 : i32 to vector<16xi32>
          %parallel_loop3A_342 = arith.shrsi %parallel_loop3A_338, %parallel_loop3A_341 : vector<16xi32>
          %parallel_loop3A_343 = arith.constant 127 : i32
          %parallel_loop3A_344 = vector.broadcast %parallel_loop3A_343 : i32 to vector<16xi32>
          %parallel_loop3A_345 = arith.andi %parallel_loop3A_338, %parallel_loop3A_344 : vector<16xi32>
          %parallel_loop3A_346 = tpu.vector_load_idx %arg11[%parallel_loop3A_342, %parallel_loop3A_345] : memref<2x128xf32, #tpu.memory_space<vmem>>[vector<16xi32>, vector<16xi32>], vector<16xf32>,
          %parallel_loop3A_347 = arith.constant 7 : i32
          %parallel_loop3A_348 = vector.broadcast %parallel_loop3A_347 : i32 to vector<16xi32>
          %parallel_loop3A_349 = arith.shrsi %parallel_loop3A_338, %parallel_loop3A_348 : vector<16xi32>
          %parallel_loop3A_350 = arith.constant 127 : i32
          %parallel_loop3A_351 = vector.broadcast %parallel_loop3A_350 : i32 to vector<16xi32>
          %parallel_loop3A_352 = arith.andi %parallel_loop3A_338, %parallel_loop3A_351 : vector<16xi32>
          %parallel_loop3A_353 = tpu.vector_load_idx %arg12[%parallel_loop3A_349, %parallel_loop3A_352] : memref<2x128xf32, #tpu.memory_space<vmem>>[vector<16xi32>, vector<16xi32>], vector<16xf32>,
          %parallel_loop3A_354 = arith.subf %parallel_loop3A_339, %mul3A_278 : vector<16xf32>
          %parallel_loop3A_355 = arith.mulf %parallel_loop3A_354, %mul3A_328 : vector<16xf32>
          %parallel_loop3A_356 = arith.mulf %parallel_loop3A_355, %parallel_loop3A_346 : vector<16xf32>
          %parallel_loop3A_357 = arith.addf %parallel_loop3A_356, %parallel_loop3A_353 : vector<16xf32>
          tpu.vector_store_idx %arg15[%add3A_215, %parallel_loop3A_338], %parallel_loop3A_357 : memref<176x256xf32, #tpu.memory_space<vmem>>[vector<16xi32>, vector<16xi32>], vector<16xf32>,
        } {sc.loop_unroll_factor = 8 : i64, sc.parallel_access}
        %scan3A_332 = arith.constant 0 : i32
        scf.yield %scan3A_332 : i32
      }
      %scan3A_190 = arith.constant 6 : i32
      %scan3A_191 = arith.constant 0 : i32
      %scan3A_192 = arith.constant 0 : i32
      %scan3A_193 = arith.constant 64 : i32
      %scan3A_194 = arith.addi %scan3A_192, %scan3A_193 : i32
      %scan3A_195 = arith.constant 1 : i32
      %scan3A_196 = scf.for %scan3A_210 = %scan3A_192 to %scan3A_194 step %scan3A_195 iter_args(%scan3A_211 = %scan3A_191) -> (i32)  : i32 {
        %mul3A_212 = arith.constant 2 : i32
        %mul3A_213 = arith.muli %mul3A_212, %scan3A_210 : i32
        %add3A_214 = arith.constant 0 : i32
        %add3A_215 = arith.addi %add3A_214, %mul3A_213 : i32
        %add3A_216 = arith.constant 0 : i32
        %add3A_217 = arith.addi %add3A_215, %add3A_216 : i32
        %gt3A_218 = arith.constant 0 : i32
        %gt3A_219 = arith.cmpi sgt, %scan3A_210, %gt3A_218 : i32
        %convert_element_type3A_220 = arith.extui %gt3A_219 : i1 to i32
        %cond3A_221 = arith.constant 0 : i32
        %cond3A_222 = arith.cmpi ne, %convert_element_type3A_220, %cond3A_221 : i32
        scf.if %cond3A_222 {
          %sub3A_506 = arith.constant 2 : i32
          %sub3A_507 = arith.subi %add3A_217, %sub3A_506 : i32
          %mul3A_508 = arith.constant 8 : i32
          %mul3A_509 = arith.muli %sub3A_507, %mul3A_508 : i32
          %dma_wait3A_510 = arith.constant 0 : i32
          %dma_wait3A_511 = tpu.memref_slice %arg7[%mul3A_509, %multiple_of3A_183, %dma_wait3A_510] : memref<1024x196x256xf32, #tpu.memory_space<hbm>> -> memref<8x4x256xf32, #tpu.memory_space<hbm>>
          %dma_wait3A_512 = arith.constant 0 : i32
          %dma_wait3A_513 = tpu.memref_slice %arg7[%mul3A_509, %multiple_of3A_183, %dma_wait3A_512] : memref<1024x196x256xf32, #tpu.memory_space<hbm>> -> memref<8x4x256xf32, #tpu.memory_space<hbm>>
          tpu.wait_dma2 semaphore(%arg20 : memref<!tpu.dma_semaphore, #tpu.memory_space<semaphore_mem>>) src(%arg18 : memref<8x4x256xf32, #tpu.memory_space<vmem>>) dst(%dma_wait3A_513 : memref<8x4x256xf32, #tpu.memory_space<hbm>>)
        } else {
        }
        %mul3A_223 = arith.constant 8 : i32
        %mul3A_224 = arith.muli %add3A_217, %mul3A_223 : i32
        %add3A_225 = arith.constant 0 : i32
        %add3A_226 = vector.broadcast %add3A_225 : i32 to vector<16xi32>
        %add3A_227 = arith.addi %add3A_226, %iota3A : vector<16xi32>
        %jit3A_228 = arith.constant 4 : i32
        %div3A_229 = vector.broadcast %jit3A_228 : i32 to vector<16xi32>
        %div3A_230 = arith.divsi %add3A_227, %div3A_229 : vector<16xi32>
        %sign3A_231 = arith.constant 0 : i32
        %sign3A_232 = vector.broadcast %sign3A_231 : i32 to vector<16xi32>
        %sign3A_233 = arith.cmpi sgt, %add3A_227, %sign3A_232 : vector<16xi32>
        %sign3A_234 = arith.extui %sign3A_233 : vector<16xi1> to vector<16xi32>
        %sign3A_235 = arith.constant 0 : i32
        %sign3A_236 = vector.broadcast %sign3A_235 : i32 to vector<16xi32>
        %sign3A_237 = arith.cmpi slt, %add3A_227, %sign3A_236 : vector<16xi32>
        %sign3A_238 = arith.extui %sign3A_237 : vector<16xi1> to vector<16xi32>
        %sign3A_239 = arith.subi %sign3A_234, %sign3A_238 : vector<16xi32>
        %sign3A_240 = arith.constant 0 : i32
        %sign3A_241 = arith.cmpi sgt, %jit3A_228, %sign3A_240 : i32
        %sign3A_242 = arith.extui %sign3A_241 : i1 to i32
        %sign3A_243 = arith.constant 0 : i32
        %sign3A_244 = arith.cmpi slt, %jit3A_228, %sign3A_243 : i32
        %sign3A_245 = arith.extui %sign3A_244 : i1 to i32
        %sign3A_246 = arith.subi %sign3A_242, %sign3A_245 : i32
        %ne3A_247 = vector.broadcast %sign3A_246 : i32 to vector<16xi32>
        %ne3A_248 = arith.cmpi ne, %sign3A_239, %ne3A_247 : vector<16xi32>
        %rem3A_249 = vector.broadcast %jit3A_228 : i32 to vector<16xi32>
        %rem3A_250 = arith.remsi %add3A_227, %rem3A_249 : vector<16xi32>
        %ne3A_251 = arith.constant 0 : i32
        %ne3A_252 = vector.broadcast %ne3A_251 : i32 to vector<16xi32>
        %ne3A_253 = arith.cmpi ne, %rem3A_250, %ne3A_252 : vector<16xi32>
        %and3A_254 = arith.andi %ne3A_248, %ne3A_253 : vector<16xi1>
        %sub3A_255 = arith.constant 1 : i32
        %sub3A_256 = vector.broadcast %sub3A_255 : i32 to vector<16xi32>
        %sub3A_257 = arith.subi %div3A_230, %sub3A_256 : vector<16xi32>
        %select_n3A_258 = arith.select %and3A_254, %sub3A_257, %div3A_230 : vector<16xi1>, vector<16xi32>
        %jit3A_259 = arith.constant 4 : i32
        %eq3A_260 = arith.constant 0 : i32
        %eq3A_261 = arith.cmpi eq, %jit3A_259, %eq3A_260 : i32
        %jit3A_262 = arith.constant 1 : i32
        %select_n3A_263 = arith.select %eq3A_261, %jit3A_262, %jit3A_259 : i32
        %rem3A_264 = vector.broadcast %select_n3A_263 : i32 to vector<16xi32>
        %rem3A_265 = arith.remsi %add3A_227, %rem3A_264 : vector<16xi32>
        %ne3A_266 = arith.constant 0 : i32
        %ne3A_267 = vector.broadcast %ne3A_266 : i32 to vector<16xi32>
        %ne3A_268 = arith.cmpi ne, %rem3A_265, %ne3A_267 : vector<16xi32>
        %lt3A_269 = arith.constant 0 : i32
        %lt3A_270 = vector.broadcast %lt3A_269 : i32 to vector<16xi32>
        %lt3A_271 = arith.cmpi slt, %rem3A_265, %lt3A_270 : vector<16xi32>
        %lt3A_272 = arith.constant 0 : i32
        %lt3A_273 = arith.cmpi slt, %select_n3A_263, %lt3A_272 : i32
        %ne3A_274 = vector.broadcast %lt3A_273 : i1 to vector<16xi1>
        %ne3A_275 = vector.broadcast %ne3A_274 : vector<16xi1> to vector<16xi1>
        %ne3A_276 = arith.xori %lt3A_271, %ne3A_275 : vector<16xi1>
        %and3A_277 = arith.andi %ne3A_276, %ne3A_268 : vector<16xi1>
        %add3A_278 = vector.broadcast %select_n3A_263 : i32 to vector<16xi32>
        %add3A_279 = arith.addi %rem3A_265, %add3A_278 : vector<16xi32>
        %select_n3A_280 = arith.select %and3A_277, %add3A_279, %rem3A_265 : vector<16xi1>, vector<16xi32>
        %add3A_281 = vector.broadcast %mul3A_224 : i32 to vector<16xi32>
        %add3A_282 = arith.addi %add3A_281, %select_n3A_258 : vector<16xi32>
        %gather3A = tpu.vector_load_idx %arg14[%select_n3A_280, %add3A_282] : memref<4x1024xi32, #tpu.memory_space<vmem>>[vector<16xi32>, vector<16xi32>], vector<16xi32>,
        %mul3A_283 = arith.constant 21 : i32
        %mul3A_284 = vector.broadcast %mul3A_283 : i32 to vector<16xi32>
        %mul3A_285 = arith.muli %select_n3A_280, %mul3A_284 : vector<16xi32>
        %add3A_286 = arith.addi %mul3A_285, %gather3A : vector<16xi32>
        %add3A_287 = arith.constant 16 : i32
        %add3A_288 = vector.broadcast %add3A_287 : i32 to vector<16xi32>
        %add3A_289 = arith.addi %add3A_288, %iota3A : vector<16xi32>
        %jit3A_290 = arith.constant 4 : i32
        %div3A_291 = vector.broadcast %jit3A_290 : i32 to vector<16xi32>
        %div3A_292 = arith.divsi %add3A_289, %div3A_291 : vector<16xi32>
        %sign3A_293 = arith.constant 0 : i32
        %sign3A_294 = vector.broadcast %sign3A_293 : i32 to vector<16xi32>
        %sign3A_295 = arith.cmpi sgt, %add3A_289, %sign3A_294 : vector<16xi32>
        %sign3A_296 = arith.extui %sign3A_295 : vector<16xi1> to vector<16xi32>
        %sign3A_297 = arith.constant 0 : i32
        %sign3A_298 = vector.broadcast %sign3A_297 : i32 to vector<16xi32>
        %sign3A_299 = arith.cmpi slt, %add3A_289, %sign3A_298 : vector<16xi32>
        %sign3A_300 = arith.extui %sign3A_299 : vector<16xi1> to vector<16xi32>
        %sign3A_301 = arith.subi %sign3A_296, %sign3A_300 : vector<16xi32>
        %sign3A_302 = arith.constant 0 : i32
        %sign3A_303 = arith.cmpi sgt, %jit3A_290, %sign3A_302 : i32
        %sign3A_304 = arith.extui %sign3A_303 : i1 to i32
        %sign3A_305 = arith.constant 0 : i32
        %sign3A_306 = arith.cmpi slt, %jit3A_290, %sign3A_305 : i32
        %sign3A_307 = arith.extui %sign3A_306 : i1 to i32
        %sign3A_308 = arith.subi %sign3A_304, %sign3A_307 : i32
        %ne3A_309 = vector.broadcast %sign3A_308 : i32 to vector<16xi32>
        %ne3A_310 = arith.cmpi ne, %sign3A_301, %ne3A_309 : vector<16xi32>
        %rem3A_311 = vector.broadcast %jit3A_290 : i32 to vector<16xi32>
        %rem3A_312 = arith.remsi %add3A_289, %rem3A_311 : vector<16xi32>
        %ne3A_313 = arith.constant 0 : i32
        %ne3A_314 = vector.broadcast %ne3A_313 : i32 to vector<16xi32>
        %ne3A_315 = arith.cmpi ne, %rem3A_312, %ne3A_314 : vector<16xi32>
        %and3A_316 = arith.andi %ne3A_310, %ne3A_315 : vector<16xi1>
        %sub3A_317 = arith.constant 1 : i32
        %sub3A_318 = vector.broadcast %sub3A_317 : i32 to vector<16xi32>
        %sub3A_319 = arith.subi %div3A_292, %sub3A_318 : vector<16xi32>
        %select_n3A_320 = arith.select %and3A_316, %sub3A_319, %div3A_292 : vector<16xi1>, vector<16xi32>
        %jit3A_321 = arith.constant 4 : i32
        %eq3A_322 = arith.constant 0 : i32
        %eq3A_323 = arith.cmpi eq, %jit3A_321, %eq3A_322 : i32
        %jit3A_324 = arith.constant 1 : i32
        %select_n3A_325 = arith.select %eq3A_323, %jit3A_324, %jit3A_321 : i32
        %rem3A_326 = vector.broadcast %select_n3A_325 : i32 to vector<16xi32>
        %rem3A_327 = arith.remsi %add3A_289, %rem3A_326 : vector<16xi32>
        %ne3A_328 = arith.constant 0 : i32
        %ne3A_329 = vector.broadcast %ne3A_328 : i32 to vector<16xi32>
        %ne3A_330 = arith.cmpi ne, %rem3A_327, %ne3A_329 : vector<16xi32>
        %lt3A_331 = arith.constant 0 : i32
        %lt3A_332 = vector.broadcast %lt3A_331 : i32 to vector<16xi32>
        %lt3A_333 = arith.cmpi slt, %rem3A_327, %lt3A_332 : vector<16xi32>
        %lt3A_334 = arith.constant 0 : i32
        %lt3A_335 = arith.cmpi slt, %select_n3A_325, %lt3A_334 : i32
        %ne3A_336 = vector.broadcast %lt3A_335 : i1 to vector<16xi1>
        %ne3A_337 = vector.broadcast %ne3A_336 : vector<16xi1> to vector<16xi1>
        %ne3A_338 = arith.xori %lt3A_333, %ne3A_337 : vector<16xi1>
        %and3A_339 = arith.andi %ne3A_338, %ne3A_330 : vector<16xi1>
        %add3A_340 = vector.broadcast %select_n3A_325 : i32 to vector<16xi32>
        %add3A_341 = arith.addi %rem3A_327, %add3A_340 : vector<16xi32>
        %select_n3A_342 = arith.select %and3A_339, %add3A_341, %rem3A_327 : vector<16xi1>, vector<16xi32>
        %add3A_343 = vector.broadcast %mul3A_224 : i32 to vector<16xi32>
        %add3A_344 = arith.addi %add3A_343, %select_n3A_320 : vector<16xi32>
        %gather3A_345 = tpu.vector_load_idx %arg14[%select_n3A_342, %add3A_344] : memref<4x1024xi32, #tpu.memory_space<vmem>>[vector<16xi32>, vector<16xi32>], vector<16xi32>,
        %mul3A_346 = arith.constant 21 : i32
        %mul3A_347 = vector.broadcast %mul3A_346 : i32 to vector<16xi32>
        %mul3A_348 = arith.muli %select_n3A_342, %mul3A_347 : vector<16xi32>
        %add3A_349 = arith.addi %mul3A_348, %gather3A_345 : vector<16xi32>
        %parallel_loop3A = arith.constant 0 : i32
        %parallel_loop3A_350 = arith.constant 256 : i32
        %parallel_loop3A_351 = arith.constant 1 : i32
        scf.for %parallel_loop3A_506 = %parallel_loop3A to %parallel_loop3A_350 step %parallel_loop3A_351  : i32 {
          %parallel_loop3A_507 = vector.broadcast %parallel_loop3A_506 : i32 to vector<16xi32>
          %parallel_loop3A_508 = arith.addi %parallel_loop3A_507, %iota3A : vector<16xi32>
          %parallel_loop3A_509 = arith.constant 255 : i32
          %parallel_loop3A_510 = vector.broadcast %parallel_loop3A_509 : i32 to vector<16xi32>
          %parallel_loop3A_511 = arith.andi %parallel_loop3A_508, %parallel_loop3A_510 : vector<16xi32>
          %parallel_loop3A_512 = tpu.vector_load_idx %arg15[%add3A_286, %parallel_loop3A_511] : memref<176x256xf32, #tpu.memory_space<vmem>>[vector<16xi32>, vector<16xi32>], vector<16xf32>,
          tpu.vector_store_idx %arg18[%select_n3A_258, %select_n3A_280, %parallel_loop3A_511], %parallel_loop3A_512 : memref<8x4x256xf32, #tpu.memory_space<vmem>>[vector<16xi32>, vector<16xi32>, vector<16xi32>], vector<16xf32>,
          %parallel_loop3A_513 = tpu.vector_load_idx %arg15[%add3A_349, %parallel_loop3A_511] : memref<176x256xf32, #tpu.memory_space<vmem>>[vector<16xi32>, vector<16xi32>], vector<16xf32>,
          tpu.vector_store_idx %arg18[%select_n3A_320, %select_n3A_342, %parallel_loop3A_511], %parallel_loop3A_513 : memref<8x4x256xf32, #tpu.memory_space<vmem>>[vector<16xi32>, vector<16xi32>, vector<16xi32>], vector<16xf32>,
        } {sc.loop_unroll_factor = 4 : i64, sc.parallel_access}
        %mul3A_352 = arith.constant 8 : i32
        %mul3A_353 = arith.muli %add3A_217, %mul3A_352 : i32
        %dma_start3A = arith.constant 0 : i32
        %dma_start3A_354 = tpu.memref_slice %arg7[%mul3A_353, %multiple_of3A_183, %dma_start3A] : memref<1024x196x256xf32, #tpu.memory_space<hbm>> -> memref<8x4x256xf32, #tpu.memory_space<hbm>>
        %dma_start3A_355 = arith.constant 0 : i32
        %dma_start3A_356 = tpu.memref_slice %arg7[%mul3A_353, %multiple_of3A_183, %dma_start3A_355] : memref<1024x196x256xf32, #tpu.memory_space<hbm>> -> memref<8x4x256xf32, #tpu.memory_space<hbm>>
        tpu.enqueue_dma source(%arg18 : memref<8x4x256xf32, #tpu.memory_space<vmem>>) target(%dma_start3A_356 : memref<8x4x256xf32, #tpu.memory_space<hbm>>) target_semaphore(%arg20 : memref<!tpu.dma_semaphore, #tpu.memory_space<semaphore_mem>>)
        %mul3A_357 = arith.constant 2 : i32
        %mul3A_358 = arith.muli %mul3A_357, %scan3A_210 : i32
        %add3A_359 = arith.constant 0 : i32
        %add3A_360 = arith.addi %add3A_359, %mul3A_358 : i32
        %add3A_361 = arith.constant 1 : i32
        %add3A_362 = arith.addi %add3A_360, %add3A_361 : i32
        %gt3A_363 = arith.constant 0 : i32
        %gt3A_364 = arith.cmpi sgt, %scan3A_210, %gt3A_363 : i32
        %convert_element_type3A_365 = arith.extui %gt3A_364 : i1 to i32
        %cond3A_366 = arith.constant 0 : i32
        %cond3A_367 = arith.cmpi ne, %convert_element_type3A_365, %cond3A_366 : i32
        scf.if %cond3A_367 {
          %sub3A_506 = arith.constant 2 : i32
          %sub3A_507 = arith.subi %add3A_362, %sub3A_506 : i32
          %mul3A_508 = arith.constant 8 : i32
          %mul3A_509 = arith.muli %sub3A_507, %mul3A_508 : i32
          %dma_wait3A_510 = arith.constant 0 : i32
          %dma_wait3A_511 = tpu.memref_slice %arg7[%mul3A_509, %multiple_of3A_183, %dma_wait3A_510] : memref<1024x196x256xf32, #tpu.memory_space<hbm>> -> memref<8x4x256xf32, #tpu.memory_space<hbm>>
          %dma_wait3A_512 = arith.constant 0 : i32
          %dma_wait3A_513 = tpu.memref_slice %arg7[%mul3A_509, %multiple_of3A_183, %dma_wait3A_512] : memref<1024x196x256xf32, #tpu.memory_space<hbm>> -> memref<8x4x256xf32, #tpu.memory_space<hbm>>
          tpu.wait_dma2 semaphore(%arg21 : memref<!tpu.dma_semaphore, #tpu.memory_space<semaphore_mem>>) src(%arg19 : memref<8x4x256xf32, #tpu.memory_space<vmem>>) dst(%dma_wait3A_513 : memref<8x4x256xf32, #tpu.memory_space<hbm>>)
        } else {
        }
        %mul3A_368 = arith.constant 8 : i32
        %mul3A_369 = arith.muli %add3A_362, %mul3A_368 : i32
        %add3A_370 = arith.constant 0 : i32
        %add3A_371 = vector.broadcast %add3A_370 : i32 to vector<16xi32>
        %add3A_372 = arith.addi %add3A_371, %iota3A : vector<16xi32>
        %jit3A_373 = arith.constant 4 : i32
        %div3A_374 = vector.broadcast %jit3A_373 : i32 to vector<16xi32>
        %div3A_375 = arith.divsi %add3A_372, %div3A_374 : vector<16xi32>
        %sign3A_376 = arith.constant 0 : i32
        %sign3A_377 = vector.broadcast %sign3A_376 : i32 to vector<16xi32>
        %sign3A_378 = arith.cmpi sgt, %add3A_372, %sign3A_377 : vector<16xi32>
        %sign3A_379 = arith.extui %sign3A_378 : vector<16xi1> to vector<16xi32>
        %sign3A_380 = arith.constant 0 : i32
        %sign3A_381 = vector.broadcast %sign3A_380 : i32 to vector<16xi32>
        %sign3A_382 = arith.cmpi slt, %add3A_372, %sign3A_381 : vector<16xi32>
        %sign3A_383 = arith.extui %sign3A_382 : vector<16xi1> to vector<16xi32>
        %sign3A_384 = arith.subi %sign3A_379, %sign3A_383 : vector<16xi32>
        %sign3A_385 = arith.constant 0 : i32
        %sign3A_386 = arith.cmpi sgt, %jit3A_373, %sign3A_385 : i32
        %sign3A_387 = arith.extui %sign3A_386 : i1 to i32
        %sign3A_388 = arith.constant 0 : i32
        %sign3A_389 = arith.cmpi slt, %jit3A_373, %sign3A_388 : i32
        %sign3A_390 = arith.extui %sign3A_389 : i1 to i32
        %sign3A_391 = arith.subi %sign3A_387, %sign3A_390 : i32
        %ne3A_392 = vector.broadcast %sign3A_391 : i32 to vector<16xi32>
        %ne3A_393 = arith.cmpi ne, %sign3A_384, %ne3A_392 : vector<16xi32>
        %rem3A_394 = vector.broadcast %jit3A_373 : i32 to vector<16xi32>
        %rem3A_395 = arith.remsi %add3A_372, %rem3A_394 : vector<16xi32>
        %ne3A_396 = arith.constant 0 : i32
        %ne3A_397 = vector.broadcast %ne3A_396 : i32 to vector<16xi32>
        %ne3A_398 = arith.cmpi ne, %rem3A_395, %ne3A_397 : vector<16xi32>
        %and3A_399 = arith.andi %ne3A_393, %ne3A_398 : vector<16xi1>
        %sub3A_400 = arith.constant 1 : i32
        %sub3A_401 = vector.broadcast %sub3A_400 : i32 to vector<16xi32>
        %sub3A_402 = arith.subi %div3A_375, %sub3A_401 : vector<16xi32>
        %select_n3A_403 = arith.select %and3A_399, %sub3A_402, %div3A_375 : vector<16xi1>, vector<16xi32>
        %jit3A_404 = arith.constant 4 : i32
        %eq3A_405 = arith.constant 0 : i32
        %eq3A_406 = arith.cmpi eq, %jit3A_404, %eq3A_405 : i32
        %jit3A_407 = arith.constant 1 : i32
        %select_n3A_408 = arith.select %eq3A_406, %jit3A_407, %jit3A_404 : i32
        %rem3A_409 = vector.broadcast %select_n3A_408 : i32 to vector<16xi32>
        %rem3A_410 = arith.remsi %add3A_372, %rem3A_409 : vector<16xi32>
        %ne3A_411 = arith.constant 0 : i32
        %ne3A_412 = vector.broadcast %ne3A_411 : i32 to vector<16xi32>
        %ne3A_413 = arith.cmpi ne, %rem3A_410, %ne3A_412 : vector<16xi32>
        %lt3A_414 = arith.constant 0 : i32
        %lt3A_415 = vector.broadcast %lt3A_414 : i32 to vector<16xi32>
        %lt3A_416 = arith.cmpi slt, %rem3A_410, %lt3A_415 : vector<16xi32>
        %lt3A_417 = arith.constant 0 : i32
        %lt3A_418 = arith.cmpi slt, %select_n3A_408, %lt3A_417 : i32
        %ne3A_419 = vector.broadcast %lt3A_418 : i1 to vector<16xi1>
        %ne3A_420 = vector.broadcast %ne3A_419 : vector<16xi1> to vector<16xi1>
        %ne3A_421 = arith.xori %lt3A_416, %ne3A_420 : vector<16xi1>
        %and3A_422 = arith.andi %ne3A_421, %ne3A_413 : vector<16xi1>
        %add3A_423 = vector.broadcast %select_n3A_408 : i32 to vector<16xi32>
        %add3A_424 = arith.addi %rem3A_410, %add3A_423 : vector<16xi32>
        %select_n3A_425 = arith.select %and3A_422, %add3A_424, %rem3A_410 : vector<16xi1>, vector<16xi32>
        %add3A_426 = vector.broadcast %mul3A_369 : i32 to vector<16xi32>
        %add3A_427 = arith.addi %add3A_426, %select_n3A_403 : vector<16xi32>
        %gather3A_428 = tpu.vector_load_idx %arg14[%select_n3A_425, %add3A_427] : memref<4x1024xi32, #tpu.memory_space<vmem>>[vector<16xi32>, vector<16xi32>], vector<16xi32>,
        %mul3A_429 = arith.constant 21 : i32
        %mul3A_430 = vector.broadcast %mul3A_429 : i32 to vector<16xi32>
        %mul3A_431 = arith.muli %select_n3A_425, %mul3A_430 : vector<16xi32>
        %add3A_432 = arith.addi %mul3A_431, %gather3A_428 : vector<16xi32>
        %add3A_433 = arith.constant 16 : i32
        %add3A_434 = vector.broadcast %add3A_433 : i32 to vector<16xi32>
        %add3A_435 = arith.addi %add3A_434, %iota3A : vector<16xi32>
        %jit3A_436 = arith.constant 4 : i32
        %div3A_437 = vector.broadcast %jit3A_436 : i32 to vector<16xi32>
        %div3A_438 = arith.divsi %add3A_435, %div3A_437 : vector<16xi32>
        %sign3A_439 = arith.constant 0 : i32
        %sign3A_440 = vector.broadcast %sign3A_439 : i32 to vector<16xi32>
        %sign3A_441 = arith.cmpi sgt, %add3A_435, %sign3A_440 : vector<16xi32>
        %sign3A_442 = arith.extui %sign3A_441 : vector<16xi1> to vector<16xi32>
        %sign3A_443 = arith.constant 0 : i32
        %sign3A_444 = vector.broadcast %sign3A_443 : i32 to vector<16xi32>
        %sign3A_445 = arith.cmpi slt, %add3A_435, %sign3A_444 : vector<16xi32>
        %sign3A_446 = arith.extui %sign3A_445 : vector<16xi1> to vector<16xi32>
        %sign3A_447 = arith.subi %sign3A_442, %sign3A_446 : vector<16xi32>
        %sign3A_448 = arith.constant 0 : i32
        %sign3A_449 = arith.cmpi sgt, %jit3A_436, %sign3A_448 : i32
        %sign3A_450 = arith.extui %sign3A_449 : i1 to i32
        %sign3A_451 = arith.constant 0 : i32
        %sign3A_452 = arith.cmpi slt, %jit3A_436, %sign3A_451 : i32
        %sign3A_453 = arith.extui %sign3A_452 : i1 to i32
        %sign3A_454 = arith.subi %sign3A_450, %sign3A_453 : i32
        %ne3A_455 = vector.broadcast %sign3A_454 : i32 to vector<16xi32>
        %ne3A_456 = arith.cmpi ne, %sign3A_447, %ne3A_455 : vector<16xi32>
        %rem3A_457 = vector.broadcast %jit3A_436 : i32 to vector<16xi32>
        %rem3A_458 = arith.remsi %add3A_435, %rem3A_457 : vector<16xi32>
        %ne3A_459 = arith.constant 0 : i32
        %ne3A_460 = vector.broadcast %ne3A_459 : i32 to vector<16xi32>
        %ne3A_461 = arith.cmpi ne, %rem3A_458, %ne3A_460 : vector<16xi32>
        %and3A_462 = arith.andi %ne3A_456, %ne3A_461 : vector<16xi1>
        %sub3A_463 = arith.constant 1 : i32
        %sub3A_464 = vector.broadcast %sub3A_463 : i32 to vector<16xi32>
        %sub3A_465 = arith.subi %div3A_438, %sub3A_464 : vector<16xi32>
        %select_n3A_466 = arith.select %and3A_462, %sub3A_465, %div3A_438 : vector<16xi1>, vector<16xi32>
        %jit3A_467 = arith.constant 4 : i32
        %eq3A_468 = arith.constant 0 : i32
        %eq3A_469 = arith.cmpi eq, %jit3A_467, %eq3A_468 : i32
        %jit3A_470 = arith.constant 1 : i32
        %select_n3A_471 = arith.select %eq3A_469, %jit3A_470, %jit3A_467 : i32
        %rem3A_472 = vector.broadcast %select_n3A_471 : i32 to vector<16xi32>
        %rem3A_473 = arith.remsi %add3A_435, %rem3A_472 : vector<16xi32>
        %ne3A_474 = arith.constant 0 : i32
        %ne3A_475 = vector.broadcast %ne3A_474 : i32 to vector<16xi32>
        %ne3A_476 = arith.cmpi ne, %rem3A_473, %ne3A_475 : vector<16xi32>
        %lt3A_477 = arith.constant 0 : i32
        %lt3A_478 = vector.broadcast %lt3A_477 : i32 to vector<16xi32>
        %lt3A_479 = arith.cmpi slt, %rem3A_473, %lt3A_478 : vector<16xi32>
        %lt3A_480 = arith.constant 0 : i32
        %lt3A_481 = arith.cmpi slt, %select_n3A_471, %lt3A_480 : i32
        %ne3A_482 = vector.broadcast %lt3A_481 : i1 to vector<16xi1>
        %ne3A_483 = vector.broadcast %ne3A_482 : vector<16xi1> to vector<16xi1>
        %ne3A_484 = arith.xori %lt3A_479, %ne3A_483 : vector<16xi1>
        %and3A_485 = arith.andi %ne3A_484, %ne3A_476 : vector<16xi1>
        %add3A_486 = vector.broadcast %select_n3A_471 : i32 to vector<16xi32>
        %add3A_487 = arith.addi %rem3A_473, %add3A_486 : vector<16xi32>
        %select_n3A_488 = arith.select %and3A_485, %add3A_487, %rem3A_473 : vector<16xi1>, vector<16xi32>
        %add3A_489 = vector.broadcast %mul3A_369 : i32 to vector<16xi32>
        %add3A_490 = arith.addi %add3A_489, %select_n3A_466 : vector<16xi32>
        %gather3A_491 = tpu.vector_load_idx %arg14[%select_n3A_488, %add3A_490] : memref<4x1024xi32, #tpu.memory_space<vmem>>[vector<16xi32>, vector<16xi32>], vector<16xi32>,
        %mul3A_492 = arith.constant 21 : i32
        %mul3A_493 = vector.broadcast %mul3A_492 : i32 to vector<16xi32>
        %mul3A_494 = arith.muli %select_n3A_488, %mul3A_493 : vector<16xi32>
        %add3A_495 = arith.addi %mul3A_494, %gather3A_491 : vector<16xi32>
        %parallel_loop3A_496 = arith.constant 0 : i32
        %parallel_loop3A_497 = arith.constant 256 : i32
        %parallel_loop3A_498 = arith.constant 1 : i32
        scf.for %parallel_loop3A_506 = %parallel_loop3A_496 to %parallel_loop3A_497 step %parallel_loop3A_498  : i32 {
          %parallel_loop3A_507 = vector.broadcast %parallel_loop3A_506 : i32 to vector<16xi32>
          %parallel_loop3A_508 = arith.addi %parallel_loop3A_507, %iota3A : vector<16xi32>
          %parallel_loop3A_509 = arith.constant 255 : i32
          %parallel_loop3A_510 = vector.broadcast %parallel_loop3A_509 : i32 to vector<16xi32>
          %parallel_loop3A_511 = arith.andi %parallel_loop3A_508, %parallel_loop3A_510 : vector<16xi32>
          %parallel_loop3A_512 = tpu.vector_load_idx %arg15[%add3A_432, %parallel_loop3A_511] : memref<176x256xf32, #tpu.memory_space<vmem>>[vector<16xi32>, vector<16xi32>], vector<16xf32>,
          tpu.vector_store_idx %arg19[%select_n3A_403, %select_n3A_425, %parallel_loop3A_511], %parallel_loop3A_512 : memref<8x4x256xf32, #tpu.memory_space<vmem>>[vector<16xi32>, vector<16xi32>, vector<16xi32>], vector<16xf32>,
          %parallel_loop3A_513 = tpu.vector_load_idx %arg15[%add3A_495, %parallel_loop3A_511] : memref<176x256xf32, #tpu.memory_space<vmem>>[vector<16xi32>, vector<16xi32>], vector<16xf32>,
          tpu.vector_store_idx %arg19[%select_n3A_466, %select_n3A_488, %parallel_loop3A_511], %parallel_loop3A_513 : memref<8x4x256xf32, #tpu.memory_space<vmem>>[vector<16xi32>, vector<16xi32>, vector<16xi32>], vector<16xf32>,
        } {sc.loop_unroll_factor = 4 : i64, sc.parallel_access}
        %mul3A_499 = arith.constant 8 : i32
        %mul3A_500 = arith.muli %add3A_362, %mul3A_499 : i32
        %dma_start3A_501 = arith.constant 0 : i32
        %dma_start3A_502 = tpu.memref_slice %arg7[%mul3A_500, %multiple_of3A_183, %dma_start3A_501] : memref<1024x196x256xf32, #tpu.memory_space<hbm>> -> memref<8x4x256xf32, #tpu.memory_space<hbm>>
        %dma_start3A_503 = arith.constant 0 : i32
        %dma_start3A_504 = tpu.memref_slice %arg7[%mul3A_500, %multiple_of3A_183, %dma_start3A_503] : memref<1024x196x256xf32, #tpu.memory_space<hbm>> -> memref<8x4x256xf32, #tpu.memory_space<hbm>>
        tpu.enqueue_dma source(%arg19 : memref<8x4x256xf32, #tpu.memory_space<vmem>>) target(%dma_start3A_504 : memref<8x4x256xf32, #tpu.memory_space<hbm>>) target_semaphore(%arg21 : memref<!tpu.dma_semaphore, #tpu.memory_space<semaphore_mem>>)
        %scan3A_505 = arith.constant 0 : i32
        scf.yield %scan3A_505 : i32
      }
      %scan3A_197 = arith.constant 64 : i32
      %dma_wait3A_198 = arith.constant 1008 : i32
      %dma_wait3A_199 = arith.constant 0 : i32
      %dma_wait3A_200 = tpu.memref_slice %arg7[%dma_wait3A_198, %multiple_of3A_183, %dma_wait3A_199] : memref<1024x196x256xf32, #tpu.memory_space<hbm>> -> memref<8x4x256xf32, #tpu.memory_space<hbm>>
      %dma_wait3A_201 = arith.constant 1008 : i32
      %dma_wait3A_202 = arith.constant 0 : i32
      %dma_wait3A_203 = tpu.memref_slice %arg7[%dma_wait3A_201, %multiple_of3A_183, %dma_wait3A_202] : memref<1024x196x256xf32, #tpu.memory_space<hbm>> -> memref<8x4x256xf32, #tpu.memory_space<hbm>>
      tpu.wait_dma2 semaphore(%arg20 : memref<!tpu.dma_semaphore, #tpu.memory_space<semaphore_mem>>) src(%arg18 : memref<8x4x256xf32, #tpu.memory_space<vmem>>) dst(%dma_wait3A_203 : memref<8x4x256xf32, #tpu.memory_space<hbm>>)
      %dma_wait3A_204 = arith.constant 1016 : i32
      %dma_wait3A_205 = arith.constant 0 : i32
      %dma_wait3A_206 = tpu.memref_slice %arg7[%dma_wait3A_204, %multiple_of3A_183, %dma_wait3A_205] : memref<1024x196x256xf32, #tpu.memory_space<hbm>> -> memref<8x4x256xf32, #tpu.memory_space<hbm>>
      %dma_wait3A_207 = arith.constant 1016 : i32
      %dma_wait3A_208 = arith.constant 0 : i32
      %dma_wait3A_209 = tpu.memref_slice %arg7[%dma_wait3A_207, %multiple_of3A_183, %dma_wait3A_208] : memref<1024x196x256xf32, #tpu.memory_space<hbm>> -> memref<8x4x256xf32, #tpu.memory_space<hbm>>
      tpu.wait_dma2 semaphore(%arg21 : memref<!tpu.dma_semaphore, #tpu.memory_space<semaphore_mem>>) src(%arg19 : memref<8x4x256xf32, #tpu.memory_space<vmem>>) dst(%dma_wait3A_209 : memref<8x4x256xf32, #tpu.memory_space<hbm>>)
    } else {
    }
    return
  }
}

</mosaic_0001>

<sc_bundles>
// kernel: kernel.3.cloned.1.call-start
scs
__scs_entry_jumppad:
0x0: {  	(pc) =	sbr.rel $0x88, $3  }
0x1: {  	(tag) =	ssettag $0x0;
	lr =	simm.s32 $0x1  }
0x2: {  	[smem:$0x3F9C] =	sst lr;
	_ =	strace $0xD0000000  }
0x3: {  	_ = 	snop  }
0x4: {  	_ = 	snop  }
0x5: {  	_ = 	snop  }
0x6: {  	_ = 	snop  }
0x7: {  	_ = 	snop  }
__scs_overlays_trampoline_lowered:
0x8: {  	[smem:$0x3FAB] =	sst s0  }
0x9: {  	[smem:$0x3FAC] =	sst s1  }
0xa: {  	[smem:$0x3FAD] =	sst s2  }
0xb: {  	[smem:$0x3FAE] =	sst s3  }
0xc: {  	[smem:$0x3FAF] =	sst s4  }
0xd: {  	[smem:$0x3FB0] =	sst s5  }
0xe: {  	[smem:$0x3FB1] =	sst s6  }
0xf: {  	[smem:$0x3FB2] =	sst s7  }
0x10: {  	[smem:$0x3FB3] =	sst s8  }
0x11: {  	[smem:$0x3FB4] =	sst s9;
	s0 =	simm.s32 @!p0 $0x0  }
0x12: {  	s1 =	sld [smem:$0x3F9A];
	s0 =	simm.s32 @p0 $0x1  }
0x13: {  	[smem:$0x3FB5] =	sst s0;
	s0 =	simm.s32 @!p1 $0x0  }
0x14: {  	s2 =	sld [smem:$0x3F99];
	s0 =	simm.s32 @p1 $0x1  }
0x15: {  	[smem:$0x3FB6] =	sst s0;
	s0 =	simm.s32 @!p2 $0x0  }
0x16: {  	s3 =	sld [smem:$0x3FDB];
	s0 =	simm.s32 @p2 $0x1  }
0x17: {  	s4 =	simm.s32 $0x1BF5;
	[smem:$0x3FB8] =	sst s0  }
0x18: {  	s0 =	sld [smem:$0x3F9B];
	_ =	swait.ge [sflag:s4], $0x0  }
0x19: {  	s7 =	sld [smem:$0x3F9C]  }
0x1a: {  	s8 =	sadd.s32 $0xFFFFE003, lr  }
0x1b: {  	s9 =	sadd.s32 $0xFFFFFEF7, lr;
	s5 =	simm.s32 $0xFFFFFFFF;
	p2 =	slt.u32 s8, $0xFFFFF086  }
0x1c: {  	p1 =	slt.u32 s9, $0xF7A;
	s5 =	simm.s32 @!p2 $0x0  }
0x1d: {  	s5 =	simm.s32 @p1 $0x1;
	p0 =	seq.s32 s7, s2  }
0x1e: {  	s7 =	smul.u32 @!p0 $0xF7A, s2;
	p2 =	seq.s32 @!p0 s5, $0x0  }
0x1f: {  	s9 =	smul.u32 $0xF7A, s1;
	s8 =	simm.s32 @!p0 $0x1BF5;
	p2 =	por !p2, p0  }
0x20: {  	[sflag:s8] =	ssyncset.s32 @!p0 $0xFFFFF086;
	s6 =	sadd.s32 @!p0 s3, s7;
	s7 =	simm.s32 @!p0 $0x108  }
0x21: {  	s3 =	sadd.s32 s3, s9;
	s6 =	sadd.s32 @!p0 $0x88, s6;
	s7 =	simm.s32 @p2 $0x1082  }
0x22: {  	[simem:s7], [sflag:s8] =	dma.local @!p0 [hbm:s6], $0xF7A  }
0x23: {  	s9 =	sor.u32 $0xD0000000, s2;
	s6 =	simm.s32 $0x108;
	_ =	swait.ge @!p0 [sflag:s8], $0x0  }
0x24: {  	s3 =	sadd.s32 $0x88, s3;
	s6 =	simm.s32 @!p1 $0x1082;
	[sflag:s4] =	ssyncset.s32 $0xFFFFF086  }
0x25: {  	[simem:s6], [sflag:s4] =	dma.local [hbm:s3], $0xF7A  }
0x26: {  	[smem:$0x3F9C] =	sst s1;
	(tag) =	ssettag s2;
	_ =	strace s9  }
0x27: {  	s1 =	sld [smem:$0x3FAC]  }
0x28: {  	s2 =	sld [smem:$0x3FAD]  }
0x29: {  	s4 =	sld [smem:$0x3FAF]  }
0x2a: {  	p0 =	seq.s32 s5, $0x0;
	s5 =	sld [smem:$0x3FB0]  }
0x2b: {  	s6 =	sld [smem:$0x3FB1]  }
0x2c: {  	s7 =	sld [smem:$0x3FB2]  }
0x2d: {  	s3 =	simm.s32 $0x108;
	s8 =	sld [smem:$0x3FB3]  }
0x2e: {  	s3 =	simm.s32 @!p0 $0x1082;
	s9 =	sld [smem:$0x3FB4]  }
0x2f: {  	lr =	sadd.s32 s0, s3;
	s0 =	sld [smem:$0x3FAB]  }
0x30: {  	s3 =	sld [smem:$0x3FAE]  }
0x31: {  	[smem:$0x3FB7] =	sst s10  }
0x32: {  	s10 =	sld [smem:$0x3FB5];
	_ =	sdelay $0x3  }
0x33: {  	p0 =	seq.s32 s10, $0x1;
	s10 =	sld [smem:$0x3FB7];
	_ =	sdelay $0x3  }
0x34: {  	[smem:$0x3FB7] =	sst s10  }
0x35: {  	s10 =	sld [smem:$0x3FB6];
	_ =	sdelay $0x3  }
0x36: {  	p1 =	seq.s32 s10, $0x1;
	s10 =	sld [smem:$0x3FB7];
	_ =	sdelay $0x3  }
0x37: {  	[smem:$0x3FB7] =	sst s10  }
0x38: {  	s10 =	sld [smem:$0x3FB8]  }
0x39: {  	_ = 	snop;
	(pc) =	sbr.ind lr, $3  }
0x3a: {  	_ = 	snop  }
0x3b: {  	_ = 	snop  }
0x3c: {  	p2 =	seq.s32 s10, $0x1;
	s10 =	sld [smem:$0x3FB7]  }
0x3d: {  	_ =	shalt  }
0x3e: {  	_ =	shalt  }
0x3f: {  	_ =	shalt  }
0x40: {  	_ =	shalt  }
0x41: {  	_ =	shalt  }
0x42: {  	_ =	shalt  }
0x43: {  	_ =	shalt  }
0x44: {  	_ =	shalt  }
0x45: {  	_ =	shalt  }
0x46: {  	_ =	shalt  }
0x47: {  	_ =	shalt  }
0x48: {  	_ =	shalt  }
0x49: {  	_ =	shalt  }
0x4a: {  	_ =	shalt  }
0x4b: {  	_ =	shalt  }
0x4c: {  	_ =	shalt  }
0x4d: {  	_ =	shalt  }
0x4e: {  	_ =	shalt  }
0x4f: {  	_ =	shalt  }
0x50: {  	_ =	shalt  }
0x51: {  	_ =	shalt  }
0x52: {  	_ =	shalt  }
0x53: {  	_ =	shalt  }
0x54: {  	_ =	shalt  }
0x55: {  	_ =	shalt  }
0x56: {  	_ =	shalt  }
0x57: {  	_ =	shalt  }
0x58: {  	_ =	shalt  }
0x59: {  	_ =	shalt  }
0x5a: {  	_ =	shalt  }
0x5b: {  	_ =	shalt  }
0x5c: {  	_ =	shalt  }
0x5d: {  	_ =	shalt  }
0x5e: {  	_ =	shalt  }
0x5f: {  	_ =	shalt  }
0x60: {  	_ =	shalt  }
0x61: {  	_ =	shalt  }
0x62: {  	_ =	shalt  }
0x63: {  	_ =	shalt  }
0x64: {  	_ =	shalt  }
0x65: {  	_ =	shalt  }
0x66: {  	_ =	shalt  }
0x67: {  	_ =	shalt  }
0x68: {  	_ =	shalt  }
0x69: {  	_ =	shalt  }
0x6a: {  	_ =	shalt  }
0x6b: {  	_ =	shalt  }
0x6c: {  	_ =	shalt  }
0x6d: {  	_ =	shalt  }
0x6e: {  	_ =	shalt  }
0x6f: {  	_ =	shalt  }
0x70: {  	_ =	shalt  }
0x71: {  	_ =	shalt  }
0x72: {  	_ =	shalt  }
0x73: {  	_ =	shalt  }
0x74: {  	_ =	shalt  }
0x75: {  	_ =	shalt  }
0x76: {  	_ =	shalt  }
0x77: {  	_ =	shalt  }
0x78: {  	_ =	shalt  }
0x79: {  	_ =	shalt  }
0x7a: {  	_ =	shalt  }
0x7b: {  	_ =	shalt  }
0x7c: {  	_ =	shalt  }
0x7d: {  	_ =	shalt  }
0x7e: {  	_ =	shalt  }
0x7f: {  	_ =	shalt  }
0x80: {  	_ =	shalt  }
0x81: {  	_ =	shalt  }
0x82: {  	_ =	shalt  }
0x83: {  	_ =	shalt  }
0x84: {  	_ =	shalt  }
0x85: {  	_ =	shalt  }
0x86: {  	_ =	shalt  }
0x87: {  	_ =	shalt  }
.Lfunc_end0:
.L_simem_size_0:
called_computation_lowered:
.L_overlay_start_0:
0x88: {  	s2 =	sld [smem:$0x3FD9]  }
0x89: {  	s3 =	sld [smem:$0x3FFE];
	_ =	sdelay $0x1  }
0x8a: {  	s1 =	srdreg.scid  }
0x8b: {  	s0 =	sand.u32 $0x1, s1  }
0x8c: {  	s17 =	sshll.u32 s0, $0xA;
	s2 =	sadd.s32 s3, s2  }
0x8d: {  	s2 =	sadd.s32 s2, s17  }
0x8e: {  	[smem:$0x3FC3] =	sst s2  }
0x8f: {  	_ = 	snop  }
0x90: {  	s2 =	sld [smem:$0x3FC9]  }
0x91: {  	s18 =	sld [smem:$0x3FC8]  }
0x92: {  	s4 =	sld [smem:$0x3FC7]  }
0x93: {  	s5 =	sld [smem:$0x3FC6]  }
0x94: {  	s6 =	sld [smem:$0x3FC5];
	(tm) =	ssettm $0x1  }
0x95: {  	s7 =	sld [smem:$0x3FFB];
	_ =	sdelay $0x3  }
0x96: {  	_ =	strace s7  }
0x97: {  	s7 =	sld [smem:$0x3FFC];
	_ =	sdelay $0x3  }
0x98: {  	_ =	strace s7  }
0x99: {  	s7 =	sld [smem:$0x3FFD];
	_ =	sdelay $0x3  }
0x9a: {  	_ =	strace s7  }
0x9b: {  	_ =	strace $0x8FFFFFFF  }
0x9c: {  	s19 =	sld [smem:$0x3FDB];
	_ =	sdelay $0x1  }
0x9d: {  	s8 =	simm.s32 $_scs_section_size  }
0x9e: {  	s9 =	simm.s32 $_size__tile_overlayer_lowered;
	s10 =	simm.s32 $_tile_overlayer_lowered  }
0x9f: {  	s22 =	simm.s32 $0x1BFF;
	s21 =	sshll.u32 s10, $0x1;
	s7 =	sadd.s32 s8, s19  }
0xa0: {  	s11 =	simm.s32 $0x0;
	s20 =	sshll.u32 s9, $0x1;
	s9 =	sadd.s32 s21, s7  }
0xa1: {  	[timem:s11], [sflag:s22] =	dma.local [hbm:s9], s20  }
0xa2: {  	_ =	swait.ge [sflag:s22], s20  }
0xa3: {  	s8 =	ssub.s32 $0x0, s20;
	[sflag:s22] =	ssyncset.done $0x0  }
0xa4: {  	[sflag:s22] =	ssyncadd.s32 s8;
	_ =	sdelay $0x1  }
0xa5: {  	s23 =	simm.s32 $0x1B8B  }
0xa6: {  	_ =	swait.ge [sflag:s23], $0x1  }
0xa7: {  	[sflag:s23] =	ssyncset.done $0x0  }
0xa8: {  	s25 =	simm.s32 $0x1B8E;
	s24 =	sld [smem:$0x3FFE];
	[sflag:s23] =	ssyncadd.s32 $0xFFFFFFFF  }
0xa9: {  	s26 =	simm.s32 $execute0_lowered;
	[smem:$0x3FD2] =	sst s25  }
0xaa: {  	s9 =	sshll.u32 s26, $0x1;
	_ =	strace $0x80000046;
	[dreg:$0x1] =	wrdreg $0xFFFFFFFF  }
0xab: {  	s28 =	simm.s32 $_size_execute0_lowered;
	s7 =	sadd.s32 s7, s9;
	[dreg:$0x0] =	wrdreg $0x0  }
0xac: {  	s9 =	sshll.u32 s28, $0x1;
	[dreg:$0x2] =	wrdreg s7  }
0xad: {  	[dreg:$0x3] =	wrdreg s9  }
0xae: {  	[dreg:$0x4] =	wrdreg $0xC0  }
0xaf: {  	_ =	task [dreg:s11], $0x5FFFF  }
0xb0: {  	[dreg:$0x1] =	wrdreg $0xFFFFFFFF  }
0xb1: {  	[dreg:$0x0] =	wrdreg $0x60  }
0xb2: {  	[dreg:$0x2] =	wrdreg s2  }
0xb3: {  	[dreg:$0x3] =	wrdreg s18  }
0xb4: {  	[dreg:$0x4] =	wrdreg s4  }
0xb5: {  	[dreg:$0x5] =	wrdreg s5  }
0xb6: {  	[dreg:$0x6] =	wrdreg s6  }
0xb7: {  	[dreg:$0x7] =	wrdreg s24  }
0xb8: {  	[dreg:$0x8] =	wrdreg $0x9  }
0xb9: {  	_ =	task.clear_ibuf [dreg:s11], $0x9FFFF;
	_ =	strace $0x90000046  }
0xba: {  	s29 =	simm.s32 $0x9;
	_ =	strace $0x80000048  }
0xbb: {  	_ =	swait.ge [sflag:s29], $0x1  }
0xbc: {  	[sflag:s29] =	ssyncadd.s32 $0xFFFFFFFF  }
0xbd: {  	_ =	strace $0x90000048  }
0xbe: {  	_ =	sfence  }
0xbf: {  	s30 =	sld [smem:$0x0];
	_ =	sdelay $0x2  }
0xc0: {  	s31 =	sshll.u32 s1, $0xD;
	s1 =	sshrl.u32 s1, $0x2  }
0xc1: {  	s3 =	sand.u32 $0x4000, s31;
	s1 =	sadd.s32 s1, s30  }
0xc2: {  	s0 =	sor.u32 s3, s0;
	s1 =	sshll.u32 s1, $0x11  }
0xc3: {  	s0 =	sor.u32 s1, s0  }
0xc4: {  	s0 =	sadd.s32 $0x8F2B, s0  }
0xc5: {  	[sflag:s0] =	ssyncadd.remote.s32 $0x1  }
0xc6: {  	_ =	sfence.sel $0xFFFF  }
0xc7: {  	[dreg:$0x0] =	wrdreg $0xFFFFFFFF;
	(pc) =	sbr.abs _section_cstart, $3  }
0xc8: {  	[dreg:$0x1] =	wrdreg $0xFFFFFFFF  }
0xc9: {  	_ =	task.clear_ibuf [dreg:s11], $0x2FFFF;
	_ =	strace $0x9FFFFFFF  }
0xca: {  	(tm) =	ssettm $0x7FFFFFFF  }
0xcb: {  	_ =	shalt  }
tec
execute0_lowered:
.L_overlay_start_1:
0x0: {  	(tag) =	ssettag $0x1  }
0x1: {  	v0 =	vimm.s32 $0xB80  }
0x2: {  	vm10 =	vcmask $0x300;
	vm8 =	vcmask $0x704;
	vm6 =	vcmask $0xB08  }
0x3: {  	vm4 =	vcmask $0xF0C;
	vm2 =	vcmask $0x1310;
	vm0 =	vcmask $0x1714  }
0x4: {  	vm1 =	vcmask $0x1B18;
	vm3 =	vcmask $0x1F1C;
	v5 =	vimm.s32 $0x1B80  }
0x5: {  	v6 =	vimm.s32 $0x2B80;
	vm5 =	vcmask $0x2320;
	vm7 =	vcmask $0x2724  }
0x6: {  	vm9 =	vcmask $0x2B28;
	vm11 =	vcmask $0x2F2C;
	vm12 =	vcmask $0x3330  }
0x7: {  	vm13 =	vcmask $0x3734;
	vm14 =	vcmask $0x3B38;
	v7 =	vimm.s32 $0x3B80  }
0x8: {  	v8 =	vimm.s32 $0xD80;
	v9 =	vimm.s32 $0x1D80;
	v0 =	vsel vm10, $0x0, v0  }
0x9: {  	v5 =	vsel vm10, $0x1000, v5;
	v6 =	vsel vm10, $0x2000, v6;
	v7 =	vsel vm10, $0x3000, v7  }
0xa: {  	v8 =	vsel vm10, $0x0, v8;
	v9 =	vsel vm10, $0x1000, v9;
	v0 =	vsel vm8, $0x80, v0  }
0xb: {  	s0 =	rddreg [dreg:$0x0];
	v5 =	vsel vm8, $0x1080, v5;
	v6 =	vsel vm8, $0x2080, v6;
	v7 =	vsel vm8, $0x3080, v7  }
0xc: {  	s1 =	rddreg [dreg:$0x2];
	s2 =	srdreg.scid;
	v8 =	vsel vm8, $0x80, v8;
	v9 =	vsel vm8, $0x1080, v9;
	v0 =	vsel vm6, $0x100, v0  }
0xd: {  	s17 =	stileid.u32;
	s3 =	rddreg [dreg:$0x5];
	s5 =	simm.s32 $0x0;
	v5 =	vsel vm6, $0x1100, v5;
	v6 =	vsel vm6, $0x2100, v6;
	v7 =	vsel vm6, $0x3100, v7  }
0xe: {  	s20 =	simm.s32 $0x2400;
	s28 =	simm.s32 $0xC800;
	s29 =	simm.s32 $0x14600;
	v8 =	vsel vm6, $0x100, v8;
	v9 =	vsel vm6, $0x1100, v9;
	v1 =	vsel vm4, $0x180, v0  }
0xf: {  	s30 =	simm.s32 $0x1A600;
	s4 =	sand.u32 $0x1, s2;
	s21 =	sshll.u32 s17, $0x1;
	v0 =	vlaneseq.u32;
	v5 =	vsel vm4, $0x1180, v5;
	v6 =	vsel vm4, $0x2180, v6  }
0x10: {  	[smem:$0x7FF] =	sst s5;
	s6 =	sadd.s32 $0x400, s3;
	s31 =	smul.u32 $0x3100, s17;
	v7 =	vsel vm4, $0x3180, v7;
	v8 =	vsel vm4, $0x180, v8;
	v9 =	vsel vm4, $0x1180, v9  }
0x11: {  	s10 =	sor.u32 s4, s21;
	s8 =	ssub.s32 $0x2, s4;
	s4 =	smul.u32 $0x1880, s4;
	v2 =	vsel vm2, $0x200, v1;
	v1 =	vand.u32 $0x7, v0;
	v5 =	vsel vm2, $0x1200, v5  }
0x12: {  	s19 =	simm.s32 $0x3;
	_ =	strace $0x80000047;
	s7 =	smul.u32 $0x1880, s10;
	v6 =	vsel vm2, $0x2200, v6;
	v7 =	vsel vm2, $0x3200, v7;
	v8 =	vsel vm2, $0x400, v8  }
0x13: {  	s21 =	simm.s32 $0x2500;
	s12 =	sshrl.u32 s8, $0x1;
	p0 =	sne.s32 s10, $0x1F;
	v9 =	vsel vm2, $0x1400, v9;
	v4 =	vsel vm0, $0x280, v2;
	v2 =	vimm.s32 $0x0  }
0x14: {  	s8 =	ssub.s32 s8, s12;
	s4 =	sadd.s32 s4, s31;
	s11 =	sshrl.u32 s7, $0xD;
	v3 =	vmul.u32 $0x80, v1;
	v5 =	vsel vm0, $0x1280, v5;
	v6 =	vsel vm0, $0x2280, v6  }
0x15: {  	s2 =	sadd.s32 $0x1880, s7;
	s14 =	sand.u32 $0x3E000, s7;
	s15 =	sand.u32 $0x1F80, s7;
	v7 =	vsel vm0, $0x3280, v7;
	v8 =	vsel vm0, $0x480, v8;
	v9 =	vsel vm0, $0x1480, v9  }
0x16: {  	s4 =	sand.u32 $0x1F80, s4;
	s31 =	smax.u32 s8, $0x1;
	s9 =	sadd.s32 $0x1, s11;
	v4 =	vsel vm1, $0x300, v4;
	v5 =	vsel vm1, $0x1300, v5;
	v6 =	vsel vm1, $0x2300, v6  }
0x17: {  	s22 =	sshrl.u32 s15, $0x3;
	s24 =	sshll.u32 s11, $0x8;
	s16 =	sshll.u32 s11, $0xA;
	v7 =	vsel vm1, $0x3300, v7;
	v8 =	vsel vm1, $0x500, v8;
	v9 =	vsel vm1, $0x1500, v9  }
0x18: {  	s7 =	sshll.u32 s11, $0xB;
	s10 =	sshrl.u32 s15, $0x6;
	s4 =	sadd.s32 $0xFFFFF880, s4;
	v4 =	vsel vm3, $0x380, v4;
	v5 =	vsel vm3, $0x1380, v5;
	v6 =	vsel vm3, $0x2380, v6  }
0x19: {  	[dreg:$0xe] =	wrdreg s31;
	s3 =	sshll.u32 s9, $0xD;
	s25 =	sadd.s32 s1, s24;
	v7 =	vsel vm3, $0x3380, v7;
	v8 =	vsel vm3, $0x580, v8;
	v9 =	vsel vm3, $0x1580, v9  }
0x1a: {  	s26 =	sadd.s32 s0, s16;
	s12 =	sshll.u32 s9, $0xB;
	s17 =	sshll.u32 s9, $0x8;
	v4 =	vsel vm5, $0x800, v4;
	v5 =	vsel vm5, $0x1800, v5;
	v6 =	vsel vm5, $0x2800, v6  }
0x1b: {  	p2 =	seq.s32 s9, $0x18;
	s9 =	sshll.u32 s9, $0xA;
	s4 =	sshrl.u32 s4, $0x7;
	v7 =	vsel vm5, $0x3800, v7;
	v8 =	vsel vm5, $0x800, v8;
	v9 =	vsel vm5, $0x1800, v9  }
0x1c: {  	s24 =	simm.s32 $0x5600;
	s13 =	smin.u32 s3, s2;
	[dreg:$0x7] =	wrdreg s25;
	v4 =	vsel vm7, $0x880, v4;
	v5 =	vsel vm7, $0x1880, v5;
	v6 =	vsel vm7, $0x2880, v6  }
0x1d: {  	[dreg:$0x8] =	wrdreg s26;
	p1 =	slt.u32 s3, s2;
	s9 =	sadd.s32 s0, s9;
	v7 =	vsel vm7, $0x3880, v7;
	v8 =	vsel vm7, $0x880, v8;
	v9 =	vsel vm7, $0x1880, v9  }
0x1e: {  	s0 =	sadd.s32 $0x6000, s0;
	s18 =	smax.u32 s4, $0x1;
	s25 =	simm.s32 $0x10600;
	v4 =	vsel vm9, $0x900, v4;
	v5 =	vsel vm9, $0x1900, v5;
	v6 =	vsel vm9, $0x2900, v6  }
0x1f: {  	s26 =	simm.s32 $0x800;
	s4 =	simm.s32 $0x200;
	s23 =	ssub.s32 s13, s14;
	v7 =	vsel vm9, $0x3900, v7;
	v8 =	vsel vm9, $0x900, v8;
	v9 =	vsel vm9, $0x1900, v9  }
0x20: {  	p0 =	por !p0, !p1;
	p1 =	por !p2, !p1;
	[dreg:$0xa] =	wrdreg s9;
	v4 =	vsel vm11, $0x980, v4;
	v5 =	vsel vm11, $0x1980, v5;
	v6 =	vsel vm11, $0x2980, v6  }
0x21: {  	[dreg:$0xc] =	wrdreg s0;
	p2 =	seq.s32 s2, s3;
	s2 =	simm.s32 $0x400;
	v7 =	vsel vm11, $0x3980, v7;
	v8 =	vsel vm11, $0x980, v8;
	v9 =	vsel vm11, $0x1980, v9  }
0x22: {  	s0 =	simm.s32 $0x2000;
	s3 =	simm.s32 $0x18600;
	s9 =	simm.s32 $0x0;
	v4 =	vsel vm12, $0xA00, v4;
	v5 =	vsel vm12, $0x1A00, v5;
	v6 =	vsel vm12, $0x2A00, v6  }
.Ltmp0:
0x23: {  	[dreg:$0xd] =	wrdreg s18;
	s13 =	sshra.s32 s23, $0x3;
	v7 =	vsel vm12, $0x3A00, v7;
	v8 =	vsel vm12, $0xC00, v8;
	v9 =	vsel vm12, $0x1C00, v9;
	(pc) =	sbr.rel .LBB2_1-.Ltmp0, $4  }
0x24: {  	p0 =	por !p0, !p0;
	p1 =	por !p1, !p1;
	s23 =	simm.s32 $0x2600;
	v4 =	vsel vm13, $0xA80, v4;
	v5 =	vsel vm13, $0x1A80, v5;
	v6 =	vsel vm13, $0x2A80, v6  }
0x25: {  	s16 =	ssub.s32 s13, s22;
	s13 =	sadd.s32 s1, s17;
	s1 =	sadd.s32 $0x1800, s1;
	v7 =	vsel vm13, $0x3A80, v7;
	v8 =	vsel vm13, $0xC80, v8;
	v9 =	vsel vm13, $0x1C80, v9  }
0x26: {  	s22 =	simm.s32 $0x1800;
	s11 =	sshra.s32 s16, $0x4;
	[dreg:$0x9] =	wrdreg s13;
	v4 =	vsel vm14, $0xB00, v4;
	v5 =	vsel vm14, $0x1B00, v5;
	v6 =	vsel vm14, $0x2B00, v6  }
0x27: {  	[dreg:$0xb] =	wrdreg s1;
	s1 =	simm.s32 $0x4600;
	p3 =	slt.s32 s11, $0x1;
	v7 =	vsel vm14, $0x3B00, v7;
	v8 =	vsel vm14, $0xD00, v8;
	v9 =	vsel vm14, $0x1D00, v9  }
.LBB2_41:
0x28: {  	s9 =	sadd.s32 $0x1, s9;
	s8 =	rddreg [dreg:$0xe]  }
0x29: {  	p4 =	sne.s32 s9, s8  }
.Ltmp1:
0x2a: {  	_ = 	snop;
	(pc) =	sbr.rel @!p4 .LBB2_42-.Ltmp1, $1  }
0x2b: {  	_ =	sdelay $0x3  }
.LBB2_1:
0x2c: {  	[dreg:$0xf] =	wrdreg s9  }
0x2d: {  	s8 =	rddreg [dreg:$0x1]  }
0x2e: {  	[tilespmem:s5], [sflag:$0x3] =	stream.linear.gather [hbm4b:s8+s5], $0x1800, $0x38;
	[tilespmem:$0x1C600] =	vst v63  }
0x2f: {  	_ =	swait.ge [sflag:s19], $0x1800  }
0x30: {  	[sflag:s19] =	ssyncset.done $0x0  }
0x31: {  	[sflag:s19] =	ssyncadd.s32 $0xFFFFE800  }
0x32: {  	s16 =	rddreg [dreg:$0x3]  }
0x33: {  	[tilespmem:s20], [sflag:$0x3] =	stream.linear.gather [hbm4b:s16+s5], $0x100, $0x38;
	[tilespmem:$0x1C600] =	vst v63  }
0x34: {  	_ =	swait.ge [sflag:s19], $0x100  }
0x35: {  	[sflag:s19] =	ssyncset.done $0x0  }
0x36: {  	[sflag:s19] =	ssyncadd.s32 $0xFFFFFF00  }
0x37: {  	s17 =	rddreg [dreg:$0x4]  }
0x38: {  	[tilespmem:s21], [sflag:$0x3] =	stream.linear.gather [hbm4b:s17+s5], $0x100, $0x38;
	[tilespmem:$0x1C600] =	vst v63  }
0x39: {  	_ =	swait.ge [sflag:s19], $0x100  }
0x3a: {  	[sflag:s19] =	ssyncset.done $0x0  }
0x3b: {  	s18 =	rddreg [dreg:$0x7];
	[sflag:s19] =	ssyncadd.s32 $0xFFFFFF00  }
0x3c: {  	[tilespmem:s22], [sflag:$0x3] =	stream.linear.gather [hbm4b:s18+s5], $0x800, $0x38;
	[tilespmem:$0x1C600] =	vst v63  }
0x3d: {  	_ =	swait.ge [sflag:s19], $0x800  }
0x3e: {  	[sflag:s19] =	ssyncset.done $0x0  }
0x3f: {  	s31 =	rddreg [dreg:$0x8];
	[sflag:s19] =	ssyncadd.s32 $0xFFFFF800  }
0x40: {  	[tilespmem:s23], [sflag:$0x3] =	stream.linear.gather [hbm4b:s31+s5], $0x2000, $0x38;
	[tilespmem:$0x1C600] =	vst v63  }
0x41: {  	_ =	swait.ge [sflag:s19], $0x2000  }
0x42: {  	[sflag:s19] =	ssyncset.done $0x0  }
0x43: {  	s9 =	simm.s32 $0x0;
	[sflag:s19] =	ssyncadd.s32 $0xFFFFE000  }
.LBB2_2:
0x44: {  	s13 =	sshll.u32 s9, $0x4  }
0x45: {  	v10 =	vmov s13  }
0x46: {  	v10 =	vbroadcast v10, $0x0;
	_ =	sdelay $0x1  }
0x47: {  	v12 =	vor.u32 v0, v10  }
0x48: {  	vm0 =	vlt.s32 v12, $0xA7  }
0x49: {  	v11 =	vnsel vm0, $0xA7, v12  }
0x4a: {  	v13 =	vmulhi.u32 $0x86186187, v11;
	_ =	sdelay $0x1  }
0x4b: {  	v14 =	vsub.s32 v11, v13  }
0x4c: {  	v20 =	vimm.f32 $0.0e+00;
	s14 =	simm.s32 $0x7;
	s17 =	simm.s32 $0x4;
	v22 =	vimm.f32 $0.0e+00;
	v14 =	vshrl.u32 v14, $0x1  }
0x4d: {  	s8 =	simm.s32 $0x5;
	s18 =	simm.s32 $0x6;
	v18 =	vadd.s32 s14, v0;
	v26 =	vadd.s32 s17, v0;
	v13 =	vadd.s32 v13, v14  }
0x4e: {  	s15 =	simm.s32 $0x1;
	s16 =	simm.s32 $0x2;
	v25 =	vadd.s32 s8, v0;
	v23 =	vadd.s32 s18, v0;
	v13 =	vshrl.u32 v13, $0x4  }
0x4f: {  	v28 =	vadd.s32 s15, v0;
	v21 =	vadd.s32 s16, v0;
	v14 =	vmul.u32 $0xFFFFFFEB, v13  }
0x50: {  	v15 =	vand.u32 $0x7F, v18;
	v17 =	vand.u32 $0x7F, v25;
	v16 =	vand.u32 $0x7F, v23  }
0x51: {  	v24 =	vshll.u32 v18, $0x3;
	v19 =	vand.u32 $0x7F, v21;
	v11 =	vadd.s32 v11, v14  }
0x52: {  	v29 =	vshll.u32 v21, $0x3;
	vm15 =	veq.s32 v10, v0;
	vm1 =	vne.s32 v11, $0x0  }
0x53: {  	v18 =	vand.u32 $0x7F, v26;
	v12 =	vshll.u32 v12, $0x8;
	vm0 =	vmand vm15, vm1  }
0x54: {  	v10 =	vshll.u32 v11, $0x8;
	v11 =	vshll.u32 v11, $0x7;
	v14 =	vsel vm0, $0xFFFFFFFF, v2  }
0x55: {  	v10 =	vand.u32 $0x1800, v10;
	v11 =	vand.u32 $0x380, v11;
	v13 =	vadd.s32 v14, v13  }
0x56: {  	v11 =	vor.u32 v10, v11;
	v10 =	vshll.u32 v13, $0x8;
	v13 =	vshll.u32 v13, $0x7  }
0x57: {  	s31 =	simm.s32 $0x0;
	v12 =	vand.u32 $0xF800, v12;
	v10 =	vand.u32 $0xFFFFF800, v10;
	v13 =	vand.u32 $0x380, v13  }
0x58: {  	v13 =	vor.u32 v10, v13;
	v10 =	vor.u32 v3, v12;
	v12 =	vadd.s32 s31, v0  }
0x59: {  	v21 =	vand.u32 $0x7F, v28;
	s31 =	simm.s32 $0x3;
	v14 =	vand.u32 $0x7F, v12;
	v12 =	vshll.u32 v12, $0x3  }
0x5a: {  	s17 =	simm.s32 $0x8;
	v27 =	vadd.s32 s31, v0;
	v12 =	vand.u32 $0x400, v12;
	v30 =	vor.u32 v14, v11  }
.LBB2_3:
0x5b: {  	p4 =	slt.u32 s17, $0xF8;
	v30 =	vor.u32 v12, v30;
	v31 =	vor.u32 v14, v13;
	v28 =	vshll.u32 v28, $0x3  }
0x5c: {  	v29 =	vand.u32 $0x400, v29;
	v32 =	vor.u32 v19, v11;
	v31 =	vor.u32 v12, v31  }
0x5d: {  	v33 =	vor.u32 v21, v11;
	v28 =	vand.u32 $0x400, v28;
	v32 =	vor.u32 v29, v32  }
0x5e: {  	v34 =	vor.u32 v21, v13;
	v35 =	vand.u32 $0x7F, v27;
	v33 =	vor.u32 v28, v33  }
0x5f: {  	v36 =	vor.u32 v19, v13;
	v27 =	vshll.u32 v27, $0x3;
	v34 =	vor.u32 v28, v34  }
0x60: {  	v36 =	vor.u32 v29, v36;
	v27 =	vand.u32 $0x400, v27;
	v37 =	vor.u32 v35, v11;
	v30 =	vld.idx.msk [tilespmem:v30+s5+$0x0], $0xffff  }
0x61: {  	v26 =	vshll.u32 v26, $0x3;
	v38 =	vor.u32 v35, v13;
	v37 =	vor.u32 v27, v37;
	v31 =	vld.idx.msk [tilespmem:v31+s22+$0x0], $0xffff  }
0x62: {  	v39 =	vor.u32 v18, v11;
	v26 =	vand.u32 $0x400, v26;
	v38 =	vor.u32 v27, v38;
	v32 =	vld.idx.msk [tilespmem:v32+s5+$0x0], $0xffff  }
0x63: {  	v40 =	vor.u32 v18, v13;
	v25 =	vshll.u32 v25, $0x3;
	v39 =	vor.u32 v26, v39;
	v33 =	vld.idx.msk [tilespmem:v33+s5+$0x0], $0xffff  }
0x64: {  	v41 =	vor.u32 v17, v11;
	v25 =	vand.u32 $0x400, v25;
	v40 =	vor.u32 v26, v40;
	v34 =	vld.idx.msk [tilespmem:v34+s22+$0x0], $0xffff  }
0x65: {  	v42 =	vor.u32 v17, v13;
	v23 =	vshll.u32 v23, $0x3;
	v41 =	vor.u32 v25, v41;
	v36 =	vld.idx.msk [tilespmem:v36+s22+$0x0], $0xffff  }
0x66: {  	v43 =	vor.u32 v16, v11;
	v23 =	vand.u32 $0x400, v23;
	v42 =	vor.u32 v25, v42;
	v37 =	vld.idx.msk [tilespmem:v37+s5+$0x0], $0xffff  }
0x67: {  	v44 =	vor.u32 v16, v13;
	v24 =	vand.u32 $0x400, v24;
	v43 =	vor.u32 v23, v43;
	v38 =	vld.idx.msk [tilespmem:v38+s22+$0x0], $0xffff  }
0x68: {  	v31 =	vadd.f32 v31, v30;
	v30 =	vld.idx.msk [tilespmem:v39+s5+$0x0], $0xffff;
	v39 =	vor.u32 v23, v44;
	v44 =	vor.u32 v15, v11  }
0x69: {  	v21 =	vor.u32 v21, v10;
	v45 =	vor.u32 v15, v13;
	v40 =	vld.idx.msk [tilespmem:v40+s22+$0x0], $0xffff;
	v44 =	vor.u32 v24, v44  }
0x6a: {  	v46 =	vmul.f32 v31, v31;
	v33 =	vadd.f32 v34, v33;
	v34 =	vld.idx.msk [tilespmem:v41+s5+$0x0], $0xffff;
	v41 =	vor.u32 v24, v45  }
0x6b: {  	v19 =	vor.u32 v19, v10;
	v35 =	vor.u32 v35, v10;
	v32 =	vadd.f32 v36, v32;
	v36 =	vld.idx.msk [tilespmem:v42+s22+$0x0], $0xffff  }
0x6c: {  	v20 =	vadd.f32 v31, v20;
	v22 =	vadd.f32 v46, v22;
	v42 =	vmul.f32 v33, v33;
	v43 =	vld.idx.msk [tilespmem:v43+s5+$0x0], $0xffff  }
0x6d: {  	v18 =	vor.u32 v18, v10;
	v17 =	vor.u32 v17, v10;
	v37 =	vadd.f32 v38, v37;
	v38 =	vld.idx.msk [tilespmem:v39+s22+$0x0], $0xffff  }
0x6e: {  	v20 =	vadd.f32 v33, v20;
	v22 =	vadd.f32 v42, v22;
	v39 =	vmul.f32 v32, v32;
	v42 =	vld.idx.msk [tilespmem:v44+s5+$0x0], $0xffff  }
0x6f: {  	v16 =	vor.u32 v16, v10;
	v15 =	vor.u32 v15, v10;
	v30 =	vadd.f32 v40, v30;
	v40 =	vld.idx.msk [tilespmem:v41+s22+$0x0], $0xffff  }
0x70: {  	v20 =	vadd.f32 v32, v20;
	v22 =	vadd.f32 v39, v22;
	v39 =	vmul.f32 v37, v37  }
0x71: {  	v14 =	vor.u32 v14, v10;
	v21 =	vor.u32 v28, v21;
	v34 =	vadd.f32 v36, v34  }
0x72: {  	v20 =	vadd.f32 v37, v20;
	v28 =	vmul.f32 v30, v30;
	v22 =	vadd.f32 v39, v22  }
0x73: {  	v19 =	vor.u32 v29, v19;
	v27 =	vor.u32 v27, v35;
	v29 =	vadd.f32 v38, v43  }
0x74: {  	v20 =	vadd.f32 v30, v20;
	v22 =	vadd.f32 v28, v22;
	v28 =	vmul.f32 v34, v34  }
0x75: {  	v18 =	vor.u32 v26, v18;
	v17 =	vor.u32 v25, v17;
	v35 =	vadd.f32 v40, v42  }
0x76: {  	v20 =	vadd.f32 v34, v20;
	v25 =	vmul.f32 v29, v29;
	v22 =	vadd.f32 v28, v22  }
0x77: {  	v36 =	vor.u32 v12, v14;
	v12 =	vor.u32 v23, v16;
	v38 =	vor.u32 v24, v15  }
0x78: {  	v14 =	vadd.f32 v29, v20;
	v16 =	vmul.f32 v35, v35;
	v15 =	vadd.f32 v25, v22  }
0x79: {  	s13 =	sadd.s32 $0x7, s17;
	v24 =	vadd.s32 s17, v0;
	[tilespmem:v21+s24+$0x0] =	vst.idx.msk $0xffff, v33  }
0x7a: {  	s14 =	sadd.s32 $0x4, s17;
	s18 =	sadd.s32 $0x5, s17;
	s31 =	sadd.s32 $0x6, s17;
	v20 =	vadd.f32 v35, v14;
	v21 =	vadd.s32 s13, v0;
	v22 =	vadd.f32 v16, v15;
	[tilespmem:v19+s24+$0x0] =	vst.idx.msk $0xffff, v32  }
0x7b: {  	s15 =	sadd.s32 $0x2, s17;
	s16 =	sadd.s32 $0x3, s17;
	v26 =	vadd.s32 s14, v0;
	v23 =	vadd.s32 s31, v0;
	v25 =	vadd.s32 s18, v0;
	s13 =	sadd.s32 $0x1, s17;
	[tilespmem:v27+s24+$0x0] =	vst.idx.msk $0xffff, v37  }
.Ltmp2:
0x7c: {  	v28 =	vadd.s32 s13, v0;
	v32 =	vadd.s32 s15, v0;
	v27 =	vadd.s32 s16, v0;
	[tilespmem:v18+s24+$0x0] =	vst.idx.msk $0xffff, v30;
	(pc) =	sbr.rel @p4 .LBB2_3-.Ltmp2, $4  }
0x7d: {  	v14 =	vand.u32 $0x7F, v24;
	v15 =	vand.u32 $0x7F, v21;
	v30 =	vshll.u32 v24, $0x3;
	[tilespmem:v17+s24+$0x0] =	vst.idx.msk $0xffff, v34  }
0x7e: {  	v16 =	vand.u32 $0x7F, v23;
	v24 =	vshll.u32 v21, $0x3;
	v17 =	vand.u32 $0x7F, v25;
	[tilespmem:v12+s24+$0x0] =	vst.idx.msk $0xffff, v29  }
0x7f: {  	v19 =	vand.u32 $0x7F, v32;
	v18 =	vand.u32 $0x7F, v26;
	v29 =	vshll.u32 v32, $0x3;
	[tilespmem:v38+s24+$0x0] =	vst.idx.msk $0xffff, v35  }
0x80: {  	s17 =	sadd.s32 $0x8, s17;
	v21 =	vand.u32 $0x7F, v28;
	v12 =	vand.u32 $0x400, v30;
	v30 =	vor.u32 v14, v11;
	[tilespmem:v36+s24+$0x0] =	vst.idx.msk $0xffff, v31  }
0x81: {  	v30 =	vor.u32 v12, v30;
	v31 =	vor.u32 v14, v13  }
0x82: {  	v28 =	vshll.u32 v28, $0x3;
	v29 =	vand.u32 $0x400, v29;
	v32 =	vor.u32 v19, v11  }
0x83: {  	v33 =	vor.u32 v21, v11;
	v34 =	vor.u32 v21, v13;
	v31 =	vor.u32 v12, v31  }
0x84: {  	v35 =	vand.u32 $0x7F, v27;
	v28 =	vand.u32 $0x400, v28;
	v32 =	vor.u32 v29, v32  }
0x85: {  	v27 =	vshll.u32 v27, $0x3;
	v36 =	vor.u32 v19, v13;
	v33 =	vor.u32 v28, v33  }
0x86: {  	v26 =	vshll.u32 v26, $0x3;
	v39 =	vor.u32 v18, v11;
	v34 =	vor.u32 v28, v34  }
0x87: {  	v27 =	vand.u32 $0x400, v27;
	v37 =	vor.u32 v35, v11;
	v36 =	vor.u32 v29, v36;
	v30 =	vld.idx.msk [tilespmem:v30+s5+$0x0], $0xffff  }
0x88: {  	v25 =	vshll.u32 v25, $0x3;
	v38 =	vor.u32 v35, v13;
	v37 =	vor.u32 v27, v37;
	v31 =	vld.idx.msk [tilespmem:v31+s22+$0x0], $0xffff  }
0x89: {  	v40 =	vor.u32 v18, v13;
	v26 =	vand.u32 $0x400, v26;
	v38 =	vor.u32 v27, v38;
	v32 =	vld.idx.msk [tilespmem:v32+s5+$0x0], $0xffff  }
0x8a: {  	v41 =	vor.u32 v17, v11;
	v23 =	vshll.u32 v23, $0x3;
	v40 =	vor.u32 v26, v40;
	v33 =	vld.idx.msk [tilespmem:v33+s5+$0x0], $0xffff  }
0x8b: {  	v42 =	vor.u32 v17, v13;
	v25 =	vand.u32 $0x400, v25;
	v39 =	vor.u32 v26, v39;
	v34 =	vld.idx.msk [tilespmem:v34+s22+$0x0], $0xffff  }
0x8c: {  	v43 =	vor.u32 v16, v11;
	v44 =	vor.u32 v16, v13;
	v41 =	vor.u32 v25, v41;
	v36 =	vld.idx.msk [tilespmem:v36+s22+$0x0], $0xffff  }
0x8d: {  	v24 =	vand.u32 $0x400, v24;
	v23 =	vand.u32 $0x400, v23;
	v42 =	vor.u32 v25, v42;
	v37 =	vld.idx.msk [tilespmem:v37+s5+$0x0], $0xffff  }
0x8e: {  	v11 =	vor.u32 v15, v11;
	v43 =	vor.u32 v23, v43;
	v38 =	vld.idx.msk [tilespmem:v38+s22+$0x0], $0xffff;
	v30 =	vadd.f32 v31, v30  }
0x8f: {  	v13 =	vor.u32 v15, v13;
	v52 =	vor.u32 v23, v44;
	v11 =	vor.u32 v24, v11;
	v40 =	vld.idx.msk [tilespmem:v40+s22+$0x0], $0xffff  }
0x90: {  	v31 =	vld.idx.msk [tilespmem:v39+s5+$0x0], $0xffff;
	v33 =	vadd.f32 v34, v33;
	v53 =	vmul.f32 v30, v30;
	v20 =	vadd.f32 v30, v20  }
0x91: {  	v13 =	vor.u32 v24, v13;
	v54 =	vld.idx.msk [tilespmem:v41+s5+$0x0], $0xffff;
	v32 =	vadd.f32 v36, v32  }
0x92: {  	v55 =	vld.idx.msk [tilespmem:v42+s22+$0x0], $0xffff;
	v56 =	vmul.f32 v33, v33;
	v22 =	vadd.f32 v53, v22;
	v20 =	vadd.f32 v33, v20  }
0x93: {  	v57 =	vld.idx.msk [tilespmem:v43+s5+$0x0], $0xffff;
	v37 =	vadd.f32 v38, v37  }
0x94: {  	v58 =	vld.idx.msk [tilespmem:v52+s22+$0x0], $0xffff;
	v59 =	vmul.f32 v32, v32;
	v22 =	vadd.f32 v56, v22;
	v20 =	vadd.f32 v32, v20  }
0x95: {  	v11 =	vld.idx.msk [tilespmem:v11+s5+$0x0], $0xffff;
	v31 =	vadd.f32 v40, v31  }
0x96: {  	v13 =	vld.idx.msk [tilespmem:v13+s22+$0x0], $0xffff;
	v60 =	vmul.f32 v37, v37;
	v22 =	vadd.f32 v59, v22;
	v20 =	vadd.f32 v37, v20  }
0x97: {  	v34 =	vadd.f32 v55, v54  }
0x98: {  	v61 =	vmul.f32 v31, v31;
	v22 =	vadd.f32 v60, v22;
	v20 =	vadd.f32 v31, v20  }
0x99: {  	v38 =	vadd.f32 v58, v57  }
0x9a: {  	v62 =	vmul.f32 v34, v34;
	v22 =	vadd.f32 v61, v22;
	v20 =	vadd.f32 v34, v20  }
0x9b: {  	v63 =	vadd.f32 v13, v11  }
0x9c: {  	v13 =	vmul.f32 v38, v38;
	v11 =	vadd.f32 v62, v22;
	v20 =	vadd.f32 v38, v20;
	_ =	sdelay $0x1  }
0x9d: {  	v11 =	vadd.f32 v13, v11;
	v13 =	vmul.f32 v63, v63;
	v20 =	vadd.f32 v63, v20;
	_ =	sdelay $0x1  }
0x9e: {  	v13 =	vadd.f32 v13, v11;
	v11 =	vmul.f32 $3.906250000e-03, v20;
	_ =	sdelay $0x1  }
0x9f: {  	v13 =	vmul.f32 $3.906250000e-03, v13;
	v20 =	vmul.f32 v11, v11;
	_ =	sdelay $0x1  }
0xa0: {  	v13 =	vsub.f32 v13, v20;
	_ =	sdelay $0x1  }
0xa1: {  	v13 =	vadd.f32 $9.999999960e-13, v13;
	_ =	sdelay $0x1  }
0xa2: {  	v20 =	vshra.s32 v13, $0x1;
	v13 =	vmul.f32 $5.000000000e-01, v13  }
0xa3: {  	v20 =	vsub.s32 $0x5F3759DF, v20  }
0xa4: {  	v22 =	vmul.f32 v20, v13;
	_ =	sdelay $0x1  }
0xa5: {  	v22 =	vmul.f32 v20, v22;
	_ =	sdelay $0x1  }
0xa6: {  	v22 =	vsub.f32 $1.500000000e+00, v22;
	_ =	sdelay $0x1  }
0xa7: {  	v20 =	vmul.f32 v20, v22;
	_ =	sdelay $0x1  }
0xa8: {  	v22 =	vmul.f32 v20, v13;
	_ =	sdelay $0x1  }
0xa9: {  	v22 =	vmul.f32 v22, v20;
	_ =	sdelay $0x1  }
0xaa: {  	v22 =	vsub.f32 $1.500000000e+00, v22;
	_ =	sdelay $0x1  }
0xab: {  	v20 =	vmul.f32 v22, v20;
	_ =	sdelay $0x1  }
0xac: {  	v22 =	vmul.f32 v20, v13;
	_ =	sdelay $0x1  }
0xad: {  	v21 =	vor.u32 v21, v10;
	v19 =	vor.u32 v19, v10;
	v22 =	vmul.f32 v22, v20  }
0xae: {  	v18 =	vor.u32 v18, v10;
	v17 =	vor.u32 v17, v10;
	v21 =	vor.u32 v28, v21  }
0xaf: {  	v16 =	vor.u32 v16, v10;
	v19 =	vor.u32 v29, v19;
	v22 =	vsub.f32 $1.500000000e+00, v22  }
0xb0: {  	v14 =	vor.u32 v14, v10;
	v35 =	vor.u32 v35, v10;
	v18 =	vor.u32 v26, v18  }
0xb1: {  	s13 =	simm.s32 $0x0;
	v15 =	vor.u32 v15, v10;
	v17 =	vor.u32 v25, v17;
	v20 =	vmul.f32 v22, v20  }
0xb2: {  	v12 =	vor.u32 v12, v14;
	v15 =	vor.u32 v24, v15;
	v22 =	vadd.s32 s13, v0  }
0xb3: {  	v16 =	vor.u32 v23, v16;
	[tilespmem:v21+s24+$0x0] =	vst.idx.msk $0xffff, v33;
	v21 =	vshll.u32 v22, $0x3;
	v13 =	vmul.f32 v20, v13  }
0xb4: {  	v27 =	vor.u32 v27, v35;
	[tilespmem:v19+s24+$0x0] =	vst.idx.msk $0xffff, v32;
	v19 =	vand.u32 $0x7F, v22;
	v21 =	vand.u32 $0x400, v21  }
0xb5: {  	[tilespmem:v18+s24+$0x0] =	vst.idx.msk $0xffff, v31;
	v14 =	vor.u32 v21, v19;
	v18 =	vmul.f32 v13, v20  }
0xb6: {  	s15 =	simm.s32 $0x7;
	[tilespmem:v17+s24+$0x0] =	vst.idx.msk $0xffff, v34;
	v13 =	vor.u32 v10, v14  }
0xb7: {  	[tilespmem:v15+s24+$0x0] =	vst.idx.msk $0xffff, v63;
	v15 =	vadd.s32 s15, v0;
	v14 =	vsub.f32 $1.500000000e+00, v18  }
0xb8: {  	[tilespmem:v16+s24+$0x0] =	vst.idx.msk $0xffff, v38;
	v16 =	vshll.u32 v15, $0x3;
	v17 =	vand.u32 $0x7F, v15  }
0xb9: {  	[tilespmem:v12+s24+$0x0] =	vst.idx.msk $0xffff, v30;
	v16 =	vand.u32 $0x400, v16;
	v12 =	vmul.f32 v14, v20;
	v14 =	vand.u32 $0xFF, v22  }
0xba: {  	s16 =	simm.s32 $0x6;
	[tilespmem:v27+s24+$0x0] =	vst.idx.msk $0xffff, v37;
	v16 =	vor.u32 v16, v17  }
0xbb: {  	s17 =	simm.s32 $0x5;
	v17 =	vand.u32 $0xFF, v15;
	v16 =	vor.u32 v10, v16;
	v19 =	vadd.s32 s16, v0;
	v18 =	vld.idx.msk [tilespmem:v13+s24+$0x0], $0xffff  }
0xbc: {  	v21 =	vand.u32 $0xFF, v19;
	v15 =	vshll.u32 v19, $0x3;
	v20 =	vadd.s32 s17, v0  }
0xbd: {  	v23 =	vand.u32 $0x7F, v19;
	v15 =	vand.u32 $0x400, v15;
	v22 =	vshll.u32 v20, $0x3  }
0xbe: {  	v15 =	vor.u32 v15, v23;
	v25 =	vand.u32 $0x7F, v20;
	v26 =	vand.u32 $0x400, v22;
	v19 =	vld.idx.msk [tilespmem:v14+s21+$0x0], $0xffff  }
0xbf: {  	s18 =	simm.s32 $0x4;
	s14 =	simm.s32 $0x3;
	v15 =	vor.u32 v10, v15;
	v27 =	vand.u32 $0xFF, v20;
	v22 =	vld.idx.msk [tilespmem:v14+s20+$0x0], $0xffff;
	v14 =	vor.u32 v26, v25  }
0xc0: {  	v23 =	vld.idx.msk [tilespmem:v17+s20+$0x0], $0xffff;
	v25 =	vadd.s32 s14, v0;
	v24 =	vsub.f32 v18, v11;
	v18 =	vadd.s32 s18, v0  }
0xc1: {  	v20 =	vld.idx.msk [tilespmem:v17+s21+$0x0], $0xffff;
	v14 =	vor.u32 v10, v14;
	v17 =	vshll.u32 v25, $0x3;
	v28 =	vshll.u32 v18, $0x3  }
0xc2: {  	v26 =	vand.u32 $0xFF, v18;
	v18 =	vand.u32 $0x7F, v18;
	v29 =	vand.u32 $0x400, v28;
	v28 =	vld.idx.msk [tilespmem:v16+s24+$0x0], $0xffff  }
0xc3: {  	s31 =	simm.s32 $0x2;
	v30 =	vand.u32 $0x7F, v25;
	v17 =	vand.u32 $0x400, v17;
	v31 =	vor.u32 v29, v18;
	v18 =	vld.idx.msk [tilespmem:v21+s21+$0x0], $0xffff  }
0xc4: {  	s13 =	simm.s32 $0x1;
	s17 =	simm.s32 $0x8;
	v30 =	vor.u32 v17, v30;
	v29 =	vadd.s32 s31, v0;
	v21 =	vld.idx.msk [tilespmem:v21+s20+$0x0], $0xffff;
	v17 =	vor.u32 v10, v31  }
.LBB2_5:
0xc5: {  	p4 =	slt.u32 s17, $0xF8;
	v31 =	vadd.s32 s13, v0;
	v32 =	vshll.u32 v29, $0x3;
	v30 =	vor.u32 v10, v30;
	v33 =	vld.idx.msk [tilespmem:v15+s24+$0x0], $0xffff  }
0xc6: {  	v35 =	vand.u32 $0x7F, v29;
	v34 =	vshll.u32 v31, $0x3;
	v32 =	vand.u32 $0x400, v32;
	v36 =	vld.idx.msk [tilespmem:v27+s21+$0x0], $0xffff  }
0xc7: {  	v37 =	vand.u32 $0x7F, v31;
	v34 =	vand.u32 $0x400, v34;
	v32 =	vor.u32 v32, v35;
	v27 =	vld.idx.msk [tilespmem:v27+s20+$0x0], $0xffff  }
0xc8: {  	v34 =	vor.u32 v34, v37;
	v32 =	vor.u32 v10, v32;
	v35 =	vld.idx.msk [tilespmem:v14+s24+$0x0], $0xffff  }
0xc9: {  	v24 =	vmul.f32 v24, v12;
	v37 =	vadd.s32 s17, v0;
	v34 =	vor.u32 v10, v34;
	v38 =	vld.idx.msk [tilespmem:v26+s21+$0x0], $0xffff  }
0xca: {  	v25 =	vand.u32 $0xFF, v25;
	v28 =	vsub.f32 v28, v11;
	v39 =	vand.u32 $0xFF, v37;
	v26 =	vld.idx.msk [tilespmem:v26+s20+$0x0], $0xffff  }
0xcb: {  	v22 =	vmul.f32 v24, v22;
	v40 =	vand.u32 $0x7F, v37;
	v37 =	vshll.u32 v37, $0x3;
	v24 =	vld.idx.msk [tilespmem:v17+s24+$0x0], $0xffff  }
0xcc: {  	v29 =	vand.u32 $0xFF, v29;
	v28 =	vmul.f32 v28, v12;
	v37 =	vand.u32 $0x400, v37;
	v41 =	vld.idx.msk [tilespmem:v30+s24+$0x0], $0xffff  }
0xcd: {  	s13 =	sadd.s32 $0x7, s17;
	v19 =	vadd.f32 v22, v19;
	v22 =	vand.u32 $0xFF, v31;
	v37 =	vor.u32 v37, v40;
	v31 =	vld.idx.msk [tilespmem:v32+s24+$0x0], $0xffff  }
0xce: {  	v40 =	vadd.s32 s13, v0;
	v23 =	vmul.f32 v28, v23;
	v37 =	vor.u32 v10, v37;
	v42 =	vld.idx.msk [tilespmem:v34+s24+$0x0], $0xffff  }
0xcf: {  	v33 =	vsub.f32 v33, v11;
	v28 =	vand.u32 $0x7F, v40;
	v43 =	vshll.u32 v40, $0x3;
	[tilespmem:v13+s24+$0x0] =	vst.idx.msk $0xffff, v19;
	v19 =	vld.idx.msk [tilespmem:v25+s21+$0x0], $0xffff  }
0xd0: {  	v43 =	vand.u32 $0x400, v43;
	v35 =	vsub.f32 v35, v11;
	v20 =	vadd.f32 v23, v20;
	v13 =	vmovc v37;
	v25 =	vld.idx.msk [tilespmem:v25+s20+$0x0], $0xffff  }
0xd1: {  	v33 =	vmul.f32 v33, v12;
	v23 =	vor.u32 v43, v28;
	v24 =	vsub.f32 v24, v11;
	v28 =	vld.idx.msk [tilespmem:v29+s20+$0x0], $0xffff  }
0xd2: {  	v35 =	vmul.f32 v35, v12;
	v41 =	vsub.f32 v41, v11;
	v37 =	vld.idx.msk [tilespmem:v22+s20+$0x0], $0xffff;
	[tilespmem:v16+s24+$0x0] =	vst.idx.msk $0xffff, v20  }
0xd3: {  	v21 =	vmul.f32 v33, v21;
	v16 =	vsub.f32 v31, v11;
	v24 =	vmul.f32 v24, v12;
	v20 =	vld.idx.msk [tilespmem:v29+s21+$0x0], $0xffff  }
0xd4: {  	v27 =	vmul.f32 v35, v27;
	v29 =	vsub.f32 v42, v11;
	v31 =	vmul.f32 v41, v12;
	v22 =	vld.idx.msk [tilespmem:v22+s21+$0x0], $0xffff  }
0xd5: {  	v18 =	vadd.f32 v21, v18;
	v16 =	vmul.f32 v16, v12;
	v24 =	vmul.f32 v24, v26  }
0xd6: {  	v27 =	vadd.f32 v27, v36;
	v26 =	vmul.f32 v29, v12;
	v25 =	vmul.f32 v31, v25;
	v21 =	vld.idx.msk [tilespmem:v13+s24+$0x0], $0xffff  }
0xd7: {  	s13 =	sadd.s32 $0x6, s17;
	v29 =	vand.u32 $0xFF, v40;
	v28 =	vmul.f32 v16, v28;
	v24 =	vadd.f32 v24, v38;
	[tilespmem:v15+s24+$0x0] =	vst.idx.msk $0xffff, v18  }
0xd8: {  	v15 =	vadd.s32 s13, v0;
	v18 =	vmul.f32 v26, v37;
	v19 =	vadd.f32 v25, v19;
	[tilespmem:v14+s24+$0x0] =	vst.idx.msk $0xffff, v27  }
0xd9: {  	v16 =	vor.u32 v10, v23;
	s13 =	sadd.s32 $0x5, s17;
	v31 =	vand.u32 $0xFF, v15;
	v14 =	vadd.f32 v28, v20;
	[tilespmem:v17+s24+$0x0] =	vst.idx.msk $0xffff, v24  }
0xda: {  	v20 =	vshll.u32 v15, $0x3;
	v17 =	vadd.s32 s13, v0;
	v18 =	vadd.f32 v18, v22;
	[tilespmem:v30+s24+$0x0] =	vst.idx.msk $0xffff, v19  }
0xdb: {  	v15 =	vand.u32 $0x7F, v15;
	v20 =	vand.u32 $0x400, v20;
	v22 =	vshll.u32 v17, $0x3;
	[tilespmem:v32+s24+$0x0] =	vst.idx.msk $0xffff, v14  }
0xdc: {  	v15 =	vor.u32 v20, v15;
	v14 =	vand.u32 $0x7F, v17;
	v23 =	vand.u32 $0x400, v22;
	v19 =	vld.idx.msk [tilespmem:v39+s21+$0x0], $0xffff;
	[tilespmem:v34+s24+$0x0] =	vst.idx.msk $0xffff, v18  }
0xdd: {  	s13 =	sadd.s32 $0x4, s17;
	v24 =	vsub.f32 v21, v11;
	v15 =	vor.u32 v10, v15;
	v14 =	vor.u32 v23, v14;
	v22 =	vld.idx.msk [tilespmem:v39+s20+$0x0], $0xffff  }
.Ltmp3:
0xde: {  	s14 =	sadd.s32 $0x3, s17;
	v27 =	vand.u32 $0xFF, v17;
	v18 =	vadd.s32 s13, v0;
	v14 =	vor.u32 v10, v14;
	v20 =	vld.idx.msk [tilespmem:v29+s21+$0x0], $0xffff;
	(pc) =	sbr.rel @p4 .LBB2_5-.Ltmp3, $4  }
0xdf: {  	v25 =	vadd.s32 s14, v0;
	v17 =	vshll.u32 v18, $0x3;
	v26 =	vand.u32 $0xFF, v18;
	v23 =	vld.idx.msk [tilespmem:v29+s20+$0x0], $0xffff  }
0xe0: {  	v21 =	vshll.u32 v25, $0x3;
	v18 =	vand.u32 $0x7F, v18;
	v17 =	vand.u32 $0x400, v17;
	v28 =	vld.idx.msk [tilespmem:v16+s24+$0x0], $0xffff  }
0xe1: {  	s14 =	sadd.s32 $0x2, s17;
	v30 =	vand.u32 $0x7F, v25;
	v21 =	vand.u32 $0x400, v21;
	v17 =	vor.u32 v17, v18;
	v18 =	vld.idx.msk [tilespmem:v31+s21+$0x0], $0xffff  }
0xe2: {  	s13 =	sadd.s32 $0x1, s17;
	s17 =	sadd.s32 $0x8, s17;
	v30 =	vor.u32 v21, v30;
	v29 =	vadd.s32 s14, v0;
	v17 =	vor.u32 v10, v17;
	v21 =	vld.idx.msk [tilespmem:v31+s20+$0x0], $0xffff  }
0xe3: {  	_ =	sdelay $0x3  }
0xe4: {  	v31 =	vadd.s32 s13, v0;
	v32 =	vshll.u32 v29, $0x3;
	v30 =	vor.u32 v10, v30;
	v33 =	vld.idx.msk [tilespmem:v15+s24+$0x0], $0xffff  }
0xe5: {  	v35 =	vand.u32 $0x7F, v29;
	v36 =	vld.idx.msk [tilespmem:v27+s21+$0x0], $0xffff;
	v34 =	vshll.u32 v31, $0x3;
	v32 =	vand.u32 $0x400, v32  }
0xe6: {  	v63 =	vld.idx.msk [tilespmem:v27+s20+$0x0], $0xffff;
	v37 =	vand.u32 $0x7F, v31;
	v34 =	vand.u32 $0x400, v34;
	v32 =	vor.u32 v32, v35  }
0xe7: {  	v40 =	vld.idx.msk [tilespmem:v14+s24+$0x0], $0xffff;
	v34 =	vor.u32 v34, v37;
	v32 =	vor.u32 v10, v32  }
0xe8: {  	v41 =	vld.idx.msk [tilespmem:v26+s21+$0x0], $0xffff;
	v24 =	vmul.f32 v24, v12;
	v10 =	vor.u32 v10, v34  }
0xe9: {  	v25 =	vand.u32 $0xFF, v25;
	v43 =	vld.idx.msk [tilespmem:v17+s24+$0x0], $0xffff  }
0xea: {  	v42 =	vld.idx.msk [tilespmem:v26+s20+$0x0], $0xffff;
	v28 =	vsub.f32 v28, v11;
	v22 =	vmul.f32 v24, v22  }
0xeb: {  	v44 =	vand.u32 $0xFF, v29;
	v45 =	vld.idx.msk [tilespmem:v30+s24+$0x0], $0xffff  }
0xec: {  	v31 =	vand.u32 $0xFF, v31;
	v28 =	vmul.f32 v28, v12;
	v19 =	vadd.f32 v22, v19;
	v38 =	vld.idx.msk [tilespmem:v32+s24+$0x0], $0xffff  }
0xed: {  	v47 =	vsub.f32 v33, v11;
	v35 =	vsub.f32 v40, v11;
	v46 =	vld.idx.msk [tilespmem:v10+s24+$0x0], $0xffff  }
0xee: {  	v48 =	vld.idx.msk [tilespmem:v25+s21+$0x0], $0xffff;
	v50 =	vsub.f32 v43, v11;
	v23 =	vmul.f32 v28, v23  }
0xef: {  	v49 =	vld.idx.msk [tilespmem:v25+s20+$0x0], $0xffff;
	[tilespmem:v13+s24+$0x0] =	vst.idx.msk $0xffff, v19;
	v51 =	vmul.f32 v47, v12;
	v54 =	vmul.f32 v35, v12  }
0xf0: {  	v52 =	vld.idx.msk [tilespmem:v44+s20+$0x0], $0xffff;
	v19 =	vmul.f32 v50, v12;
	v20 =	vadd.f32 v23, v20;
	v53 =	vsub.f32 v45, v11  }
0xf1: {  	v55 =	vld.idx.msk [tilespmem:v31+s20+$0x0], $0xffff;
	v21 =	vmul.f32 v51, v21;
	v59 =	vmul.f32 v54, v63;
	v56 =	vsub.f32 v38, v11  }
0xf2: {  	v57 =	vld.idx.msk [tilespmem:v44+s21+$0x0], $0xffff;
	v19 =	vmul.f32 v19, v42;
	v58 =	vmul.f32 v53, v12;
	v11 =	vsub.f32 v46, v11  }
0xf3: {  	v60 =	vld.idx.msk [tilespmem:v31+s21+$0x0], $0xffff;
	[tilespmem:v16+s24+$0x0] =	vst.idx.msk $0xffff, v20;
	v18 =	vadd.f32 v21, v18;
	v20 =	vmul.f32 v56, v12  }
0xf4: {  	s9 =	sadd.s32 $0x1, s9;
	v62 =	vadd.f32 v59, v36;
	v61 =	vmul.f32 v58, v49;
	v11 =	vmul.f32 v11, v12  }
0xf5: {  	p4 =	sne.s32 s9, $0xB;
	v19 =	vadd.f32 v19, v41;
	[tilespmem:v15+s24+$0x0] =	vst.idx.msk $0xffff, v18;
	v20 =	vmul.f32 v20, v52  }
.Ltmp4:
0xf6: {  	[tilespmem:v14+s24+$0x0] =	vst.idx.msk $0xffff, v62;
	v12 =	vadd.f32 v61, v48;
	v11 =	vmul.f32 v11, v55;
	(pc) =	sbr.rel @p4 .LBB2_2-.Ltmp4, $4  }
0xf7: {  	[tilespmem:v17+s24+$0x0] =	vst.idx.msk $0xffff, v19;
	v63 =	vadd.f32 v20, v57  }
0xf8: {  	[tilespmem:v30+s24+$0x0] =	vst.idx.msk $0xffff, v12;
	v11 =	vadd.f32 v11, v60  }
0xf9: {  	[tilespmem:v32+s24+$0x0] =	vst.idx.msk $0xffff, v63  }
0xfa: {  	[tilespmem:v10+s24+$0x0] =	vst.idx.msk $0xffff, v11  }
.Ltmp5:
0xfb: {  	(pc) =	sbr.rel @p3 .LBB2_13-.Ltmp5, $2  }
0xfc: {  	_ =	sdelay $0x2  }
0xfd: {  	s9 =	simm.s32 $0x0;
	s18 =	simm.s32 $0x0  }
.LBB2_8:
0xfe: {  	s13 =	sshll.u32 s18, $0x1  }
0xff: {  	s31 =	sadd.s32 s10, s13  }
0x100: {  	s17 =	sshll.u32 s31, $0x3  }
0x101: {  	v10 =	vmov s17  }
0x102: {  	v13 =	vshrl.u32 v0, $0x3;
	v10 =	vshll.u32 v10, $0x3  }
0x103: {  	v11 =	vor.u32 s17, v13;
	v10 =	vand.u32 $0xFFFFFC00, v10  }
0x104: {  	v14 =	vor.u32 $0x2, v13;
	v11 =	vand.u32 $0x79, v11;
	v10 =	vor.u32 v3, v10  }
0x105: {  	v12 =	vor.u32 s17, v14;
	v15 =	vor.u32 v11, v10;
	v11 =	vor.u32 $0x4, v13  }
0x106: {  	p4 =	seq.s32 s18, $0x0;
	v16 =	vand.u32 $0x7B, v12;
	v12 =	vor.u32 $0x6, v13;
	v17 =	vor.u32 s17, v11  }
0x107: {  	s13 =	simm.s32 @!p4 $0x1;
	v18 =	vor.u32 s17, v12;
	v16 =	vor.u32 v16, v10;
	v17 =	vand.u32 $0x7D, v17  }
0x108: {  	_ =	swait.ge @!p4 [sflag:s13], $0x4000;
	v18 =	vand.u32 $0x7F, v18;
	v17 =	vor.u32 v17, v10  }
0x109: {  	[sflag:s13] =	ssyncset.done @!p4 $0x0;
	v10 =	vor.u32 v18, v10  }
0x10a: {  	[sflag:s13] =	ssyncadd.s32 @!p4 $0xFFFFC000  }
0x10b: {  	s16 =	simm.s32 $0x2;
	v15 =	vld.idx.msk [tilespmem:v15+s23+$0x0], $0xffff  }
0x10c: {  	v26 =	vadd.s32 s16, v0;
	v16 =	vld.idx.msk [tilespmem:v16+s23+$0x0], $0xffff  }
0x10d: {  	s8 =	simm.s32 $0x1;
	v27 =	vshll.u32 v26, $0x3;
	v17 =	vld.idx.msk [tilespmem:v17+s23+$0x0], $0xffff  }
0x10e: {  	s14 =	simm.s32 $0x4;
	v30 =	vand.u32 $0x7F, v26;
	v26 =	vadd.s32 s8, v0;
	v18 =	vld.idx.msk [tilespmem:v10+s23+$0x0], $0xffff;
	v10 =	vmul.u32 $0x15, v1  }
0x10f: {  	v43 =	vadd.s32 s14, v0;
	v33 =	vand.u32 $0x7F, v26;
	v26 =	vshll.u32 v26, $0x3  }
0x110: {  	v31 =	vand.u32 $0x400, v27;
	v41 =	vand.u32 $0x400, v26;
	v15 =	vadd.s32 v10, v15  }
0x111: {  	v16 =	vadd.s32 v10, v16;
	v19 =	vshll.u32 v15, $0x8;
	v15 =	vshll.u32 v15, $0x7  }
0x112: {  	v20 =	vshll.u32 v16, $0x8;
	v16 =	vshll.u32 v16, $0x7;
	v19 =	vand.u32 $0xFFFFF800, v19  }
0x113: {  	v15 =	vand.u32 $0x380, v15;
	v16 =	vand.u32 $0x380, v16;
	v17 =	vadd.s32 v10, v17  }
0x114: {  	v18 =	vadd.s32 v10, v18;
	v19 =	vor.u32 v15, v19;
	v15 =	vand.u32 $0xFFFFF800, v20  }
0x115: {  	v20 =	vadd.s32 s9, v0;
	v16 =	vor.u32 v16, v15;
	v15 =	vshll.u32 v17, $0x8  }
0x116: {  	s15 =	simm.s32 $0x3;
	v17 =	vshll.u32 v17, $0x7;
	v21 =	vshll.u32 v18, $0x8;
	v18 =	vshll.u32 v18, $0x7  }
0x117: {  	v22 =	vshll.u32 v20, $0x3;
	v23 =	vand.u32 $0x7F, v20;
	v20 =	vadd.s32 s15, v0  }
0x118: {  	v27 =	vor.u32 v19, v30;
	v26 =	vor.u32 v19, v33;
	v15 =	vand.u32 $0xFFFFF800, v15  }
0x119: {  	v17 =	vand.u32 $0x380, v17;
	v24 =	vand.u32 $0x400, v22;
	v22 =	vor.u32 v19, v23  }
0x11a: {  	v25 =	vshll.u32 v20, $0x3;
	v28 =	vand.u32 $0x7F, v20;
	v22 =	vor.u32 v24, v22  }
0x11b: {  	v27 =	vor.u32 v31, v27;
	v25 =	vand.u32 $0x400, v25;
	v20 =	vor.u32 v19, v28  }
0x11c: {  	v21 =	vand.u32 $0xFFFFF800, v21;
	v18 =	vand.u32 $0x380, v18;
	v20 =	vor.u32 v25, v20  }
0x11d: {  	v26 =	vor.u32 v41, v26;
	v38 =	vor.u32 v16, v30;
	v17 =	vor.u32 v17, v15  }
0x11e: {  	v15 =	vor.u32 v18, v21;
	v32 =	vor.u32 v23, v24;
	v18 =	vor.u32 v16, v23  }
0x11f: {  	v36 =	vor.u32 v16, v28;
	v38 =	vor.u32 v31, v38;
	v21 =	vld.idx.msk [tilespmem:v22+s24+$0x0], $0xffff;
	v22 =	vor.u32 v4, v32  }
0x120: {  	v42 =	vor.u32 v28, v25;
	v29 =	vor.u32 v24, v18;
	v18 =	vor.u32 v33, v41  }
0x121: {  	v36 =	vor.u32 v25, v36;
	v35 =	vor.u32 v4, v42;
	v34 =	vld.idx.msk [tilespmem:v20+s24+$0x0], $0xffff;
	v20 =	vor.u32 v30, v31  }
0x122: {  	v44 =	vor.u32 v15, v23;
	v45 =	vor.u32 v5, v32;
	v27 =	vld.idx.msk [tilespmem:v27+s24+$0x0], $0xffff;
	v37 =	vor.u32 v4, v20  }
0x123: {  	s15 =	simm.s32 $0x7;
	v23 =	vor.u32 v17, v23;
	v40 =	vor.u32 v4, v18;
	v39 =	vld.idx.msk [tilespmem:v26+s24+$0x0], $0xffff;
	v26 =	vor.u32 v16, v33  }
0x124: {  	v62 =	vadd.s32 s15, v0;
	v57 =	vor.u32 v17, v30;
	[tilespmem:v22+s25+$0x0] =	vst.idx.msk $0xffff, v21;
	v21 =	vor.u32 v41, v26  }
0x125: {  	v48 =	vor.u32 v6, v32;
	v23 =	vor.u32 v24, v23;
	v55 =	vor.u32 v5, v42;
	v29 =	vld.idx.msk [tilespmem:v29+s24+$0x0], $0xffff  }
0x126: {  	v46 =	vor.u32 v5, v18;
	v44 =	vor.u32 v24, v44;
	v24 =	vand.u32 $0x7F, v62;
	[tilespmem:v35+s25+$0x0] =	vst.idx.msk $0xffff, v34  }
0x127: {  	v63 =	vor.u32 v19, v24;
	[tilespmem:v37+s25+$0x0] =	vst.idx.msk $0xffff, v27;
	v35 =	vld.idx.msk [tilespmem:v36+s24+$0x0], $0xffff;
	v27 =	vor.u32 v17, v28  }
0x128: {  	v56 =	vor.u32 v5, v20;
	[tilespmem:v40+s25+$0x0] =	vst.idx.msk $0xffff, v39;
	v37 =	vld.idx.msk [tilespmem:v38+s24+$0x0], $0xffff;
	v58 =	vor.u32 v25, v27  }
0x129: {  	v30 =	vor.u32 v15, v30;
	v39 =	vor.u32 v31, v57;
	v27 =	vor.u32 v17, v33;
	v59 =	vld.idx.msk [tilespmem:v21+s24+$0x0], $0xffff  }
0x12a: {  	v30 =	vor.u32 v31, v30;
	v22 =	vand.u32 $0x7F, v43;
	v61 =	vor.u32 v41, v27;
	[tilespmem:v45+s25+$0x0] =	vst.idx.msk $0xffff, v29  }
0x12b: {  	v40 =	vor.u32 v6, v42;
	v26 =	vor.u32 v16, v22;
	v60 =	vor.u32 v19, v22;
	v47 =	vld.idx.msk [tilespmem:v23+s24+$0x0], $0xffff  }
0x12c: {  	v54 =	vshll.u32 v43, $0x3;
	v28 =	vor.u32 v15, v28;
	v27 =	vor.u32 v7, v32;
	[tilespmem:v55+s25+$0x0] =	vst.idx.msk $0xffff, v35  }
0x12d: {  	s16 =	simm.s32 $0x6;
	v32 =	vor.u32 v25, v28;
	v25 =	vor.u32 v15, v33;
	[tilespmem:v56+s25+$0x0] =	vst.idx.msk $0xffff, v37;
	v37 =	vld.idx.msk [tilespmem:v58+s24+$0x0], $0xffff  }
0x12e: {  	v28 =	vadd.s32 s16, v0;
	v21 =	vand.u32 $0x400, v54;
	v38 =	vld.idx.msk [tilespmem:v39+s24+$0x0], $0xffff;
	v39 =	vor.u32 v6, v20;
	[tilespmem:v46+s25+$0x0] =	vst.idx.msk $0xffff, v59  }
0x12f: {  	v31 =	vor.u32 v41, v25;
	v23 =	vshll.u32 v62, $0x3;
	v35 =	vor.u32 v6, v18;
	v34 =	vld.idx.msk [tilespmem:v61+s24+$0x0], $0xffff  }
0x130: {  	v25 =	vand.u32 $0x7F, v28;
	v41 =	vshll.u32 v28, $0x3;
	v23 =	vand.u32 $0x400, v23;
	[tilespmem:v48+s25+$0x0] =	vst.idx.msk $0xffff, v47  }
0x131: {  	s14 =	simm.s32 $0x5;
	s13 =	simm.s32 $0x8;
	v28 =	vor.u32 v7, v42;
	v29 =	vor.u32 v21, v60;
	v36 =	vor.u32 v23, v63;
	v33 =	vld.idx.msk [tilespmem:v44+s24+$0x0], $0xffff  }
.LBB2_9:
0x132: {  	p5 =	slt.u32 s13, $0xFC;
	v42 =	vadd.s32 s14, v0;
	v41 =	vand.u32 $0x400, v41;
	v43 =	vor.u32 v19, v25;
	[tilespmem:v40+s25+$0x0] =	vst.idx.msk $0xffff, v37  }
0x133: {  	v44 =	vand.u32 $0x7F, v42;
	v37 =	vshll.u32 v42, $0x3;
	v40 =	vor.u32 v41, v43;
	[tilespmem:v39+s25+$0x0] =	vst.idx.msk $0xffff, v38;
	v32 =	vld.idx.msk [tilespmem:v32+s24+$0x0], $0xffff  }
0x134: {  	v42 =	vand.u32 $0x400, v37;
	v37 =	vor.u32 v19, v44;
	[tilespmem:v35+s25+$0x0] =	vst.idx.msk $0xffff, v34;
	v30 =	vld.idx.msk [tilespmem:v30+s24+$0x0], $0xffff  }
0x135: {  	v34 =	vor.u32 v22, v21;
	v35 =	vor.u32 v42, v37;
	v31 =	vld.idx.msk [tilespmem:v31+s24+$0x0], $0xffff;
	v37 =	vor.u32 v7, v20  }
0x136: {  	v26 =	vor.u32 v21, v26;
	v39 =	vor.u32 v7, v18;
	v38 =	vor.u32 v4, v34;
	v29 =	vld.idx.msk [tilespmem:v29+s24+$0x0], $0xffff  }
0x137: {  	v43 =	vor.u32 v24, v23;
	v18 =	vor.u32 v16, v24;
	[tilespmem:v27+s25+$0x0] =	vst.idx.msk $0xffff, v33  }
0x138: {  	v45 =	vor.u32 v23, v18;
	v27 =	vor.u32 v16, v25;
	v33 =	vld.idx.msk [tilespmem:v36+s24+$0x0], $0xffff;
	v36 =	vor.u32 v4, v43  }
0x139: {  	v20 =	vor.u32 v25, v41;
	v27 =	vor.u32 v41, v27;
	v40 =	vld.idx.msk [tilespmem:v40+s24+$0x0], $0xffff;
	[tilespmem:v28+s25+$0x0] =	vst.idx.msk $0xffff, v32  }
0x13a: {  	v18 =	vor.u32 v44, v42;
	v32 =	vor.u32 v4, v20;
	v28 =	vld.idx.msk [tilespmem:v35+s24+$0x0], $0xffff;
	[tilespmem:v37+s25+$0x0] =	vst.idx.msk $0xffff, v30  }
0x13b: {  	v30 =	vor.u32 v4, v18;
	v35 =	vor.u32 v16, v44;
	[tilespmem:v39+s25+$0x0] =	vst.idx.msk $0xffff, v31  }
0x13c: {  	v31 =	vadd.s32 s13, v0;
	[tilespmem:v38+s25+$0x0] =	vst.idx.msk $0xffff, v29;
	v29 =	vor.u32 v42, v35  }
0x13d: {  	v35 =	vand.u32 $0x7F, v31;
	v38 =	vor.u32 v15, v22;
	v37 =	vld.idx.msk [tilespmem:v26+s24+$0x0], $0xffff  }
0x13e: {  	v39 =	vor.u32 v5, v34;
	v31 =	vshll.u32 v31, $0x3;
	v22 =	vor.u32 v17, v22;
	[tilespmem:v36+s25+$0x0] =	vst.idx.msk $0xffff, v33  }
0x13f: {  	v26 =	vor.u32 v16, v35;
	v33 =	vor.u32 v21, v22;
	[tilespmem:v32+s25+$0x0] =	vst.idx.msk $0xffff, v40;
	v32 =	vld.idx.msk [tilespmem:v45+s24+$0x0], $0xffff  }
0x140: {  	v48 =	vor.u32 v17, v24;
	[tilespmem:v30+s25+$0x0] =	vst.idx.msk $0xffff, v28;
	v28 =	vld.idx.msk [tilespmem:v27+s24+$0x0], $0xffff;
	v30 =	vor.u32 v5, v43  }
0x141: {  	v40 =	vor.u32 v5, v20;
	v45 =	vor.u32 v23, v48;
	v27 =	vor.u32 v17, v25;
	v36 =	vld.idx.msk [tilespmem:v29+s24+$0x0], $0xffff  }
0x142: {  	v46 =	vor.u32 v5, v18;
	v22 =	vmovc v35;
	v29 =	vor.u32 v17, v44;
	v47 =	vor.u32 v41, v27  }
0x143: {  	s14 =	sadd.s32 $0x3, s13;
	v27 =	vand.u32 $0x400, v31;
	v31 =	vor.u32 v19, v22;
	v35 =	vor.u32 v42, v29;
	[tilespmem:v39+s25+$0x0] =	vst.idx.msk $0xffff, v37  }
0x144: {  	v48 =	vor.u32 v21, v38;
	v29 =	vor.u32 v27, v31;
	v31 =	vadd.s32 s14, v0;
	v21 =	vmovc v27;
	v33 =	vld.idx.msk [tilespmem:v33+s24+$0x0], $0xffff  }
0x145: {  	v49 =	vor.u32 v6, v34;
	v27 =	vor.u32 v7, v34;
	v37 =	vshll.u32 v31, $0x3;
	[tilespmem:v30+s25+$0x0] =	vst.idx.msk $0xffff, v32  }
0x146: {  	v50 =	vand.u32 $0x400, v37;
	[tilespmem:v40+s25+$0x0] =	vst.idx.msk $0xffff, v28;
	v37 =	vld.idx.msk [tilespmem:v45+s24+$0x0], $0xffff;
	v28 =	vor.u32 v15, v24;
	v24 =	vand.u32 $0x7F, v31  }
.Ltmp6:
0x147: {  	v40 =	vor.u32 v6, v43;
	v31 =	vor.u32 v19, v24;
	[tilespmem:v46+s25+$0x0] =	vst.idx.msk $0xffff, v36;
	v38 =	vld.idx.msk [tilespmem:v47+s24+$0x0], $0xffff;
	(pc) =	sbr.rel @p5 .LBB2_9-.Ltmp6, $4  }
0x148: {  	v25 =	vor.u32 v15, v25;
	v39 =	vor.u32 v6, v20;
	v32 =	vor.u32 v23, v28;
	v34 =	vld.idx.msk [tilespmem:v35+s24+$0x0], $0xffff  }
0x149: {  	s14 =	sadd.s32 $0x2, s13;
	v30 =	vor.u32 v41, v25;
	v28 =	vor.u32 v15, v44;
	v23 =	vmovc v50;
	v35 =	vor.u32 v6, v18  }
0x14a: {  	v41 =	vadd.s32 s14, v0;
	v36 =	vor.u32 v23, v31;
	v31 =	vor.u32 v42, v28;
	[tilespmem:v49+s25+$0x0] =	vst.idx.msk $0xffff, v33  }
0x14b: {  	s14 =	sadd.s32 $0x1, s13;
	s13 =	sadd.s32 $0x4, s13;
	v25 =	vand.u32 $0x7F, v41;
	v41 =	vshll.u32 v41, $0x3;
	v28 =	vor.u32 v7, v43;
	v33 =	vld.idx.msk [tilespmem:v48+s24+$0x0], $0xffff  }
0x14c: {  	_ = 	snop  }
0x14d: {  	v42 =	vadd.s32 s14, v0;
	v41 =	vand.u32 $0x400, v41  }
0x14e: {  	v43 =	vor.u32 v19, v25;
	v44 =	vand.u32 $0x7F, v42;
	v42 =	vshll.u32 v42, $0x3  }
0x14f: {  	v43 =	vor.u32 v41, v43;
	v42 =	vand.u32 $0x400, v42;
	v19 =	vor.u32 v19, v44  }
0x150: {  	[tilespmem:v40+s25+$0x0] =	vst.idx.msk $0xffff, v37;
	v19 =	vor.u32 v42, v19  }
0x151: {  	v53 =	vor.u32 v22, v21;
	[tilespmem:v39+s25+$0x0] =	vst.idx.msk $0xffff, v38;
	v26 =	vor.u32 v21, v26  }
0x152: {  	v29 =	vld.idx.msk [tilespmem:v29+s24+$0x0], $0xffff;
	v55 =	vor.u32 v24, v23;
	v56 =	vor.u32 v16, v24;
	v54 =	vor.u32 v4, v53  }
0x153: {  	v45 =	vor.u32 v16, v25;
	v36 =	vld.idx.msk [tilespmem:v36+s24+$0x0], $0xffff;
	v46 =	vor.u32 v4, v55;
	v47 =	vor.u32 v25, v41  }
0x154: {  	v40 =	vor.u32 v23, v56;
	v49 =	vor.u32 v4, v47;
	v48 =	vor.u32 v44, v42;
	v43 =	vld.idx.msk [tilespmem:v43+s24+$0x0], $0xffff  }
0x155: {  	v45 =	vor.u32 v41, v45;
	v16 =	vor.u32 v16, v44;
	v50 =	vor.u32 v4, v48;
	v19 =	vld.idx.msk [tilespmem:v19+s24+$0x0], $0xffff  }
0x156: {  	[tilespmem:v35+s25+$0x0] =	vst.idx.msk $0xffff, v34;
	v16 =	vor.u32 v42, v16  }
0x157: {  	[tilespmem:v54+s25+$0x0] =	vst.idx.msk $0xffff, v29  }
0x158: {  	v57 =	vor.u32 v17, v22;
	v29 =	vor.u32 v5, v53;
	[tilespmem:v46+s25+$0x0] =	vst.idx.msk $0xffff, v36;
	v26 =	vld.idx.msk [tilespmem:v26+s24+$0x0], $0xffff  }
0x159: {  	v60 =	vor.u32 v17, v24;
	v59 =	vor.u32 v5, v55;
	v58 =	vld.idx.msk [tilespmem:v40+s24+$0x0], $0xffff;
	[tilespmem:v49+s25+$0x0] =	vst.idx.msk $0xffff, v43  }
0x15a: {  	v34 =	vor.u32 v21, v57;
	v61 =	vor.u32 v5, v47;
	[tilespmem:v50+s25+$0x0] =	vst.idx.msk $0xffff, v19;
	v19 =	vld.idx.msk [tilespmem:v45+s24+$0x0], $0xffff  }
0x15b: {  	v62 =	vor.u32 v17, v25;
	v38 =	vor.u32 v23, v60;
	v63 =	vor.u32 v5, v48;
	v16 =	vld.idx.msk [tilespmem:v16+s24+$0x0], $0xffff  }
0x15c: {  	v17 =	vor.u32 v17, v44;
	[tilespmem:v27+s25+$0x0] =	vst.idx.msk $0xffff, v33;
	v27 =	vor.u32 v41, v62  }
0x15d: {  	v17 =	vor.u32 v42, v17;
	[tilespmem:v29+s25+$0x0] =	vst.idx.msk $0xffff, v26  }
0x15e: {  	v22 =	vor.u32 v15, v22;
	v26 =	vld.idx.msk [tilespmem:v32+s24+$0x0], $0xffff;
	[tilespmem:v59+s25+$0x0] =	vst.idx.msk $0xffff, v58  }
0x15f: {  	v21 =	vor.u32 v21, v22;
	v22 =	vor.u32 v6, v53;
	v29 =	vld.idx.msk [tilespmem:v34+s24+$0x0], $0xffff;
	[tilespmem:v61+s25+$0x0] =	vst.idx.msk $0xffff, v19  }
0x160: {  	v24 =	vor.u32 v15, v24;
	v19 =	vld.idx.msk [tilespmem:v38+s24+$0x0], $0xffff;
	[tilespmem:v63+s25+$0x0] =	vst.idx.msk $0xffff, v16;
	v16 =	vor.u32 v6, v55  }
0x161: {  	v25 =	vor.u32 v15, v25;
	v23 =	vor.u32 v23, v24;
	v46 =	vor.u32 v6, v47;
	v27 =	vld.idx.msk [tilespmem:v27+s24+$0x0], $0xffff  }
0x162: {  	v15 =	vor.u32 v15, v44;
	v25 =	vor.u32 v41, v25;
	v24 =	vor.u32 v6, v48;
	v17 =	vld.idx.msk [tilespmem:v17+s24+$0x0], $0xffff  }
0x163: {  	v20 =	vor.u32 v7, v20;
	v30 =	vld.idx.msk [tilespmem:v30+s24+$0x0], $0xffff;
	v15 =	vor.u32 v42, v15;
	[tilespmem:v28+s25+$0x0] =	vst.idx.msk $0xffff, v26  }
0x164: {  	v18 =	vor.u32 v7, v18;
	v26 =	vld.idx.msk [tilespmem:v31+s24+$0x0], $0xffff;
	[tilespmem:v22+s25+$0x0] =	vst.idx.msk $0xffff, v29  }
0x165: {  	v22 =	vor.u32 v7, v53;
	v21 =	vld.idx.msk [tilespmem:v21+s24+$0x0], $0xffff;
	[tilespmem:v16+s25+$0x0] =	vst.idx.msk $0xffff, v19  }
0x166: {  	v16 =	vor.u32 v7, v55;
	[tilespmem:v46+s25+$0x0] =	vst.idx.msk $0xffff, v27;
	v19 =	vld.idx.msk [tilespmem:v23+s24+$0x0], $0xffff  }
0x167: {  	[tilespmem:v24+s25+$0x0] =	vst.idx.msk $0xffff, v17;
	v17 =	vld.idx.msk [tilespmem:v25+s24+$0x0], $0xffff;
	v23 =	vor.u32 v7, v47  }
0x168: {  	[tilespmem:v20+s25+$0x0] =	vst.idx.msk $0xffff, v30;
	v20 =	vor.u32 v7, v48;
	v15 =	vld.idx.msk [tilespmem:v15+s24+$0x0], $0xffff  }
0x169: {  	s13 =	smul.u32 $0x64000, s31;
	s31 =	sor.u32 $0x8, s17;
	[tilespmem:v18+s25+$0x0] =	vst.idx.msk $0xffff, v26  }
0x16a: {  	v18 =	vmov s31;
	[tilespmem:v22+s25+$0x0] =	vst.idx.msk $0xffff, v21  }
0x16b: {  	s13 =	sadd.s32 s7, s13;
	[tilespmem:v16+s25+$0x0] =	vst.idx.msk $0xffff, v19;
	v16 =	vshll.u32 v18, $0x3  }
0x16c: {  	v13 =	vor.u32 s31, v13;
	s13 =	sshrl.u32 s13, $0x3;
	[tilespmem:v23+s25+$0x0] =	vst.idx.msk $0xffff, v17;
	v16 =	vand.u32 $0xFFFFFC00, v16  }
0x16d: {  	v14 =	vor.u32 s31, v14;
	v13 =	vand.u32 $0x79, v13;
	s13 =	sadd.s32 s6, s13;
	[tilespmem:v20+s25+$0x0] =	vst.idx.msk $0xffff, v15;
	v15 =	vor.u32 v3, v16  }
0x16e: {  	v11 =	vor.u32 s31, v11;
	v14 =	vand.u32 $0x7B, v14;
	[hbm4b:s13+s26] =	stream.strided.scatter [tilespmem:s25], [sflag:$0x1], $0x4000, s28, s26, $0x38;
	v13 =	vor.u32 v13, v15;
	[tilespmem:$0x1C600] =	vst v63  }
0x16f: {  	v12 =	vor.u32 s31, v12;
	v11 =	vand.u32 $0x7D, v11;
	s13 =	simm.s32 @!p4 $0x2;
	v14 =	vor.u32 v14, v15  }
0x170: {  	v12 =	vand.u32 $0x7F, v12;
	_ =	swait.ge @!p4 [sflag:s13], $0x4000;
	v11 =	vor.u32 v11, v15  }
0x171: {  	v12 =	vor.u32 v12, v15;
	[sflag:s13] =	ssyncset.done @!p4 $0x0  }
0x172: {  	[sflag:s13] =	ssyncadd.s32 @!p4 $0xFFFFC000  }
0x173: {  	v13 =	vld.idx.msk [tilespmem:v13+s23+$0x0], $0xffff  }
0x174: {  	v14 =	vld.idx.msk [tilespmem:v14+s23+$0x0], $0xffff  }
0x175: {  	s8 =	simm.s32 $0x2;
	v11 =	vld.idx.msk [tilespmem:v11+s23+$0x0], $0xffff  }
0x176: {  	s14 =	simm.s32 $0x1;
	v21 =	vadd.s32 s8, v0;
	v12 =	vld.idx.msk [tilespmem:v12+s23+$0x0], $0xffff  }
0x177: {  	v22 =	vshll.u32 v21, $0x3;
	v25 =	vand.u32 $0x7F, v21;
	v21 =	vadd.s32 s14, v0  }
0x178: {  	v28 =	vand.u32 $0x7F, v21;
	v21 =	vshll.u32 v21, $0x3  }
0x179: {  	v26 =	vand.u32 $0x400, v22;
	v47 =	vand.u32 $0x400, v21  }
0x17a: {  	v13 =	vadd.s32 v10, v13;
	v14 =	vadd.s32 v10, v14;
	v15 =	vadd.s32 v10, v11  }
0x17b: {  	v10 =	vadd.s32 v10, v12;
	v11 =	vshll.u32 v13, $0x8;
	v12 =	vshll.u32 v13, $0x7  }
0x17c: {  	v16 =	vshll.u32 v14, $0x8;
	v11 =	vand.u32 $0xFFFFF800, v11;
	v12 =	vand.u32 $0x380, v12  }
0x17d: {  	v14 =	vshll.u32 v14, $0x7;
	v13 =	vor.u32 v12, v11;
	v11 =	vand.u32 $0xFFFFF800, v16  }
0x17e: {  	v12 =	vand.u32 $0x380, v14;
	v14 =	vshll.u32 v15, $0x7;
	v16 =	vshll.u32 v10, $0x8  }
0x17f: {  	s16 =	simm.s32 $0x0;
	v10 =	vshll.u32 v10, $0x7;
	v11 =	vor.u32 v12, v11;
	v12 =	vshll.u32 v15, $0x8  }
0x180: {  	v14 =	vand.u32 $0x380, v14;
	v15 =	vadd.s32 s16, v0;
	v22 =	vor.u32 v13, v25  }
0x181: {  	v21 =	vor.u32 v13, v28;
	v16 =	vand.u32 $0xFFFFF800, v16;
	v10 =	vand.u32 $0x380, v10  }
0x182: {  	s17 =	simm.s32 $0x3;
	v12 =	vand.u32 $0xFFFFF800, v12;
	v17 =	vshll.u32 v15, $0x3;
	v18 =	vand.u32 $0x7F, v15  }
0x183: {  	v15 =	vadd.s32 s17, v0;
	v19 =	vand.u32 $0x400, v17;
	v17 =	vor.u32 v13, v18  }
0x184: {  	v20 =	vshll.u32 v15, $0x3;
	v23 =	vand.u32 $0x7F, v15;
	v17 =	vor.u32 v19, v17  }
0x185: {  	v22 =	vor.u32 v26, v22;
	v20 =	vand.u32 $0x400, v20;
	v15 =	vor.u32 v13, v23  }
0x186: {  	v21 =	vor.u32 v47, v21;
	v10 =	vor.u32 v10, v16;
	v15 =	vor.u32 v20, v15  }
0x187: {  	v50 =	vor.u32 v11, v25;
	v12 =	vor.u32 v14, v12;
	v14 =	vor.u32 v11, v18  }
0x188: {  	v33 =	vor.u32 v26, v50;
	v54 =	vor.u32 v10, v18;
	v27 =	vor.u32 v18, v19  }
0x189: {  	v24 =	vor.u32 v19, v14;
	v31 =	vor.u32 v11, v23;
	v16 =	vld.idx.msk [tilespmem:v17+s24+$0x0], $0xffff;
	v17 =	vor.u32 v4, v27  }
0x18a: {  	v14 =	vor.u32 v28, v47;
	v18 =	vor.u32 v12, v18;
	v48 =	vor.u32 v23, v20  }
0x18b: {  	v57 =	vor.u32 v12, v25;
	v30 =	vor.u32 v4, v48;
	v29 =	vld.idx.msk [tilespmem:v15+s24+$0x0], $0xffff;
	v15 =	vor.u32 v25, v26  }
0x18c: {  	v39 =	vor.u32 v19, v54;
	v31 =	vor.u32 v20, v31;
	v22 =	vld.idx.msk [tilespmem:v22+s24+$0x0], $0xffff;
	v49 =	vor.u32 v4, v15  }
0x18d: {  	v52 =	vor.u32 v4, v14;
	v55 =	vor.u32 v5, v27;
	v51 =	vld.idx.msk [tilespmem:v21+s24+$0x0], $0xffff;
	v21 =	vor.u32 v11, v28  }
0x18e: {  	v18 =	vor.u32 v19, v18;
	[tilespmem:v17+s29+$0x0] =	vst.idx.msk $0xffff, v16;
	v16 =	vor.u32 v47, v21  }
0x18f: {  	s15 =	simm.s32 $0x4;
	v60 =	vor.u32 v5, v14;
	v34 =	vor.u32 v26, v57;
	v63 =	vor.u32 v6, v27;
	v24 =	vld.idx.msk [tilespmem:v24+s24+$0x0], $0xffff  }
0x190: {  	v53 =	vadd.s32 s15, v0;
	v35 =	vor.u32 v6, v48;
	v25 =	vor.u32 v10, v25;
	[tilespmem:v30+s29+$0x0] =	vst.idx.msk $0xffff, v29  }
0x191: {  	[tilespmem:v49+s29+$0x0] =	vst.idx.msk $0xffff, v22;
	v30 =	vld.idx.msk [tilespmem:v31+s24+$0x0], $0xffff;
	v31 =	vor.u32 v5, v48;
	v22 =	vor.u32 v12, v23  }
0x192: {  	v56 =	vor.u32 v5, v15;
	[tilespmem:v52+s29+$0x0] =	vst.idx.msk $0xffff, v51;
	v32 =	vld.idx.msk [tilespmem:v33+s24+$0x0], $0xffff;
	v58 =	vor.u32 v20, v22  }
0x193: {  	v25 =	vor.u32 v26, v25;
	v17 =	vand.u32 $0x7F, v53;
	v22 =	vor.u32 v12, v28;
	v59 =	vld.idx.msk [tilespmem:v16+s24+$0x0], $0xffff  }
0x194: {  	v29 =	vshll.u32 v53, $0x3;
	v23 =	vor.u32 v10, v23;
	v61 =	vor.u32 v47, v22;
	[tilespmem:v55+s29+$0x0] =	vst.idx.msk $0xffff, v24  }
0x195: {  	v21 =	vor.u32 v11, v17;
	v22 =	vor.u32 v7, v27;
	v27 =	vor.u32 v20, v23;
	v62 =	vld.idx.msk [tilespmem:v18+s24+$0x0], $0xffff  }
0x196: {  	v20 =	vor.u32 v10, v28;
	v16 =	vand.u32 $0x400, v29;
	v29 =	vor.u32 v13, v17;
	[tilespmem:v31+s29+$0x0] =	vst.idx.msk $0xffff, v30  }
0x197: {  	s16 =	simm.s32 $0x7;
	s17 =	simm.s32 $0x6;
	v26 =	vor.u32 v47, v20;
	v24 =	vor.u32 v16, v29;
	[tilespmem:v56+s29+$0x0] =	vst.idx.msk $0xffff, v32;
	v32 =	vld.idx.msk [tilespmem:v58+s24+$0x0], $0xffff  }
0x198: {  	v23 =	vadd.s32 s17, v0;
	v29 =	vadd.s32 s16, v0;
	v33 =	vld.idx.msk [tilespmem:v34+s24+$0x0], $0xffff;
	v34 =	vor.u32 v6, v15;
	[tilespmem:v60+s29+$0x0] =	vst.idx.msk $0xffff, v59  }
0x199: {  	v18 =	vshll.u32 v29, $0x3;
	v19 =	vand.u32 $0x7F, v29;
	v30 =	vor.u32 v6, v14;
	v29 =	vld.idx.msk [tilespmem:v61+s24+$0x0], $0xffff  }
0x19a: {  	v20 =	vand.u32 $0x7F, v23;
	v18 =	vand.u32 $0x400, v18;
	v31 =	vor.u32 v13, v19;
	[tilespmem:v63+s29+$0x0] =	vst.idx.msk $0xffff, v62  }
0x19b: {  	s14 =	simm.s32 $0x5;
	s13 =	simm.s32 $0x8;
	v36 =	vshll.u32 v23, $0x3;
	v23 =	vor.u32 v7, v48;
	v31 =	vor.u32 v18, v31;
	v28 =	vld.idx.msk [tilespmem:v39+s24+$0x0], $0xffff  }
.LBB2_11:
0x19c: {  	p4 =	slt.u32 s13, $0xFC;
	v37 =	vadd.s32 s14, v0;
	v36 =	vand.u32 $0x400, v36;
	v38 =	vor.u32 v13, v20;
	[tilespmem:v35+s29+$0x0] =	vst.idx.msk $0xffff, v32  }
0x19d: {  	v39 =	vand.u32 $0x7F, v37;
	v32 =	vshll.u32 v37, $0x3;
	v35 =	vor.u32 v36, v38;
	[tilespmem:v34+s29+$0x0] =	vst.idx.msk $0xffff, v33;
	v27 =	vld.idx.msk [tilespmem:v27+s24+$0x0], $0xffff  }
0x19e: {  	v37 =	vand.u32 $0x400, v32;
	v32 =	vor.u32 v13, v39;
	[tilespmem:v30+s29+$0x0] =	vst.idx.msk $0xffff, v29;
	v25 =	vld.idx.msk [tilespmem:v25+s24+$0x0], $0xffff  }
0x19f: {  	v29 =	vor.u32 v17, v16;
	v30 =	vor.u32 v37, v32;
	v26 =	vld.idx.msk [tilespmem:v26+s24+$0x0], $0xffff;
	v32 =	vor.u32 v7, v15  }
0x1a0: {  	v21 =	vor.u32 v16, v21;
	v34 =	vor.u32 v7, v14;
	v33 =	vor.u32 v4, v29;
	v24 =	vld.idx.msk [tilespmem:v24+s24+$0x0], $0xffff  }
0x1a1: {  	v38 =	vor.u32 v19, v18;
	v14 =	vor.u32 v11, v19;
	[tilespmem:v22+s29+$0x0] =	vst.idx.msk $0xffff, v28  }
0x1a2: {  	v40 =	vor.u32 v18, v14;
	v22 =	vor.u32 v11, v20;
	v28 =	vld.idx.msk [tilespmem:v31+s24+$0x0], $0xffff;
	v31 =	vor.u32 v4, v38  }
0x1a3: {  	v15 =	vor.u32 v20, v36;
	v22 =	vor.u32 v36, v22;
	v35 =	vld.idx.msk [tilespmem:v35+s24+$0x0], $0xffff;
	[tilespmem:v23+s29+$0x0] =	vst.idx.msk $0xffff, v27  }
0x1a4: {  	v14 =	vor.u32 v39, v37;
	v27 =	vor.u32 v4, v15;
	v23 =	vld.idx.msk [tilespmem:v30+s24+$0x0], $0xffff;
	[tilespmem:v32+s29+$0x0] =	vst.idx.msk $0xffff, v25  }
0x1a5: {  	v25 =	vor.u32 v4, v14;
	v30 =	vor.u32 v11, v39;
	[tilespmem:v34+s29+$0x0] =	vst.idx.msk $0xffff, v26  }
0x1a6: {  	v26 =	vadd.s32 s13, v0;
	[tilespmem:v33+s29+$0x0] =	vst.idx.msk $0xffff, v24;
	v24 =	vor.u32 v37, v30  }
0x1a7: {  	v30 =	vand.u32 $0x7F, v26;
	v33 =	vor.u32 v10, v17;
	v32 =	vld.idx.msk [tilespmem:v21+s24+$0x0], $0xffff  }
0x1a8: {  	v34 =	vor.u32 v5, v29;
	v26 =	vshll.u32 v26, $0x3;
	v17 =	vor.u32 v12, v17;
	[tilespmem:v31+s29+$0x0] =	vst.idx.msk $0xffff, v28  }
0x1a9: {  	v21 =	vor.u32 v11, v30;
	v28 =	vor.u32 v16, v17;
	[tilespmem:v27+s29+$0x0] =	vst.idx.msk $0xffff, v35;
	v27 =	vld.idx.msk [tilespmem:v40+s24+$0x0], $0xffff  }
0x1aa: {  	v43 =	vor.u32 v12, v19;
	[tilespmem:v25+s29+$0x0] =	vst.idx.msk $0xffff, v23;
	v23 =	vld.idx.msk [tilespmem:v22+s24+$0x0], $0xffff;
	v25 =	vor.u32 v5, v38  }
0x1ab: {  	v35 =	vor.u32 v5, v15;
	v40 =	vor.u32 v18, v43;
	v22 =	vor.u32 v12, v20;
	v31 =	vld.idx.msk [tilespmem:v24+s24+$0x0], $0xffff  }
0x1ac: {  	v41 =	vor.u32 v5, v14;
	v17 =	vmovc v30;
	v24 =	vor.u32 v12, v39;
	v42 =	vor.u32 v36, v22  }
0x1ad: {  	s14 =	sadd.s32 $0x3, s13;
	v22 =	vand.u32 $0x400, v26;
	v26 =	vor.u32 v13, v17;
	v30 =	vor.u32 v37, v24;
	[tilespmem:v34+s29+$0x0] =	vst.idx.msk $0xffff, v32  }
0x1ae: {  	v43 =	vor.u32 v16, v33;
	v24 =	vor.u32 v22, v26;
	v26 =	vadd.s32 s14, v0;
	v16 =	vmovc v22;
	v28 =	vld.idx.msk [tilespmem:v28+s24+$0x0], $0xffff  }
0x1af: {  	v44 =	vor.u32 v6, v29;
	v22 =	vor.u32 v7, v29;
	v32 =	vshll.u32 v26, $0x3;
	[tilespmem:v25+s29+$0x0] =	vst.idx.msk $0xffff, v27  }
0x1b0: {  	v45 =	vand.u32 $0x400, v32;
	[tilespmem:v35+s29+$0x0] =	vst.idx.msk $0xffff, v23;
	v32 =	vld.idx.msk [tilespmem:v40+s24+$0x0], $0xffff;
	v23 =	vor.u32 v10, v19;
	v19 =	vand.u32 $0x7F, v26  }
.Ltmp7:
0x1b1: {  	v35 =	vor.u32 v6, v38;
	v26 =	vor.u32 v13, v19;
	[tilespmem:v41+s29+$0x0] =	vst.idx.msk $0xffff, v31;
	v33 =	vld.idx.msk [tilespmem:v42+s24+$0x0], $0xffff;
	(pc) =	sbr.rel @p4 .LBB2_11-.Ltmp7, $4  }
0x1b2: {  	v20 =	vor.u32 v10, v20;
	v34 =	vor.u32 v6, v15;
	v27 =	vor.u32 v18, v23;
	v29 =	vld.idx.msk [tilespmem:v30+s24+$0x0], $0xffff  }
0x1b3: {  	s14 =	sadd.s32 $0x2, s13;
	v25 =	vor.u32 v36, v20;
	v23 =	vor.u32 v10, v39;
	v18 =	vmovc v45;
	v30 =	vor.u32 v6, v14  }
0x1b4: {  	v36 =	vadd.s32 s14, v0;
	v31 =	vor.u32 v18, v26;
	v26 =	vor.u32 v37, v23;
	[tilespmem:v44+s29+$0x0] =	vst.idx.msk $0xffff, v28  }
0x1b5: {  	s14 =	sadd.s32 $0x1, s13;
	s13 =	sadd.s32 $0x4, s13;
	v20 =	vand.u32 $0x7F, v36;
	v36 =	vshll.u32 v36, $0x3;
	v23 =	vor.u32 v7, v38;
	v28 =	vld.idx.msk [tilespmem:v43+s24+$0x0], $0xffff  }
0x1b6: {  	_ = 	snop  }
0x1b7: {  	v37 =	vadd.s32 s14, v0;
	v36 =	vand.u32 $0x400, v36  }
0x1b8: {  	v38 =	vor.u32 v13, v20;
	v39 =	vand.u32 $0x7F, v37;
	v37 =	vshll.u32 v37, $0x3  }
0x1b9: {  	v38 =	vor.u32 v36, v38;
	v37 =	vand.u32 $0x400, v37;
	v56 =	vor.u32 v13, v39  }
0x1ba: {  	[tilespmem:v35+s29+$0x0] =	vst.idx.msk $0xffff, v32;
	v13 =	vor.u32 v37, v56  }
0x1bb: {  	v32 =	vor.u32 v17, v16;
	[tilespmem:v34+s29+$0x0] =	vst.idx.msk $0xffff, v33;
	v21 =	vor.u32 v16, v21  }
0x1bc: {  	v24 =	vld.idx.msk [tilespmem:v24+s24+$0x0], $0xffff;
	v34 =	vor.u32 v19, v18;
	v58 =	vor.u32 v11, v19;
	v57 =	vor.u32 v4, v32  }
0x1bd: {  	v40 =	vor.u32 v11, v20;
	v31 =	vld.idx.msk [tilespmem:v31+s24+$0x0], $0xffff;
	v41 =	vor.u32 v4, v34;
	v42 =	vor.u32 v20, v36  }
0x1be: {  	v35 =	vor.u32 v18, v58;
	v44 =	vor.u32 v4, v42;
	v43 =	vor.u32 v39, v37;
	v38 =	vld.idx.msk [tilespmem:v38+s24+$0x0], $0xffff  }
0x1bf: {  	v40 =	vor.u32 v36, v40;
	v11 =	vor.u32 v11, v39;
	v45 =	vor.u32 v4, v43;
	v13 =	vld.idx.msk [tilespmem:v13+s24+$0x0], $0xffff  }
0x1c0: {  	[tilespmem:v30+s29+$0x0] =	vst.idx.msk $0xffff, v29;
	v11 =	vor.u32 v37, v11  }
0x1c1: {  	[tilespmem:v57+s29+$0x0] =	vst.idx.msk $0xffff, v24  }
0x1c2: {  	v60 =	vor.u32 v12, v17;
	v59 =	vor.u32 v5, v32;
	[tilespmem:v41+s29+$0x0] =	vst.idx.msk $0xffff, v31;
	v21 =	vld.idx.msk [tilespmem:v21+s24+$0x0], $0xffff  }
0x1c3: {  	v29 =	vor.u32 v16, v60;
	v62 =	vor.u32 v5, v34;
	v61 =	vld.idx.msk [tilespmem:v35+s24+$0x0], $0xffff;
	[tilespmem:v44+s29+$0x0] =	vst.idx.msk $0xffff, v38  }
0x1c4: {  	v41 =	vor.u32 v12, v19;
	v44 =	vor.u32 v5, v42;
	v63 =	vld.idx.msk [tilespmem:v40+s24+$0x0], $0xffff;
	[tilespmem:v45+s29+$0x0] =	vst.idx.msk $0xffff, v13  }
0x1c5: {  	v46 =	vor.u32 v5, v43;
	v33 =	vor.u32 v18, v41;
	v45 =	vor.u32 v12, v20;
	v11 =	vld.idx.msk [tilespmem:v11+s24+$0x0], $0xffff  }
0x1c6: {  	v47 =	vor.u32 v12, v39;
	v48 =	vor.u32 v36, v45  }
0x1c7: {  	[tilespmem:v59+s29+$0x0] =	vst.idx.msk $0xffff, v21;
	v12 =	vor.u32 v37, v47  }
0x1c8: {  	v50 =	vor.u32 v10, v17;
	v54 =	vor.u32 v10, v19;
	v49 =	vld.idx.msk [tilespmem:v27+s24+$0x0], $0xffff;
	[tilespmem:v62+s29+$0x0] =	vst.idx.msk $0xffff, v61  }
0x1c9: {  	v51 =	vor.u32 v16, v50;
	v52 =	vor.u32 v6, v32;
	v24 =	vld.idx.msk [tilespmem:v29+s24+$0x0], $0xffff;
	[tilespmem:v44+s29+$0x0] =	vst.idx.msk $0xffff, v63  }
0x1ca: {  	v55 =	vor.u32 v6, v42;
	v53 =	vld.idx.msk [tilespmem:v33+s24+$0x0], $0xffff;
	[tilespmem:v46+s29+$0x0] =	vst.idx.msk $0xffff, v11;
	v11 =	vor.u32 v6, v34  }
0x1cb: {  	v56 =	vor.u32 v10, v20;
	[tilespmem:v22+s29+$0x0] =	vst.idx.msk $0xffff, v28;
	v57 =	vor.u32 v18, v54;
	v22 =	vld.idx.msk [tilespmem:v48+s24+$0x0], $0xffff  }
0x1cc: {  	v10 =	vor.u32 v10, v39;
	v58 =	vor.u32 v6, v43;
	v20 =	vor.u32 v36, v56;
	v12 =	vld.idx.msk [tilespmem:v12+s24+$0x0], $0xffff  }
0x1cd: {  	v15 =	vor.u32 v7, v15;
	v25 =	vld.idx.msk [tilespmem:v25+s24+$0x0], $0xffff;
	v10 =	vor.u32 v37, v10;
	[tilespmem:v23+s29+$0x0] =	vst.idx.msk $0xffff, v49  }
0x1ce: {  	v14 =	vor.u32 v7, v14;
	v59 =	vld.idx.msk [tilespmem:v26+s24+$0x0], $0xffff;
	[tilespmem:v52+s29+$0x0] =	vst.idx.msk $0xffff, v24  }
0x1cf: {  	v60 =	vor.u32 v7, v32;
	v16 =	vld.idx.msk [tilespmem:v51+s24+$0x0], $0xffff;
	[tilespmem:v11+s29+$0x0] =	vst.idx.msk $0xffff, v53  }
0x1d0: {  	v11 =	vor.u32 v7, v34;
	[tilespmem:v55+s29+$0x0] =	vst.idx.msk $0xffff, v22;
	v13 =	vld.idx.msk [tilespmem:v57+s24+$0x0], $0xffff  }
0x1d1: {  	v62 =	vor.u32 v7, v42;
	[tilespmem:v58+s29+$0x0] =	vst.idx.msk $0xffff, v12;
	v61 =	vld.idx.msk [tilespmem:v20+s24+$0x0], $0xffff  }
0x1d2: {  	s18 =	sadd.s32 $0x1, s18;
	[tilespmem:v15+s29+$0x0] =	vst.idx.msk $0xffff, v25;
	v63 =	vor.u32 v7, v43;
	v10 =	vld.idx.msk [tilespmem:v10+s24+$0x0], $0xffff  }
0x1d3: {  	s13 =	smul.u32 $0xC800, s31;
	p4 =	sne.s32 s18, s11;
	[tilespmem:v14+s29+$0x0] =	vst.idx.msk $0xffff, v59  }
.Ltmp8:
0x1d4: {  	[tilespmem:v60+s29+$0x0] =	vst.idx.msk $0xffff, v16;
	(pc) =	sbr.rel @p4 .LBB2_8-.Ltmp8, $4  }
0x1d5: {  	s13 =	sadd.s32 s7, s13;
	[tilespmem:v11+s29+$0x0] =	vst.idx.msk $0xffff, v13  }
0x1d6: {  	s13 =	sshrl.u32 s13, $0x3;
	[tilespmem:v62+s29+$0x0] =	vst.idx.msk $0xffff, v61  }
0x1d7: {  	s13 =	sadd.s32 s6, s13;
	[tilespmem:v63+s29+$0x0] =	vst.idx.msk $0xffff, v10  }
0x1d8: {  	[hbm4b:s13+s26] =	stream.strided.scatter [tilespmem:s29], [sflag:$0x2], $0x4000, s28, s26, $0x38;
	[tilespmem:$0x1C600] =	vst v63  }
.LBB2_13:
0x1d9: {  	s8 =	simm.s32 $0x1  }
0x1da: {  	_ =	swait.ge [sflag:s8], $0x4000  }
.Ltmp9:
0x1db: {  	[sflag:s8] =	ssyncset.done $0x0;
	(pc) =	sbr.rel @!p0 .LBB2_27-.Ltmp9, $4  }
0x1dc: {  	s31 =	simm.s32 $0x2;
	[sflag:s8] =	ssyncadd.s32 $0xFFFFC000  }
0x1dd: {  	_ =	swait.ge [sflag:s31], $0x4000  }
0x1de: {  	[sflag:s31] =	ssyncset.done $0x0  }
0x1df: {  	[sflag:s31] =	ssyncadd.s32 $0xFFFFC000  }
0x1e0: {  	s9 =	simm.s32 $0x0;
	s8 =	rddreg [dreg:$0x9]  }
0x1e1: {  	[tilespmem:s22], [sflag:$0x3] =	stream.linear.gather [hbm4b:s8+s9], $0x800, $0x38;
	[tilespmem:$0x1C600] =	vst v63  }
0x1e2: {  	_ =	swait.ge [sflag:s19], $0x800  }
0x1e3: {  	[sflag:s19] =	ssyncset.done $0x0  }
0x1e4: {  	s31 =	rddreg [dreg:$0xa];
	[sflag:s19] =	ssyncadd.s32 $0xFFFFF800  }
0x1e5: {  	[tilespmem:s23], [sflag:$0x3] =	stream.linear.gather [hbm4b:s31+s9], $0x2000, $0x38;
	[tilespmem:$0x1C600] =	vst v63  }
0x1e6: {  	_ =	swait.ge [sflag:s19], $0x2000  }
0x1e7: {  	[sflag:s19] =	ssyncset.done $0x0  }
0x1e8: {  	s18 =	simm.s32 $0x0;
	[sflag:s19] =	ssyncadd.s32 $0xFFFFE000  }
.LBB2_15:
0x1e9: {  	s13 =	sshll.u32 s18, $0x4  }
0x1ea: {  	v10 =	vmov s13  }
0x1eb: {  	v10 =	vbroadcast v10, $0x0;
	_ =	sdelay $0x1  }
0x1ec: {  	v12 =	vor.u32 v0, v10  }
0x1ed: {  	vm0 =	vlt.s32 v12, $0xA7  }
0x1ee: {  	v11 =	vnsel vm0, $0xA7, v12  }
0x1ef: {  	v13 =	vmulhi.u32 $0x86186187, v11;
	_ =	sdelay $0x1  }
0x1f0: {  	v14 =	vsub.s32 v11, v13  }
0x1f1: {  	v20 =	vimm.f32 $0.0e+00;
	s31 =	simm.s32 $0x7;
	s14 =	simm.s32 $0x4;
	v22 =	vimm.f32 $0.0e+00;
	v14 =	vshrl.u32 v14, $0x1  }
0x1f2: {  	s15 =	simm.s32 $0x5;
	s16 =	simm.s32 $0x6;
	v18 =	vadd.s32 s31, v0;
	v26 =	vadd.s32 s14, v0;
	v13 =	vadd.s32 v13, v14  }
0x1f3: {  	s8 =	simm.s32 $0x1;
	s17 =	simm.s32 $0x3;
	v25 =	vadd.s32 s15, v0;
	v23 =	vadd.s32 s16, v0;
	v13 =	vshrl.u32 v13, $0x4  }
0x1f4: {  	s31 =	simm.s32 $0x2;
	v28 =	vadd.s32 s8, v0;
	v27 =	vadd.s32 s17, v0;
	v14 =	vmul.u32 $0xFFFFFFEB, v13  }
0x1f5: {  	v21 =	vadd.s32 s31, v0;
	v15 =	vand.u32 $0x7F, v18;
	v17 =	vand.u32 $0x7F, v25  }
0x1f6: {  	v16 =	vand.u32 $0x7F, v23;
	v24 =	vshll.u32 v18, $0x3;
	v11 =	vadd.s32 v11, v14  }
0x1f7: {  	v18 =	vand.u32 $0x7F, v26;
	vm15 =	veq.s32 v10, v0;
	vm1 =	vne.s32 v11, $0x0  }
0x1f8: {  	v19 =	vand.u32 $0x7F, v21;
	v12 =	vshll.u32 v12, $0x8;
	vm0 =	vmand vm15, vm1  }
0x1f9: {  	v10 =	vshll.u32 v11, $0x8;
	v11 =	vshll.u32 v11, $0x7;
	v14 =	vsel vm0, $0xFFFFFFFF, v2  }
0x1fa: {  	v10 =	vand.u32 $0x1800, v10;
	v11 =	vand.u32 $0x380, v11;
	v13 =	vadd.s32 v14, v13  }
0x1fb: {  	v11 =	vor.u32 v10, v11;
	v10 =	vshll.u32 v13, $0x8;
	v13 =	vshll.u32 v13, $0x7  }
0x1fc: {  	v12 =	vand.u32 $0xF800, v12;
	v10 =	vand.u32 $0xFFFFF800, v10;
	v13 =	vand.u32 $0x380, v13  }
0x1fd: {  	v13 =	vor.u32 v10, v13;
	v10 =	vor.u32 v3, v12;
	v12 =	vadd.s32 s9, v0  }
0x1fe: {  	v29 =	vshll.u32 v21, $0x3;
	v14 =	vand.u32 $0x7F, v12;
	v12 =	vshll.u32 v12, $0x3  }
0x1ff: {  	s17 =	simm.s32 $0x8;
	v21 =	vand.u32 $0x7F, v28;
	v12 =	vand.u32 $0x400, v12;
	v30 =	vor.u32 v14, v11  }
.LBB2_16:
0x200: {  	p4 =	slt.u32 s17, $0xF8;
	v30 =	vor.u32 v12, v30;
	v31 =	vor.u32 v14, v13;
	v28 =	vshll.u32 v28, $0x3  }
0x201: {  	v29 =	vand.u32 $0x400, v29;
	v32 =	vor.u32 v19, v11;
	v31 =	vor.u32 v12, v31  }
0x202: {  	v33 =	vor.u32 v21, v11;
	v28 =	vand.u32 $0x400, v28;
	v32 =	vor.u32 v29, v32  }
0x203: {  	v34 =	vor.u32 v21, v13;
	v35 =	vand.u32 $0x7F, v27;
	v33 =	vor.u32 v28, v33  }
0x204: {  	v36 =	vor.u32 v19, v13;
	v27 =	vshll.u32 v27, $0x3;
	v34 =	vor.u32 v28, v34  }
0x205: {  	v36 =	vor.u32 v29, v36;
	v27 =	vand.u32 $0x400, v27;
	v37 =	vor.u32 v35, v11;
	v30 =	vld.idx.msk [tilespmem:v30+s5+$0x0], $0xffff  }
0x206: {  	v26 =	vshll.u32 v26, $0x3;
	v38 =	vor.u32 v35, v13;
	v37 =	vor.u32 v27, v37;
	v31 =	vld.idx.msk [tilespmem:v31+s22+$0x0], $0xffff  }
0x207: {  	v39 =	vor.u32 v18, v11;
	v26 =	vand.u32 $0x400, v26;
	v38 =	vor.u32 v27, v38;
	v32 =	vld.idx.msk [tilespmem:v32+s5+$0x0], $0xffff  }
0x208: {  	v40 =	vor.u32 v18, v13;
	v25 =	vshll.u32 v25, $0x3;
	v39 =	vor.u32 v26, v39;
	v33 =	vld.idx.msk [tilespmem:v33+s5+$0x0], $0xffff  }
0x209: {  	v41 =	vor.u32 v17, v11;
	v25 =	vand.u32 $0x400, v25;
	v40 =	vor.u32 v26, v40;
	v34 =	vld.idx.msk [tilespmem:v34+s22+$0x0], $0xffff  }
0x20a: {  	v42 =	vor.u32 v17, v13;
	v23 =	vshll.u32 v23, $0x3;
	v41 =	vor.u32 v25, v41;
	v36 =	vld.idx.msk [tilespmem:v36+s22+$0x0], $0xffff  }
0x20b: {  	v43 =	vor.u32 v16, v11;
	v23 =	vand.u32 $0x400, v23;
	v42 =	vor.u32 v25, v42;
	v37 =	vld.idx.msk [tilespmem:v37+s5+$0x0], $0xffff  }
0x20c: {  	v44 =	vor.u32 v16, v13;
	v24 =	vand.u32 $0x400, v24;
	v43 =	vor.u32 v23, v43;
	v38 =	vld.idx.msk [tilespmem:v38+s22+$0x0], $0xffff  }
0x20d: {  	v31 =	vadd.f32 v31, v30;
	v30 =	vld.idx.msk [tilespmem:v39+s5+$0x0], $0xffff;
	v39 =	vor.u32 v23, v44;
	v44 =	vor.u32 v15, v11  }
0x20e: {  	v21 =	vor.u32 v21, v10;
	v45 =	vor.u32 v15, v13;
	v40 =	vld.idx.msk [tilespmem:v40+s22+$0x0], $0xffff;
	v44 =	vor.u32 v24, v44  }
0x20f: {  	v46 =	vmul.f32 v31, v31;
	v33 =	vadd.f32 v34, v33;
	v34 =	vld.idx.msk [tilespmem:v41+s5+$0x0], $0xffff;
	v41 =	vor.u32 v24, v45  }
0x210: {  	v19 =	vor.u32 v19, v10;
	v35 =	vor.u32 v35, v10;
	v32 =	vadd.f32 v36, v32;
	v36 =	vld.idx.msk [tilespmem:v42+s22+$0x0], $0xffff  }
0x211: {  	v20 =	vadd.f32 v31, v20;
	v22 =	vadd.f32 v46, v22;
	v42 =	vmul.f32 v33, v33;
	v43 =	vld.idx.msk [tilespmem:v43+s5+$0x0], $0xffff  }
0x212: {  	v18 =	vor.u32 v18, v10;
	v17 =	vor.u32 v17, v10;
	v37 =	vadd.f32 v38, v37;
	v38 =	vld.idx.msk [tilespmem:v39+s22+$0x0], $0xffff  }
0x213: {  	v20 =	vadd.f32 v33, v20;
	v22 =	vadd.f32 v42, v22;
	v39 =	vmul.f32 v32, v32;
	v42 =	vld.idx.msk [tilespmem:v44+s5+$0x0], $0xffff  }
0x214: {  	v16 =	vor.u32 v16, v10;
	v15 =	vor.u32 v15, v10;
	v30 =	vadd.f32 v40, v30;
	v40 =	vld.idx.msk [tilespmem:v41+s22+$0x0], $0xffff  }
0x215: {  	v20 =	vadd.f32 v32, v20;
	v22 =	vadd.f32 v39, v22;
	v39 =	vmul.f32 v37, v37  }
0x216: {  	v14 =	vor.u32 v14, v10;
	v21 =	vor.u32 v28, v21;
	v34 =	vadd.f32 v36, v34  }
0x217: {  	v20 =	vadd.f32 v37, v20;
	v28 =	vmul.f32 v30, v30;
	v22 =	vadd.f32 v39, v22  }
0x218: {  	v19 =	vor.u32 v29, v19;
	v27 =	vor.u32 v27, v35;
	v29 =	vadd.f32 v38, v43  }
0x219: {  	v20 =	vadd.f32 v30, v20;
	v22 =	vadd.f32 v28, v22;
	v28 =	vmul.f32 v34, v34  }
0x21a: {  	v18 =	vor.u32 v26, v18;
	v17 =	vor.u32 v25, v17;
	v35 =	vadd.f32 v40, v42  }
0x21b: {  	v20 =	vadd.f32 v34, v20;
	v25 =	vmul.f32 v29, v29;
	v22 =	vadd.f32 v28, v22  }
0x21c: {  	v36 =	vor.u32 v12, v14;
	v12 =	vor.u32 v23, v16;
	v38 =	vor.u32 v24, v15  }
0x21d: {  	v14 =	vadd.f32 v29, v20;
	v16 =	vmul.f32 v35, v35;
	v15 =	vadd.f32 v25, v22  }
0x21e: {  	s13 =	sadd.s32 $0x7, s17;
	v24 =	vadd.s32 s17, v0;
	[tilespmem:v21+s24+$0x0] =	vst.idx.msk $0xffff, v33  }
0x21f: {  	s14 =	sadd.s32 $0x4, s17;
	s15 =	sadd.s32 $0x5, s17;
	s16 =	sadd.s32 $0x6, s17;
	v20 =	vadd.f32 v35, v14;
	v21 =	vadd.s32 s13, v0;
	v22 =	vadd.f32 v16, v15;
	[tilespmem:v19+s24+$0x0] =	vst.idx.msk $0xffff, v32  }
0x220: {  	s31 =	sadd.s32 $0x2, s17;
	s8 =	sadd.s32 $0x3, s17;
	v26 =	vadd.s32 s14, v0;
	v23 =	vadd.s32 s16, v0;
	v25 =	vadd.s32 s15, v0;
	s13 =	sadd.s32 $0x1, s17;
	[tilespmem:v27+s24+$0x0] =	vst.idx.msk $0xffff, v37  }
.Ltmp10:
0x221: {  	v28 =	vadd.s32 s13, v0;
	v32 =	vadd.s32 s31, v0;
	v27 =	vadd.s32 s8, v0;
	[tilespmem:v18+s24+$0x0] =	vst.idx.msk $0xffff, v30;
	(pc) =	sbr.rel @p4 .LBB2_16-.Ltmp10, $4  }
0x222: {  	v14 =	vand.u32 $0x7F, v24;
	v15 =	vand.u32 $0x7F, v21;
	v30 =	vshll.u32 v24, $0x3;
	[tilespmem:v17+s24+$0x0] =	vst.idx.msk $0xffff, v34  }
0x223: {  	v16 =	vand.u32 $0x7F, v23;
	v24 =	vshll.u32 v21, $0x3;
	v17 =	vand.u32 $0x7F, v25;
	[tilespmem:v12+s24+$0x0] =	vst.idx.msk $0xffff, v29  }
0x224: {  	v19 =	vand.u32 $0x7F, v32;
	v18 =	vand.u32 $0x7F, v26;
	v29 =	vshll.u32 v32, $0x3;
	[tilespmem:v38+s24+$0x0] =	vst.idx.msk $0xffff, v35  }
0x225: {  	s17 =	sadd.s32 $0x8, s17;
	v21 =	vand.u32 $0x7F, v28;
	v12 =	vand.u32 $0x400, v30;
	v30 =	vor.u32 v14, v11;
	[tilespmem:v36+s24+$0x0] =	vst.idx.msk $0xffff, v31  }
0x226: {  	v30 =	vor.u32 v12, v30;
	v31 =	vor.u32 v14, v13  }
0x227: {  	v28 =	vshll.u32 v28, $0x3;
	v29 =	vand.u32 $0x400, v29;
	v32 =	vor.u32 v19, v11  }
0x228: {  	v33 =	vor.u32 v21, v11;
	v34 =	vor.u32 v21, v13;
	v31 =	vor.u32 v12, v31  }
0x229: {  	v35 =	vand.u32 $0x7F, v27;
	v28 =	vand.u32 $0x400, v28;
	v32 =	vor.u32 v29, v32  }
0x22a: {  	v27 =	vshll.u32 v27, $0x3;
	v36 =	vor.u32 v19, v13;
	v33 =	vor.u32 v28, v33  }
0x22b: {  	v26 =	vshll.u32 v26, $0x3;
	v39 =	vor.u32 v18, v11;
	v34 =	vor.u32 v28, v34  }
0x22c: {  	v27 =	vand.u32 $0x400, v27;
	v37 =	vor.u32 v35, v11;
	v36 =	vor.u32 v29, v36;
	v30 =	vld.idx.msk [tilespmem:v30+s5+$0x0], $0xffff  }
0x22d: {  	v25 =	vshll.u32 v25, $0x3;
	v38 =	vor.u32 v35, v13;
	v37 =	vor.u32 v27, v37;
	v31 =	vld.idx.msk [tilespmem:v31+s22+$0x0], $0xffff  }
0x22e: {  	v40 =	vor.u32 v18, v13;
	v26 =	vand.u32 $0x400, v26;
	v38 =	vor.u32 v27, v38;
	v32 =	vld.idx.msk [tilespmem:v32+s5+$0x0], $0xffff  }
0x22f: {  	v41 =	vor.u32 v17, v11;
	v23 =	vshll.u32 v23, $0x3;
	v40 =	vor.u32 v26, v40;
	v33 =	vld.idx.msk [tilespmem:v33+s5+$0x0], $0xffff  }
0x230: {  	v42 =	vor.u32 v17, v13;
	v25 =	vand.u32 $0x400, v25;
	v39 =	vor.u32 v26, v39;
	v34 =	vld.idx.msk [tilespmem:v34+s22+$0x0], $0xffff  }
0x231: {  	v43 =	vor.u32 v16, v11;
	v44 =	vor.u32 v16, v13;
	v41 =	vor.u32 v25, v41;
	v36 =	vld.idx.msk [tilespmem:v36+s22+$0x0], $0xffff  }
0x232: {  	v24 =	vand.u32 $0x400, v24;
	v23 =	vand.u32 $0x400, v23;
	v42 =	vor.u32 v25, v42;
	v37 =	vld.idx.msk [tilespmem:v37+s5+$0x0], $0xffff  }
0x233: {  	v11 =	vor.u32 v15, v11;
	v43 =	vor.u32 v23, v43;
	v38 =	vld.idx.msk [tilespmem:v38+s22+$0x0], $0xffff;
	v30 =	vadd.f32 v31, v30  }
0x234: {  	v13 =	vor.u32 v15, v13;
	v52 =	vor.u32 v23, v44;
	v11 =	vor.u32 v24, v11;
	v40 =	vld.idx.msk [tilespmem:v40+s22+$0x0], $0xffff  }
0x235: {  	v31 =	vld.idx.msk [tilespmem:v39+s5+$0x0], $0xffff;
	v33 =	vadd.f32 v34, v33;
	v53 =	vmul.f32 v30, v30;
	v20 =	vadd.f32 v30, v20  }
0x236: {  	v13 =	vor.u32 v24, v13;
	v54 =	vld.idx.msk [tilespmem:v41+s5+$0x0], $0xffff;
	v32 =	vadd.f32 v36, v32  }
0x237: {  	v55 =	vld.idx.msk [tilespmem:v42+s22+$0x0], $0xffff;
	v56 =	vmul.f32 v33, v33;
	v22 =	vadd.f32 v53, v22;
	v20 =	vadd.f32 v33, v20  }
0x238: {  	v57 =	vld.idx.msk [tilespmem:v43+s5+$0x0], $0xffff;
	v37 =	vadd.f32 v38, v37  }
0x239: {  	v58 =	vld.idx.msk [tilespmem:v52+s22+$0x0], $0xffff;
	v59 =	vmul.f32 v32, v32;
	v22 =	vadd.f32 v56, v22;
	v20 =	vadd.f32 v32, v20  }
0x23a: {  	v11 =	vld.idx.msk [tilespmem:v11+s5+$0x0], $0xffff;
	v31 =	vadd.f32 v40, v31  }
0x23b: {  	v13 =	vld.idx.msk [tilespmem:v13+s22+$0x0], $0xffff;
	v60 =	vmul.f32 v37, v37;
	v22 =	vadd.f32 v59, v22;
	v20 =	vadd.f32 v37, v20  }
0x23c: {  	v34 =	vadd.f32 v55, v54  }
0x23d: {  	v61 =	vmul.f32 v31, v31;
	v22 =	vadd.f32 v60, v22;
	v20 =	vadd.f32 v31, v20  }
0x23e: {  	v38 =	vadd.f32 v58, v57  }
0x23f: {  	v62 =	vmul.f32 v34, v34;
	v22 =	vadd.f32 v61, v22;
	v20 =	vadd.f32 v34, v20  }
0x240: {  	v63 =	vadd.f32 v13, v11  }
0x241: {  	v13 =	vmul.f32 v38, v38;
	v11 =	vadd.f32 v62, v22;
	v20 =	vadd.f32 v38, v20;
	_ =	sdelay $0x1  }
0x242: {  	v11 =	vadd.f32 v13, v11;
	v13 =	vmul.f32 v63, v63;
	v20 =	vadd.f32 v63, v20;
	_ =	sdelay $0x1  }
0x243: {  	v13 =	vadd.f32 v13, v11;
	v11 =	vmul.f32 $3.906250000e-03, v20;
	_ =	sdelay $0x1  }
0x244: {  	v13 =	vmul.f32 $3.906250000e-03, v13;
	v20 =	vmul.f32 v11, v11;
	_ =	sdelay $0x1  }
0x245: {  	v13 =	vsub.f32 v13, v20;
	_ =	sdelay $0x1  }
0x246: {  	v13 =	vadd.f32 $9.999999960e-13, v13;
	_ =	sdelay $0x1  }
0x247: {  	v20 =	vshra.s32 v13, $0x1;
	v13 =	vmul.f32 $5.000000000e-01, v13  }
0x248: {  	v20 =	vsub.s32 $0x5F3759DF, v20  }
0x249: {  	v22 =	vmul.f32 v20, v13;
	_ =	sdelay $0x1  }
0x24a: {  	v22 =	vmul.f32 v20, v22;
	_ =	sdelay $0x1  }
0x24b: {  	v22 =	vsub.f32 $1.500000000e+00, v22;
	_ =	sdelay $0x1  }
0x24c: {  	v20 =	vmul.f32 v20, v22;
	_ =	sdelay $0x1  }
0x24d: {  	v22 =	vmul.f32 v20, v13;
	_ =	sdelay $0x1  }
0x24e: {  	v22 =	vmul.f32 v22, v20;
	_ =	sdelay $0x1  }
0x24f: {  	v22 =	vsub.f32 $1.500000000e+00, v22;
	_ =	sdelay $0x1  }
0x250: {  	v20 =	vmul.f32 v22, v20;
	_ =	sdelay $0x1  }
0x251: {  	v22 =	vmul.f32 v20, v13;
	_ =	sdelay $0x1  }
0x252: {  	v21 =	vor.u32 v21, v10;
	v19 =	vor.u32 v19, v10;
	v22 =	vmul.f32 v22, v20  }
0x253: {  	v18 =	vor.u32 v18, v10;
	v17 =	vor.u32 v17, v10;
	v21 =	vor.u32 v28, v21  }
0x254: {  	v16 =	vor.u32 v16, v10;
	v19 =	vor.u32 v29, v19;
	v22 =	vsub.f32 $1.500000000e+00, v22  }
0x255: {  	v14 =	vor.u32 v14, v10;
	v35 =	vor.u32 v35, v10;
	v18 =	vor.u32 v26, v18  }
0x256: {  	s8 =	simm.s32 $0x0;
	v15 =	vor.u32 v15, v10;
	v17 =	vor.u32 v25, v17;
	v20 =	vmul.f32 v22, v20  }
0x257: {  	v12 =	vor.u32 v12, v14;
	v15 =	vor.u32 v24, v15;
	v22 =	vadd.s32 s8, v0  }
0x258: {  	v16 =	vor.u32 v23, v16;
	[tilespmem:v21+s24+$0x0] =	vst.idx.msk $0xffff, v33;
	v21 =	vshll.u32 v22, $0x3;
	v13 =	vmul.f32 v20, v13  }
0x259: {  	v27 =	vor.u32 v27, v35;
	[tilespmem:v19+s24+$0x0] =	vst.idx.msk $0xffff, v32;
	v19 =	vand.u32 $0x7F, v22;
	v21 =	vand.u32 $0x400, v21  }
0x25a: {  	[tilespmem:v18+s24+$0x0] =	vst.idx.msk $0xffff, v31;
	v14 =	vor.u32 v21, v19;
	v18 =	vmul.f32 v13, v20  }
0x25b: {  	s14 =	simm.s32 $0x7;
	[tilespmem:v17+s24+$0x0] =	vst.idx.msk $0xffff, v34;
	v13 =	vor.u32 v10, v14  }
0x25c: {  	[tilespmem:v15+s24+$0x0] =	vst.idx.msk $0xffff, v63;
	v15 =	vadd.s32 s14, v0;
	v14 =	vsub.f32 $1.500000000e+00, v18  }
0x25d: {  	[tilespmem:v16+s24+$0x0] =	vst.idx.msk $0xffff, v38;
	v16 =	vshll.u32 v15, $0x3;
	v17 =	vand.u32 $0x7F, v15  }
0x25e: {  	[tilespmem:v12+s24+$0x0] =	vst.idx.msk $0xffff, v30;
	v16 =	vand.u32 $0x400, v16;
	v12 =	vmul.f32 v14, v20;
	v14 =	vand.u32 $0xFF, v22  }
0x25f: {  	s15 =	simm.s32 $0x6;
	[tilespmem:v27+s24+$0x0] =	vst.idx.msk $0xffff, v37;
	v16 =	vor.u32 v16, v17  }
0x260: {  	s16 =	simm.s32 $0x5;
	v17 =	vand.u32 $0xFF, v15;
	v16 =	vor.u32 v10, v16;
	v19 =	vadd.s32 s15, v0;
	v18 =	vld.idx.msk [tilespmem:v13+s24+$0x0], $0xffff  }
0x261: {  	v21 =	vand.u32 $0xFF, v19;
	v15 =	vshll.u32 v19, $0x3;
	v20 =	vadd.s32 s16, v0  }
0x262: {  	v23 =	vand.u32 $0x7F, v19;
	v15 =	vand.u32 $0x400, v15;
	v22 =	vshll.u32 v20, $0x3  }
0x263: {  	v15 =	vor.u32 v15, v23;
	v25 =	vand.u32 $0x7F, v20;
	v26 =	vand.u32 $0x400, v22;
	v19 =	vld.idx.msk [tilespmem:v14+s21+$0x0], $0xffff  }
0x264: {  	s17 =	simm.s32 $0x4;
	s13 =	simm.s32 $0x3;
	v15 =	vor.u32 v10, v15;
	v27 =	vand.u32 $0xFF, v20;
	v22 =	vld.idx.msk [tilespmem:v14+s20+$0x0], $0xffff;
	v14 =	vor.u32 v26, v25  }
0x265: {  	v23 =	vld.idx.msk [tilespmem:v17+s20+$0x0], $0xffff;
	v25 =	vadd.s32 s13, v0;
	v24 =	vsub.f32 v18, v11;
	v18 =	vadd.s32 s17, v0  }
0x266: {  	v20 =	vld.idx.msk [tilespmem:v17+s21+$0x0], $0xffff;
	v14 =	vor.u32 v10, v14;
	v17 =	vshll.u32 v25, $0x3;
	v28 =	vshll.u32 v18, $0x3  }
0x267: {  	v26 =	vand.u32 $0xFF, v18;
	v18 =	vand.u32 $0x7F, v18;
	v29 =	vand.u32 $0x400, v28;
	v28 =	vld.idx.msk [tilespmem:v16+s24+$0x0], $0xffff  }
0x268: {  	s31 =	simm.s32 $0x2;
	v30 =	vand.u32 $0x7F, v25;
	v17 =	vand.u32 $0x400, v17;
	v31 =	vor.u32 v29, v18;
	v18 =	vld.idx.msk [tilespmem:v21+s21+$0x0], $0xffff  }
0x269: {  	s13 =	simm.s32 $0x1;
	s17 =	simm.s32 $0x8;
	v30 =	vor.u32 v17, v30;
	v29 =	vadd.s32 s31, v0;
	v21 =	vld.idx.msk [tilespmem:v21+s20+$0x0], $0xffff;
	v17 =	vor.u32 v10, v31  }
.LBB2_18:
0x26a: {  	p4 =	slt.u32 s17, $0xF8;
	v31 =	vadd.s32 s13, v0;
	v32 =	vshll.u32 v29, $0x3;
	v30 =	vor.u32 v10, v30;
	v33 =	vld.idx.msk [tilespmem:v15+s24+$0x0], $0xffff  }
0x26b: {  	v35 =	vand.u32 $0x7F, v29;
	v34 =	vshll.u32 v31, $0x3;
	v32 =	vand.u32 $0x400, v32;
	v36 =	vld.idx.msk [tilespmem:v27+s21+$0x0], $0xffff  }
0x26c: {  	v37 =	vand.u32 $0x7F, v31;
	v34 =	vand.u32 $0x400, v34;
	v32 =	vor.u32 v32, v35;
	v27 =	vld.idx.msk [tilespmem:v27+s20+$0x0], $0xffff  }
0x26d: {  	v34 =	vor.u32 v34, v37;
	v32 =	vor.u32 v10, v32;
	v35 =	vld.idx.msk [tilespmem:v14+s24+$0x0], $0xffff  }
0x26e: {  	v24 =	vmul.f32 v24, v12;
	v37 =	vadd.s32 s17, v0;
	v34 =	vor.u32 v10, v34;
	v38 =	vld.idx.msk [tilespmem:v26+s21+$0x0], $0xffff  }
0x26f: {  	v25 =	vand.u32 $0xFF, v25;
	v28 =	vsub.f32 v28, v11;
	v39 =	vand.u32 $0xFF, v37;
	v26 =	vld.idx.msk [tilespmem:v26+s20+$0x0], $0xffff  }
0x270: {  	v22 =	vmul.f32 v24, v22;
	v40 =	vand.u32 $0x7F, v37;
	v37 =	vshll.u32 v37, $0x3;
	v24 =	vld.idx.msk [tilespmem:v17+s24+$0x0], $0xffff  }
0x271: {  	v29 =	vand.u32 $0xFF, v29;
	v28 =	vmul.f32 v28, v12;
	v37 =	vand.u32 $0x400, v37;
	v41 =	vld.idx.msk [tilespmem:v30+s24+$0x0], $0xffff  }
0x272: {  	s8 =	sadd.s32 $0x7, s17;
	v19 =	vadd.f32 v22, v19;
	v22 =	vand.u32 $0xFF, v31;
	v37 =	vor.u32 v37, v40;
	v31 =	vld.idx.msk [tilespmem:v32+s24+$0x0], $0xffff  }
0x273: {  	v40 =	vadd.s32 s8, v0;
	v23 =	vmul.f32 v28, v23;
	v37 =	vor.u32 v10, v37;
	v42 =	vld.idx.msk [tilespmem:v34+s24+$0x0], $0xffff  }
0x274: {  	v33 =	vsub.f32 v33, v11;
	v28 =	vand.u32 $0x7F, v40;
	v43 =	vshll.u32 v40, $0x3;
	[tilespmem:v13+s24+$0x0] =	vst.idx.msk $0xffff, v19;
	v19 =	vld.idx.msk [tilespmem:v25+s21+$0x0], $0xffff  }
0x275: {  	v43 =	vand.u32 $0x400, v43;
	v35 =	vsub.f32 v35, v11;
	v20 =	vadd.f32 v23, v20;
	v13 =	vmovc v37;
	v25 =	vld.idx.msk [tilespmem:v25+s20+$0x0], $0xffff  }
0x276: {  	v33 =	vmul.f32 v33, v12;
	v23 =	vor.u32 v43, v28;
	v24 =	vsub.f32 v24, v11;
	v28 =	vld.idx.msk [tilespmem:v29+s20+$0x0], $0xffff  }
0x277: {  	v35 =	vmul.f32 v35, v12;
	v41 =	vsub.f32 v41, v11;
	v37 =	vld.idx.msk [tilespmem:v22+s20+$0x0], $0xffff;
	[tilespmem:v16+s24+$0x0] =	vst.idx.msk $0xffff, v20  }
0x278: {  	v21 =	vmul.f32 v33, v21;
	v16 =	vsub.f32 v31, v11;
	v24 =	vmul.f32 v24, v12;
	v20 =	vld.idx.msk [tilespmem:v29+s21+$0x0], $0xffff  }
0x279: {  	v27 =	vmul.f32 v35, v27;
	v29 =	vsub.f32 v42, v11;
	v31 =	vmul.f32 v41, v12;
	v22 =	vld.idx.msk [tilespmem:v22+s21+$0x0], $0xffff  }
0x27a: {  	v18 =	vadd.f32 v21, v18;
	v16 =	vmul.f32 v16, v12;
	v24 =	vmul.f32 v24, v26  }
0x27b: {  	v27 =	vadd.f32 v27, v36;
	v26 =	vmul.f32 v29, v12;
	v25 =	vmul.f32 v31, v25;
	v21 =	vld.idx.msk [tilespmem:v13+s24+$0x0], $0xffff  }
0x27c: {  	s8 =	sadd.s32 $0x6, s17;
	v29 =	vand.u32 $0xFF, v40;
	v28 =	vmul.f32 v16, v28;
	v24 =	vadd.f32 v24, v38;
	[tilespmem:v15+s24+$0x0] =	vst.idx.msk $0xffff, v18  }
0x27d: {  	v15 =	vadd.s32 s8, v0;
	v18 =	vmul.f32 v26, v37;
	v19 =	vadd.f32 v25, v19;
	[tilespmem:v14+s24+$0x0] =	vst.idx.msk $0xffff, v27  }
0x27e: {  	v16 =	vor.u32 v10, v23;
	s8 =	sadd.s32 $0x5, s17;
	v31 =	vand.u32 $0xFF, v15;
	v14 =	vadd.f32 v28, v20;
	[tilespmem:v17+s24+$0x0] =	vst.idx.msk $0xffff, v24  }
0x27f: {  	v20 =	vshll.u32 v15, $0x3;
	v17 =	vadd.s32 s8, v0;
	v18 =	vadd.f32 v18, v22;
	[tilespmem:v30+s24+$0x0] =	vst.idx.msk $0xffff, v19  }
0x280: {  	v15 =	vand.u32 $0x7F, v15;
	v20 =	vand.u32 $0x400, v20;
	v22 =	vshll.u32 v17, $0x3;
	[tilespmem:v32+s24+$0x0] =	vst.idx.msk $0xffff, v14  }
0x281: {  	v15 =	vor.u32 v20, v15;
	v14 =	vand.u32 $0x7F, v17;
	v23 =	vand.u32 $0x400, v22;
	v19 =	vld.idx.msk [tilespmem:v39+s21+$0x0], $0xffff;
	[tilespmem:v34+s24+$0x0] =	vst.idx.msk $0xffff, v18  }
0x282: {  	s8 =	sadd.s32 $0x4, s17;
	v24 =	vsub.f32 v21, v11;
	v15 =	vor.u32 v10, v15;
	v14 =	vor.u32 v23, v14;
	v22 =	vld.idx.msk [tilespmem:v39+s20+$0x0], $0xffff  }
.Ltmp11:
0x283: {  	s13 =	sadd.s32 $0x3, s17;
	v27 =	vand.u32 $0xFF, v17;
	v18 =	vadd.s32 s8, v0;
	v14 =	vor.u32 v10, v14;
	v20 =	vld.idx.msk [tilespmem:v29+s21+$0x0], $0xffff;
	(pc) =	sbr.rel @p4 .LBB2_18-.Ltmp11, $4  }
0x284: {  	v25 =	vadd.s32 s13, v0;
	v17 =	vshll.u32 v18, $0x3;
	v26 =	vand.u32 $0xFF, v18;
	v23 =	vld.idx.msk [tilespmem:v29+s20+$0x0], $0xffff  }
0x285: {  	v21 =	vshll.u32 v25, $0x3;
	v18 =	vand.u32 $0x7F, v18;
	v17 =	vand.u32 $0x400, v17;
	v28 =	vld.idx.msk [tilespmem:v16+s24+$0x0], $0xffff  }
0x286: {  	v30 =	vand.u32 $0x7F, v25;
	s8 =	sadd.s32 $0x2, s17;
	v21 =	vand.u32 $0x400, v21;
	v17 =	vor.u32 v17, v18;
	v18 =	vld.idx.msk [tilespmem:v31+s21+$0x0], $0xffff  }
0x287: {  	s13 =	sadd.s32 $0x1, s17;
	s17 =	sadd.s32 $0x8, s17;
	v30 =	vor.u32 v21, v30;
	v29 =	vadd.s32 s8, v0;
	v17 =	vor.u32 v10, v17;
	v21 =	vld.idx.msk [tilespmem:v31+s20+$0x0], $0xffff  }
0x288: {  	_ =	sdelay $0x3  }
0x289: {  	v31 =	vadd.s32 s13, v0;
	v32 =	vshll.u32 v29, $0x3;
	v30 =	vor.u32 v10, v30;
	v33 =	vld.idx.msk [tilespmem:v15+s24+$0x0], $0xffff  }
0x28a: {  	v35 =	vand.u32 $0x7F, v29;
	v36 =	vld.idx.msk [tilespmem:v27+s21+$0x0], $0xffff;
	v34 =	vshll.u32 v31, $0x3;
	v32 =	vand.u32 $0x400, v32  }
0x28b: {  	v63 =	vld.idx.msk [tilespmem:v27+s20+$0x0], $0xffff;
	v37 =	vand.u32 $0x7F, v31;
	v34 =	vand.u32 $0x400, v34;
	v32 =	vor.u32 v32, v35  }
0x28c: {  	v40 =	vld.idx.msk [tilespmem:v14+s24+$0x0], $0xffff;
	v34 =	vor.u32 v34, v37;
	v32 =	vor.u32 v10, v32  }
0x28d: {  	v41 =	vld.idx.msk [tilespmem:v26+s21+$0x0], $0xffff;
	v24 =	vmul.f32 v24, v12;
	v10 =	vor.u32 v10, v34  }
0x28e: {  	v25 =	vand.u32 $0xFF, v25;
	v43 =	vld.idx.msk [tilespmem:v17+s24+$0x0], $0xffff  }
0x28f: {  	v42 =	vld.idx.msk [tilespmem:v26+s20+$0x0], $0xffff;
	v28 =	vsub.f32 v28, v11;
	v22 =	vmul.f32 v24, v22  }
0x290: {  	v44 =	vand.u32 $0xFF, v29;
	v45 =	vld.idx.msk [tilespmem:v30+s24+$0x0], $0xffff  }
0x291: {  	v31 =	vand.u32 $0xFF, v31;
	v28 =	vmul.f32 v28, v12;
	v19 =	vadd.f32 v22, v19;
	v38 =	vld.idx.msk [tilespmem:v32+s24+$0x0], $0xffff  }
0x292: {  	v47 =	vsub.f32 v33, v11;
	v35 =	vsub.f32 v40, v11;
	v46 =	vld.idx.msk [tilespmem:v10+s24+$0x0], $0xffff  }
0x293: {  	v48 =	vld.idx.msk [tilespmem:v25+s21+$0x0], $0xffff;
	v50 =	vsub.f32 v43, v11;
	v23 =	vmul.f32 v28, v23  }
0x294: {  	v49 =	vld.idx.msk [tilespmem:v25+s20+$0x0], $0xffff;
	[tilespmem:v13+s24+$0x0] =	vst.idx.msk $0xffff, v19;
	v51 =	vmul.f32 v47, v12;
	v54 =	vmul.f32 v35, v12  }
0x295: {  	v52 =	vld.idx.msk [tilespmem:v44+s20+$0x0], $0xffff;
	v19 =	vmul.f32 v50, v12;
	v20 =	vadd.f32 v23, v20;
	v53 =	vsub.f32 v45, v11  }
0x296: {  	v55 =	vld.idx.msk [tilespmem:v31+s20+$0x0], $0xffff;
	v21 =	vmul.f32 v51, v21;
	v59 =	vmul.f32 v54, v63;
	v56 =	vsub.f32 v38, v11  }
0x297: {  	v57 =	vld.idx.msk [tilespmem:v44+s21+$0x0], $0xffff;
	v19 =	vmul.f32 v19, v42;
	v58 =	vmul.f32 v53, v12;
	v11 =	vsub.f32 v46, v11  }
0x298: {  	v60 =	vld.idx.msk [tilespmem:v31+s21+$0x0], $0xffff;
	[tilespmem:v16+s24+$0x0] =	vst.idx.msk $0xffff, v20;
	v18 =	vadd.f32 v21, v18;
	v20 =	vmul.f32 v56, v12  }
0x299: {  	s18 =	sadd.s32 $0x1, s18;
	v62 =	vadd.f32 v59, v36;
	v61 =	vmul.f32 v58, v49;
	v11 =	vmul.f32 v11, v12  }
0x29a: {  	p4 =	sne.s32 s18, $0xB;
	v19 =	vadd.f32 v19, v41;
	[tilespmem:v15+s24+$0x0] =	vst.idx.msk $0xffff, v18;
	v20 =	vmul.f32 v20, v52  }
.Ltmp12:
0x29b: {  	[tilespmem:v14+s24+$0x0] =	vst.idx.msk $0xffff, v62;
	v12 =	vadd.f32 v61, v48;
	v11 =	vmul.f32 v11, v55;
	(pc) =	sbr.rel @p4 .LBB2_15-.Ltmp12, $4  }
0x29c: {  	[tilespmem:v17+s24+$0x0] =	vst.idx.msk $0xffff, v19;
	v63 =	vadd.f32 v20, v57  }
0x29d: {  	[tilespmem:v30+s24+$0x0] =	vst.idx.msk $0xffff, v12;
	v11 =	vadd.f32 v11, v60  }
0x29e: {  	[tilespmem:v32+s24+$0x0] =	vst.idx.msk $0xffff, v63  }
0x29f: {  	[tilespmem:v10+s24+$0x0] =	vst.idx.msk $0xffff, v11  }
.Ltmp13:
0x2a0: {  	(pc) =	sbr.rel @p2 .LBB2_26-.Ltmp13, $2  }
0x2a1: {  	_ =	sdelay $0x2  }
0x2a2: {  	s9 =	simm.s32 $0x0;
	s18 =	simm.s32 $0x0;
	s15 =	rddreg [dreg:$0xd]  }
.LBB2_21:
0x2a3: {  	s17 =	sshll.u32 s18, $0x4  }
0x2a4: {  	v10 =	vmov s17  }
0x2a5: {  	v13 =	vshrl.u32 v0, $0x3;
	v10 =	vshll.u32 v10, $0x3  }
0x2a6: {  	v11 =	vor.u32 s17, v13;
	v10 =	vand.u32 $0xFFFFFC00, v10  }
0x2a7: {  	v14 =	vor.u32 $0x2, v13;
	v11 =	vand.u32 $0x71, v11;
	v10 =	vor.u32 v3, v10  }
0x2a8: {  	v12 =	vor.u32 s17, v14;
	v15 =	vor.u32 v11, v10;
	v11 =	vor.u32 $0x4, v13  }
0x2a9: {  	p4 =	seq.s32 s18, $0x0;
	v16 =	vand.u32 $0x73, v12;
	v12 =	vor.u32 $0x6, v13;
	v17 =	vor.u32 s17, v11  }
0x2aa: {  	s8 =	simm.s32 @!p4 $0x1;
	v18 =	vor.u32 s17, v12;
	v16 =	vor.u32 v16, v10;
	v17 =	vand.u32 $0x75, v17  }
0x2ab: {  	_ =	swait.ge @!p4 [sflag:s8], $0x4000;
	v18 =	vand.u32 $0x77, v18;
	v17 =	vor.u32 v17, v10  }
0x2ac: {  	[sflag:s8] =	ssyncset.done @!p4 $0x0;
	v10 =	vor.u32 v18, v10  }
0x2ad: {  	[sflag:s8] =	ssyncadd.s32 @!p4 $0xFFFFC000  }
0x2ae: {  	s31 =	simm.s32 $0x2;
	v15 =	vld.idx.msk [tilespmem:v15+s23+$0x0], $0xffff  }
0x2af: {  	v26 =	vadd.s32 s31, v0;
	v16 =	vld.idx.msk [tilespmem:v16+s23+$0x0], $0xffff  }
0x2b0: {  	s13 =	simm.s32 $0x1;
	v27 =	vshll.u32 v26, $0x3;
	v17 =	vld.idx.msk [tilespmem:v17+s23+$0x0], $0xffff  }
0x2b1: {  	s14 =	simm.s32 $0x4;
	v30 =	vand.u32 $0x7F, v26;
	v26 =	vadd.s32 s13, v0;
	v18 =	vld.idx.msk [tilespmem:v10+s23+$0x0], $0xffff;
	v10 =	vmul.u32 $0x15, v1  }
0x2b2: {  	v43 =	vadd.s32 s14, v0;
	v33 =	vand.u32 $0x7F, v26;
	v26 =	vshll.u32 v26, $0x3  }
0x2b3: {  	v31 =	vand.u32 $0x400, v27;
	v41 =	vand.u32 $0x400, v26;
	v15 =	vadd.s32 v10, v15  }
0x2b4: {  	v16 =	vadd.s32 v10, v16;
	v19 =	vshll.u32 v15, $0x8;
	v15 =	vshll.u32 v15, $0x7  }
0x2b5: {  	v20 =	vshll.u32 v16, $0x8;
	v16 =	vshll.u32 v16, $0x7;
	v19 =	vand.u32 $0xFFFFF800, v19  }
0x2b6: {  	v15 =	vand.u32 $0x380, v15;
	v16 =	vand.u32 $0x380, v16;
	v17 =	vadd.s32 v10, v17  }
0x2b7: {  	v18 =	vadd.s32 v10, v18;
	v19 =	vor.u32 v15, v19;
	v15 =	vand.u32 $0xFFFFF800, v20  }
0x2b8: {  	v20 =	vadd.s32 s9, v0;
	v16 =	vor.u32 v16, v15;
	v15 =	vshll.u32 v17, $0x8  }
0x2b9: {  	s16 =	simm.s32 $0x3;
	v17 =	vshll.u32 v17, $0x7;
	v21 =	vshll.u32 v18, $0x8;
	v18 =	vshll.u32 v18, $0x7  }
0x2ba: {  	v22 =	vshll.u32 v20, $0x3;
	v23 =	vand.u32 $0x7F, v20;
	v20 =	vadd.s32 s16, v0  }
0x2bb: {  	v27 =	vor.u32 v19, v30;
	v26 =	vor.u32 v19, v33;
	v15 =	vand.u32 $0xFFFFF800, v15  }
0x2bc: {  	v17 =	vand.u32 $0x380, v17;
	v24 =	vand.u32 $0x400, v22;
	v22 =	vor.u32 v19, v23  }
0x2bd: {  	v25 =	vshll.u32 v20, $0x3;
	v28 =	vand.u32 $0x7F, v20;
	v22 =	vor.u32 v24, v22  }
0x2be: {  	v27 =	vor.u32 v31, v27;
	v25 =	vand.u32 $0x400, v25;
	v20 =	vor.u32 v19, v28  }
0x2bf: {  	v21 =	vand.u32 $0xFFFFF800, v21;
	v18 =	vand.u32 $0x380, v18;
	v20 =	vor.u32 v25, v20  }
0x2c0: {  	v26 =	vor.u32 v41, v26;
	v38 =	vor.u32 v16, v30;
	v17 =	vor.u32 v17, v15  }
0x2c1: {  	v15 =	vor.u32 v18, v21;
	v32 =	vor.u32 v23, v24;
	v18 =	vor.u32 v16, v23  }
0x2c2: {  	v36 =	vor.u32 v16, v28;
	v38 =	vor.u32 v31, v38;
	v21 =	vld.idx.msk [tilespmem:v22+s24+$0x0], $0xffff;
	v22 =	vor.u32 v4, v32  }
0x2c3: {  	v42 =	vor.u32 v28, v25;
	v29 =	vor.u32 v24, v18;
	v18 =	vor.u32 v33, v41  }
0x2c4: {  	v36 =	vor.u32 v25, v36;
	v35 =	vor.u32 v4, v42;
	v34 =	vld.idx.msk [tilespmem:v20+s24+$0x0], $0xffff;
	v20 =	vor.u32 v30, v31  }
0x2c5: {  	v44 =	vor.u32 v15, v23;
	v45 =	vor.u32 v5, v32;
	v27 =	vld.idx.msk [tilespmem:v27+s24+$0x0], $0xffff;
	v37 =	vor.u32 v4, v20  }
0x2c6: {  	s16 =	simm.s32 $0x7;
	v23 =	vor.u32 v17, v23;
	v40 =	vor.u32 v4, v18;
	v39 =	vld.idx.msk [tilespmem:v26+s24+$0x0], $0xffff;
	v26 =	vor.u32 v16, v33  }
0x2c7: {  	v62 =	vadd.s32 s16, v0;
	v57 =	vor.u32 v17, v30;
	[tilespmem:v22+s25+$0x0] =	vst.idx.msk $0xffff, v21;
	v21 =	vor.u32 v41, v26  }
0x2c8: {  	v48 =	vor.u32 v6, v32;
	v23 =	vor.u32 v24, v23;
	v55 =	vor.u32 v5, v42;
	v29 =	vld.idx.msk [tilespmem:v29+s24+$0x0], $0xffff  }
0x2c9: {  	v46 =	vor.u32 v5, v18;
	v44 =	vor.u32 v24, v44;
	v24 =	vand.u32 $0x7F, v62;
	[tilespmem:v35+s25+$0x0] =	vst.idx.msk $0xffff, v34  }
0x2ca: {  	v63 =	vor.u32 v19, v24;
	[tilespmem:v37+s25+$0x0] =	vst.idx.msk $0xffff, v27;
	v35 =	vld.idx.msk [tilespmem:v36+s24+$0x0], $0xffff;
	v27 =	vor.u32 v17, v28  }
0x2cb: {  	v56 =	vor.u32 v5, v20;
	[tilespmem:v40+s25+$0x0] =	vst.idx.msk $0xffff, v39;
	v37 =	vld.idx.msk [tilespmem:v38+s24+$0x0], $0xffff;
	v58 =	vor.u32 v25, v27  }
0x2cc: {  	v30 =	vor.u32 v15, v30;
	v39 =	vor.u32 v31, v57;
	v27 =	vor.u32 v17, v33;
	v59 =	vld.idx.msk [tilespmem:v21+s24+$0x0], $0xffff  }
0x2cd: {  	v30 =	vor.u32 v31, v30;
	v22 =	vand.u32 $0x7F, v43;
	v61 =	vor.u32 v41, v27;
	[tilespmem:v45+s25+$0x0] =	vst.idx.msk $0xffff, v29  }
0x2ce: {  	v40 =	vor.u32 v6, v42;
	v26 =	vor.u32 v16, v22;
	v60 =	vor.u32 v19, v22;
	v47 =	vld.idx.msk [tilespmem:v23+s24+$0x0], $0xffff  }
0x2cf: {  	v54 =	vshll.u32 v43, $0x3;
	v28 =	vor.u32 v15, v28;
	v27 =	vor.u32 v7, v32;
	[tilespmem:v55+s25+$0x0] =	vst.idx.msk $0xffff, v35  }
0x2d0: {  	s31 =	simm.s32 $0x6;
	v32 =	vor.u32 v25, v28;
	v25 =	vor.u32 v15, v33;
	[tilespmem:v56+s25+$0x0] =	vst.idx.msk $0xffff, v37;
	v37 =	vld.idx.msk [tilespmem:v58+s24+$0x0], $0xffff  }
0x2d1: {  	v28 =	vadd.s32 s31, v0;
	v21 =	vand.u32 $0x400, v54;
	v38 =	vld.idx.msk [tilespmem:v39+s24+$0x0], $0xffff;
	v39 =	vor.u32 v6, v20;
	[tilespmem:v46+s25+$0x0] =	vst.idx.msk $0xffff, v59  }
0x2d2: {  	v31 =	vor.u32 v41, v25;
	v23 =	vshll.u32 v62, $0x3;
	v35 =	vor.u32 v6, v18;
	v34 =	vld.idx.msk [tilespmem:v61+s24+$0x0], $0xffff  }
0x2d3: {  	v25 =	vand.u32 $0x7F, v28;
	v41 =	vshll.u32 v28, $0x3;
	v23 =	vand.u32 $0x400, v23;
	[tilespmem:v48+s25+$0x0] =	vst.idx.msk $0xffff, v47  }
0x2d4: {  	s14 =	simm.s32 $0x5;
	s13 =	simm.s32 $0x8;
	v28 =	vor.u32 v7, v42;
	v29 =	vor.u32 v21, v60;
	v36 =	vor.u32 v23, v63;
	v33 =	vld.idx.msk [tilespmem:v44+s24+$0x0], $0xffff  }
.LBB2_22:
0x2d5: {  	p5 =	slt.u32 s13, $0xFC;
	v42 =	vadd.s32 s14, v0;
	v41 =	vand.u32 $0x400, v41;
	v43 =	vor.u32 v19, v25;
	[tilespmem:v40+s25+$0x0] =	vst.idx.msk $0xffff, v37  }
0x2d6: {  	v44 =	vand.u32 $0x7F, v42;
	v37 =	vshll.u32 v42, $0x3;
	v40 =	vor.u32 v41, v43;
	[tilespmem:v39+s25+$0x0] =	vst.idx.msk $0xffff, v38;
	v32 =	vld.idx.msk [tilespmem:v32+s24+$0x0], $0xffff  }
0x2d7: {  	v42 =	vand.u32 $0x400, v37;
	v37 =	vor.u32 v19, v44;
	[tilespmem:v35+s25+$0x0] =	vst.idx.msk $0xffff, v34;
	v30 =	vld.idx.msk [tilespmem:v30+s24+$0x0], $0xffff  }
0x2d8: {  	v34 =	vor.u32 v22, v21;
	v35 =	vor.u32 v42, v37;
	v31 =	vld.idx.msk [tilespmem:v31+s24+$0x0], $0xffff;
	v37 =	vor.u32 v7, v20  }
0x2d9: {  	v26 =	vor.u32 v21, v26;
	v39 =	vor.u32 v7, v18;
	v38 =	vor.u32 v4, v34;
	v29 =	vld.idx.msk [tilespmem:v29+s24+$0x0], $0xffff  }
0x2da: {  	v43 =	vor.u32 v24, v23;
	v18 =	vor.u32 v16, v24;
	[tilespmem:v27+s25+$0x0] =	vst.idx.msk $0xffff, v33  }
0x2db: {  	v45 =	vor.u32 v23, v18;
	v27 =	vor.u32 v16, v25;
	v33 =	vld.idx.msk [tilespmem:v36+s24+$0x0], $0xffff;
	v36 =	vor.u32 v4, v43  }
0x2dc: {  	v20 =	vor.u32 v25, v41;
	v27 =	vor.u32 v41, v27;
	v40 =	vld.idx.msk [tilespmem:v40+s24+$0x0], $0xffff;
	[tilespmem:v28+s25+$0x0] =	vst.idx.msk $0xffff, v32  }
0x2dd: {  	v18 =	vor.u32 v44, v42;
	v32 =	vor.u32 v4, v20;
	v28 =	vld.idx.msk [tilespmem:v35+s24+$0x0], $0xffff;
	[tilespmem:v37+s25+$0x0] =	vst.idx.msk $0xffff, v30  }
0x2de: {  	v30 =	vor.u32 v4, v18;
	v35 =	vor.u32 v16, v44;
	[tilespmem:v39+s25+$0x0] =	vst.idx.msk $0xffff, v31  }
0x2df: {  	v31 =	vadd.s32 s13, v0;
	[tilespmem:v38+s25+$0x0] =	vst.idx.msk $0xffff, v29;
	v29 =	vor.u32 v42, v35  }
0x2e0: {  	v35 =	vand.u32 $0x7F, v31;
	v38 =	vor.u32 v15, v22;
	v37 =	vld.idx.msk [tilespmem:v26+s24+$0x0], $0xffff  }
0x2e1: {  	v39 =	vor.u32 v5, v34;
	v31 =	vshll.u32 v31, $0x3;
	v22 =	vor.u32 v17, v22;
	[tilespmem:v36+s25+$0x0] =	vst.idx.msk $0xffff, v33  }
0x2e2: {  	v26 =	vor.u32 v16, v35;
	v33 =	vor.u32 v21, v22;
	[tilespmem:v32+s25+$0x0] =	vst.idx.msk $0xffff, v40;
	v32 =	vld.idx.msk [tilespmem:v45+s24+$0x0], $0xffff  }
0x2e3: {  	v48 =	vor.u32 v17, v24;
	[tilespmem:v30+s25+$0x0] =	vst.idx.msk $0xffff, v28;
	v28 =	vld.idx.msk [tilespmem:v27+s24+$0x0], $0xffff;
	v30 =	vor.u32 v5, v43  }
0x2e4: {  	v40 =	vor.u32 v5, v20;
	v45 =	vor.u32 v23, v48;
	v27 =	vor.u32 v17, v25;
	v36 =	vld.idx.msk [tilespmem:v29+s24+$0x0], $0xffff  }
0x2e5: {  	v46 =	vor.u32 v5, v18;
	v22 =	vmovc v35;
	v29 =	vor.u32 v17, v44;
	v47 =	vor.u32 v41, v27  }
0x2e6: {  	s8 =	sadd.s32 $0x3, s13;
	v27 =	vand.u32 $0x400, v31;
	v31 =	vor.u32 v19, v22;
	v35 =	vor.u32 v42, v29;
	[tilespmem:v39+s25+$0x0] =	vst.idx.msk $0xffff, v37  }
0x2e7: {  	v48 =	vor.u32 v21, v38;
	v29 =	vor.u32 v27, v31;
	v31 =	vadd.s32 s8, v0;
	v21 =	vmovc v27;
	v33 =	vld.idx.msk [tilespmem:v33+s24+$0x0], $0xffff  }
0x2e8: {  	v49 =	vor.u32 v6, v34;
	v27 =	vor.u32 v7, v34;
	v37 =	vshll.u32 v31, $0x3;
	[tilespmem:v30+s25+$0x0] =	vst.idx.msk $0xffff, v32  }
0x2e9: {  	v50 =	vand.u32 $0x400, v37;
	[tilespmem:v40+s25+$0x0] =	vst.idx.msk $0xffff, v28;
	v37 =	vld.idx.msk [tilespmem:v45+s24+$0x0], $0xffff;
	v28 =	vor.u32 v15, v24;
	v24 =	vand.u32 $0x7F, v31  }
.Ltmp14:
0x2ea: {  	v40 =	vor.u32 v6, v43;
	v31 =	vor.u32 v19, v24;
	[tilespmem:v46+s25+$0x0] =	vst.idx.msk $0xffff, v36;
	v38 =	vld.idx.msk [tilespmem:v47+s24+$0x0], $0xffff;
	(pc) =	sbr.rel @p5 .LBB2_22-.Ltmp14, $4  }
0x2eb: {  	v25 =	vor.u32 v15, v25;
	v39 =	vor.u32 v6, v20;
	v32 =	vor.u32 v23, v28;
	v34 =	vld.idx.msk [tilespmem:v35+s24+$0x0], $0xffff  }
0x2ec: {  	s8 =	sadd.s32 $0x2, s13;
	v30 =	vor.u32 v41, v25;
	v28 =	vor.u32 v15, v44;
	v23 =	vmovc v50;
	v35 =	vor.u32 v6, v18  }
0x2ed: {  	v41 =	vadd.s32 s8, v0;
	v36 =	vor.u32 v23, v31;
	v31 =	vor.u32 v42, v28;
	[tilespmem:v49+s25+$0x0] =	vst.idx.msk $0xffff, v33  }
0x2ee: {  	s14 =	sadd.s32 $0x1, s13;
	s13 =	sadd.s32 $0x4, s13;
	v25 =	vand.u32 $0x7F, v41;
	v41 =	vshll.u32 v41, $0x3;
	v28 =	vor.u32 v7, v43;
	v33 =	vld.idx.msk [tilespmem:v48+s24+$0x0], $0xffff  }
0x2ef: {  	_ = 	snop  }
0x2f0: {  	v42 =	vadd.s32 s14, v0;
	v41 =	vand.u32 $0x400, v41  }
0x2f1: {  	v43 =	vor.u32 v19, v25;
	v44 =	vand.u32 $0x7F, v42;
	v42 =	vshll.u32 v42, $0x3  }
0x2f2: {  	v43 =	vor.u32 v41, v43;
	v42 =	vand.u32 $0x400, v42;
	v19 =	vor.u32 v19, v44  }
0x2f3: {  	[tilespmem:v40+s25+$0x0] =	vst.idx.msk $0xffff, v37;
	v19 =	vor.u32 v42, v19  }
0x2f4: {  	v53 =	vor.u32 v22, v21;
	[tilespmem:v39+s25+$0x0] =	vst.idx.msk $0xffff, v38;
	v26 =	vor.u32 v21, v26  }
0x2f5: {  	v29 =	vld.idx.msk [tilespmem:v29+s24+$0x0], $0xffff;
	v55 =	vor.u32 v24, v23;
	v56 =	vor.u32 v16, v24;
	v54 =	vor.u32 v4, v53  }
0x2f6: {  	v45 =	vor.u32 v16, v25;
	v36 =	vld.idx.msk [tilespmem:v36+s24+$0x0], $0xffff;
	v46 =	vor.u32 v4, v55;
	v47 =	vor.u32 v25, v41  }
0x2f7: {  	v40 =	vor.u32 v23, v56;
	v49 =	vor.u32 v4, v47;
	v48 =	vor.u32 v44, v42;
	v43 =	vld.idx.msk [tilespmem:v43+s24+$0x0], $0xffff  }
0x2f8: {  	v45 =	vor.u32 v41, v45;
	v16 =	vor.u32 v16, v44;
	v50 =	vor.u32 v4, v48;
	v19 =	vld.idx.msk [tilespmem:v19+s24+$0x0], $0xffff  }
0x2f9: {  	[tilespmem:v35+s25+$0x0] =	vst.idx.msk $0xffff, v34;
	v16 =	vor.u32 v42, v16  }
0x2fa: {  	[tilespmem:v54+s25+$0x0] =	vst.idx.msk $0xffff, v29  }
0x2fb: {  	v57 =	vor.u32 v17, v22;
	v29 =	vor.u32 v5, v53;
	[tilespmem:v46+s25+$0x0] =	vst.idx.msk $0xffff, v36;
	v26 =	vld.idx.msk [tilespmem:v26+s24+$0x0], $0xffff  }
0x2fc: {  	v60 =	vor.u32 v17, v24;
	v59 =	vor.u32 v5, v55;
	v58 =	vld.idx.msk [tilespmem:v40+s24+$0x0], $0xffff;
	[tilespmem:v49+s25+$0x0] =	vst.idx.msk $0xffff, v43  }
0x2fd: {  	v34 =	vor.u32 v21, v57;
	v61 =	vor.u32 v5, v47;
	[tilespmem:v50+s25+$0x0] =	vst.idx.msk $0xffff, v19;
	v19 =	vld.idx.msk [tilespmem:v45+s24+$0x0], $0xffff  }
0x2fe: {  	v62 =	vor.u32 v17, v25;
	v38 =	vor.u32 v23, v60;
	v63 =	vor.u32 v5, v48;
	v16 =	vld.idx.msk [tilespmem:v16+s24+$0x0], $0xffff  }
0x2ff: {  	v17 =	vor.u32 v17, v44;
	[tilespmem:v27+s25+$0x0] =	vst.idx.msk $0xffff, v33;
	v27 =	vor.u32 v41, v62  }
0x300: {  	v17 =	vor.u32 v42, v17;
	[tilespmem:v29+s25+$0x0] =	vst.idx.msk $0xffff, v26  }
0x301: {  	v22 =	vor.u32 v15, v22;
	v26 =	vld.idx.msk [tilespmem:v32+s24+$0x0], $0xffff;
	[tilespmem:v59+s25+$0x0] =	vst.idx.msk $0xffff, v58  }
0x302: {  	v21 =	vor.u32 v21, v22;
	v22 =	vor.u32 v6, v53;
	v29 =	vld.idx.msk [tilespmem:v34+s24+$0x0], $0xffff;
	[tilespmem:v61+s25+$0x0] =	vst.idx.msk $0xffff, v19  }
0x303: {  	v24 =	vor.u32 v15, v24;
	v19 =	vld.idx.msk [tilespmem:v38+s24+$0x0], $0xffff;
	[tilespmem:v63+s25+$0x0] =	vst.idx.msk $0xffff, v16;
	v16 =	vor.u32 v6, v55  }
0x304: {  	v25 =	vor.u32 v15, v25;
	v23 =	vor.u32 v23, v24;
	v46 =	vor.u32 v6, v47;
	v27 =	vld.idx.msk [tilespmem:v27+s24+$0x0], $0xffff  }
0x305: {  	v15 =	vor.u32 v15, v44;
	v25 =	vor.u32 v41, v25;
	v24 =	vor.u32 v6, v48;
	v17 =	vld.idx.msk [tilespmem:v17+s24+$0x0], $0xffff  }
0x306: {  	v20 =	vor.u32 v7, v20;
	v30 =	vld.idx.msk [tilespmem:v30+s24+$0x0], $0xffff;
	v15 =	vor.u32 v42, v15;
	[tilespmem:v28+s25+$0x0] =	vst.idx.msk $0xffff, v26  }
0x307: {  	v18 =	vor.u32 v7, v18;
	v26 =	vld.idx.msk [tilespmem:v31+s24+$0x0], $0xffff;
	[tilespmem:v22+s25+$0x0] =	vst.idx.msk $0xffff, v29  }
0x308: {  	v22 =	vor.u32 v7, v53;
	v21 =	vld.idx.msk [tilespmem:v21+s24+$0x0], $0xffff;
	[tilespmem:v16+s25+$0x0] =	vst.idx.msk $0xffff, v19  }
0x309: {  	v16 =	vor.u32 v7, v55;
	[tilespmem:v46+s25+$0x0] =	vst.idx.msk $0xffff, v27;
	v19 =	vld.idx.msk [tilespmem:v23+s24+$0x0], $0xffff  }
0x30a: {  	[tilespmem:v24+s25+$0x0] =	vst.idx.msk $0xffff, v17;
	v17 =	vld.idx.msk [tilespmem:v25+s24+$0x0], $0xffff;
	v23 =	vor.u32 v7, v47  }
0x30b: {  	[tilespmem:v20+s25+$0x0] =	vst.idx.msk $0xffff, v30;
	v20 =	vor.u32 v7, v48;
	v15 =	vld.idx.msk [tilespmem:v15+s24+$0x0], $0xffff  }
0x30c: {  	s8 =	smul.u32 $0xC8000, s18;
	s31 =	sor.u32 $0x8, s17;
	[tilespmem:v18+s25+$0x0] =	vst.idx.msk $0xffff, v26  }
0x30d: {  	v18 =	vmov s31;
	[tilespmem:v22+s25+$0x0] =	vst.idx.msk $0xffff, v21  }
0x30e: {  	s8 =	sadd.s32 s12, s8;
	[tilespmem:v16+s25+$0x0] =	vst.idx.msk $0xffff, v19;
	v16 =	vshll.u32 v18, $0x3  }
0x30f: {  	v13 =	vor.u32 s31, v13;
	s8 =	sshrl.u32 s8, $0x3;
	[tilespmem:v23+s25+$0x0] =	vst.idx.msk $0xffff, v17;
	v16 =	vand.u32 $0xFFFFFC00, v16  }
0x310: {  	v14 =	vor.u32 s31, v14;
	v13 =	vand.u32 $0x79, v13;
	s8 =	sadd.s32 s6, s8;
	[tilespmem:v20+s25+$0x0] =	vst.idx.msk $0xffff, v15;
	v15 =	vor.u32 v3, v16  }
0x311: {  	v11 =	vor.u32 s31, v11;
	v14 =	vand.u32 $0x7B, v14;
	[hbm4b:s8+s26] =	stream.strided.scatter [tilespmem:s25], [sflag:$0x1], $0x4000, s28, s26, $0x38;
	v13 =	vor.u32 v13, v15;
	[tilespmem:$0x1C600] =	vst v63  }
0x312: {  	v12 =	vor.u32 s31, v12;
	v11 =	vand.u32 $0x7D, v11;
	s8 =	simm.s32 @!p4 $0x2;
	v14 =	vor.u32 v14, v15  }
0x313: {  	v12 =	vand.u32 $0x7F, v12;
	_ =	swait.ge @!p4 [sflag:s8], $0x4000;
	v11 =	vor.u32 v11, v15  }
0x314: {  	v12 =	vor.u32 v12, v15;
	[sflag:s8] =	ssyncset.done @!p4 $0x0  }
0x315: {  	[sflag:s8] =	ssyncadd.s32 @!p4 $0xFFFFC000  }
0x316: {  	v13 =	vld.idx.msk [tilespmem:v13+s23+$0x0], $0xffff  }
0x317: {  	v14 =	vld.idx.msk [tilespmem:v14+s23+$0x0], $0xffff  }
0x318: {  	s17 =	simm.s32 $0x2;
	v11 =	vld.idx.msk [tilespmem:v11+s23+$0x0], $0xffff  }
0x319: {  	s13 =	simm.s32 $0x1;
	v21 =	vadd.s32 s17, v0;
	v12 =	vld.idx.msk [tilespmem:v12+s23+$0x0], $0xffff  }
0x31a: {  	v22 =	vshll.u32 v21, $0x3;
	v25 =	vand.u32 $0x7F, v21;
	v21 =	vadd.s32 s13, v0  }
0x31b: {  	v28 =	vand.u32 $0x7F, v21;
	v21 =	vshll.u32 v21, $0x3  }
0x31c: {  	v26 =	vand.u32 $0x400, v22;
	v47 =	vand.u32 $0x400, v21  }
0x31d: {  	v13 =	vadd.s32 v10, v13;
	v14 =	vadd.s32 v10, v14;
	v15 =	vadd.s32 v10, v11  }
0x31e: {  	v10 =	vadd.s32 v10, v12;
	v11 =	vshll.u32 v13, $0x8;
	v12 =	vshll.u32 v13, $0x7  }
0x31f: {  	v16 =	vshll.u32 v14, $0x8;
	v11 =	vand.u32 $0xFFFFF800, v11;
	v12 =	vand.u32 $0x380, v12  }
0x320: {  	v14 =	vshll.u32 v14, $0x7;
	v13 =	vor.u32 v12, v11;
	v11 =	vand.u32 $0xFFFFF800, v16  }
0x321: {  	v12 =	vand.u32 $0x380, v14;
	v14 =	vshll.u32 v15, $0x7;
	v16 =	vshll.u32 v10, $0x8  }
0x322: {  	s14 =	simm.s32 $0x0;
	v10 =	vshll.u32 v10, $0x7;
	v11 =	vor.u32 v12, v11;
	v12 =	vshll.u32 v15, $0x8  }
0x323: {  	v14 =	vand.u32 $0x380, v14;
	v15 =	vadd.s32 s14, v0;
	v22 =	vor.u32 v13, v25  }
0x324: {  	v21 =	vor.u32 v13, v28;
	v16 =	vand.u32 $0xFFFFF800, v16;
	v10 =	vand.u32 $0x380, v10  }
0x325: {  	s16 =	simm.s32 $0x3;
	v12 =	vand.u32 $0xFFFFF800, v12;
	v17 =	vshll.u32 v15, $0x3;
	v18 =	vand.u32 $0x7F, v15  }
0x326: {  	v15 =	vadd.s32 s16, v0;
	v19 =	vand.u32 $0x400, v17;
	v17 =	vor.u32 v13, v18  }
0x327: {  	v20 =	vshll.u32 v15, $0x3;
	v23 =	vand.u32 $0x7F, v15;
	v17 =	vor.u32 v19, v17  }
0x328: {  	v22 =	vor.u32 v26, v22;
	v20 =	vand.u32 $0x400, v20;
	v15 =	vor.u32 v13, v23  }
0x329: {  	v21 =	vor.u32 v47, v21;
	v10 =	vor.u32 v10, v16;
	v15 =	vor.u32 v20, v15  }
0x32a: {  	v50 =	vor.u32 v11, v25;
	v12 =	vor.u32 v14, v12;
	v14 =	vor.u32 v11, v18  }
0x32b: {  	v33 =	vor.u32 v26, v50;
	v54 =	vor.u32 v10, v18;
	v27 =	vor.u32 v18, v19  }
0x32c: {  	v24 =	vor.u32 v19, v14;
	v31 =	vor.u32 v11, v23;
	v16 =	vld.idx.msk [tilespmem:v17+s24+$0x0], $0xffff;
	v17 =	vor.u32 v4, v27  }
0x32d: {  	v14 =	vor.u32 v28, v47;
	v18 =	vor.u32 v12, v18;
	v48 =	vor.u32 v23, v20  }
0x32e: {  	v57 =	vor.u32 v12, v25;
	v30 =	vor.u32 v4, v48;
	v29 =	vld.idx.msk [tilespmem:v15+s24+$0x0], $0xffff;
	v15 =	vor.u32 v25, v26  }
0x32f: {  	v39 =	vor.u32 v19, v54;
	v31 =	vor.u32 v20, v31;
	v22 =	vld.idx.msk [tilespmem:v22+s24+$0x0], $0xffff;
	v49 =	vor.u32 v4, v15  }
0x330: {  	v52 =	vor.u32 v4, v14;
	v55 =	vor.u32 v5, v27;
	v51 =	vld.idx.msk [tilespmem:v21+s24+$0x0], $0xffff;
	v21 =	vor.u32 v11, v28  }
0x331: {  	v18 =	vor.u32 v19, v18;
	[tilespmem:v17+s29+$0x0] =	vst.idx.msk $0xffff, v16;
	v16 =	vor.u32 v47, v21  }
0x332: {  	s14 =	simm.s32 $0x4;
	v60 =	vor.u32 v5, v14;
	v34 =	vor.u32 v26, v57;
	v63 =	vor.u32 v6, v27;
	v24 =	vld.idx.msk [tilespmem:v24+s24+$0x0], $0xffff  }
0x333: {  	v53 =	vadd.s32 s14, v0;
	v35 =	vor.u32 v6, v48;
	v25 =	vor.u32 v10, v25;
	[tilespmem:v30+s29+$0x0] =	vst.idx.msk $0xffff, v29  }
0x334: {  	[tilespmem:v49+s29+$0x0] =	vst.idx.msk $0xffff, v22;
	v30 =	vld.idx.msk [tilespmem:v31+s24+$0x0], $0xffff;
	v31 =	vor.u32 v5, v48;
	v22 =	vor.u32 v12, v23  }
0x335: {  	v56 =	vor.u32 v5, v15;
	[tilespmem:v52+s29+$0x0] =	vst.idx.msk $0xffff, v51;
	v32 =	vld.idx.msk [tilespmem:v33+s24+$0x0], $0xffff;
	v58 =	vor.u32 v20, v22  }
0x336: {  	v25 =	vor.u32 v26, v25;
	v17 =	vand.u32 $0x7F, v53;
	v22 =	vor.u32 v12, v28;
	v59 =	vld.idx.msk [tilespmem:v16+s24+$0x0], $0xffff  }
0x337: {  	v29 =	vshll.u32 v53, $0x3;
	v23 =	vor.u32 v10, v23;
	v61 =	vor.u32 v47, v22;
	[tilespmem:v55+s29+$0x0] =	vst.idx.msk $0xffff, v24  }
0x338: {  	v21 =	vor.u32 v11, v17;
	v22 =	vor.u32 v7, v27;
	v27 =	vor.u32 v20, v23;
	v62 =	vld.idx.msk [tilespmem:v18+s24+$0x0], $0xffff  }
0x339: {  	v20 =	vor.u32 v10, v28;
	v16 =	vand.u32 $0x400, v29;
	v29 =	vor.u32 v13, v17;
	[tilespmem:v31+s29+$0x0] =	vst.idx.msk $0xffff, v30  }
0x33a: {  	s17 =	simm.s32 $0x6;
	s16 =	simm.s32 $0x7;
	v26 =	vor.u32 v47, v20;
	v24 =	vor.u32 v16, v29;
	[tilespmem:v56+s29+$0x0] =	vst.idx.msk $0xffff, v32;
	v32 =	vld.idx.msk [tilespmem:v58+s24+$0x0], $0xffff  }
0x33b: {  	v23 =	vadd.s32 s17, v0;
	v29 =	vadd.s32 s16, v0;
	v33 =	vld.idx.msk [tilespmem:v34+s24+$0x0], $0xffff;
	v34 =	vor.u32 v6, v15;
	[tilespmem:v60+s29+$0x0] =	vst.idx.msk $0xffff, v59  }
0x33c: {  	v18 =	vshll.u32 v29, $0x3;
	v19 =	vand.u32 $0x7F, v29;
	v30 =	vor.u32 v6, v14;
	v29 =	vld.idx.msk [tilespmem:v61+s24+$0x0], $0xffff  }
0x33d: {  	v20 =	vand.u32 $0x7F, v23;
	v18 =	vand.u32 $0x400, v18;
	v31 =	vor.u32 v13, v19;
	[tilespmem:v63+s29+$0x0] =	vst.idx.msk $0xffff, v62  }
0x33e: {  	s13 =	simm.s32 $0x8;
	s14 =	simm.s32 $0x5;
	v36 =	vshll.u32 v23, $0x3;
	v23 =	vor.u32 v7, v48;
	v31 =	vor.u32 v18, v31;
	v28 =	vld.idx.msk [tilespmem:v39+s24+$0x0], $0xffff  }
.LBB2_24:
0x33f: {  	p4 =	slt.u32 s13, $0xFC;
	v37 =	vadd.s32 s14, v0;
	v36 =	vand.u32 $0x400, v36;
	v38 =	vor.u32 v13, v20;
	[tilespmem:v35+s29+$0x0] =	vst.idx.msk $0xffff, v32  }
0x340: {  	v39 =	vand.u32 $0x7F, v37;
	v32 =	vshll.u32 v37, $0x3;
	v35 =	vor.u32 v36, v38;
	[tilespmem:v34+s29+$0x0] =	vst.idx.msk $0xffff, v33;
	v27 =	vld.idx.msk [tilespmem:v27+s24+$0x0], $0xffff  }
0x341: {  	v37 =	vand.u32 $0x400, v32;
	v32 =	vor.u32 v13, v39;
	[tilespmem:v30+s29+$0x0] =	vst.idx.msk $0xffff, v29;
	v25 =	vld.idx.msk [tilespmem:v25+s24+$0x0], $0xffff  }
0x342: {  	v29 =	vor.u32 v17, v16;
	v30 =	vor.u32 v37, v32;
	v26 =	vld.idx.msk [tilespmem:v26+s24+$0x0], $0xffff;
	v32 =	vor.u32 v7, v15  }
0x343: {  	v21 =	vor.u32 v16, v21;
	v34 =	vor.u32 v7, v14;
	v33 =	vor.u32 v4, v29;
	v24 =	vld.idx.msk [tilespmem:v24+s24+$0x0], $0xffff  }
0x344: {  	v38 =	vor.u32 v19, v18;
	v14 =	vor.u32 v11, v19;
	[tilespmem:v22+s29+$0x0] =	vst.idx.msk $0xffff, v28  }
0x345: {  	v40 =	vor.u32 v18, v14;
	v22 =	vor.u32 v11, v20;
	v28 =	vld.idx.msk [tilespmem:v31+s24+$0x0], $0xffff;
	v31 =	vor.u32 v4, v38  }
0x346: {  	v15 =	vor.u32 v20, v36;
	v22 =	vor.u32 v36, v22;
	v35 =	vld.idx.msk [tilespmem:v35+s24+$0x0], $0xffff;
	[tilespmem:v23+s29+$0x0] =	vst.idx.msk $0xffff, v27  }
0x347: {  	v14 =	vor.u32 v39, v37;
	v27 =	vor.u32 v4, v15;
	v23 =	vld.idx.msk [tilespmem:v30+s24+$0x0], $0xffff;
	[tilespmem:v32+s29+$0x0] =	vst.idx.msk $0xffff, v25  }
0x348: {  	v25 =	vor.u32 v4, v14;
	v30 =	vor.u32 v11, v39;
	[tilespmem:v34+s29+$0x0] =	vst.idx.msk $0xffff, v26  }
0x349: {  	v26 =	vadd.s32 s13, v0;
	[tilespmem:v33+s29+$0x0] =	vst.idx.msk $0xffff, v24;
	v24 =	vor.u32 v37, v30  }
0x34a: {  	v30 =	vand.u32 $0x7F, v26;
	v33 =	vor.u32 v10, v17;
	v32 =	vld.idx.msk [tilespmem:v21+s24+$0x0], $0xffff  }
0x34b: {  	v34 =	vor.u32 v5, v29;
	v26 =	vshll.u32 v26, $0x3;
	v17 =	vor.u32 v12, v17;
	[tilespmem:v31+s29+$0x0] =	vst.idx.msk $0xffff, v28  }
0x34c: {  	v21 =	vor.u32 v11, v30;
	v28 =	vor.u32 v16, v17;
	[tilespmem:v27+s29+$0x0] =	vst.idx.msk $0xffff, v35;
	v27 =	vld.idx.msk [tilespmem:v40+s24+$0x0], $0xffff  }
0x34d: {  	v43 =	vor.u32 v12, v19;
	[tilespmem:v25+s29+$0x0] =	vst.idx.msk $0xffff, v23;
	v23 =	vld.idx.msk [tilespmem:v22+s24+$0x0], $0xffff;
	v25 =	vor.u32 v5, v38  }
0x34e: {  	v35 =	vor.u32 v5, v15;
	v40 =	vor.u32 v18, v43;
	v22 =	vor.u32 v12, v20;
	v31 =	vld.idx.msk [tilespmem:v24+s24+$0x0], $0xffff  }
0x34f: {  	v41 =	vor.u32 v5, v14;
	v17 =	vmovc v30;
	v24 =	vor.u32 v12, v39;
	v42 =	vor.u32 v36, v22  }
0x350: {  	s8 =	sadd.s32 $0x3, s13;
	v22 =	vand.u32 $0x400, v26;
	v26 =	vor.u32 v13, v17;
	v30 =	vor.u32 v37, v24;
	[tilespmem:v34+s29+$0x0] =	vst.idx.msk $0xffff, v32  }
0x351: {  	v43 =	vor.u32 v16, v33;
	v24 =	vor.u32 v22, v26;
	v26 =	vadd.s32 s8, v0;
	v16 =	vmovc v22;
	v28 =	vld.idx.msk [tilespmem:v28+s24+$0x0], $0xffff  }
0x352: {  	v44 =	vor.u32 v6, v29;
	v22 =	vor.u32 v7, v29;
	v32 =	vshll.u32 v26, $0x3;
	[tilespmem:v25+s29+$0x0] =	vst.idx.msk $0xffff, v27  }
0x353: {  	v45 =	vand.u32 $0x400, v32;
	[tilespmem:v35+s29+$0x0] =	vst.idx.msk $0xffff, v23;
	v32 =	vld.idx.msk [tilespmem:v40+s24+$0x0], $0xffff;
	v23 =	vor.u32 v10, v19;
	v19 =	vand.u32 $0x7F, v26  }
.Ltmp15:
0x354: {  	v35 =	vor.u32 v6, v38;
	v26 =	vor.u32 v13, v19;
	[tilespmem:v41+s29+$0x0] =	vst.idx.msk $0xffff, v31;
	v33 =	vld.idx.msk [tilespmem:v42+s24+$0x0], $0xffff;
	(pc) =	sbr.rel @p4 .LBB2_24-.Ltmp15, $4  }
0x355: {  	v20 =	vor.u32 v10, v20;
	v34 =	vor.u32 v6, v15;
	v27 =	vor.u32 v18, v23;
	v29 =	vld.idx.msk [tilespmem:v30+s24+$0x0], $0xffff  }
0x356: {  	s8 =	sadd.s32 $0x2, s13;
	v25 =	vor.u32 v36, v20;
	v23 =	vor.u32 v10, v39;
	v18 =	vmovc v45;
	v30 =	vor.u32 v6, v14  }
0x357: {  	v36 =	vadd.s32 s8, v0;
	v31 =	vor.u32 v18, v26;
	v26 =	vor.u32 v37, v23;
	[tilespmem:v44+s29+$0x0] =	vst.idx.msk $0xffff, v28  }
0x358: {  	s14 =	sadd.s32 $0x1, s13;
	s13 =	sadd.s32 $0x4, s13;
	v20 =	vand.u32 $0x7F, v36;
	v36 =	vshll.u32 v36, $0x3;
	v23 =	vor.u32 v7, v38;
	v28 =	vld.idx.msk [tilespmem:v43+s24+$0x0], $0xffff  }
0x359: {  	_ = 	snop  }
0x35a: {  	v37 =	vadd.s32 s14, v0;
	v36 =	vand.u32 $0x400, v36  }
0x35b: {  	v38 =	vor.u32 v13, v20;
	v39 =	vand.u32 $0x7F, v37;
	v37 =	vshll.u32 v37, $0x3  }
0x35c: {  	v38 =	vor.u32 v36, v38;
	v37 =	vand.u32 $0x400, v37;
	v56 =	vor.u32 v13, v39  }
0x35d: {  	[tilespmem:v35+s29+$0x0] =	vst.idx.msk $0xffff, v32;
	v13 =	vor.u32 v37, v56  }
0x35e: {  	v32 =	vor.u32 v17, v16;
	[tilespmem:v34+s29+$0x0] =	vst.idx.msk $0xffff, v33;
	v21 =	vor.u32 v16, v21  }
0x35f: {  	v24 =	vld.idx.msk [tilespmem:v24+s24+$0x0], $0xffff;
	v34 =	vor.u32 v19, v18;
	v58 =	vor.u32 v11, v19;
	v57 =	vor.u32 v4, v32  }
0x360: {  	v40 =	vor.u32 v11, v20;
	v31 =	vld.idx.msk [tilespmem:v31+s24+$0x0], $0xffff;
	v41 =	vor.u32 v4, v34;
	v42 =	vor.u32 v20, v36  }
0x361: {  	v35 =	vor.u32 v18, v58;
	v44 =	vor.u32 v4, v42;
	v43 =	vor.u32 v39, v37;
	v38 =	vld.idx.msk [tilespmem:v38+s24+$0x0], $0xffff  }
0x362: {  	v40 =	vor.u32 v36, v40;
	v11 =	vor.u32 v11, v39;
	v45 =	vor.u32 v4, v43;
	v13 =	vld.idx.msk [tilespmem:v13+s24+$0x0], $0xffff  }
0x363: {  	[tilespmem:v30+s29+$0x0] =	vst.idx.msk $0xffff, v29;
	v11 =	vor.u32 v37, v11  }
0x364: {  	[tilespmem:v57+s29+$0x0] =	vst.idx.msk $0xffff, v24  }
0x365: {  	v60 =	vor.u32 v12, v17;
	v59 =	vor.u32 v5, v32;
	[tilespmem:v41+s29+$0x0] =	vst.idx.msk $0xffff, v31;
	v21 =	vld.idx.msk [tilespmem:v21+s24+$0x0], $0xffff  }
0x366: {  	v29 =	vor.u32 v16, v60;
	v62 =	vor.u32 v5, v34;
	v61 =	vld.idx.msk [tilespmem:v35+s24+$0x0], $0xffff;
	[tilespmem:v44+s29+$0x0] =	vst.idx.msk $0xffff, v38  }
0x367: {  	v41 =	vor.u32 v12, v19;
	v44 =	vor.u32 v5, v42;
	v63 =	vld.idx.msk [tilespmem:v40+s24+$0x0], $0xffff;
	[tilespmem:v45+s29+$0x0] =	vst.idx.msk $0xffff, v13  }
0x368: {  	v46 =	vor.u32 v5, v43;
	v33 =	vor.u32 v18, v41;
	v45 =	vor.u32 v12, v20;
	v11 =	vld.idx.msk [tilespmem:v11+s24+$0x0], $0xffff  }
0x369: {  	v47 =	vor.u32 v12, v39;
	v48 =	vor.u32 v36, v45  }
0x36a: {  	[tilespmem:v59+s29+$0x0] =	vst.idx.msk $0xffff, v21;
	v12 =	vor.u32 v37, v47  }
0x36b: {  	v50 =	vor.u32 v10, v17;
	v54 =	vor.u32 v10, v19;
	v49 =	vld.idx.msk [tilespmem:v27+s24+$0x0], $0xffff;
	[tilespmem:v62+s29+$0x0] =	vst.idx.msk $0xffff, v61  }
0x36c: {  	v51 =	vor.u32 v16, v50;
	v52 =	vor.u32 v6, v32;
	v24 =	vld.idx.msk [tilespmem:v29+s24+$0x0], $0xffff;
	[tilespmem:v44+s29+$0x0] =	vst.idx.msk $0xffff, v63  }
0x36d: {  	v55 =	vor.u32 v6, v42;
	v53 =	vld.idx.msk [tilespmem:v33+s24+$0x0], $0xffff;
	[tilespmem:v46+s29+$0x0] =	vst.idx.msk $0xffff, v11;
	v11 =	vor.u32 v6, v34  }
0x36e: {  	v56 =	vor.u32 v10, v20;
	[tilespmem:v22+s29+$0x0] =	vst.idx.msk $0xffff, v28;
	v57 =	vor.u32 v18, v54;
	v22 =	vld.idx.msk [tilespmem:v48+s24+$0x0], $0xffff  }
0x36f: {  	v10 =	vor.u32 v10, v39;
	v58 =	vor.u32 v6, v43;
	v20 =	vor.u32 v36, v56;
	v12 =	vld.idx.msk [tilespmem:v12+s24+$0x0], $0xffff  }
0x370: {  	v15 =	vor.u32 v7, v15;
	v25 =	vld.idx.msk [tilespmem:v25+s24+$0x0], $0xffff;
	v10 =	vor.u32 v37, v10;
	[tilespmem:v23+s29+$0x0] =	vst.idx.msk $0xffff, v49  }
0x371: {  	v14 =	vor.u32 v7, v14;
	v59 =	vld.idx.msk [tilespmem:v26+s24+$0x0], $0xffff;
	[tilespmem:v52+s29+$0x0] =	vst.idx.msk $0xffff, v24  }
0x372: {  	v60 =	vor.u32 v7, v32;
	v16 =	vld.idx.msk [tilespmem:v51+s24+$0x0], $0xffff;
	[tilespmem:v11+s29+$0x0] =	vst.idx.msk $0xffff, v53  }
0x373: {  	v11 =	vor.u32 v7, v34;
	[tilespmem:v55+s29+$0x0] =	vst.idx.msk $0xffff, v22;
	v13 =	vld.idx.msk [tilespmem:v57+s24+$0x0], $0xffff  }
0x374: {  	v62 =	vor.u32 v7, v42;
	[tilespmem:v58+s29+$0x0] =	vst.idx.msk $0xffff, v12;
	v61 =	vld.idx.msk [tilespmem:v20+s24+$0x0], $0xffff  }
0x375: {  	s18 =	sadd.s32 $0x1, s18;
	[tilespmem:v15+s29+$0x0] =	vst.idx.msk $0xffff, v25;
	v63 =	vor.u32 v7, v43;
	v10 =	vld.idx.msk [tilespmem:v10+s24+$0x0], $0xffff  }
0x376: {  	s8 =	smul.u32 $0xC800, s31;
	p4 =	sne.s32 s18, s15;
	[tilespmem:v14+s29+$0x0] =	vst.idx.msk $0xffff, v59  }
.Ltmp16:
0x377: {  	[tilespmem:v60+s29+$0x0] =	vst.idx.msk $0xffff, v16;
	(pc) =	sbr.rel @p4 .LBB2_21-.Ltmp16, $4  }
0x378: {  	s8 =	sadd.s32 s12, s8;
	[tilespmem:v11+s29+$0x0] =	vst.idx.msk $0xffff, v13  }
0x379: {  	s8 =	sshrl.u32 s8, $0x3;
	[tilespmem:v62+s29+$0x0] =	vst.idx.msk $0xffff, v61  }
0x37a: {  	s8 =	sadd.s32 s6, s8;
	[tilespmem:v63+s29+$0x0] =	vst.idx.msk $0xffff, v10  }
0x37b: {  	[hbm4b:s8+s26] =	stream.strided.scatter [tilespmem:s29], [sflag:$0x2], $0x4000, s28, s26, $0x38;
	[tilespmem:$0x1C600] =	vst v63  }
.LBB2_26:
0x37c: {  	s8 =	simm.s32 $0x1  }
0x37d: {  	_ =	swait.ge [sflag:s8], $0x4000  }
0x37e: {  	[sflag:s8] =	ssyncset.done $0x0  }
0x37f: {  	s31 =	simm.s32 $0x2;
	[sflag:s8] =	ssyncadd.s32 $0xFFFFC000  }
0x380: {  	_ =	swait.ge [sflag:s31], $0x4000  }
0x381: {  	[sflag:s31] =	ssyncset.done $0x0  }
0x382: {  	[sflag:s31] =	ssyncadd.s32 $0xFFFFC000  }
.LBB2_27:
.Ltmp17:
0x383: {  	(pc) =	sbr.rel @!p1 .LBB2_41-.Ltmp17, $2  }
0x384: {  	_ =	sdelay $0x2  }
0x385: {  	s9 =	rddreg [dreg:$0xf]  }
0x386: {  	s8 =	rddreg [dreg:$0xb]  }
0x387: {  	[tilespmem:s0], [sflag:$0x3] =	stream.strided.gather [hbm4b:s8+s4], $0x400, s2, s4, $0x38;
	[tilespmem:$0x1C600] =	vst v63  }
0x388: {  	_ =	swait.ge [sflag:s19], $0x400  }
0x389: {  	[sflag:s19] =	ssyncset.done $0x0  }
0x38a: {  	s31 =	rddreg [dreg:$0xc];
	[sflag:s19] =	ssyncadd.s32 $0xFFFFFC00  }
0x38b: {  	[tilespmem:s1], [sflag:$0x3] =	stream.strided.gather [hbm4b:s31+s4], $0x1000, s2, s4, $0x38;
	[tilespmem:$0x1C600] =	vst v63  }
0x38c: {  	_ =	swait.ge [sflag:s19], $0x1000  }
0x38d: {  	[sflag:s19] =	ssyncset.done $0x0  }
0x38e: {  	s9 =	simm.s32 $0x0;
	s18 =	simm.s32 $0x0;
	[sflag:s19] =	ssyncadd.s32 $0xFFFFF000  }
.LBB2_29:
0x38f: {  	s8 =	sshll.u32 s18, $0x4  }
0x390: {  	v10 =	vmov s8  }
0x391: {  	v10 =	vbroadcast v10, $0x0;
	_ =	sdelay $0x1  }
0x392: {  	v11 =	vor.u32 v0, v10  }
0x393: {  	vm0 =	vlt.s32 v11, $0x53  }
0x394: {  	v12 =	vnsel vm0, $0x53, v11  }
0x395: {  	s15 =	simm.s32 $0x7;
	v13 =	vmulhi.u32 $0x86186187, v12  }
0x396: {  	v19 =	vimm.f32 $0.0e+00;
	s13 =	simm.s32 $0x6;
	s14 =	simm.s32 $0x3;
	v17 =	vadd.s32 s15, v0  }
0x397: {  	s16 =	simm.s32 $0x4;
	s17 =	simm.s32 $0x1;
	v18 =	vadd.s32 s13, v0;
	v21 =	vadd.s32 s14, v0;
	v14 =	vsub.s32 v12, v13  }
0x398: {  	s31 =	simm.s32 $0x2;
	s15 =	simm.s32 $0x5;
	v22 =	vadd.s32 s16, v0;
	v23 =	vadd.s32 s17, v0;
	v14 =	vshrl.u32 v14, $0x1  }
0x399: {  	v25 =	vadd.s32 s31, v0;
	v20 =	vadd.s32 s15, v0;
	v13 =	vadd.s32 v13, v14  }
0x39a: {  	v24 =	vshrl.u32 v18, $0x7;
	v36 =	vshrl.u32 v17, $0x7;
	v13 =	vshrl.u32 v13, $0x4  }
0x39b: {  	v31 =	vshrl.u32 v21, $0x7;
	v30 =	vshrl.u32 v22, $0x7;
	v14 =	vmul.u32 $0xFFFFFFEB, v13  }
0x39c: {  	v35 =	vshrl.u32 v25, $0x7;
	v33 =	vshrl.u32 v23, $0x7;
	v15 =	vand.u32 $0x7F, v20  }
0x39d: {  	v28 =	vshrl.u32 v20, $0x7;
	vm15 =	veq.s32 v10, v0;
	v12 =	vadd.s32 v12, v14  }
0x39e: {  	vm1 =	vne.s32 v12, $0x0;
	v10 =	vshll.u32 v12, $0x8;
	v12 =	vshll.u32 v12, $0x7  }
0x39f: {  	vm0 =	vmand vm15, vm1;
	v10 =	vand.u32 $0x1800, v10;
	v12 =	vand.u32 $0x380, v12  }
0x3a0: {  	v14 =	vsel vm0, $0xFFFFFFFF, v2;
	v16 =	vor.u32 v10, v12;
	v10 =	vshll.u32 v11, $0x8  }
0x3a1: {  	v20 =	vand.u32 $0x7F, v25;
	v13 =	vadd.s32 v14, v13;
	v10 =	vand.u32 $0x7800, v10  }
0x3a2: {  	v14 =	vand.u32 $0x7F, v18;
	v18 =	vand.u32 $0x7F, v21;
	v21 =	vand.u32 $0x7F, v23  }
0x3a3: {  	v29 =	vor.u32 v15, v16;
	v11 =	vshll.u32 v13, $0x8;
	v12 =	vshll.u32 v13, $0x7  }
0x3a4: {  	v10 =	vor.u32 v3, v10;
	v13 =	vadd.s32 s9, v0;
	v27 =	vor.u32 v14, v16  }
0x3a5: {  	v11 =	vand.u32 $0xFFFFFC00, v11;
	v12 =	vand.u32 $0x180, v12;
	v26 =	vshrl.u32 v13, $0x7  }
0x3a6: {  	v11 =	vor.u32 v12, v11;
	v12 =	vand.u32 $0x7F, v13;
	v13 =	vand.u32 $0x7F, v17  }
0x3a7: {  	v17 =	vand.u32 $0x7F, v22;
	v34 =	vand.u32 $0x1, v26;
	v26 =	vand.u32 $0x1, v36  }
0x3a8: {  	s17 =	simm.s32 $0x8;
	v22 =	vimm.f32 $0.0e+00;
	v32 =	vor.u32 v12, v16;
	v23 =	vor.u32 v13, v16  }
.LBB2_30:
0x3a9: {  	p4 =	slt.u32 s17, $0xF8;
	v36 =	vor.u32 v20, v16;
	v37 =	vor.u32 v18, v16;
	v38 =	vor.u32 v17, v16  }
0x3aa: {  	v25 =	vshll.u32 v34, $0xA;
	v39 =	vor.u32 v21, v16;
	v35 =	vand.u32 $0x1, v35  }
0x3ab: {  	v34 =	vshll.u32 v34, $0x9;
	v32 =	vor.u32 v25, v32;
	v40 =	vshll.u32 v35, $0xA  }
0x3ac: {  	v33 =	vand.u32 $0x1, v33;
	v34 =	vor.u32 v11, v34;
	v36 =	vor.u32 v40, v36  }
0x3ad: {  	v41 =	vshll.u32 v33, $0xA;
	v33 =	vshll.u32 v33, $0x9;
	v34 =	vor.u32 v12, v34  }
0x3ae: {  	v35 =	vshll.u32 v35, $0x9;
	v39 =	vor.u32 v41, v39;
	v33 =	vor.u32 v11, v33  }
0x3af: {  	v31 =	vand.u32 $0x1, v31;
	v35 =	vor.u32 v11, v35;
	v33 =	vor.u32 v21, v33  }
0x3b0: {  	v42 =	vshll.u32 v31, $0xA;
	v31 =	vshll.u32 v31, $0x9;
	v35 =	vor.u32 v20, v35;
	v32 =	vld.idx.msk [tilespmem:v32+s5+$0x0], $0xffff  }
0x3b1: {  	v30 =	vand.u32 $0x1, v30;
	v37 =	vor.u32 v42, v37;
	v31 =	vor.u32 v11, v31;
	v36 =	vld.idx.msk [tilespmem:v36+s5+$0x0], $0xffff  }
0x3b2: {  	v43 =	vshll.u32 v30, $0xA;
	v30 =	vshll.u32 v30, $0x9;
	v31 =	vor.u32 v18, v31;
	v34 =	vld.idx.msk [tilespmem:v34+s0+$0x0], $0xffff  }
0x3b3: {  	v28 =	vand.u32 $0x1, v28;
	v38 =	vor.u32 v43, v38;
	v30 =	vor.u32 v11, v30;
	v39 =	vld.idx.msk [tilespmem:v39+s5+$0x0], $0xffff  }
0x3b4: {  	v44 =	vshll.u32 v28, $0xA;
	v28 =	vshll.u32 v28, $0x9;
	v30 =	vor.u32 v17, v30;
	v33 =	vld.idx.msk [tilespmem:v33+s0+$0x0], $0xffff  }
0x3b5: {  	v24 =	vand.u32 $0x1, v24;
	v29 =	vor.u32 v44, v29;
	v28 =	vor.u32 v11, v28;
	v35 =	vld.idx.msk [tilespmem:v35+s0+$0x0], $0xffff  }
0x3b6: {  	v45 =	vshll.u32 v24, $0xA;
	v24 =	vshll.u32 v24, $0x9;
	v28 =	vor.u32 v15, v28;
	v37 =	vld.idx.msk [tilespmem:v37+s5+$0x0], $0xffff  }
0x3b7: {  	v46 =	vshll.u32 v26, $0xA;
	v27 =	vor.u32 v45, v27;
	v24 =	vor.u32 v11, v24;
	v31 =	vld.idx.msk [tilespmem:v31+s0+$0x0], $0xffff  }
0x3b8: {  	v26 =	vshll.u32 v26, $0x9;
	v24 =	vor.u32 v14, v24;
	v32 =	vadd.f32 v34, v32;
	v34 =	vld.idx.msk [tilespmem:v38+s5+$0x0], $0xffff  }
0x3b9: {  	v23 =	vor.u32 v46, v23;
	v26 =	vor.u32 v11, v26;
	v21 =	vor.u32 v21, v10;
	v30 =	vld.idx.msk [tilespmem:v30+s0+$0x0], $0xffff  }
0x3ba: {  	v26 =	vor.u32 v13, v26;
	v38 =	vmul.f32 v32, v32;
	v33 =	vadd.f32 v33, v39;
	v29 =	vld.idx.msk [tilespmem:v29+s5+$0x0], $0xffff  }
0x3bb: {  	v20 =	vor.u32 v20, v10;
	v18 =	vor.u32 v18, v10;
	v35 =	vadd.f32 v35, v36;
	v28 =	vld.idx.msk [tilespmem:v28+s0+$0x0], $0xffff  }
0x3bc: {  	v19 =	vadd.f32 v32, v19;
	v22 =	vadd.f32 v38, v22;
	v36 =	vmul.f32 v33, v33;
	v27 =	vld.idx.msk [tilespmem:v27+s5+$0x0], $0xffff  }
0x3bd: {  	v17 =	vor.u32 v17, v10;
	v15 =	vor.u32 v15, v10;
	v31 =	vadd.f32 v31, v37;
	v24 =	vld.idx.msk [tilespmem:v24+s0+$0x0], $0xffff  }
0x3be: {  	v19 =	vadd.f32 v33, v19;
	v22 =	vadd.f32 v36, v22;
	v36 =	vmul.f32 v35, v35;
	v23 =	vld.idx.msk [tilespmem:v23+s5+$0x0], $0xffff  }
0x3bf: {  	v13 =	vor.u32 v13, v10;
	v14 =	vor.u32 v14, v10;
	v30 =	vadd.f32 v30, v34;
	v26 =	vld.idx.msk [tilespmem:v26+s0+$0x0], $0xffff  }
0x3c0: {  	v19 =	vadd.f32 v35, v19;
	v34 =	vmul.f32 v31, v31;
	v22 =	vadd.f32 v36, v22  }
0x3c1: {  	v12 =	vor.u32 v12, v10;
	v21 =	vor.u32 v41, v21;
	v28 =	vadd.f32 v28, v29  }
0x3c2: {  	v19 =	vadd.f32 v31, v19;
	v29 =	vmul.f32 v30, v30;
	v22 =	vadd.f32 v34, v22  }
0x3c3: {  	v20 =	vor.u32 v40, v20;
	v18 =	vor.u32 v42, v18;
	v27 =	vadd.f32 v24, v27  }
0x3c4: {  	v19 =	vadd.f32 v30, v19;
	v24 =	vmul.f32 v28, v28;
	v22 =	vadd.f32 v29, v22  }
0x3c5: {  	v17 =	vor.u32 v43, v17;
	v15 =	vor.u32 v44, v15;
	v23 =	vadd.f32 v26, v23  }
0x3c6: {  	v19 =	vadd.f32 v28, v19;
	v22 =	vadd.f32 v24, v22;
	v24 =	vmul.f32 v27, v27  }
0x3c7: {  	v25 =	vor.u32 v25, v12;
	v29 =	vor.u32 v46, v13;
	v26 =	vor.u32 v45, v14  }
0x3c8: {  	s8 =	sadd.s32 $0x7, s17;
	v12 =	vadd.f32 v27, v19;
	v14 =	vmul.f32 v23, v23;
	v13 =	vadd.f32 v24, v22  }
0x3c9: {  	s13 =	sadd.s32 $0x6, s17;
	v34 =	vadd.s32 s8, v0;
	v24 =	vadd.s32 s17, v0;
	[tilespmem:v21+s24+$0x0] =	vst.idx.msk $0xffff, v33  }
0x3ca: {  	s14 =	sadd.s32 $0x4, s17;
	s15 =	sadd.s32 $0x5, s17;
	s8 =	sadd.s32 $0x3, s17;
	v19 =	vadd.f32 v23, v12;
	v21 =	vadd.s32 s13, v0;
	v22 =	vadd.f32 v14, v13;
	[tilespmem:v20+s24+$0x0] =	vst.idx.msk $0xffff, v35  }
0x3cb: {  	s16 =	sadd.s32 $0x2, s17;
	s13 =	sadd.s32 $0x1, s17;
	v33 =	vadd.s32 s8, v0;
	v35 =	vadd.s32 s14, v0;
	v20 =	vadd.s32 s15, v0;
	[tilespmem:v18+s24+$0x0] =	vst.idx.msk $0xffff, v31  }
0x3cc: {  	v37 =	vadd.s32 s16, v0;
	v12 =	vand.u32 $0x7F, v24;
	v36 =	vadd.s32 s13, v0;
	[tilespmem:v17+s24+$0x0] =	vst.idx.msk $0xffff, v30  }
0x3cd: {  	v38 =	vshrl.u32 v24, $0x7;
	v13 =	vand.u32 $0x7F, v34;
	v14 =	vand.u32 $0x7F, v21;
	[tilespmem:v15+s24+$0x0] =	vst.idx.msk $0xffff, v28  }
0x3ce: {  	v39 =	vshrl.u32 v34, $0x7;
	v24 =	vshrl.u32 v21, $0x7;
	v15 =	vand.u32 $0x7F, v20;
	[tilespmem:v26+s24+$0x0] =	vst.idx.msk $0xffff, v27  }
.Ltmp18:
0x3cf: {  	v18 =	vand.u32 $0x7F, v33;
	v17 =	vand.u32 $0x7F, v35;
	v28 =	vshrl.u32 v20, $0x7;
	[tilespmem:v29+s24+$0x0] =	vst.idx.msk $0xffff, v23;
	(pc) =	sbr.rel @p4 .LBB2_30-.Ltmp18, $4  }
0x3d0: {  	v31 =	vshrl.u32 v33, $0x7;
	v30 =	vshrl.u32 v35, $0x7;
	v20 =	vand.u32 $0x7F, v37;
	[tilespmem:v25+s24+$0x0] =	vst.idx.msk $0xffff, v32  }
0x3d1: {  	v21 =	vand.u32 $0x7F, v36;
	v35 =	vshrl.u32 v37, $0x7;
	v32 =	vor.u32 v12, v16  }
0x3d2: {  	v34 =	vand.u32 $0x1, v38;
	v33 =	vshrl.u32 v36, $0x7;
	v23 =	vor.u32 v13, v16  }
0x3d3: {  	s17 =	sadd.s32 $0x8, s17;
	v27 =	vor.u32 v14, v16;
	v26 =	vand.u32 $0x1, v39;
	v29 =	vor.u32 v15, v16  }
0x3d4: {  	v36 =	vor.u32 v20, v16;
	v37 =	vor.u32 v18, v16  }
0x3d5: {  	v38 =	vor.u32 v17, v16;
	v25 =	vshll.u32 v34, $0xA;
	v16 =	vor.u32 v21, v16  }
0x3d6: {  	v35 =	vand.u32 $0x1, v35;
	v56 =	vshll.u32 v34, $0x9;
	v33 =	vand.u32 $0x1, v33  }
0x3d7: {  	v31 =	vand.u32 $0x1, v31;
	v32 =	vor.u32 v25, v32;
	v39 =	vshll.u32 v35, $0xA  }
0x3d8: {  	v30 =	vand.u32 $0x1, v30;
	v34 =	vor.u32 v11, v56;
	v36 =	vor.u32 v39, v36  }
0x3d9: {  	v40 =	vshll.u32 v33, $0xA;
	v33 =	vshll.u32 v33, $0x9;
	v34 =	vor.u32 v12, v34  }
0x3da: {  	v35 =	vshll.u32 v35, $0x9;
	v16 =	vor.u32 v40, v16;
	v33 =	vor.u32 v11, v33  }
0x3db: {  	v28 =	vand.u32 $0x1, v28;
	v35 =	vor.u32 v11, v35;
	v33 =	vor.u32 v21, v33  }
0x3dc: {  	v41 =	vshll.u32 v31, $0x9;
	v31 =	vshll.u32 v31, $0xA;
	v35 =	vor.u32 v20, v35;
	v32 =	vld.idx.msk [tilespmem:v32+s5+$0x0], $0xffff  }
0x3dd: {  	v24 =	vand.u32 $0x1, v24;
	v41 =	vor.u32 v11, v41;
	v37 =	vor.u32 v31, v37;
	v36 =	vld.idx.msk [tilespmem:v36+s5+$0x0], $0xffff  }
0x3de: {  	v42 =	vshll.u32 v30, $0x9;
	v30 =	vshll.u32 v30, $0xA;
	v41 =	vor.u32 v18, v41;
	v34 =	vld.idx.msk [tilespmem:v34+s0+$0x0], $0xffff  }
0x3df: {  	v45 =	vshll.u32 v26, $0xA;
	v42 =	vor.u32 v11, v42;
	v38 =	vor.u32 v30, v38;
	v16 =	vld.idx.msk [tilespmem:v16+s5+$0x0], $0xffff  }
0x3e0: {  	v43 =	vshll.u32 v28, $0xA;
	v28 =	vshll.u32 v28, $0x9;
	v42 =	vor.u32 v17, v42;
	v33 =	vld.idx.msk [tilespmem:v33+s0+$0x0], $0xffff  }
0x3e1: {  	v26 =	vshll.u32 v26, $0x9;
	v29 =	vor.u32 v43, v29;
	v28 =	vor.u32 v11, v28;
	v35 =	vld.idx.msk [tilespmem:v35+s0+$0x0], $0xffff  }
0x3e2: {  	v44 =	vshll.u32 v24, $0xA;
	v24 =	vshll.u32 v24, $0x9;
	v28 =	vor.u32 v15, v28;
	v37 =	vld.idx.msk [tilespmem:v37+s5+$0x0], $0xffff  }
0x3e3: {  	v27 =	vor.u32 v44, v27;
	v24 =	vor.u32 v11, v24;
	v41 =	vld.idx.msk [tilespmem:v41+s0+$0x0], $0xffff;
	v32 =	vadd.f32 v34, v32  }
0x3e4: {  	v23 =	vor.u32 v45, v23;
	v11 =	vor.u32 v11, v26;
	v24 =	vor.u32 v14, v24;
	v57 =	vld.idx.msk [tilespmem:v38+s5+$0x0], $0xffff  }
0x3e5: {  	v26 =	vld.idx.msk [tilespmem:v42+s0+$0x0], $0xffff;
	v16 =	vadd.f32 v33, v16;
	v58 =	vmul.f32 v32, v32;
	v19 =	vadd.f32 v32, v19  }
0x3e6: {  	v11 =	vor.u32 v13, v11;
	v29 =	vld.idx.msk [tilespmem:v29+s5+$0x0], $0xffff;
	v59 =	vadd.f32 v35, v36  }
0x3e7: {  	v28 =	vld.idx.msk [tilespmem:v28+s0+$0x0], $0xffff;
	v60 =	vmul.f32 v16, v16;
	v22 =	vadd.f32 v58, v22;
	v19 =	vadd.f32 v16, v19  }
0x3e8: {  	v27 =	vld.idx.msk [tilespmem:v27+s5+$0x0], $0xffff;
	v61 =	vadd.f32 v41, v37  }
0x3e9: {  	v24 =	vld.idx.msk [tilespmem:v24+s0+$0x0], $0xffff;
	v62 =	vmul.f32 v59, v59;
	v22 =	vadd.f32 v60, v22;
	v19 =	vadd.f32 v59, v19  }
0x3ea: {  	v23 =	vld.idx.msk [tilespmem:v23+s5+$0x0], $0xffff;
	v26 =	vadd.f32 v26, v57  }
0x3eb: {  	v11 =	vld.idx.msk [tilespmem:v11+s0+$0x0], $0xffff;
	v63 =	vmul.f32 v61, v61;
	v22 =	vadd.f32 v62, v22;
	v19 =	vadd.f32 v61, v19  }
0x3ec: {  	v28 =	vadd.f32 v28, v29  }
0x3ed: {  	v29 =	vmul.f32 v26, v26;
	v22 =	vadd.f32 v63, v22;
	v19 =	vadd.f32 v26, v19  }
0x3ee: {  	v24 =	vadd.f32 v24, v27  }
0x3ef: {  	v27 =	vmul.f32 v28, v28;
	v22 =	vadd.f32 v29, v22;
	v19 =	vadd.f32 v28, v19  }
0x3f0: {  	v23 =	vadd.f32 v11, v23  }
0x3f1: {  	v11 =	vadd.f32 v27, v22;
	v22 =	vmul.f32 v24, v24;
	v19 =	vadd.f32 v24, v19;
	_ =	sdelay $0x1  }
0x3f2: {  	v11 =	vadd.f32 v22, v11;
	v22 =	vmul.f32 v23, v23;
	v19 =	vadd.f32 v23, v19;
	_ =	sdelay $0x1  }
0x3f3: {  	v22 =	vadd.f32 v22, v11;
	v11 =	vmul.f32 $3.906250000e-03, v19;
	_ =	sdelay $0x1  }
0x3f4: {  	v19 =	vmul.f32 $3.906250000e-03, v22;
	v22 =	vmul.f32 v11, v11;
	_ =	sdelay $0x1  }
0x3f5: {  	v19 =	vsub.f32 v19, v22;
	_ =	sdelay $0x1  }
0x3f6: {  	v19 =	vadd.f32 $9.999999960e-13, v19;
	_ =	sdelay $0x1  }
0x3f7: {  	v22 =	vshra.s32 v19, $0x1;
	v19 =	vmul.f32 $5.000000000e-01, v19  }
0x3f8: {  	v22 =	vsub.s32 $0x5F3759DF, v22  }
0x3f9: {  	v27 =	vmul.f32 v22, v19;
	_ =	sdelay $0x1  }
0x3fa: {  	v27 =	vmul.f32 v22, v27;
	_ =	sdelay $0x1  }
0x3fb: {  	v27 =	vsub.f32 $1.500000000e+00, v27;
	_ =	sdelay $0x1  }
0x3fc: {  	v22 =	vmul.f32 v22, v27;
	_ =	sdelay $0x1  }
0x3fd: {  	v27 =	vmul.f32 v22, v19;
	_ =	sdelay $0x1  }
0x3fe: {  	v27 =	vmul.f32 v27, v22;
	_ =	sdelay $0x1  }
0x3ff: {  	v27 =	vsub.f32 $1.500000000e+00, v27;
	_ =	sdelay $0x1  }
0x400: {  	v22 =	vmul.f32 v27, v22;
	_ =	sdelay $0x1  }
0x401: {  	v27 =	vmul.f32 v22, v19;
	_ =	sdelay $0x1  }
0x402: {  	v12 =	vor.u32 v12, v10;
	v21 =	vor.u32 v21, v10;
	v27 =	vmul.f32 v27, v22  }
0x403: {  	v20 =	vor.u32 v20, v10;
	v18 =	vor.u32 v18, v10;
	v21 =	vor.u32 v40, v21  }
0x404: {  	v17 =	vor.u32 v17, v10;
	v12 =	vor.u32 v25, v12;
	v27 =	vsub.f32 $1.500000000e+00, v27  }
0x405: {  	v15 =	vor.u32 v15, v10;
	v14 =	vor.u32 v14, v10;
	v20 =	vor.u32 v39, v20  }
0x406: {  	s8 =	simm.s32 $0x0;
	v13 =	vor.u32 v13, v10;
	v18 =	vor.u32 v31, v18;
	v22 =	vmul.f32 v27, v22  }
0x407: {  	v15 =	vor.u32 v43, v15;
	v14 =	vor.u32 v44, v14;
	v27 =	vadd.s32 s8, v0  }
0x408: {  	[tilespmem:v21+s24+$0x0] =	vst.idx.msk $0xffff, v16;
	v29 =	vor.u32 v45, v13;
	v13 =	vshll.u32 v27, $0x3;
	v16 =	vmul.f32 v22, v19  }
0x409: {  	v17 =	vor.u32 v30, v17;
	[tilespmem:v12+s24+$0x0] =	vst.idx.msk $0xffff, v32;
	v19 =	vand.u32 $0x7F, v27;
	v13 =	vand.u32 $0x400, v13  }
0x40a: {  	[tilespmem:v20+s24+$0x0] =	vst.idx.msk $0xffff, v59;
	v13 =	vor.u32 v13, v19;
	v16 =	vmul.f32 v16, v22  }
0x40b: {  	[tilespmem:v18+s24+$0x0] =	vst.idx.msk $0xffff, v61;
	v13 =	vor.u32 v10, v13  }
0x40c: {  	s14 =	simm.s32 $0x7;
	[tilespmem:v14+s24+$0x0] =	vst.idx.msk $0xffff, v24;
	v14 =	vsub.f32 $1.500000000e+00, v16  }
0x40d: {  	[tilespmem:v15+s24+$0x0] =	vst.idx.msk $0xffff, v28;
	v15 =	vadd.s32 s14, v0  }
0x40e: {  	s16 =	simm.s32 $0x5;
	[tilespmem:v17+s24+$0x0] =	vst.idx.msk $0xffff, v26;
	v16 =	vshll.u32 v15, $0x3;
	v12 =	vmul.f32 v14, v22;
	v14 =	vand.u32 $0xFF, v27  }
0x40f: {  	s15 =	simm.s32 $0x6;
	v20 =	vadd.s32 s16, v0;
	v17 =	vand.u32 $0x7F, v15;
	[tilespmem:v29+s24+$0x0] =	vst.idx.msk $0xffff, v23;
	v16 =	vand.u32 $0x400, v16  }
0x410: {  	v19 =	vadd.s32 s15, v0;
	v16 =	vor.u32 v16, v17;
	v17 =	vand.u32 $0xFF, v15;
	v18 =	vld.idx.msk [tilespmem:v13+s24+$0x0], $0xffff  }
0x411: {  	v25 =	vand.u32 $0x7F, v20;
	v23 =	vand.u32 $0x7F, v19;
	v15 =	vshll.u32 v19, $0x3  }
0x412: {  	v22 =	vshll.u32 v20, $0x3;
	v16 =	vor.u32 v10, v16;
	v15 =	vand.u32 $0x400, v15  }
0x413: {  	v21 =	vand.u32 $0xFF, v19;
	v26 =	vand.u32 $0x400, v22;
	v15 =	vor.u32 v15, v23;
	v19 =	vld.idx.msk [tilespmem:v14+s21+$0x0], $0xffff  }
0x414: {  	s17 =	simm.s32 $0x4;
	s13 =	simm.s32 $0x3;
	v27 =	vand.u32 $0xFF, v20;
	v15 =	vor.u32 v10, v15;
	v22 =	vld.idx.msk [tilespmem:v14+s20+$0x0], $0xffff;
	v14 =	vor.u32 v26, v25  }
0x415: {  	v20 =	vld.idx.msk [tilespmem:v17+s21+$0x0], $0xffff;
	v25 =	vadd.s32 s13, v0;
	v24 =	vsub.f32 v18, v11;
	v18 =	vadd.s32 s17, v0  }
0x416: {  	v23 =	vld.idx.msk [tilespmem:v17+s20+$0x0], $0xffff;
	v14 =	vor.u32 v10, v14;
	v17 =	vshll.u32 v25, $0x3;
	v28 =	vshll.u32 v18, $0x3  }
0x417: {  	v26 =	vand.u32 $0xFF, v18;
	v18 =	vand.u32 $0x7F, v18;
	v29 =	vand.u32 $0x400, v28;
	v28 =	vld.idx.msk [tilespmem:v16+s24+$0x0], $0xffff  }
0x418: {  	s31 =	simm.s32 $0x2;
	v30 =	vand.u32 $0x7F, v25;
	v17 =	vand.u32 $0x400, v17;
	v31 =	vor.u32 v29, v18;
	v18 =	vld.idx.msk [tilespmem:v21+s21+$0x0], $0xffff  }
0x419: {  	s13 =	simm.s32 $0x1;
	s17 =	simm.s32 $0x8;
	v30 =	vor.u32 v17, v30;
	v29 =	vadd.s32 s31, v0;
	v21 =	vld.idx.msk [tilespmem:v21+s20+$0x0], $0xffff;
	v17 =	vor.u32 v10, v31  }
.LBB2_32:
0x41a: {  	p4 =	slt.u32 s17, $0xF8;
	v31 =	vadd.s32 s13, v0;
	v32 =	vshll.u32 v29, $0x3;
	v30 =	vor.u32 v10, v30;
	v33 =	vld.idx.msk [tilespmem:v15+s24+$0x0], $0xffff  }
0x41b: {  	v35 =	vand.u32 $0x7F, v29;
	v34 =	vshll.u32 v31, $0x3;
	v32 =	vand.u32 $0x400, v32;
	v36 =	vld.idx.msk [tilespmem:v27+s21+$0x0], $0xffff  }
0x41c: {  	v37 =	vand.u32 $0x7F, v31;
	v34 =	vand.u32 $0x400, v34;
	v32 =	vor.u32 v32, v35;
	v27 =	vld.idx.msk [tilespmem:v27+s20+$0x0], $0xffff  }
0x41d: {  	v34 =	vor.u32 v34, v37;
	v32 =	vor.u32 v10, v32;
	v35 =	vld.idx.msk [tilespmem:v14+s24+$0x0], $0xffff  }
0x41e: {  	v24 =	vmul.f32 v24, v12;
	v37 =	vadd.s32 s17, v0;
	v34 =	vor.u32 v10, v34;
	v38 =	vld.idx.msk [tilespmem:v26+s21+$0x0], $0xffff  }
0x41f: {  	v25 =	vand.u32 $0xFF, v25;
	v28 =	vsub.f32 v28, v11;
	v39 =	vand.u32 $0xFF, v37;
	v26 =	vld.idx.msk [tilespmem:v26+s20+$0x0], $0xffff  }
0x420: {  	v22 =	vmul.f32 v24, v22;
	v40 =	vand.u32 $0x7F, v37;
	v37 =	vshll.u32 v37, $0x3;
	v24 =	vld.idx.msk [tilespmem:v17+s24+$0x0], $0xffff  }
0x421: {  	v29 =	vand.u32 $0xFF, v29;
	v28 =	vmul.f32 v28, v12;
	v37 =	vand.u32 $0x400, v37;
	v41 =	vld.idx.msk [tilespmem:v30+s24+$0x0], $0xffff  }
0x422: {  	s8 =	sadd.s32 $0x7, s17;
	v19 =	vadd.f32 v22, v19;
	v22 =	vand.u32 $0xFF, v31;
	v37 =	vor.u32 v37, v40;
	v31 =	vld.idx.msk [tilespmem:v32+s24+$0x0], $0xffff  }
0x423: {  	v40 =	vadd.s32 s8, v0;
	v23 =	vmul.f32 v28, v23;
	v37 =	vor.u32 v10, v37;
	v42 =	vld.idx.msk [tilespmem:v34+s24+$0x0], $0xffff  }
0x424: {  	v33 =	vsub.f32 v33, v11;
	v28 =	vand.u32 $0x7F, v40;
	v43 =	vshll.u32 v40, $0x3;
	[tilespmem:v13+s24+$0x0] =	vst.idx.msk $0xffff, v19;
	v19 =	vld.idx.msk [tilespmem:v25+s21+$0x0], $0xffff  }
0x425: {  	v43 =	vand.u32 $0x400, v43;
	v35 =	vsub.f32 v35, v11;
	v20 =	vadd.f32 v23, v20;
	v13 =	vmovc v37;
	v25 =	vld.idx.msk [tilespmem:v25+s20+$0x0], $0xffff  }
0x426: {  	v33 =	vmul.f32 v33, v12;
	v23 =	vor.u32 v43, v28;
	v24 =	vsub.f32 v24, v11;
	v28 =	vld.idx.msk [tilespmem:v29+s20+$0x0], $0xffff  }
0x427: {  	v35 =	vmul.f32 v35, v12;
	v41 =	vsub.f32 v41, v11;
	v37 =	vld.idx.msk [tilespmem:v22+s20+$0x0], $0xffff;
	[tilespmem:v16+s24+$0x0] =	vst.idx.msk $0xffff, v20  }
0x428: {  	v21 =	vmul.f32 v33, v21;
	v16 =	vsub.f32 v31, v11;
	v24 =	vmul.f32 v24, v12;
	v20 =	vld.idx.msk [tilespmem:v29+s21+$0x0], $0xffff  }
0x429: {  	v27 =	vmul.f32 v35, v27;
	v29 =	vsub.f32 v42, v11;
	v31 =	vmul.f32 v41, v12;
	v22 =	vld.idx.msk [tilespmem:v22+s21+$0x0], $0xffff  }
0x42a: {  	v18 =	vadd.f32 v21, v18;
	v16 =	vmul.f32 v16, v12;
	v24 =	vmul.f32 v24, v26  }
0x42b: {  	v27 =	vadd.f32 v27, v36;
	v26 =	vmul.f32 v29, v12;
	v25 =	vmul.f32 v31, v25;
	v21 =	vld.idx.msk [tilespmem:v13+s24+$0x0], $0xffff  }
0x42c: {  	s8 =	sadd.s32 $0x6, s17;
	v29 =	vand.u32 $0xFF, v40;
	v28 =	vmul.f32 v16, v28;
	v24 =	vadd.f32 v24, v38;
	[tilespmem:v15+s24+$0x0] =	vst.idx.msk $0xffff, v18  }
0x42d: {  	v15 =	vadd.s32 s8, v0;
	v18 =	vmul.f32 v26, v37;
	v19 =	vadd.f32 v25, v19;
	[tilespmem:v14+s24+$0x0] =	vst.idx.msk $0xffff, v27  }
0x42e: {  	v16 =	vor.u32 v10, v23;
	s8 =	sadd.s32 $0x5, s17;
	v31 =	vand.u32 $0xFF, v15;
	v14 =	vadd.f32 v28, v20;
	[tilespmem:v17+s24+$0x0] =	vst.idx.msk $0xffff, v24  }
0x42f: {  	v20 =	vshll.u32 v15, $0x3;
	v17 =	vadd.s32 s8, v0;
	v18 =	vadd.f32 v18, v22;
	[tilespmem:v30+s24+$0x0] =	vst.idx.msk $0xffff, v19  }
0x430: {  	v15 =	vand.u32 $0x7F, v15;
	v20 =	vand.u32 $0x400, v20;
	v22 =	vshll.u32 v17, $0x3;
	[tilespmem:v32+s24+$0x0] =	vst.idx.msk $0xffff, v14  }
0x431: {  	v15 =	vor.u32 v20, v15;
	v14 =	vand.u32 $0x7F, v17;
	v23 =	vand.u32 $0x400, v22;
	v19 =	vld.idx.msk [tilespmem:v39+s21+$0x0], $0xffff;
	[tilespmem:v34+s24+$0x0] =	vst.idx.msk $0xffff, v18  }
0x432: {  	s8 =	sadd.s32 $0x4, s17;
	v24 =	vsub.f32 v21, v11;
	v15 =	vor.u32 v10, v15;
	v14 =	vor.u32 v23, v14;
	v22 =	vld.idx.msk [tilespmem:v39+s20+$0x0], $0xffff  }
.Ltmp19:
0x433: {  	s13 =	sadd.s32 $0x3, s17;
	v27 =	vand.u32 $0xFF, v17;
	v18 =	vadd.s32 s8, v0;
	v14 =	vor.u32 v10, v14;
	v20 =	vld.idx.msk [tilespmem:v29+s21+$0x0], $0xffff;
	(pc) =	sbr.rel @p4 .LBB2_32-.Ltmp19, $4  }
0x434: {  	v25 =	vadd.s32 s13, v0;
	v17 =	vshll.u32 v18, $0x3;
	v26 =	vand.u32 $0xFF, v18;
	v23 =	vld.idx.msk [tilespmem:v29+s20+$0x0], $0xffff  }
0x435: {  	v21 =	vshll.u32 v25, $0x3;
	v18 =	vand.u32 $0x7F, v18;
	v17 =	vand.u32 $0x400, v17;
	v28 =	vld.idx.msk [tilespmem:v16+s24+$0x0], $0xffff  }
0x436: {  	v30 =	vand.u32 $0x7F, v25;
	s8 =	sadd.s32 $0x2, s17;
	v21 =	vand.u32 $0x400, v21;
	v17 =	vor.u32 v17, v18;
	v18 =	vld.idx.msk [tilespmem:v31+s21+$0x0], $0xffff  }
0x437: {  	s13 =	sadd.s32 $0x1, s17;
	s17 =	sadd.s32 $0x8, s17;
	v30 =	vor.u32 v21, v30;
	v29 =	vadd.s32 s8, v0;
	v17 =	vor.u32 v10, v17;
	v21 =	vld.idx.msk [tilespmem:v31+s20+$0x0], $0xffff  }
0x438: {  	_ =	sdelay $0x3  }
0x439: {  	v31 =	vadd.s32 s13, v0;
	v32 =	vshll.u32 v29, $0x3;
	v30 =	vor.u32 v10, v30;
	v33 =	vld.idx.msk [tilespmem:v15+s24+$0x0], $0xffff  }
0x43a: {  	v35 =	vand.u32 $0x7F, v29;
	v36 =	vld.idx.msk [tilespmem:v27+s21+$0x0], $0xffff;
	v34 =	vshll.u32 v31, $0x3;
	v32 =	vand.u32 $0x400, v32  }
0x43b: {  	v63 =	vld.idx.msk [tilespmem:v27+s20+$0x0], $0xffff;
	v37 =	vand.u32 $0x7F, v31;
	v34 =	vand.u32 $0x400, v34;
	v32 =	vor.u32 v32, v35  }
0x43c: {  	v40 =	vld.idx.msk [tilespmem:v14+s24+$0x0], $0xffff;
	v34 =	vor.u32 v34, v37;
	v32 =	vor.u32 v10, v32  }
0x43d: {  	v41 =	vld.idx.msk [tilespmem:v26+s21+$0x0], $0xffff;
	v24 =	vmul.f32 v24, v12;
	v10 =	vor.u32 v10, v34  }
0x43e: {  	v25 =	vand.u32 $0xFF, v25;
	v43 =	vld.idx.msk [tilespmem:v17+s24+$0x0], $0xffff  }
0x43f: {  	v42 =	vld.idx.msk [tilespmem:v26+s20+$0x0], $0xffff;
	v28 =	vsub.f32 v28, v11;
	v22 =	vmul.f32 v24, v22  }
0x440: {  	v44 =	vand.u32 $0xFF, v29;
	v45 =	vld.idx.msk [tilespmem:v30+s24+$0x0], $0xffff  }
0x441: {  	v31 =	vand.u32 $0xFF, v31;
	v28 =	vmul.f32 v28, v12;
	v19 =	vadd.f32 v22, v19;
	v38 =	vld.idx.msk [tilespmem:v32+s24+$0x0], $0xffff  }
0x442: {  	v47 =	vsub.f32 v33, v11;
	v35 =	vsub.f32 v40, v11;
	v46 =	vld.idx.msk [tilespmem:v10+s24+$0x0], $0xffff  }
0x443: {  	v48 =	vld.idx.msk [tilespmem:v25+s21+$0x0], $0xffff;
	v50 =	vsub.f32 v43, v11;
	v23 =	vmul.f32 v28, v23  }
0x444: {  	v49 =	vld.idx.msk [tilespmem:v25+s20+$0x0], $0xffff;
	[tilespmem:v13+s24+$0x0] =	vst.idx.msk $0xffff, v19;
	v51 =	vmul.f32 v47, v12;
	v54 =	vmul.f32 v35, v12  }
0x445: {  	v52 =	vld.idx.msk [tilespmem:v44+s20+$0x0], $0xffff;
	v19 =	vmul.f32 v50, v12;
	v20 =	vadd.f32 v23, v20;
	v53 =	vsub.f32 v45, v11  }
0x446: {  	v55 =	vld.idx.msk [tilespmem:v31+s20+$0x0], $0xffff;
	v21 =	vmul.f32 v51, v21;
	v59 =	vmul.f32 v54, v63;
	v56 =	vsub.f32 v38, v11  }
0x447: {  	v57 =	vld.idx.msk [tilespmem:v44+s21+$0x0], $0xffff;
	v19 =	vmul.f32 v19, v42;
	v58 =	vmul.f32 v53, v12;
	v11 =	vsub.f32 v46, v11  }
0x448: {  	v60 =	vld.idx.msk [tilespmem:v31+s21+$0x0], $0xffff;
	[tilespmem:v16+s24+$0x0] =	vst.idx.msk $0xffff, v20;
	v18 =	vadd.f32 v21, v18;
	v20 =	vmul.f32 v56, v12  }
0x449: {  	s18 =	sadd.s32 $0x1, s18;
	v62 =	vadd.f32 v59, v36;
	v61 =	vmul.f32 v58, v49;
	v11 =	vmul.f32 v11, v12  }
0x44a: {  	p4 =	sne.s32 s18, $0x6;
	v19 =	vadd.f32 v19, v41;
	[tilespmem:v15+s24+$0x0] =	vst.idx.msk $0xffff, v18;
	v20 =	vmul.f32 v20, v52  }
.Ltmp20:
0x44b: {  	[tilespmem:v14+s24+$0x0] =	vst.idx.msk $0xffff, v62;
	v12 =	vadd.f32 v61, v48;
	v11 =	vmul.f32 v11, v55;
	(pc) =	sbr.rel @p4 .LBB2_29-.Ltmp20, $4  }
0x44c: {  	[tilespmem:v17+s24+$0x0] =	vst.idx.msk $0xffff, v19;
	v63 =	vadd.f32 v20, v57  }
0x44d: {  	[tilespmem:v30+s24+$0x0] =	vst.idx.msk $0xffff, v12;
	v11 =	vadd.f32 v11, v60  }
0x44e: {  	[tilespmem:v32+s24+$0x0] =	vst.idx.msk $0xffff, v63  }
0x44f: {  	s31 =	simm.s32 $0x0;
	[tilespmem:v10+s24+$0x0] =	vst.idx.msk $0xffff, v11  }
0x450: {  	s9 =	simm.s32 $0x0;
	s16 =	simm.s32 $0x18A00;
	s18 =	simm.s32 $0x18E00  }
.LBB2_35:
0x451: {  	s8 =	sshll.u32 s9, $0x4  }
0x452: {  	v13 =	vand.u32 $0x3, v0;
	v10 =	vmov s8  }
0x453: {  	v12 =	vshll.u32 v10, $0x2;
	v10 =	vmul.u32 $0x80, v13  }
0x454: {  	v11 =	vshrl.u32 v0, $0x2;
	v12 =	vand.u32 $0xE00, v12  }
0x455: {  	v14 =	vor.u32 s8, v11;
	v15 =	vor.u32 v10, v12;
	v12 =	vor.u32 $0x4, v11  }
0x456: {  	v14 =	vand.u32 $0x73, v14;
	v16 =	vor.u32 s8, v12  }
0x457: {  	p4 =	seq.s32 s9, $0x0;
	v14 =	vor.u32 v14, v15;
	v16 =	vand.u32 $0x77, v16  }
0x458: {  	s8 =	simm.s32 @!p4 $0x1;
	v15 =	vor.u32 v16, v15  }
0x459: {  	_ =	swait.ge @!p4 [sflag:s8], $0x2000  }
0x45a: {  	[sflag:s8] =	ssyncset.done @!p4 $0x0  }
0x45b: {  	[sflag:s8] =	ssyncadd.s32 @!p4 $0xFFFFE000  }
0x45c: {  	v14 =	vld.idx.msk [tilespmem:v14+s1+$0x0], $0xffff  }
0x45d: {  	v15 =	vld.idx.msk [tilespmem:v15+s1+$0x0], $0xffff;
	_ =	sdelay $0x1  }
0x45e: {  	v13 =	vmul.u32 $0x15, v13  }
0x45f: {  	s15 =	simm.s32 $0x7  }
0x460: {  	v29 =	vadd.s32 s31, v0;
	v34 =	vadd.s32 s15, v0;
	v14 =	vadd.s32 v13, v14  }
0x461: {  	v16 =	vshll.u32 v14, $0x8;
	v14 =	vshll.u32 v14, $0x7;
	v15 =	vadd.s32 v13, v15  }
0x462: {  	v16 =	vand.u32 $0xFFFFF800, v16;
	v14 =	vand.u32 $0x380, v14;
	v17 =	vshll.u32 v15, $0x8  }
0x463: {  	s13 =	simm.s32 $0x2;
	s14 =	simm.s32 $0x3;
	v18 =	vshll.u32 v15, $0x7;
	v15 =	vor.u32 v16, v14;
	v14 =	vand.u32 $0xFFFFF800, v17  }
0x464: {  	s17 =	simm.s32 $0x1;
	v16 =	vand.u32 $0x380, v18;
	v17 =	vadd.s32 s13, v0;
	v18 =	vadd.s32 s14, v0  }
0x465: {  	v14 =	vor.u32 v14, v16;
	v16 =	vadd.s32 s17, v0;
	v20 =	vshrl.u32 v17, $0x7  }
0x466: {  	v21 =	vand.u32 $0x7F, v18;
	v17 =	vand.u32 $0x7F, v17;
	v18 =	vshrl.u32 v18, $0x7  }
0x467: {  	v19 =	vshrl.u32 v16, $0x7;
	v20 =	vand.u32 $0x1, v20;
	v22 =	vor.u32 v21, v14  }
0x468: {  	v16 =	vand.u32 $0x7F, v16;
	v25 =	vor.u32 v21, v15;
	v18 =	vand.u32 $0x1, v18  }
0x469: {  	v28 =	vor.u32 v17, v15;
	v19 =	vand.u32 $0x1, v19;
	v24 =	vshll.u32 v20, $0xA  }
0x46a: {  	v26 =	vor.u32 v16, v15;
	v27 =	vshll.u32 v18, $0xA;
	v18 =	vshll.u32 v18, $0x9  }
0x46b: {  	v20 =	vshll.u32 v20, $0x9;
	v23 =	vshll.u32 v19, $0xA;
	v25 =	vor.u32 v27, v25  }
0x46c: {  	v28 =	vor.u32 v24, v28;
	v22 =	vor.u32 v27, v22;
	v19 =	vshll.u32 v19, $0x9  }
0x46d: {  	v18 =	vor.u32 v21, v18;
	v20 =	vor.u32 v17, v20;
	v17 =	vor.u32 v17, v14  }
0x46e: {  	v26 =	vor.u32 v23, v26;
	v19 =	vor.u32 v16, v19;
	v16 =	vor.u32 v16, v14  }
0x46f: {  	v27 =	vor.u32 v8, v19;
	v16 =	vor.u32 v23, v16;
	v23 =	vor.u32 v8, v20  }
0x470: {  	v33 =	vor.u32 v9, v19;
	v19 =	vor.u32 v9, v20;
	v20 =	vshrl.u32 v29, $0x7  }
0x471: {  	v21 =	vor.u32 v8, v18;
	v29 =	vand.u32 $0x7F, v29;
	v20 =	vand.u32 $0x1, v20;
	v28 =	vld.idx.msk [tilespmem:v28+s24+$0x0], $0xffff  }
0x472: {  	s14 =	simm.s32 $0x6;
	v17 =	vor.u32 v24, v17;
	v30 =	vor.u32 v29, v15;
	v24 =	vshll.u32 v20, $0xA;
	v25 =	vld.idx.msk [tilespmem:v25+s24+$0x0], $0xffff  }
0x473: {  	v32 =	vadd.s32 s14, v0;
	v31 =	vor.u32 v9, v18;
	v18 =	vor.u32 v24, v30;
	v26 =	vld.idx.msk [tilespmem:v26+s24+$0x0], $0xffff  }
0x474: {  	v37 =	vand.u32 $0x7F, v34;
	s13 =	simm.s32 $0x5;
	v36 =	vshrl.u32 v32, $0x7;
	v32 =	vand.u32 $0x7F, v32  }
0x475: {  	v36 =	vand.u32 $0x1, v36;
	v20 =	vshll.u32 v20, $0x9;
	v30 =	vadd.s32 s13, v0  }
0x476: {  	v38 =	vshll.u32 v36, $0xA;
	v20 =	vor.u32 v29, v20;
	v35 =	vshrl.u32 v30, $0x7;
	[tilespmem:v23+s3+$0x0] =	vst.idx.msk $0xffff, v28  }
0x477: {  	v60 =	vor.u32 v8, v20;
	v35 =	vand.u32 $0x1, v35;
	v23 =	vor.u32 v37, v14;
	[tilespmem:v21+s3+$0x0] =	vst.idx.msk $0xffff, v25  }
0x478: {  	v28 =	vshll.u32 v35, $0xA;
	v18 =	vld.idx.msk [tilespmem:v18+s24+$0x0], $0xffff;
	v21 =	vor.u32 v29, v14;
	[tilespmem:v27+s3+$0x0] =	vst.idx.msk $0xffff, v26;
	v27 =	vand.u32 $0x7F, v30  }
0x479: {  	v26 =	vld.idx.msk [tilespmem:v17+s24+$0x0], $0xffff;
	v17 =	vshrl.u32 v34, $0x7;
	v30 =	vor.u32 v37, v15;
	v39 =	vor.u32 v24, v21  }
0x47a: {  	v21 =	vor.u32 v32, v15;
	v41 =	vld.idx.msk [tilespmem:v22+s24+$0x0], $0xffff;
	v17 =	vand.u32 $0x1, v17;
	v25 =	vor.u32 v27, v15  }
0x47b: {  	v42 =	vor.u32 v38, v21;
	v62 =	vld.idx.msk [tilespmem:v16+s24+$0x0], $0xffff;
	v16 =	vor.u32 v27, v14;
	v29 =	vshll.u32 v17, $0xA  }
0x47c: {  	v40 =	vor.u32 v28, v25;
	v21 =	vshll.u32 v17, $0x9;
	v30 =	vor.u32 v29, v30  }
0x47d: {  	v22 =	vshll.u32 v36, $0x9;
	v17 =	vor.u32 v29, v23;
	v61 =	vor.u32 v37, v21;
	[tilespmem:v60+s3+$0x0] =	vst.idx.msk $0xffff, v18  }
0x47e: {  	v18 =	vor.u32 v32, v22;
	v22 =	vor.u32 v28, v16;
	[tilespmem:v19+s3+$0x0] =	vst.idx.msk $0xffff, v26  }
0x47f: {  	s17 =	simm.s32 $0x4;
	v19 =	vshll.u32 v35, $0x9;
	v24 =	vor.u32 v8, v18;
	v26 =	vor.u32 v9, v20;
	v25 =	vld.idx.msk [tilespmem:v39+s24+$0x0], $0xffff  }
0x480: {  	v20 =	vadd.s32 s17, v0;
	v18 =	vor.u32 v9, v18;
	[tilespmem:v31+s3+$0x0] =	vst.idx.msk $0xffff, v41;
	v23 =	vor.u32 v27, v19  }
0x481: {  	v19 =	vor.u32 v8, v61;
	v28 =	vshrl.u32 v20, $0x7;
	v21 =	vor.u32 v8, v23;
	v27 =	vld.idx.msk [tilespmem:v40+s24+$0x0], $0xffff  }
0x482: {  	v29 =	vld.idx.msk [tilespmem:v42+s24+$0x0], $0xffff;
	v16 =	vor.u32 v9, v23;
	v23 =	vand.u32 $0x7F, v20;
	v20 =	vor.u32 v32, v14  }
0x483: {  	v63 =	vand.u32 $0x1, v28;
	v32 =	vor.u32 v23, v15;
	v31 =	vor.u32 v38, v20;
	v30 =	vld.idx.msk [tilespmem:v30+s24+$0x0], $0xffff  }
0x484: {  	s13 =	sshll.u32 s9, $0x1;
	s17 =	simm.s32 $0x8;
	[tilespmem:v33+s3+$0x0] =	vst.idx.msk $0xffff, v62;
	v28 =	vshll.u32 v63, $0xA;
	v33 =	vshll.u32 v63, $0x9;
	v20 =	vor.u32 v9, v61  }
.LBB2_36:
0x485: {  	s8 =	sadd.s32 $0x1, s17;
	s14 =	sadd.s32 $0x2, s17;
	s15 =	sadd.s32 $0x3, s17;
	v32 =	vor.u32 v28, v32;
	v33 =	vor.u32 v23, v33;
	[tilespmem:v26+s3+$0x0] =	vst.idx.msk $0xffff, v25  }
0x486: {  	p5 =	slt.u32 s17, $0xFC;
	v25 =	vadd.s32 s8, v0;
	v26 =	vadd.s32 s14, v0;
	v34 =	vadd.s32 s15, v0;
	[tilespmem:v21+s3+$0x0] =	vst.idx.msk $0xffff, v27;
	s8 =	smov.u32 s17;
	s17 =	sadd.s32 $0x4, s17  }
0x487: {  	v21 =	vshrl.u32 v25, $0x7;
	v27 =	vshrl.u32 v26, $0x7;
	v35 =	vand.u32 $0x7F, v34;
	v36 =	vld.idx.msk [tilespmem:v22+s24+$0x0], $0xffff;
	[tilespmem:v24+s3+$0x0] =	vst.idx.msk $0xffff, v29  }
0x488: {  	v21 =	vand.u32 $0x1, v21;
	v22 =	vand.u32 $0x1, v27;
	v24 =	vor.u32 v35, v14;
	v27 =	vld.idx.msk [tilespmem:v31+s24+$0x0], $0xffff;
	[tilespmem:v19+s3+$0x0] =	vst.idx.msk $0xffff, v30  }
0x489: {  	v30 =	vand.u32 $0x7F, v26;
	v29 =	vshll.u32 v21, $0xA;
	v31 =	vshll.u32 v22, $0xA;
	v19 =	vld.idx.msk [tilespmem:v17+s24+$0x0], $0xffff  }
0x48a: {  	v25 =	vand.u32 $0x7F, v25;
	v26 =	vor.u32 v35, v15;
	v17 =	vshrl.u32 v34, $0x7;
	v32 =	vld.idx.msk [tilespmem:v32+s24+$0x0], $0xffff  }
0x48b: {  	v23 =	vor.u32 v23, v14;
	v34 =	vor.u32 v8, v33;
	v17 =	vand.u32 $0x1, v17  }
0x48c: {  	v23 =	vor.u32 v28, v23;
	v37 =	vor.u32 v25, v15;
	v38 =	vshll.u32 v17, $0xA  }
0x48d: {  	v28 =	vor.u32 v29, v37;
	v37 =	vor.u32 v30, v15;
	v39 =	vor.u32 v38, v26  }
0x48e: {  	v37 =	vor.u32 v31, v37;
	v26 =	vshll.u32 v17, $0x9;
	v17 =	vor.u32 v38, v24;
	[tilespmem:v18+s3+$0x0] =	vst.idx.msk $0xffff, v27  }
0x48f: {  	v22 =	vshll.u32 v22, $0x9;
	v35 =	vor.u32 v35, v26;
	v18 =	vshll.u32 v21, $0x9;
	[tilespmem:v20+s3+$0x0] =	vst.idx.msk $0xffff, v19  }
0x490: {  	v18 =	vor.u32 v25, v18;
	v19 =	vor.u32 v8, v35;
	[tilespmem:v34+s3+$0x0] =	vst.idx.msk $0xffff, v32  }
0x491: {  	v20 =	vor.u32 v25, v14;
	v21 =	vor.u32 v8, v18;
	v32 =	vor.u32 v30, v22;
	v25 =	vld.idx.msk [tilespmem:v23+s24+$0x0], $0xffff  }
.Ltmp21:
0x492: {  	v26 =	vor.u32 v9, v33;
	v22 =	vor.u32 v29, v20;
	v24 =	vor.u32 v8, v32;
	v27 =	vld.idx.msk [tilespmem:v28+s24+$0x0], $0xffff;
	(pc) =	sbr.rel @p5 .LBB2_36-.Ltmp21, $4  }
0x493: {  	v20 =	vadd.s32 s8, v0;
	v28 =	vor.u32 v9, v18;
	v18 =	vor.u32 v9, v32;
	v29 =	vld.idx.msk [tilespmem:v37+s24+$0x0], $0xffff  }
0x494: {  	v23 =	vand.u32 $0x7F, v20;
	v32 =	vshrl.u32 v20, $0x7;
	v20 =	vor.u32 v30, v14;
	v30 =	vld.idx.msk [tilespmem:v39+s24+$0x0], $0xffff;
	[tilespmem:v16+s3+$0x0] =	vst.idx.msk $0xffff, v36  }
0x495: {  	v33 =	vand.u32 $0x1, v32;
	v32 =	vor.u32 v23, v15;
	v31 =	vor.u32 v31, v20;
	v16 =	vmovc v28  }
0x496: {  	v20 =	vor.u32 v9, v35;
	v28 =	vshll.u32 v33, $0xA;
	v33 =	vshll.u32 v33, $0x9  }
0x497: {  	v15 =	vor.u32 v28, v32;
	_ =	sdelay $0x3  }
0x498: {  	v60 =	vor.u32 v23, v33  }
0x499: {  	v14 =	vor.u32 v23, v14;
	v33 =	vor.u32 v8, v60;
	v15 =	vld.idx.msk [tilespmem:v15+s24+$0x0], $0xffff  }
0x49a: {  	v14 =	vor.u32 v28, v14  }
0x49b: {  	[tilespmem:v24+s3+$0x0] =	vst.idx.msk $0xffff, v29  }
0x49c: {  	[tilespmem:v21+s3+$0x0] =	vst.idx.msk $0xffff, v27;
	v23 =	vld.idx.msk [tilespmem:v31+s24+$0x0], $0xffff  }
0x49d: {  	[tilespmem:v19+s3+$0x0] =	vst.idx.msk $0xffff, v30;
	v19 =	vld.idx.msk [tilespmem:v22+s24+$0x0], $0xffff  }
0x49e: {  	v17 =	vld.idx.msk [tilespmem:v17+s24+$0x0], $0xffff;
	[tilespmem:v33+s3+$0x0] =	vst.idx.msk $0xffff, v15  }
0x49f: {  	v15 =	vor.u32 v9, v60;
	v14 =	vld.idx.msk [tilespmem:v14+s24+$0x0], $0xffff  }
0x4a0: {  	[tilespmem:v26+s3+$0x0] =	vst.idx.msk $0xffff, v25;
	s8 =	smul.u32 $0xC8000, s9  }
0x4a1: {  	[tilespmem:v18+s3+$0x0] =	vst.idx.msk $0xffff, v23  }
0x4a2: {  	s8 =	sshrl.u32 s8, $0x3;
	[tilespmem:v16+s3+$0x0] =	vst.idx.msk $0xffff, v19  }
0x4a3: {  	s8 =	sadd.s32 s6, s8;
	[tilespmem:v20+s3+$0x0] =	vst.idx.msk $0xffff, v17  }
0x4a4: {  	s14 =	sadd.s32 $0x1800, s8;
	[tilespmem:v15+s3+$0x0] =	vst.idx.msk $0xffff, v14  }
0x4a5: {  	[hbm4b:s14+s4] =	stream.strided.scatter [tilespmem:s3], [sflag:$0x1], $0x400, s2, s4, $0x38;
	[tilespmem:$0x1C600] =	vst v63  }
0x4a6: {  	s17 =	sadd.s32 $0x3100, s8  }
0x4a7: {  	[hbm4b:s17+s4] =	stream.strided.scatter [tilespmem:s16], [sflag:$0x1], $0x400, s2, s4, $0x38;
	[tilespmem:$0x1C600] =	vst v63  }
0x4a8: {  	s15 =	sadd.s32 $0x4A00, s8  }
0x4a9: {  	[hbm4b:s15+s4] =	stream.strided.scatter [tilespmem:s18], [sflag:$0x1], $0x400, s2, s4, $0x38;
	[tilespmem:$0x1C600] =	vst v63  }
0x4aa: {  	s17 =	sadd.s32 $0x6300, s8;
	s15 =	simm.s32 $0x19200  }
0x4ab: {  	[hbm4b:s17+s4] =	stream.strided.scatter [tilespmem:s15], [sflag:$0x1], $0x400, s2, s4, $0x38;
	[tilespmem:$0x1C600] =	vst v63  }
0x4ac: {  	s15 =	sadd.s32 $0x7C00, s8;
	s17 =	simm.s32 $0x19600  }
0x4ad: {  	[hbm4b:s15+s4] =	stream.strided.scatter [tilespmem:s17], [sflag:$0x1], $0x400, s2, s4, $0x38;
	[tilespmem:$0x1C600] =	vst v63  }
0x4ae: {  	s17 =	sor.u32 $0x1, s13  }
0x4af: {  	s13 =	sadd.s32 $0x9500, s8;
	s15 =	simm.s32 $0x19A00;
	s14 =	sshll.u32 s17, $0x3  }
0x4b0: {  	[hbm4b:s13+s4] =	stream.strided.scatter [tilespmem:s15], [sflag:$0x1], $0x400, s2, s4, $0x38;
	v14 =	vmov s14;
	[tilespmem:$0x1C600] =	vst v63  }
0x4b1: {  	s13 =	sadd.s32 $0xAE00, s8;
	s15 =	simm.s32 $0x19E00;
	v14 =	vshll.u32 v14, $0x2  }
0x4b2: {  	v11 =	vor.u32 s14, v11;
	[hbm4b:s13+s4] =	stream.strided.scatter [tilespmem:s15], [sflag:$0x1], $0x400, s2, s4, $0x38;
	v14 =	vand.u32 $0x7FFFFE00, v14;
	[tilespmem:$0x1C600] =	vst v63  }
0x4b3: {  	s8 =	sadd.s32 $0xC700, s8;
	v11 =	vand.u32 $0x7B, v11;
	s15 =	simm.s32 $0x1A200;
	v10 =	vor.u32 v10, v14  }
0x4b4: {  	v12 =	vor.u32 s14, v12;
	[hbm4b:s8+s4] =	stream.strided.scatter [tilespmem:s15], [sflag:$0x1], $0x400, s2, s4, $0x38;
	v11 =	vor.u32 v11, v10;
	[tilespmem:$0x1C600] =	vst v63  }
0x4b5: {  	v12 =	vand.u32 $0x7F, v12;
	s8 =	simm.s32 @!p4 $0x2  }
0x4b6: {  	v10 =	vor.u32 v12, v10;
	_ =	swait.ge @!p4 [sflag:s8], $0x2000  }
0x4b7: {  	[sflag:s8] =	ssyncset.done @!p4 $0x0  }
0x4b8: {  	[sflag:s8] =	ssyncadd.s32 @!p4 $0xFFFFE000  }
0x4b9: {  	v11 =	vld.idx.msk [tilespmem:v11+s1+$0x0], $0xffff;
	_ =	sdelay $0x1  }
0x4ba: {  	v10 =	vld.idx.msk [tilespmem:v10+s1+$0x0], $0xffff;
	_ =	sdelay $0x2  }
0x4bb: {  	v11 =	vadd.s32 v13, v11  }
0x4bc: {  	v12 =	vshll.u32 v11, $0x8;
	v11 =	vshll.u32 v11, $0x7  }
0x4bd: {  	v10 =	vadd.s32 v13, v10;
	v12 =	vand.u32 $0xFFFFF800, v12;
	v11 =	vand.u32 $0x380, v11  }
0x4be: {  	s14 =	simm.s32 $0x2;
	v13 =	vshll.u32 v10, $0x8;
	v14 =	vshll.u32 v10, $0x7;
	v10 =	vor.u32 v12, v11  }
0x4bf: {  	s13 =	simm.s32 $0x1;
	s15 =	simm.s32 $0x3;
	v11 =	vand.u32 $0xFFFFF800, v13;
	v12 =	vand.u32 $0x380, v14;
	v13 =	vadd.s32 s14, v0  }
0x4c0: {  	v14 =	vadd.s32 s15, v0;
	v11 =	vor.u32 v11, v12;
	v12 =	vadd.s32 s13, v0  }
0x4c1: {  	s15 =	simm.s32 $0x0;
	s14 =	simm.s32 $0x6;
	v16 =	vshrl.u32 v13, $0x7;
	v17 =	vand.u32 $0x7F, v14;
	v13 =	vand.u32 $0x7F, v13  }
0x4c2: {  	v14 =	vshrl.u32 v14, $0x7;
	v25 =	vadd.s32 s15, v0;
	v28 =	vadd.s32 s14, v0  }
0x4c3: {  	v15 =	vshrl.u32 v12, $0x7;
	v16 =	vand.u32 $0x1, v16;
	v18 =	vor.u32 v17, v11  }
0x4c4: {  	s15 =	simm.s32 $0x7;
	v12 =	vand.u32 $0x7F, v12;
	v21 =	vor.u32 v17, v10;
	v14 =	vand.u32 $0x1, v14  }
0x4c5: {  	v24 =	vor.u32 v13, v10;
	v30 =	vadd.s32 s15, v0;
	v61 =	vshrl.u32 v28, $0x7  }
0x4c6: {  	v28 =	vand.u32 $0x7F, v28;
	v15 =	vand.u32 $0x1, v15;
	v20 =	vshll.u32 v16, $0xA  }
0x4c7: {  	v22 =	vor.u32 v12, v10;
	v23 =	vshll.u32 v14, $0xA;
	v14 =	vshll.u32 v14, $0x9  }
0x4c8: {  	v16 =	vshll.u32 v16, $0x9;
	v19 =	vshll.u32 v15, $0xA;
	v24 =	vor.u32 v20, v24  }
0x4c9: {  	v21 =	vor.u32 v23, v21;
	v18 =	vor.u32 v23, v18;
	v15 =	vshll.u32 v15, $0x9  }
0x4ca: {  	v14 =	vor.u32 v17, v14;
	v16 =	vor.u32 v13, v16;
	v22 =	vor.u32 v19, v22  }
0x4cb: {  	v13 =	vor.u32 v13, v11;
	v15 =	vor.u32 v12, v15;
	v12 =	vor.u32 v12, v11  }
0x4cc: {  	v23 =	vor.u32 v8, v15;
	v12 =	vor.u32 v19, v12;
	v19 =	vor.u32 v8, v16  }
0x4cd: {  	v29 =	vor.u32 v9, v15;
	v15 =	vor.u32 v9, v16;
	v16 =	vshrl.u32 v25, $0x7;
	v24 =	vld.idx.msk [tilespmem:v24+s24+$0x0], $0xffff  }
0x4ce: {  	v17 =	vor.u32 v8, v14;
	v25 =	vand.u32 $0x7F, v25;
	v16 =	vand.u32 $0x1, v16;
	v21 =	vld.idx.msk [tilespmem:v21+s24+$0x0], $0xffff  }
0x4cf: {  	s13 =	simm.s32 $0x5;
	v13 =	vor.u32 v20, v13;
	v26 =	vor.u32 v25, v10;
	v20 =	vshll.u32 v16, $0xA;
	v22 =	vld.idx.msk [tilespmem:v22+s24+$0x0], $0xffff  }
0x4d0: {  	v27 =	vor.u32 v9, v14;
	v14 =	vor.u32 v20, v26;
	v26 =	vadd.s32 s13, v0  }
0x4d1: {  	v62 =	vand.u32 $0x7F, v30;
	v32 =	vand.u32 $0x1, v61;
	v31 =	vshrl.u32 v26, $0x7  }
0x4d2: {  	v34 =	vshll.u32 v32, $0xA;
	v16 =	vshll.u32 v16, $0x9;
	v31 =	vand.u32 $0x1, v31;
	[tilespmem:v19+s30+$0x0] =	vst.idx.msk $0xffff, v24  }
0x4d3: {  	v16 =	vor.u32 v25, v16;
	v19 =	vor.u32 v62, v11;
	v24 =	vshll.u32 v31, $0xA;
	[tilespmem:v17+s30+$0x0] =	vst.idx.msk $0xffff, v21  }
0x4d4: {  	v17 =	vor.u32 v25, v11;
	[tilespmem:v23+s30+$0x0] =	vst.idx.msk $0xffff, v22;
	v22 =	vld.idx.msk [tilespmem:v13+s24+$0x0], $0xffff;
	v23 =	vand.u32 $0x7F, v26;
	v13 =	vshrl.u32 v30, $0x7  }
0x4d5: {  	v14 =	vld.idx.msk [tilespmem:v14+s24+$0x0], $0xffff;
	v26 =	vor.u32 v62, v10;
	v30 =	vor.u32 v8, v16;
	v20 =	vor.u32 v20, v17  }
0x4d6: {  	v17 =	vor.u32 v28, v10;
	v36 =	vld.idx.msk [tilespmem:v18+s24+$0x0], $0xffff;
	v18 =	vshll.u32 v32, $0x9;
	v13 =	vand.u32 $0x1, v13  }
0x4d7: {  	v21 =	vor.u32 v23, v10;
	v37 =	vor.u32 v34, v17;
	v25 =	vshll.u32 v13, $0xA  }
0x4d8: {  	v35 =	vor.u32 v24, v21;
	v17 =	vshll.u32 v13, $0x9;
	v26 =	vor.u32 v25, v26  }
0x4d9: {  	v13 =	vor.u32 v25, v19;
	[tilespmem:v15+s30+$0x0] =	vst.idx.msk $0xffff, v22;
	v15 =	vshll.u32 v31, $0x9;
	v31 =	vor.u32 v62, v17  }
0x4da: {  	s15 =	simm.s32 $0x4;
	[tilespmem:v30+s30+$0x0] =	vst.idx.msk $0xffff, v14;
	v30 =	vld.idx.msk [tilespmem:v12+s24+$0x0], $0xffff;
	v12 =	vor.u32 v23, v11;
	v14 =	vor.u32 v28, v18  }
0x4db: {  	v22 =	vor.u32 v9, v16;
	v16 =	vadd.s32 s15, v0;
	[tilespmem:v27+s30+$0x0] =	vst.idx.msk $0xffff, v36;
	v25 =	vor.u32 v23, v15  }
0x4dc: {  	v15 =	vor.u32 v8, v31;
	v18 =	vor.u32 v24, v12;
	v19 =	vor.u32 v8, v14;
	v21 =	vld.idx.msk [tilespmem:v20+s24+$0x0], $0xffff  }
0x4dd: {  	v14 =	vor.u32 v9, v14;
	v24 =	vshrl.u32 v16, $0x7;
	v17 =	vor.u32 v8, v25;
	v23 =	vld.idx.msk [tilespmem:v35+s24+$0x0], $0xffff  }
0x4de: {  	v20 =	vand.u32 $0x7F, v16;
	v16 =	vor.u32 v28, v11;
	v12 =	vor.u32 v9, v25;
	v25 =	vld.idx.msk [tilespmem:v37+s24+$0x0], $0xffff  }
0x4df: {  	v63 =	vand.u32 $0x1, v24;
	v28 =	vor.u32 v20, v10;
	v27 =	vor.u32 v34, v16;
	v26 =	vld.idx.msk [tilespmem:v26+s24+$0x0], $0xffff  }
0x4e0: {  	s13 =	simm.s32 $0x8;
	v16 =	vor.u32 v9, v31;
	v24 =	vshll.u32 v63, $0xA;
	[tilespmem:v29+s30+$0x0] =	vst.idx.msk $0xffff, v30;
	v29 =	vshll.u32 v63, $0x9  }
.LBB2_38:
0x4e1: {  	s8 =	sadd.s32 $0x1, s13;
	s14 =	sadd.s32 $0x2, s13;
	s15 =	sadd.s32 $0x3, s13;
	v28 =	vor.u32 v24, v28;
	v29 =	vor.u32 v20, v29;
	[tilespmem:v22+s30+$0x0] =	vst.idx.msk $0xffff, v21  }
0x4e2: {  	p4 =	slt.u32 s13, $0xFC;
	v21 =	vadd.s32 s8, v0;
	v22 =	vadd.s32 s14, v0;
	v30 =	vadd.s32 s15, v0;
	[tilespmem:v17+s30+$0x0] =	vst.idx.msk $0xffff, v23;
	s8 =	smov.u32 s13;
	s13 =	sadd.s32 $0x4, s13  }
0x4e3: {  	v17 =	vshrl.u32 v21, $0x7;
	v23 =	vshrl.u32 v22, $0x7;
	v31 =	vand.u32 $0x7F, v30;
	v32 =	vld.idx.msk [tilespmem:v18+s24+$0x0], $0xffff;
	[tilespmem:v19+s30+$0x0] =	vst.idx.msk $0xffff, v25  }
0x4e4: {  	v17 =	vand.u32 $0x1, v17;
	v18 =	vand.u32 $0x1, v23;
	v19 =	vor.u32 v31, v11;
	v23 =	vld.idx.msk [tilespmem:v27+s24+$0x0], $0xffff;
	[tilespmem:v15+s30+$0x0] =	vst.idx.msk $0xffff, v26  }
0x4e5: {  	v26 =	vand.u32 $0x7F, v22;
	v25 =	vshll.u32 v17, $0xA;
	v27 =	vshll.u32 v18, $0xA;
	v15 =	vld.idx.msk [tilespmem:v13+s24+$0x0], $0xffff  }
0x4e6: {  	v21 =	vand.u32 $0x7F, v21;
	v22 =	vor.u32 v31, v10;
	v13 =	vshrl.u32 v30, $0x7;
	v28 =	vld.idx.msk [tilespmem:v28+s24+$0x0], $0xffff  }
0x4e7: {  	v20 =	vor.u32 v20, v11;
	v30 =	vor.u32 v8, v29;
	v13 =	vand.u32 $0x1, v13  }
0x4e8: {  	v20 =	vor.u32 v24, v20;
	v33 =	vor.u32 v21, v10;
	v34 =	vshll.u32 v13, $0xA  }
0x4e9: {  	v24 =	vor.u32 v25, v33;
	v33 =	vor.u32 v26, v10;
	v35 =	vor.u32 v34, v22  }
0x4ea: {  	v33 =	vor.u32 v27, v33;
	v22 =	vshll.u32 v13, $0x9;
	v13 =	vor.u32 v34, v19;
	[tilespmem:v14+s30+$0x0] =	vst.idx.msk $0xffff, v23  }
0x4eb: {  	v18 =	vshll.u32 v18, $0x9;
	v31 =	vor.u32 v31, v22;
	v14 =	vshll.u32 v17, $0x9;
	[tilespmem:v16+s30+$0x0] =	vst.idx.msk $0xffff, v15  }
0x4ec: {  	v14 =	vor.u32 v21, v14;
	v15 =	vor.u32 v8, v31;
	[tilespmem:v30+s30+$0x0] =	vst.idx.msk $0xffff, v28  }
0x4ed: {  	v16 =	vor.u32 v21, v11;
	v17 =	vor.u32 v8, v14;
	v28 =	vor.u32 v26, v18;
	v21 =	vld.idx.msk [tilespmem:v20+s24+$0x0], $0xffff  }
.Ltmp22:
0x4ee: {  	v22 =	vor.u32 v9, v29;
	v18 =	vor.u32 v25, v16;
	v19 =	vor.u32 v8, v28;
	v23 =	vld.idx.msk [tilespmem:v24+s24+$0x0], $0xffff;
	(pc) =	sbr.rel @p4 .LBB2_38-.Ltmp22, $4  }
0x4ef: {  	v16 =	vadd.s32 s8, v0;
	v24 =	vor.u32 v9, v14;
	v14 =	vor.u32 v9, v28;
	v25 =	vld.idx.msk [tilespmem:v33+s24+$0x0], $0xffff  }
0x4f0: {  	v20 =	vand.u32 $0x7F, v16;
	v28 =	vshrl.u32 v16, $0x7;
	v16 =	vor.u32 v26, v11;
	v26 =	vld.idx.msk [tilespmem:v35+s24+$0x0], $0xffff;
	[tilespmem:v12+s30+$0x0] =	vst.idx.msk $0xffff, v32  }
0x4f1: {  	v29 =	vand.u32 $0x1, v28;
	v28 =	vor.u32 v20, v10;
	v27 =	vor.u32 v27, v16;
	v12 =	vmovc v24  }
0x4f2: {  	v16 =	vor.u32 v9, v31;
	v24 =	vshll.u32 v29, $0xA;
	v29 =	vshll.u32 v29, $0x9  }
0x4f3: {  	v10 =	vor.u32 v24, v28;
	_ =	sdelay $0x3  }
0x4f4: {  	v61 =	vor.u32 v20, v29  }
0x4f5: {  	v11 =	vor.u32 v20, v11;
	v62 =	vor.u32 v8, v61;
	v10 =	vld.idx.msk [tilespmem:v10+s24+$0x0], $0xffff  }
0x4f6: {  	v11 =	vor.u32 v24, v11  }
0x4f7: {  	[tilespmem:v17+s30+$0x0] =	vst.idx.msk $0xffff, v23  }
0x4f8: {  	[tilespmem:v19+s30+$0x0] =	vst.idx.msk $0xffff, v25;
	v63 =	vld.idx.msk [tilespmem:v18+s24+$0x0], $0xffff  }
0x4f9: {  	v19 =	vld.idx.msk [tilespmem:v27+s24+$0x0], $0xffff;
	[tilespmem:v15+s30+$0x0] =	vst.idx.msk $0xffff, v26  }
0x4fa: {  	v13 =	vld.idx.msk [tilespmem:v13+s24+$0x0], $0xffff;
	[tilespmem:v62+s30+$0x0] =	vst.idx.msk $0xffff, v10  }
0x4fb: {  	v10 =	vld.idx.msk [tilespmem:v11+s24+$0x0], $0xffff;
	v11 =	vor.u32 v9, v61  }
0x4fc: {  	[tilespmem:v22+s30+$0x0] =	vst.idx.msk $0xffff, v21;
	s8 =	smul.u32 $0x64000, s17  }
0x4fd: {  	[tilespmem:v12+s30+$0x0] =	vst.idx.msk $0xffff, v63  }
0x4fe: {  	s8 =	sshrl.u32 s8, $0x3;
	[tilespmem:v14+s30+$0x0] =	vst.idx.msk $0xffff, v19  }
0x4ff: {  	s8 =	sadd.s32 s6, s8;
	[tilespmem:v16+s30+$0x0] =	vst.idx.msk $0xffff, v13  }
0x500: {  	s13 =	sadd.s32 $0x1800, s8;
	[tilespmem:v11+s30+$0x0] =	vst.idx.msk $0xffff, v10  }
0x501: {  	[hbm4b:s13+s4] =	stream.strided.scatter [tilespmem:s30], [sflag:$0x2], $0x400, s2, s4, $0x38;
	[tilespmem:$0x1C600] =	vst v63  }
0x502: {  	s14 =	simm.s32 $0x1AA00;
	s17 =	sadd.s32 $0x3100, s8  }
0x503: {  	[hbm4b:s17+s4] =	stream.strided.scatter [tilespmem:s14], [sflag:$0x2], $0x400, s2, s4, $0x38;
	[tilespmem:$0x1C600] =	vst v63  }
0x504: {  	s15 =	sadd.s32 $0x4A00, s8;
	s17 =	simm.s32 $0x1AE00  }
0x505: {  	[hbm4b:s15+s4] =	stream.strided.scatter [tilespmem:s17], [sflag:$0x2], $0x400, s2, s4, $0x38;
	[tilespmem:$0x1C600] =	vst v63  }
0x506: {  	s15 =	sadd.s32 $0x6300, s8;
	s17 =	simm.s32 $0x1B200  }
0x507: {  	[hbm4b:s15+s4] =	stream.strided.scatter [tilespmem:s17], [sflag:$0x2], $0x400, s2, s4, $0x38;
	[tilespmem:$0x1C600] =	vst v63  }
0x508: {  	s9 =	sadd.s32 $0x1, s9;
	s15 =	sadd.s32 $0x7C00, s8;
	s17 =	simm.s32 $0x1B600  }
0x509: {  	[hbm4b:s15+s4] =	stream.strided.scatter [tilespmem:s17], [sflag:$0x2], $0x400, s2, s4, $0x38;
	[tilespmem:$0x1C600] =	vst v63  }
0x50a: {  	p4 =	sne.s32 s9, $0x40;
	s15 =	sadd.s32 $0x9500, s8;
	s17 =	simm.s32 $0x1BA00  }
0x50b: {  	[hbm4b:s15+s4] =	stream.strided.scatter [tilespmem:s17], [sflag:$0x2], $0x400, s2, s4, $0x38;
	[tilespmem:$0x1C600] =	vst v63  }
.Ltmp23:
0x50c: {  	_ = 	snop;
	(pc) =	sbr.rel @p4 .LBB2_35-.Ltmp23, $4  }
0x50d: {  	s14 =	sadd.s32 $0xAE00, s8;
	s15 =	simm.s32 $0x1BE00  }
0x50e: {  	[hbm4b:s14+s4] =	stream.strided.scatter [tilespmem:s15], [sflag:$0x2], $0x400, s2, s4, $0x38;
	[tilespmem:$0x1C600] =	vst v63  }
0x50f: {  	s8 =	sadd.s32 $0xC700, s8;
	s17 =	simm.s32 $0x1C200  }
0x510: {  	[hbm4b:s8+s4] =	stream.strided.scatter [tilespmem:s17], [sflag:$0x2], $0x400, s2, s4, $0x38;
	[tilespmem:$0x1C600] =	vst v63  }
0x511: {  	s8 =	simm.s32 $0x1  }
0x512: {  	_ =	swait.ge [sflag:s8], $0x2000  }
.Ltmp24:
0x513: {  	[sflag:s8] =	ssyncset.done $0x0;
	(pc) =	sbr.rel .LBB2_41-.Ltmp24, $4  }
0x514: {  	s31 =	simm.s32 $0x2;
	[sflag:s8] =	ssyncadd.s32 $0xFFFFE000  }
0x515: {  	_ =	swait.ge [sflag:s31], $0x2000  }
0x516: {  	[sflag:s31] =	ssyncset.done $0x0  }
0x517: {  	s9 =	rddreg [dreg:$0xf];
	[sflag:s31] =	ssyncadd.s32 $0xFFFFE000  }
.LBB2_42:
0x518: {  	_ =	sfence.sel $0x180000  }
0x519: {  	[bflag:$0x0] =	sbarrier.arrive $0xFFFF  }
0x51a: {  	_ =	strace $0x90000047  }
0x51b: {  	s0 =	stileid.u32;
	[bflag:$0x2] =	sbarrier.arrive $0xFFFF  }
0x51c: {  	p0 =	sne.s32 s0, $0x0;
	s0 =	rddreg [dreg:$0x6]  }
0x51d: {  	s0 =	sadd.s32 @!p0 $0x100000, s0  }
0x51e: {  	[sflag:s0] =	ssyncadd.tile.s32 @!p0 $0x1;
	_ =	shalt  }
.Lfunc_end2:
_tile_overlayer_lowered:
.L_overlay_start_2:
0x51f: {  	(tag) =	ssettag $0x2  }
0x520: {  	s0 =	rddreg [dreg:$0x0];
	s2 =	stileid.u32  }
0x521: {  	s1 =	rddreg [dreg:$0x1];
	p0 =	sne.s32 s2, $0x0  }
0x522: {  	s3 =	rddreg [dreg:$0x2];
	[bflag:$0x3] =	sbarrier.arrive $0xFFFF;
	s2 =	simm.s32 @!p0 $0x1C03  }
0x523: {  	[timem:s3], [sflag:s2] =	dma.local @!p0 [hbm:s0], s1  }
0x524: {  	s0 =	simm.s32 @!p0 $0x3  }
0x525: {  	_ =	swait.ge @!p0 [sflag:s0], s1  }
0x526: {  	s1 =	ssub.s32 @!p0 $0x0, s1;
	[sflag:s0] =	ssyncset.done @!p0 $0x0  }
0x527: {  	[sflag:s0] =	ssyncadd.s32 @!p0 s1  }
0x528: {  	[bflag:$0x3] =	sbarrier.arrive $0xFFFF  }
0x529: {  	_ =	shalt  }

</sc_bundles>
